<compile_context>
chip_gen: v7x
topology: tpu7x:2x2x1
jax: 0.10.2.dev20260603
libtpu: 0.0.44.dev20260713+nightly
codegen_flags: <defaults>
</compile_context>

<pallas_src>
import functools

import jax
import jax.numpy as jnp
from jax import lax
from jax.experimental import pallas as pl
from jax.experimental.pallas import tpu as pltpu
from jax.experimental.pallas import tpu_sc as plsc

_N = 262144
_D = 128
_NW = 32
_PPW = _N // _NW
_PPS = _N // 16
_CHUNK = 8192
_ACC_ROWS = 8320

_MESH = plsc.VectorSubcoreMesh(core_axis_name="c", subcore_axis_name="s")


@functools.partial(
    pl.kernel,
    mesh=_MESH,
    compiler_params=pltpu.CompilerParams(needs_layout_passes=False),
    out_type=(
        jax.ShapeDtypeStruct((_N,), jnp.int32),
        jax.ShapeDtypeStruct((_N,), jnp.int32),
        jax.ShapeDtypeStruct((_N,), jnp.int32),
    ),
    scratch_types=[
        pltpu.VMEM((_PPW,), jnp.int32),
        pltpu.VMEM((_PPW,), jnp.int32),
        pltpu.VMEM((_PPW,), jnp.int32),
        pltpu.VMEM((_PPW,), jnp.int32),
        pltpu.VMEM((_PPW,), jnp.int32),
        pltpu.VMEM((_PPS,), jnp.int32),
        pltpu.VMEM_SHARED((_N,), jnp.int32),
    ],
)
def _keys_and_counts(xs_h, ys_h, zs_h, keys_h, c0_h, c1_h,
                     xv, yv, zv, kv, ones_v, zbuf, shared_counts):
    cid = lax.axis_index("c")
    sid = lax.axis_index("s")
    w = sid * 2 + cid
    base = w * _PPW
    pltpu.sync_copy(xs_h.at[pl.ds(base, _PPW)], xv)
    pltpu.sync_copy(ys_h.at[pl.ds(base, _PPW)], yv)
    pltpu.sync_copy(zs_h.at[pl.ds(base, _PPW)], zv)

    def fill(t, carry):
        sl = pl.ds(t * 16, 16)
        kv[sl] = (xv[sl] << 12) + (yv[sl] << 6) + zv[sl]
        ones_v[sl] = jnp.full((16,), 1, jnp.int32)
        return carry

    lax.fori_loop(0, _PPW // 16, fill, 0)
    pltpu.sync_copy(kv, keys_h.at[pl.ds(base, _PPW)])

    def zfill(t, carry):
        zbuf[pl.ds(t * 16, 16)] = jnp.zeros((16,), jnp.int32)
        return carry

    lax.fori_loop(0, _PPS // 16, zfill, 0)
    pltpu.sync_copy(zbuf, shared_counts.at[pl.ds(sid * _PPS, _PPS)])
    plsc.subcore_barrier()
    pltpu.sync_copy(ones_v, shared_counts.at[kv], add=True)
    plsc.subcore_barrier()

    @pl.when(cid == 0)
    def _():
        pltpu.sync_copy(shared_counts.at[pl.ds(sid * _PPS, _PPS)],
                        c0_h.at[pl.ds(sid * _PPS, _PPS)])

    @pl.when(cid == 1)
    def _():
        pltpu.sync_copy(shared_counts.at[pl.ds(sid * _PPS, _PPS)],
                        c1_h.at[pl.ds(sid * _PPS, _PPS)])


def _rank_body(c0_ref, c1_ref, rank_ref, u_ref):
    c = c0_ref[...] + c1_ref[...]
    p = (c > 0).astype(jnp.float32)
    ii = lax.broadcasted_iota(jnp.int32, (128, 128), 0)
    jj = lax.broadcasted_iota(jnp.int32, (128, 128), 1)
    m_incl = (ii <= jj).astype(jnp.float32)
    lanecs = jnp.dot(p, m_incl, preferred_element_type=jnp.float32)
    rowtot = lanecs[:, 127:128]
    ii2 = lax.broadcasted_iota(jnp.int32, (2048, 2048), 0)
    jj2 = lax.broadcasted_iota(jnp.int32, (2048, 2048), 1)
    t_strict = (jj2 < ii2).astype(jnp.float32)
    s = jnp.dot(t_strict, rowtot, preferred_element_type=jnp.float32)
    rank = s + lanecs - p
    rank_ref[...] = rank.astype(jnp.int32)
    u = (s[2047, 0] + rowtot[2047, 0]).astype(jnp.int32)
    u_ref[...] = jnp.full((128,), 1, jnp.int32) * u


_rank_tc = pl.pallas_call(
    _rank_body,
    out_shape=(
        jax.ShapeDtypeStruct((2048, 128), jnp.int32),
        jax.ShapeDtypeStruct((128,), jnp.int32),
    ),
)


@functools.partial(
    pl.kernel,
    mesh=_MESH,
    compiler_params=pltpu.CompilerParams(needs_layout_passes=False),
    out_type=(
        jax.ShapeDtypeStruct((_N,), jnp.int32),
        jax.ShapeDtypeStruct((_N,), jnp.int32),
        jax.ShapeDtypeStruct((_N,), jnp.int32),
        jax.ShapeDtypeStruct((_N,), jnp.int32),
    ),
    scratch_types=[
        pltpu.VMEM((_PPW,), jnp.int32),
        pltpu.VMEM((_PPW,), jnp.int32),
        pltpu.VMEM((_PPW,), jnp.int32),
        pltpu.VMEM((16,), jnp.int32),
        pltpu.VMEM((_PPW,), jnp.int32),
        pltpu.VMEM((_PPW,), jnp.int32),
        pltpu.VMEM((_PPW,), jnp.int32),
        pltpu.VMEM((_PPW,), jnp.int32),
    ],
)
def _uniq_and_rows(c0_h, c1_h, rank_h, u_h,
                   xs_h, ys_h, zs_h, tgt_h,
                   rkv, c0v, c1v, uv, tgtv, xb, yb, zb):
    cid = lax.axis_index("c")
    sid = lax.axis_index("s")
    w = sid * 2 + cid
    base = w * _PPW
    pltpu.sync_copy(rank_h.at[pl.ds(base, _PPW)], rkv)
    pltpu.sync_copy(c0_h.at[pl.ds(base, _PPW)], c0v)
    pltpu.sync_copy(c1_h.at[pl.ds(base, _PPW)], c1v)
    pltpu.sync_copy(u_h.at[pl.ds(0, 16)], uv)
    u = uv[...]

    def body(t, carry):
        sl = pl.ds(t * 16, 16)
        kk = jnp.full((16,), base, jnp.int32) + t * 16 + lax.iota(jnp.int32, 16)
        rk = rkv[sl]
        pres = (c0v[sl] + c1v[sl]) > 0
        tgtv[sl] = jnp.where(pres, rk, u + (kk - rk))
        xb[sl] = jnp.where(pres, kk >> 12, -1)
        yb[sl] = jnp.where(pres, (kk >> 6) & 63, 63)
        zb[sl] = jnp.where(pres, kk & 63, 63)
        return carry

    lax.fori_loop(0, _PPW // 16, body, 0)
    pltpu.sync_copy(xb, xs_h.at[tgtv])
    pltpu.sync_copy(yb, ys_h.at[tgtv])
    pltpu.sync_copy(zb, zs_h.at[tgtv])
    pltpu.sync_copy(tgtv, tgt_h.at[pl.ds(base, _PPW)])


@functools.partial(
    pl.kernel,
    mesh=_MESH,
    compiler_params=pltpu.CompilerParams(needs_layout_passes=False),
    out_type=jax.ShapeDtypeStruct((_N, _D), jnp.float32),
    scratch_types=[
        pltpu.VMEM((_PPS // 2,), jnp.int32),
        pltpu.VMEM((_PPS + 128,), jnp.int32),
        pltpu.VMEM((_PPS + 128,), jnp.int32),
        pltpu.VMEM((64,), jnp.int32),
        pltpu.VMEM((64,), jnp.int32),
        pltpu.VMEM((64, _D), jnp.float32),
        pltpu.VMEM((64, _D), jnp.float32),
        pltpu.VMEM((32, _D), jnp.float32),
        pltpu.VMEM((512,), jnp.int32),
        pltpu.VMEM_SHARED((_ACC_ROWS, _D), jnp.float32),
        pltpu.SemaphoreType.DMA,
        pltpu.SemaphoreType.DMA,
        pltpu.SemaphoreType.DMA,
    ],
)
def _scatter_features(keys_h, tgt_h, feat_h, feas_h,
                      rv, idxb, tgt1, tgtb0, tgtb1, rows0, rows1, zbuf, tflush,
                      acc, sem0, sem1, zsem):
    cid = lax.axis_index("c")
    sid = lax.axis_index("s")
    for rr in range(32):
        for c8 in range(8):
            zbuf[rr, pl.ds(c8 * 16, 16)] = jnp.zeros((16,), jnp.float32)
    zspan = _ACC_ROWS // 16
    half = _PPS // 2

    def chunk_body(cc, carry):
        chunk_lo = (cid * 16 + cc) * _CHUNK
        for q in range(16):
            pltpu.async_copy(zbuf, acc.at[pl.ds(sid * zspan + q * 32, 32)], zsem)
        pltpu.async_copy(zbuf.at[pl.ds(0, zspan - 512)],
                         acc.at[pl.ds(sid * zspan + 512, zspan - 512)], zsem)

        def scan_half(h, off_in):
            pltpu.sync_copy(keys_h.at[pl.ds(sid * _PPS + h * half, half)], rv)

            def scan(t, off):
                sl = pl.ds(t * 16, 16)
                rel = rv[sl] - chunk_lo
                m = (rel >= 0) & (rel < _CHUNK)
                cnt = jnp.sum(m.astype(jnp.int32))
                pid = (jnp.full((16,), sid * _PPS, jnp.int32) + h * half
                       + t * 16 + lax.iota(jnp.int32, 16))
                plsc.store_compressed(idxb.at[pl.ds(off, 16)], pid, mask=m)
                plsc.store_compressed(tgt1.at[pl.ds(off, 16)], rel, mask=m)
                return off + cnt

            return lax.fori_loop(0, half // 16, scan, off_in)

        off = lax.fori_loop(0, 2, scan_half, jnp.int32(0))

        bb = (off >> 6) << 6
        dump = jnp.full((16,), _CHUNK, jnp.int32) + lax.iota(jnp.int32, 16) * 8
        for tt in range(4):
            sl = pl.ds(bb + tt * 16, 16)
            pos = bb + tt * 16 + lax.iota(jnp.int32, 16)
            keep = pos < off
            tgt1[sl] = jnp.where(keep, tgt1[sl], dump)
            idxb[sl] = jnp.where(keep, idxb[sl], 0)

        nb = (off + 63) >> 6

        for q in range(16):
            pltpu.make_async_copy(zbuf, acc.at[pl.ds(sid * zspan + q * 32, 32)],
                                  zsem).wait()
        pltpu.make_async_copy(zbuf.at[pl.ds(0, zspan - 512)],
                              acc.at[pl.ds(sid * zspan + 512, zspan - 512)],
                              zsem).wait()
        plsc.subcore_barrier()

        @pl.when(nb > 0)
        def _():
            pltpu.async_copy(feat_h.at[idxb.at[pl.ds(0, 64)]], rows0, sem0)

        def pair(p, carry2):
            b0 = 2 * p
            b1 = b0 + 1

            @pl.when(b1 < nb)
            def _():
                pltpu.async_copy(feat_h.at[idxb.at[pl.ds(b1 * 64, 64)]],
                                 rows1, sem1)

            pltpu.make_async_copy(feat_h.at[idxb.at[pl.ds(0, 64)]],
                                  rows0, sem0).wait()
            for c8 in range(4):
                tgtb0[pl.ds(c8 * 16, 16)] = tgt1[pl.ds(b0 * 64 + c8 * 16, 16)]
            pltpu.sync_copy(rows0, acc.at[tgtb0], add=True)

            @pl.when(b1 < nb)
            def _():
                @pl.when(b1 + 1 < nb)
                def _():
                    pltpu.async_copy(feat_h.at[idxb.at[pl.ds((b1 + 1) * 64, 64)]],
                                     rows0, sem0)

                pltpu.make_async_copy(feat_h.at[idxb.at[pl.ds(0, 64)]],
                                      rows1, sem1).wait()
                for c8 in range(4):
                    tgtb1[pl.ds(c8 * 16, 16)] = tgt1[pl.ds(b1 * 64 + c8 * 16, 16)]
                pltpu.sync_copy(rows1, acc.at[tgtb1], add=True)

            return carry2

        lax.fori_loop(0, (nb + 1) >> 1, pair, 0)
        plsc.subcore_barrier()
        pltpu.sync_copy(tgt_h.at[pl.ds(chunk_lo + sid * 512, 512)], tflush)
        for q in range(8):
            rb = rows0 if q % 2 == 0 else rows1
            tb = tgtb0 if q % 2 == 0 else tgtb1
            sm = sem0 if q % 2 == 0 else sem1
            if q >= 2:
                pltpu.make_async_copy(rb, feas_h.at[tb], sm).wait()
            pltpu.sync_copy(acc.at[pl.ds(sid * 512 + q * 64, 64)], rb)
            for c8 in range(4):
                tb[pl.ds(c8 * 16, 16)] = tflush[pl.ds(q * 64 + c8 * 16, 16)]
            pltpu.async_copy(rb, feas_h.at[tb], sm)
        pltpu.make_async_copy(rows0, feas_h.at[tgtb0], sem0).wait()
        pltpu.make_async_copy(rows1, feas_h.at[tgtb1], sem1).wait()
        plsc.subcore_barrier()
        return carry

    lax.fori_loop(0, 16, chunk_body, 0)


def kernel(coords, feature):
    ct = coords.T
    xs = ct[0]
    ys = ct[1]
    zs = ct[2]
    keys, c0, c1 = _keys_and_counts(xs, ys, zs)
    rank2d, u = _rank_tc(c0.reshape(2048, 128), c1.reshape(2048, 128))
    rank = rank2d.reshape(-1)
    xs_o, ys_o, zs_o, tgt = _uniq_and_rows(c0, c1, rank, u)
    feas = _scatter_features(keys, tgt, feature)
    locs = jnp.stack([xs_o, ys_o, zs_o], axis=1)
    return locs, feas

# --- scband reference (transcript-rebuilt; emitter-appended) ---
"""Pipeline reference for scband-merge-2327872274831 (READ-ONLY COPY).

The authoritative reference and input builder live on the scoring server;
editing this copy changes nothing except your own understanding.
"""

import jax, jax.numpy as jnp
import numpy as np

GRID = 64


def setup_inputs(seed: int = 0) -> dict:
    key = jax.random.key(seed)
    k1, k2 = jax.random.split(key)
    coords = jax.random.randint(k1, (262144, 3), 0, GRID, dtype=jnp.int32)
    feature = jax.random.normal(k2, (262144, 128), dtype=jnp.float32)
    return {"coords": coords, "feature": feature}


def reference(coords, feature):
    # MergeFunction semantics (sparse-tensor coalesce): find unique coordinates
    # and sum the features of all points that share the same coordinate.
    N = coords.shape[0]
    keys = (coords[:, 0].astype(jnp.int32) * (GRID * GRID)
            + coords[:, 1].astype(jnp.int32) * GRID
            + coords[:, 2].astype(jnp.int32))
    uniq, inv = jnp.unique(keys, size=N, fill_value=-1, return_inverse=True)
    inv = inv.reshape(-1)
    # scatter-add features into the unique-coordinate buckets
    feas = jax.ops.segment_sum(feature, inv, num_segments=N)
    # reconstruct merged coordinates from the unique keys (padded slots get key -1)
    locs = jnp.stack([uniq // (GRID * GRID), (uniq // GRID) % GRID, uniq % GRID], axis=1)
    return locs, feas

if __name__ == "__main__":
    import jax
    _d = setup_inputs()
    print(jax.jit(kernel)(*tuple(_d.values())))

</pallas_src>

<mosaic_0001>
#map = affine_map<(d0, d1) -> (0)>
module attributes {stable_mosaic.version = 14 : i64} {
  func.func @_keys_and_counts(%arg0: i32, %arg1: i32, %arg2: memref<262144xi32, #tpu.memory_space<hbm>>, %arg3: memref<262144xi32, #tpu.memory_space<hbm>>, %arg4: memref<262144xi32, #tpu.memory_space<hbm>>, %arg5: memref<262144xi32, #tpu.memory_space<hbm>>, %arg6: memref<262144xi32, #tpu.memory_space<hbm>>, %arg7: memref<262144xi32, #tpu.memory_space<hbm>>, %arg8: memref<8192xi32, #tpu.memory_space<vmem>>, %arg9: memref<8192xi32, #tpu.memory_space<vmem>>, %arg10: memref<8192xi32, #tpu.memory_space<vmem>>, %arg11: memref<8192xi32, #tpu.memory_space<vmem>>, %arg12: memref<8192xi32, #tpu.memory_space<vmem>>, %arg13: memref<16384xi32, #tpu.memory_space<vmem>>, %arg14: memref<262144xi32, #tpu.memory_space<vmem_shared>>) attributes {dimension_semantics = [#tpu.dimension_semantics<core_parallel>, #tpu.dimension_semantics<subcore_parallel>], iteration_bounds = array<i64: 2, 16>, scalar_prefetch = 0 : i64, scratch_operands = 7 : i64, tpu.core_type = #tpu.core_type<sc_vector_subcore>, window_params = [{transform_indices = #map}, {transform_indices = #map}, {transform_indices = #map}, {transform_indices = #map}, {transform_indices = #map}, {transform_indices = #map}]} {
    %mul3A = arith.constant 2 : i32
    %mul3A_0 = arith.muli %arg1, %mul3A : i32
    %add3A = arith.addi %mul3A_0, %arg0 : i32
    %mul3A_1 = arith.constant 8192 : i32
    %mul3A_2 = arith.muli %add3A, %mul3A_1 : i32
    "tpu.region"() ({
      %run_scoped3A = tpu.sem_alloc : memref<!tpu.dma_semaphore, #tpu.memory_space<semaphore_mem>>
      %dma_start3A = tpu.memref_slice %arg2[%mul3A_2] : memref<262144xi32, #tpu.memory_space<hbm>> -> memref<8192xi32, #tpu.memory_space<hbm>>
      %dma_start3A_24 = tpu.memref_slice %arg2[%mul3A_2] : memref<262144xi32, #tpu.memory_space<hbm>> -> memref<8192xi32, #tpu.memory_space<hbm>>
      tpu.enqueue_dma source(%dma_start3A_24 : memref<8192xi32, #tpu.memory_space<hbm>>) target(%arg8 : memref<8192xi32, #tpu.memory_space<vmem>>) target_semaphore(%run_scoped3A : memref<!tpu.dma_semaphore, #tpu.memory_space<semaphore_mem>>)
      %dma_wait3A = tpu.memref_slice %arg2[%mul3A_2] : memref<262144xi32, #tpu.memory_space<hbm>> -> memref<8192xi32, #tpu.memory_space<hbm>>
      %dma_wait3A_25 = tpu.memref_slice %arg2[%mul3A_2] : memref<262144xi32, #tpu.memory_space<hbm>> -> memref<8192xi32, #tpu.memory_space<hbm>>
      tpu.wait_dma2 semaphore(%run_scoped3A : memref<!tpu.dma_semaphore, #tpu.memory_space<semaphore_mem>>) src(%dma_wait3A_25 : memref<8192xi32, #tpu.memory_space<hbm>>) dst(%arg8 : memref<8192xi32, #tpu.memory_space<vmem>>)
      tpu.yield
    }) : () -> ()
    "tpu.region"() ({
      %run_scoped3A = tpu.sem_alloc : memref<!tpu.dma_semaphore, #tpu.memory_space<semaphore_mem>>
      %dma_start3A = tpu.memref_slice %arg3[%mul3A_2] : memref<262144xi32, #tpu.memory_space<hbm>> -> memref<8192xi32, #tpu.memory_space<hbm>>
      %dma_start3A_24 = tpu.memref_slice %arg3[%mul3A_2] : memref<262144xi32, #tpu.memory_space<hbm>> -> memref<8192xi32, #tpu.memory_space<hbm>>
      tpu.enqueue_dma source(%dma_start3A_24 : memref<8192xi32, #tpu.memory_space<hbm>>) target(%arg9 : memref<8192xi32, #tpu.memory_space<vmem>>) target_semaphore(%run_scoped3A : memref<!tpu.dma_semaphore, #tpu.memory_space<semaphore_mem>>)
      %dma_wait3A = tpu.memref_slice %arg3[%mul3A_2] : memref<262144xi32, #tpu.memory_space<hbm>> -> memref<8192xi32, #tpu.memory_space<hbm>>
      %dma_wait3A_25 = tpu.memref_slice %arg3[%mul3A_2] : memref<262144xi32, #tpu.memory_space<hbm>> -> memref<8192xi32, #tpu.memory_space<hbm>>
      tpu.wait_dma2 semaphore(%run_scoped3A : memref<!tpu.dma_semaphore, #tpu.memory_space<semaphore_mem>>) src(%dma_wait3A_25 : memref<8192xi32, #tpu.memory_space<hbm>>) dst(%arg9 : memref<8192xi32, #tpu.memory_space<vmem>>)
      tpu.yield
    }) : () -> ()
    "tpu.region"() ({
      %run_scoped3A = tpu.sem_alloc : memref<!tpu.dma_semaphore, #tpu.memory_space<semaphore_mem>>
      %dma_start3A = tpu.memref_slice %arg4[%mul3A_2] : memref<262144xi32, #tpu.memory_space<hbm>> -> memref<8192xi32, #tpu.memory_space<hbm>>
      %dma_start3A_24 = tpu.memref_slice %arg4[%mul3A_2] : memref<262144xi32, #tpu.memory_space<hbm>> -> memref<8192xi32, #tpu.memory_space<hbm>>
      tpu.enqueue_dma source(%dma_start3A_24 : memref<8192xi32, #tpu.memory_space<hbm>>) target(%arg10 : memref<8192xi32, #tpu.memory_space<vmem>>) target_semaphore(%run_scoped3A : memref<!tpu.dma_semaphore, #tpu.memory_space<semaphore_mem>>)
      %dma_wait3A = tpu.memref_slice %arg4[%mul3A_2] : memref<262144xi32, #tpu.memory_space<hbm>> -> memref<8192xi32, #tpu.memory_space<hbm>>
      %dma_wait3A_25 = tpu.memref_slice %arg4[%mul3A_2] : memref<262144xi32, #tpu.memory_space<hbm>> -> memref<8192xi32, #tpu.memory_space<hbm>>
      tpu.wait_dma2 semaphore(%run_scoped3A : memref<!tpu.dma_semaphore, #tpu.memory_space<semaphore_mem>>) src(%dma_wait3A_25 : memref<8192xi32, #tpu.memory_space<hbm>>) dst(%arg10 : memref<8192xi32, #tpu.memory_space<vmem>>)
      tpu.yield
    }) : () -> ()
    %scan3A = arith.constant 0 : i32
    %scan3A_3 = arith.constant 0 : i32
    %scan3A_4 = arith.constant 512 : i32
    %scan3A_5 = arith.addi %scan3A_3, %scan3A_4 : i32
    %scan3A_6 = arith.constant 1 : i32
    scf.for %scan3A_24 = %scan3A_3 to %scan3A_5 step %scan3A_6  : i32 {
      %mul3A_25 = arith.constant 16 : i32
      %mul3A_26 = arith.muli %scan3A_24, %mul3A_25 : i32
      %get3A = arith.index_cast %mul3A_26 : i32 to index
      %get3A_27 = tpu.vector_load %arg8[%get3A] {strides = array<i32>} : memref<8192xi32, #tpu.memory_space<vmem>>, vector<16xi32>,
      %shift_left3A = arith.constant 12 : i32
      %shift_left3A_28 = vector.broadcast %shift_left3A : i32 to vector<16xi32>
      %shift_left3A_29 = arith.shli %get3A_27, %shift_left3A_28 : vector<16xi32>
      %get3A_30 = arith.index_cast %mul3A_26 : i32 to index
      %get3A_31 = tpu.vector_load %arg9[%get3A_30] {strides = array<i32>} : memref<8192xi32, #tpu.memory_space<vmem>>, vector<16xi32>,
      %shift_left3A_32 = arith.constant 6 : i32
      %shift_left3A_33 = vector.broadcast %shift_left3A_32 : i32 to vector<16xi32>
      %shift_left3A_34 = arith.shli %get3A_31, %shift_left3A_33 : vector<16xi32>
      %add3A_35 = arith.addi %shift_left3A_29, %shift_left3A_34 : vector<16xi32>
      %get3A_36 = arith.index_cast %mul3A_26 : i32 to index
      %get3A_37 = tpu.vector_load %arg10[%get3A_36] {strides = array<i32>} : memref<8192xi32, #tpu.memory_space<vmem>>, vector<16xi32>,
      %add3A_38 = arith.addi %add3A_35, %get3A_37 : vector<16xi32>
      %swap3A = arith.index_cast %mul3A_26 : i32 to index
      %swap3A_39 = tpu.vector_load %arg11[%swap3A] {strides = array<i32>} : memref<8192xi32, #tpu.memory_space<vmem>>, vector<16xi32>,
      tpu.vector_store %arg11[%swap3A], %add3A_38 {strides = array<i32>} : memref<8192xi32, #tpu.memory_space<vmem>>, vector<16xi32>,
      %broadcast_in_dim3A = arith.constant 1 : i32
      %broadcast_in_dim3A_40 = vector.broadcast %broadcast_in_dim3A : i32 to vector<16xi32>
      %swap3A_41 = arith.index_cast %mul3A_26 : i32 to index
      %swap3A_42 = tpu.vector_load %arg12[%swap3A_41] {strides = array<i32>} : memref<8192xi32, #tpu.memory_space<vmem>>, vector<16xi32>,
      tpu.vector_store %arg12[%swap3A_41], %broadcast_in_dim3A_40 {strides = array<i32>} : memref<8192xi32, #tpu.memory_space<vmem>>, vector<16xi32>,
    }
    %scan3A_7 = arith.constant 512 : i32
    "tpu.region"() ({
      %run_scoped3A = tpu.sem_alloc : memref<!tpu.dma_semaphore, #tpu.memory_space<semaphore_mem>>
      %dma_start3A = tpu.memref_slice %arg5[%mul3A_2] : memref<262144xi32, #tpu.memory_space<hbm>> -> memref<8192xi32, #tpu.memory_space<hbm>>
      %dma_start3A_24 = tpu.memref_slice %arg5[%mul3A_2] : memref<262144xi32, #tpu.memory_space<hbm>> -> memref<8192xi32, #tpu.memory_space<hbm>>
      tpu.enqueue_dma source(%arg11 : memref<8192xi32, #tpu.memory_space<vmem>>) target(%dma_start3A_24 : memref<8192xi32, #tpu.memory_space<hbm>>) target_semaphore(%run_scoped3A : memref<!tpu.dma_semaphore, #tpu.memory_space<semaphore_mem>>)
      %dma_wait3A = tpu.memref_slice %arg5[%mul3A_2] : memref<262144xi32, #tpu.memory_space<hbm>> -> memref<8192xi32, #tpu.memory_space<hbm>>
      %dma_wait3A_25 = tpu.memref_slice %arg5[%mul3A_2] : memref<262144xi32, #tpu.memory_space<hbm>> -> memref<8192xi32, #tpu.memory_space<hbm>>
      tpu.wait_dma2 semaphore(%run_scoped3A : memref<!tpu.dma_semaphore, #tpu.memory_space<semaphore_mem>>) src(%arg11 : memref<8192xi32, #tpu.memory_space<vmem>>) dst(%dma_wait3A_25 : memref<8192xi32, #tpu.memory_space<hbm>>)
      tpu.yield
    }) : () -> ()
    %scan3A_8 = arith.constant 0 : i32
    %scan3A_9 = arith.constant 0 : i32
    %scan3A_10 = arith.constant 1024 : i32
    %scan3A_11 = arith.addi %scan3A_9, %scan3A_10 : i32
    %scan3A_12 = arith.constant 1 : i32
    scf.for %scan3A_24 = %scan3A_9 to %scan3A_11 step %scan3A_12  : i32 {
      %broadcast_in_dim3A = arith.constant 0 : i32
      %broadcast_in_dim3A_25 = vector.broadcast %broadcast_in_dim3A : i32 to vector<16xi32>
      %mul3A_26 = arith.constant 16 : i32
      %mul3A_27 = arith.muli %scan3A_24, %mul3A_26 : i32
      %swap3A = arith.index_cast %mul3A_27 : i32 to index
      %swap3A_28 = tpu.vector_load %arg13[%swap3A] {strides = array<i32>} : memref<16384xi32, #tpu.memory_space<vmem>>, vector<16xi32>,
      tpu.vector_store %arg13[%swap3A], %broadcast_in_dim3A_25 {strides = array<i32>} : memref<16384xi32, #tpu.memory_space<vmem>>, vector<16xi32>,
    }
    %scan3A_13 = arith.constant 1024 : i32
    %mul3A_14 = arith.constant 16384 : i32
    %mul3A_15 = arith.muli %arg1, %mul3A_14 : i32
    "tpu.region"() ({
      %run_scoped3A = tpu.sem_alloc : memref<!tpu.dma_semaphore, #tpu.memory_space<semaphore_mem>>
      %dma_start3A = tpu.memref_slice %arg14[%mul3A_15] : memref<262144xi32, #tpu.memory_space<vmem_shared>> -> memref<16384xi32, #tpu.memory_space<vmem_shared>>
      %dma_start3A_24 = tpu.memref_slice %arg14[%mul3A_15] : memref<262144xi32, #tpu.memory_space<vmem_shared>> -> memref<16384xi32, #tpu.memory_space<vmem_shared>>
      tpu.enqueue_dma source(%arg13 : memref<16384xi32, #tpu.memory_space<vmem>>) target(%dma_start3A_24 : memref<16384xi32, #tpu.memory_space<vmem_shared>>) target_semaphore(%run_scoped3A : memref<!tpu.dma_semaphore, #tpu.memory_space<semaphore_mem>>)
      %dma_wait3A = tpu.memref_slice %arg14[%mul3A_15] : memref<262144xi32, #tpu.memory_space<vmem_shared>> -> memref<16384xi32, #tpu.memory_space<vmem_shared>>
      %dma_wait3A_25 = tpu.memref_slice %arg14[%mul3A_15] : memref<262144xi32, #tpu.memory_space<vmem_shared>> -> memref<16384xi32, #tpu.memory_space<vmem_shared>>
      tpu.wait_dma2 semaphore(%run_scoped3A : memref<!tpu.dma_semaphore, #tpu.memory_space<semaphore_mem>>) src(%arg13 : memref<16384xi32, #tpu.memory_space<vmem>>) dst(%dma_wait3A_25 : memref<16384xi32, #tpu.memory_space<vmem_shared>>)
      tpu.yield
    }) : () -> ()
    %barrier3A = arith.constant 0 : index
    tpu.barrier barrier_id(%barrier3A)
    "tpu.region"() ({
      %run_scoped3A = tpu.sem_alloc : memref<!tpu.dma_semaphore, #tpu.memory_space<semaphore_mem>>
      %dma_start3A = arith.constant 0 : i32
      %dma_start3A_24 = tpu.memref_slice %arg14[%dma_start3A] : memref<262144xi32, #tpu.memory_space<vmem_shared>> -> memref<262144xi32, #tpu.memory_space<vmem_shared>>
      tpu.enqueue_indirect_dma source(%arg12 : memref<8192xi32, #tpu.memory_space<vmem>>) target(%dma_start3A_24 : memref<262144xi32, #tpu.memory_space<vmem_shared>>) offsets(%arg11 : memref<8192xi32, #tpu.memory_space<vmem>>) semaphore(%run_scoped3A : memref<!tpu.dma_semaphore, #tpu.memory_space<semaphore_mem>>) {add = true}
      %dma_wait3A = arith.constant 0 : i32
      %dma_wait3A_25 = tpu.memref_slice %arg14[%dma_wait3A] : memref<262144xi32, #tpu.memory_space<vmem_shared>> -> memref<262144xi32, #tpu.memory_space<vmem_shared>>
      tpu.wait_indirect_dma semaphore(%run_scoped3A : memref<!tpu.dma_semaphore, #tpu.memory_space<semaphore_mem>>) src(%arg12 : memref<8192xi32, #tpu.memory_space<vmem>>) dst(%dma_wait3A_25 : memref<262144xi32, #tpu.memory_space<vmem_shared>>)
      tpu.yield
    }) : () -> ()
    %barrier3A_16 = arith.constant 0 : index
    tpu.barrier barrier_id(%barrier3A_16)
    %eq3A = arith.constant 0 : i32
    %eq3A_17 = arith.cmpi eq, %arg0, %eq3A : i32
    %convert_element_type3A = arith.extui %eq3A_17 : i1 to i32
    %cond3A = arith.constant 0 : i32
    %cond3A_18 = arith.cmpi ne, %convert_element_type3A, %cond3A : i32
    scf.if %cond3A_18 {
      %mul3A_24 = arith.constant 16384 : i32
      %mul3A_25 = arith.muli %arg1, %mul3A_24 : i32
      %mul3A_26 = arith.constant 16384 : i32
      %mul3A_27 = arith.muli %arg1, %mul3A_26 : i32
      "tpu.region"() ({
        %run_scoped3A = tpu.sem_alloc : memref<!tpu.dma_semaphore, #tpu.memory_space<semaphore_mem>>
        %dma_start3A = tpu.memref_slice %arg6[%mul3A_27] : memref<262144xi32, #tpu.memory_space<hbm>> -> memref<16384xi32, #tpu.memory_space<hbm>>
        %dma_start3A_28 = tpu.memref_slice %arg14[%mul3A_25] : memref<262144xi32, #tpu.memory_space<vmem_shared>> -> memref<16384xi32, #tpu.memory_space<vmem_shared>>
        tpu.enqueue_dma source(%dma_start3A_28 : memref<16384xi32, #tpu.memory_space<vmem_shared>>) target(%dma_start3A : memref<16384xi32, #tpu.memory_space<hbm>>) target_semaphore(%run_scoped3A : memref<!tpu.dma_semaphore, #tpu.memory_space<semaphore_mem>>)
        %dma_wait3A = tpu.memref_slice %arg6[%mul3A_27] : memref<262144xi32, #tpu.memory_space<hbm>> -> memref<16384xi32, #tpu.memory_space<hbm>>
        %dma_wait3A_29 = tpu.memref_slice %arg14[%mul3A_25] : memref<262144xi32, #tpu.memory_space<vmem_shared>> -> memref<16384xi32, #tpu.memory_space<vmem_shared>>
        tpu.wait_dma2 semaphore(%run_scoped3A : memref<!tpu.dma_semaphore, #tpu.memory_space<semaphore_mem>>) src(%dma_wait3A_29 : memref<16384xi32, #tpu.memory_space<vmem_shared>>) dst(%dma_wait3A : memref<16384xi32, #tpu.memory_space<hbm>>)
        tpu.yield
      }) : () -> ()
    } else {
    }
    %eq3A_19 = arith.constant 1 : i32
    %eq3A_20 = arith.cmpi eq, %arg0, %eq3A_19 : i32
    %convert_element_type3A_21 = arith.extui %eq3A_20 : i1 to i32
    %cond3A_22 = arith.constant 0 : i32
    %cond3A_23 = arith.cmpi ne, %convert_element_type3A_21, %cond3A_22 : i32
    scf.if %cond3A_23 {
      %mul3A_24 = arith.constant 16384 : i32
      %mul3A_25 = arith.muli %arg1, %mul3A_24 : i32
      %mul3A_26 = arith.constant 16384 : i32
      %mul3A_27 = arith.muli %arg1, %mul3A_26 : i32
      "tpu.region"() ({
        %run_scoped3A = tpu.sem_alloc : memref<!tpu.dma_semaphore, #tpu.memory_space<semaphore_mem>>
        %dma_start3A = tpu.memref_slice %arg7[%mul3A_27] : memref<262144xi32, #tpu.memory_space<hbm>> -> memref<16384xi32, #tpu.memory_space<hbm>>
        %dma_start3A_28 = tpu.memref_slice %arg14[%mul3A_25] : memref<262144xi32, #tpu.memory_space<vmem_shared>> -> memref<16384xi32, #tpu.memory_space<vmem_shared>>
        tpu.enqueue_dma source(%dma_start3A_28 : memref<16384xi32, #tpu.memory_space<vmem_shared>>) target(%dma_start3A : memref<16384xi32, #tpu.memory_space<hbm>>) target_semaphore(%run_scoped3A : memref<!tpu.dma_semaphore, #tpu.memory_space<semaphore_mem>>)
        %dma_wait3A = tpu.memref_slice %arg7[%mul3A_27] : memref<262144xi32, #tpu.memory_space<hbm>> -> memref<16384xi32, #tpu.memory_space<hbm>>
        %dma_wait3A_29 = tpu.memref_slice %arg14[%mul3A_25] : memref<262144xi32, #tpu.memory_space<vmem_shared>> -> memref<16384xi32, #tpu.memory_space<vmem_shared>>
        tpu.wait_dma2 semaphore(%run_scoped3A : memref<!tpu.dma_semaphore, #tpu.memory_space<semaphore_mem>>) src(%dma_wait3A_29 : memref<16384xi32, #tpu.memory_space<vmem_shared>>) dst(%dma_wait3A : memref<16384xi32, #tpu.memory_space<hbm>>)
        tpu.yield
      }) : () -> ()
    } else {
    }
    return
  }
}

#map = affine_map<(d0, d1) -> (0)>
#map1 = affine_map<(d0, d1) -> (0, 0)>
module attributes {stable_mosaic.version = 14 : i64} {
  func.func @_scatter_features(%arg0: i32, %arg1: i32, %arg2: memref<262144xi32, #tpu.memory_space<hbm>>, %arg3: memref<262144xi32, #tpu.memory_space<hbm>>, %arg4: memref<262144x128xf32, #tpu.memory_space<hbm>>, %arg5: memref<262144x128xf32, #tpu.memory_space<hbm>>, %arg6: memref<8192xi32, #tpu.memory_space<vmem>>, %arg7: memref<16512xi32, #tpu.memory_space<vmem>>, %arg8: memref<16512xi32, #tpu.memory_space<vmem>>, %arg9: memref<64xi32, #tpu.memory_space<vmem>>, %arg10: memref<64xi32, #tpu.memory_space<vmem>>, %arg11: memref<64x128xf32, #tpu.memory_space<vmem>>, %arg12: memref<64x128xf32, #tpu.memory_space<vmem>>, %arg13: memref<32x128xf32, #tpu.memory_space<vmem>>, %arg14: memref<512xi32, #tpu.memory_space<vmem>>, %arg15: memref<8320x128xf32, #tpu.memory_space<vmem_shared>>, %arg16: memref<!tpu.dma_semaphore, #tpu.memory_space<semaphore_mem>>, %arg17: memref<!tpu.dma_semaphore, #tpu.memory_space<semaphore_mem>>, %arg18: memref<!tpu.dma_semaphore, #tpu.memory_space<semaphore_mem>>) attributes {dimension_semantics = [#tpu.dimension_semantics<core_parallel>, #tpu.dimension_semantics<subcore_parallel>], iteration_bounds = array<i64: 2, 16>, scalar_prefetch = 0 : i64, scratch_operands = 13 : i64, tpu.core_type = #tpu.core_type<sc_vector_subcore>, window_params = [{transform_indices = #map}, {transform_indices = #map}, {transform_indices = #map1}, {transform_indices = #map1}]} {
    %broadcast_in_dim3A = arith.constant 0.000000e+00 : f32
    %broadcast_in_dim3A_0 = vector.broadcast %broadcast_in_dim3A : f32 to vector<16xf32>
    %swap3A = arith.constant 0 : i32
    %swap3A_1 = arith.index_cast %swap3A : i32 to index
    %swap3A_2 = arith.constant 0 : index
    %swap3A_3 = tpu.vector_load %arg13[%swap3A_1, %swap3A_2] {strides = array<i32>} : memref<32x128xf32, #tpu.memory_space<vmem>>, vector<16xf32>,
    tpu.vector_store %arg13[%swap3A_1, %swap3A_2], %broadcast_in_dim3A_0 {strides = array<i32>} : memref<32x128xf32, #tpu.memory_space<vmem>>, vector<16xf32>,
    %broadcast_in_dim3A_4 = arith.constant 0.000000e+00 : f32
    %broadcast_in_dim3A_5 = vector.broadcast %broadcast_in_dim3A_4 : f32 to vector<16xf32>
    %swap3A_6 = arith.constant 0 : i32
    %swap3A_7 = arith.index_cast %swap3A_6 : i32 to index
    %swap3A_8 = arith.constant 16 : index
    %swap3A_9 = tpu.vector_load %arg13[%swap3A_7, %swap3A_8] {strides = array<i32>} : memref<32x128xf32, #tpu.memory_space<vmem>>, vector<16xf32>,
    tpu.vector_store %arg13[%swap3A_7, %swap3A_8], %broadcast_in_dim3A_5 {strides = array<i32>} : memref<32x128xf32, #tpu.memory_space<vmem>>, vector<16xf32>,
    %broadcast_in_dim3A_10 = arith.constant 0.000000e+00 : f32
    %broadcast_in_dim3A_11 = vector.broadcast %broadcast_in_dim3A_10 : f32 to vector<16xf32>
    %swap3A_12 = arith.constant 0 : i32
    %swap3A_13 = arith.index_cast %swap3A_12 : i32 to index
    %swap3A_14 = arith.constant 32 : index
    %swap3A_15 = tpu.vector_load %arg13[%swap3A_13, %swap3A_14] {strides = array<i32>} : memref<32x128xf32, #tpu.memory_space<vmem>>, vector<16xf32>,
    tpu.vector_store %arg13[%swap3A_13, %swap3A_14], %broadcast_in_dim3A_11 {strides = array<i32>} : memref<32x128xf32, #tpu.memory_space<vmem>>, vector<16xf32>,
    %broadcast_in_dim3A_16 = arith.constant 0.000000e+00 : f32
    %broadcast_in_dim3A_17 = vector.broadcast %broadcast_in_dim3A_16 : f32 to vector<16xf32>
    %swap3A_18 = arith.constant 0 : i32
    %swap3A_19 = arith.index_cast %swap3A_18 : i32 to index
    %swap3A_20 = arith.constant 48 : index
    %swap3A_21 = tpu.vector_load %arg13[%swap3A_19, %swap3A_20] {strides = array<i32>} : memref<32x128xf32, #tpu.memory_space<vmem>>, vector<16xf32>,
    tpu.vector_store %arg13[%swap3A_19, %swap3A_20], %broadcast_in_dim3A_17 {strides = array<i32>} : memref<32x128xf32, #tpu.memory_space<vmem>>, vector<16xf32>,
    %broadcast_in_dim3A_22 = arith.constant 0.000000e+00 : f32
    %broadcast_in_dim3A_23 = vector.broadcast %broadcast_in_dim3A_22 : f32 to vector<16xf32>
    %swap3A_24 = arith.constant 0 : i32
    %swap3A_25 = arith.index_cast %swap3A_24 : i32 to index
    %swap3A_26 = arith.constant 64 : index
    %swap3A_27 = tpu.vector_load %arg13[%swap3A_25, %swap3A_26] {strides = array<i32>} : memref<32x128xf32, #tpu.memory_space<vmem>>, vector<16xf32>,
    tpu.vector_store %arg13[%swap3A_25, %swap3A_26], %broadcast_in_dim3A_23 {strides = array<i32>} : memref<32x128xf32, #tpu.memory_space<vmem>>, vector<16xf32>,
    %broadcast_in_dim3A_28 = arith.constant 0.000000e+00 : f32
    %broadcast_in_dim3A_29 = vector.broadcast %broadcast_in_dim3A_28 : f32 to vector<16xf32>
    %swap3A_30 = arith.constant 0 : i32
    %swap3A_31 = arith.index_cast %swap3A_30 : i32 to index
    %swap3A_32 = arith.constant 80 : index
    %swap3A_33 = tpu.vector_load %arg13[%swap3A_31, %swap3A_32] {strides = array<i32>} : memref<32x128xf32, #tpu.memory_space<vmem>>, vector<16xf32>,
    tpu.vector_store %arg13[%swap3A_31, %swap3A_32], %broadcast_in_dim3A_29 {strides = array<i32>} : memref<32x128xf32, #tpu.memory_space<vmem>>, vector<16xf32>,
    %broadcast_in_dim3A_34 = arith.constant 0.000000e+00 : f32
    %broadcast_in_dim3A_35 = vector.broadcast %broadcast_in_dim3A_34 : f32 to vector<16xf32>
    %swap3A_36 = arith.constant 0 : i32
    %swap3A_37 = arith.index_cast %swap3A_36 : i32 to index
    %swap3A_38 = arith.constant 96 : index
    %swap3A_39 = tpu.vector_load %arg13[%swap3A_37, %swap3A_38] {strides = array<i32>} : memref<32x128xf32, #tpu.memory_space<vmem>>, vector<16xf32>,
    tpu.vector_store %arg13[%swap3A_37, %swap3A_38], %broadcast_in_dim3A_35 {strides = array<i32>} : memref<32x128xf32, #tpu.memory_space<vmem>>, vector<16xf32>,
    %broadcast_in_dim3A_40 = arith.constant 0.000000e+00 : f32
    %broadcast_in_dim3A_41 = vector.broadcast %broadcast_in_dim3A_40 : f32 to vector<16xf32>
    %swap3A_42 = arith.constant 0 : i32
    %swap3A_43 = arith.index_cast %swap3A_42 : i32 to index
    %swap3A_44 = arith.constant 112 : index
    %swap3A_45 = tpu.vector_load %arg13[%swap3A_43, %swap3A_44] {strides = array<i32>} : memref<32x128xf32, #tpu.memory_space<vmem>>, vector<16xf32>,
    tpu.vector_store %arg13[%swap3A_43, %swap3A_44], %broadcast_in_dim3A_41 {strides = array<i32>} : memref<32x128xf32, #tpu.memory_space<vmem>>, vector<16xf32>,
    %broadcast_in_dim3A_46 = arith.constant 0.000000e+00 : f32
    %broadcast_in_dim3A_47 = vector.broadcast %broadcast_in_dim3A_46 : f32 to vector<16xf32>
    %swap3A_48 = arith.constant 1 : i32
    %swap3A_49 = arith.index_cast %swap3A_48 : i32 to index
    %swap3A_50 = arith.constant 0 : index
    %swap3A_51 = tpu.vector_load %arg13[%swap3A_49, %swap3A_50] {strides = array<i32>} : memref<32x128xf32, #tpu.memory_space<vmem>>, vector<16xf32>,
    tpu.vector_store %arg13[%swap3A_49, %swap3A_50], %broadcast_in_dim3A_47 {strides = array<i32>} : memref<32x128xf32, #tpu.memory_space<vmem>>, vector<16xf32>,
    %broadcast_in_dim3A_52 = arith.constant 0.000000e+00 : f32
    %broadcast_in_dim3A_53 = vector.broadcast %broadcast_in_dim3A_52 : f32 to vector<16xf32>
    %swap3A_54 = arith.constant 1 : i32
    %swap3A_55 = arith.index_cast %swap3A_54 : i32 to index
    %swap3A_56 = arith.constant 16 : index
    %swap3A_57 = tpu.vector_load %arg13[%swap3A_55, %swap3A_56] {strides = array<i32>} : memref<32x128xf32, #tpu.memory_space<vmem>>, vector<16xf32>,
    tpu.vector_store %arg13[%swap3A_55, %swap3A_56], %broadcast_in_dim3A_53 {strides = array<i32>} : memref<32x128xf32, #tpu.memory_space<vmem>>, vector<16xf32>,
    %broadcast_in_dim3A_58 = arith.constant 0.000000e+00 : f32
    %broadcast_in_dim3A_59 = vector.broadcast %broadcast_in_dim3A_58 : f32 to vector<16xf32>
    %swap3A_60 = arith.constant 1 : i32
    %swap3A_61 = arith.index_cast %swap3A_60 : i32 to index
    %swap3A_62 = arith.constant 32 : index
    %swap3A_63 = tpu.vector_load %arg13[%swap3A_61, %swap3A_62] {strides = array<i32>} : memref<32x128xf32, #tpu.memory_space<vmem>>, vector<16xf32>,
    tpu.vector_store %arg13[%swap3A_61, %swap3A_62], %broadcast_in_dim3A_59 {strides = array<i32>} : memref<32x128xf32, #tpu.memory_space<vmem>>, vector<16xf32>,
    %broadcast_in_dim3A_64 = arith.constant 0.000000e+00 : f32
    %broadcast_in_dim3A_65 = vector.broadcast %broadcast_in_dim3A_64 : f32 to vector<16xf32>
    %swap3A_66 = arith.constant 1 : i32
    %swap3A_67 = arith.index_cast %swap3A_66 : i32 to index
    %swap3A_68 = arith.constant 48 : index
    %swap3A_69 = tpu.vector_load %arg13[%swap3A_67, %swap3A_68] {strides = array<i32>} : memref<32x128xf32, #tpu.memory_space<vmem>>, vector<16xf32>,
    tpu.vector_store %arg13[%swap3A_67, %swap3A_68], %broadcast_in_dim3A_65 {strides = array<i32>} : memref<32x128xf32, #tpu.memory_space<vmem>>, vector<16xf32>,
    %broadcast_in_dim3A_70 = arith.constant 0.000000e+00 : f32
    %broadcast_in_dim3A_71 = vector.broadcast %broadcast_in_dim3A_70 : f32 to vector<16xf32>
    %swap3A_72 = arith.constant 1 : i32
    %swap3A_73 = arith.index_cast %swap3A_72 : i32 to index
    %swap3A_74 = arith.constant 64 : index
    %swap3A_75 = tpu.vector_load %arg13[%swap3A_73, %swap3A_74] {strides = array<i32>} : memref<32x128xf32, #tpu.memory_space<vmem>>, vector<16xf32>,
    tpu.vector_store %arg13[%swap3A_73, %swap3A_74], %broadcast_in_dim3A_71 {strides = array<i32>} : memref<32x128xf32, #tpu.memory_space<vmem>>, vector<16xf32>,
    %broadcast_in_dim3A_76 = arith.constant 0.000000e+00 : f32
    %broadcast_in_dim3A_77 = vector.broadcast %broadcast_in_dim3A_76 : f32 to vector<16xf32>
    %swap3A_78 = arith.constant 1 : i32
    %swap3A_79 = arith.index_cast %swap3A_78 : i32 to index
    %swap3A_80 = arith.constant 80 : index
    %swap3A_81 = tpu.vector_load %arg13[%swap3A_79, %swap3A_80] {strides = array<i32>} : memref<32x128xf32, #tpu.memory_space<vmem>>, vector<16xf32>,
    tpu.vector_store %arg13[%swap3A_79, %swap3A_80], %broadcast_in_dim3A_77 {strides = array<i32>} : memref<32x128xf32, #tpu.memory_space<vmem>>, vector<16xf32>,
    %broadcast_in_dim3A_82 = arith.constant 0.000000e+00 : f32
    %broadcast_in_dim3A_83 = vector.broadcast %broadcast_in_dim3A_82 : f32 to vector<16xf32>
    %swap3A_84 = arith.constant 1 : i32
    %swap3A_85 = arith.index_cast %swap3A_84 : i32 to index
    %swap3A_86 = arith.constant 96 : index
    %swap3A_87 = tpu.vector_load %arg13[%swap3A_85, %swap3A_86] {strides = array<i32>} : memref<32x128xf32, #tpu.memory_space<vmem>>, vector<16xf32>,
    tpu.vector_store %arg13[%swap3A_85, %swap3A_86], %broadcast_in_dim3A_83 {strides = array<i32>} : memref<32x128xf32, #tpu.memory_space<vmem>>, vector<16xf32>,
    %broadcast_in_dim3A_88 = arith.constant 0.000000e+00 : f32
    %broadcast_in_dim3A_89 = vector.broadcast %broadcast_in_dim3A_88 : f32 to vector<16xf32>
    %swap3A_90 = arith.constant 1 : i32
    %swap3A_91 = arith.index_cast %swap3A_90 : i32 to index
    %swap3A_92 = arith.constant 112 : index
    %swap3A_93 = tpu.vector_load %arg13[%swap3A_91, %swap3A_92] {strides = array<i32>} : memref<32x128xf32, #tpu.memory_space<vmem>>, vector<16xf32>,
    tpu.vector_store %arg13[%swap3A_91, %swap3A_92], %broadcast_in_dim3A_89 {strides = array<i32>} : memref<32x128xf32, #tpu.memory_space<vmem>>, vector<16xf32>,
    %broadcast_in_dim3A_94 = arith.constant 0.000000e+00 : f32
    %broadcast_in_dim3A_95 = vector.broadcast %broadcast_in_dim3A_94 : f32 to vector<16xf32>
    %swap3A_96 = arith.constant 2 : i32
    %swap3A_97 = arith.index_cast %swap3A_96 : i32 to index
    %swap3A_98 = arith.constant 0 : index
    %swap3A_99 = tpu.vector_load %arg13[%swap3A_97, %swap3A_98] {strides = array<i32>} : memref<32x128xf32, #tpu.memory_space<vmem>>, vector<16xf32>,
    tpu.vector_store %arg13[%swap3A_97, %swap3A_98], %broadcast_in_dim3A_95 {strides = array<i32>} : memref<32x128xf32, #tpu.memory_space<vmem>>, vector<16xf32>,
    %broadcast_in_dim3A_100 = arith.constant 0.000000e+00 : f32
    %broadcast_in_dim3A_101 = vector.broadcast %broadcast_in_dim3A_100 : f32 to vector<16xf32>
    %swap3A_102 = arith.constant 2 : i32
    %swap3A_103 = arith.index_cast %swap3A_102 : i32 to index
    %swap3A_104 = arith.constant 16 : index
    %swap3A_105 = tpu.vector_load %arg13[%swap3A_103, %swap3A_104] {strides = array<i32>} : memref<32x128xf32, #tpu.memory_space<vmem>>, vector<16xf32>,
    tpu.vector_store %arg13[%swap3A_103, %swap3A_104], %broadcast_in_dim3A_101 {strides = array<i32>} : memref<32x128xf32, #tpu.memory_space<vmem>>, vector<16xf32>,
    %broadcast_in_dim3A_106 = arith.constant 0.000000e+00 : f32
    %broadcast_in_dim3A_107 = vector.broadcast %broadcast_in_dim3A_106 : f32 to vector<16xf32>
    %swap3A_108 = arith.constant 2 : i32
    %swap3A_109 = arith.index_cast %swap3A_108 : i32 to index
    %swap3A_110 = arith.constant 32 : index
    %swap3A_111 = tpu.vector_load %arg13[%swap3A_109, %swap3A_110] {strides = array<i32>} : memref<32x128xf32, #tpu.memory_space<vmem>>, vector<16xf32>,
    tpu.vector_store %arg13[%swap3A_109, %swap3A_110], %broadcast_in_dim3A_107 {strides = array<i32>} : memref<32x128xf32, #tpu.memory_space<vmem>>, vector<16xf32>,
    %broadcast_in_dim3A_112 = arith.constant 0.000000e+00 : f32
    %broadcast_in_dim3A_113 = vector.broadcast %broadcast_in_dim3A_112 : f32 to vector<16xf32>
    %swap3A_114 = arith.constant 2 : i32
    %swap3A_115 = arith.index_cast %swap3A_114 : i32 to index
    %swap3A_116 = arith.constant 48 : index
    %swap3A_117 = tpu.vector_load %arg13[%swap3A_115, %swap3A_116] {strides = array<i32>} : memref<32x128xf32, #tpu.memory_space<vmem>>, vector<16xf32>,
    tpu.vector_store %arg13[%swap3A_115, %swap3A_116], %broadcast_in_dim3A_113 {strides = array<i32>} : memref<32x128xf32, #tpu.memory_space<vmem>>, vector<16xf32>,
    %broadcast_in_dim3A_118 = arith.constant 0.000000e+00 : f32
    %broadcast_in_dim3A_119 = vector.broadcast %broadcast_in_dim3A_118 : f32 to vector<16xf32>
    %swap3A_120 = arith.constant 2 : i32
    %swap3A_121 = arith.index_cast %swap3A_120 : i32 to index
    %swap3A_122 = arith.constant 64 : index
    %swap3A_123 = tpu.vector_load %arg13[%swap3A_121, %swap3A_122] {strides = array<i32>} : memref<32x128xf32, #tpu.memory_space<vmem>>, vector<16xf32>,
    tpu.vector_store %arg13[%swap3A_121, %swap3A_122], %broadcast_in_dim3A_119 {strides = array<i32>} : memref<32x128xf32, #tpu.memory_space<vmem>>, vector<16xf32>,
    %broadcast_in_dim3A_124 = arith.constant 0.000000e+00 : f32
    %broadcast_in_dim3A_125 = vector.broadcast %broadcast_in_dim3A_124 : f32 to vector<16xf32>
    %swap3A_126 = arith.constant 2 : i32
    %swap3A_127 = arith.index_cast %swap3A_126 : i32 to index
    %swap3A_128 = arith.constant 80 : index
    %swap3A_129 = tpu.vector_load %arg13[%swap3A_127, %swap3A_128] {strides = array<i32>} : memref<32x128xf32, #tpu.memory_space<vmem>>, vector<16xf32>,
    tpu.vector_store %arg13[%swap3A_127, %swap3A_128], %broadcast_in_dim3A_125 {strides = array<i32>} : memref<32x128xf32, #tpu.memory_space<vmem>>, vector<16xf32>,
    %broadcast_in_dim3A_130 = arith.constant 0.000000e+00 : f32
    %broadcast_in_dim3A_131 = vector.broadcast %broadcast_in_dim3A_130 : f32 to vector<16xf32>
    %swap3A_132 = arith.constant 2 : i32
    %swap3A_133 = arith.index_cast %swap3A_132 : i32 to index
    %swap3A_134 = arith.constant 96 : index
    %swap3A_135 = tpu.vector_load %arg13[%swap3A_133, %swap3A_134] {strides = array<i32>} : memref<32x128xf32, #tpu.memory_space<vmem>>, vector<16xf32>,
    tpu.vector_store %arg13[%swap3A_133, %swap3A_134], %broadcast_in_dim3A_131 {strides = array<i32>} : memref<32x128xf32, #tpu.memory_space<vmem>>, vector<16xf32>,
    %broadcast_in_dim3A_136 = arith.constant 0.000000e+00 : f32
    %broadcast_in_dim3A_137 = vector.broadcast %broadcast_in_dim3A_136 : f32 to vector<16xf32>
    %swap3A_138 = arith.constant 2 : i32
    %swap3A_139 = arith.index_cast %swap3A_138 : i32 to index
    %swap3A_140 = arith.constant 112 : index
    %swap3A_141 = tpu.vector_load %arg13[%swap3A_139, %swap3A_140] {strides = array<i32>} : memref<32x128xf32, #tpu.memory_space<vmem>>, vector<16xf32>,
    tpu.vector_store %arg13[%swap3A_139, %swap3A_140], %broadcast_in_dim3A_137 {strides = array<i32>} : memref<32x128xf32, #tpu.memory_space<vmem>>, vector<16xf32>,
    %broadcast_in_dim3A_142 = arith.constant 0.000000e+00 : f32
    %broadcast_in_dim3A_143 = vector.broadcast %broadcast_in_dim3A_142 : f32 to vector<16xf32>
    %swap3A_144 = arith.constant 3 : i32
    %swap3A_145 = arith.index_cast %swap3A_144 : i32 to index
    %swap3A_146 = arith.constant 0 : index
    %swap3A_147 = tpu.vector_load %arg13[%swap3A_145, %swap3A_146] {strides = array<i32>} : memref<32x128xf32, #tpu.memory_space<vmem>>, vector<16xf32>,
    tpu.vector_store %arg13[%swap3A_145, %swap3A_146], %broadcast_in_dim3A_143 {strides = array<i32>} : memref<32x128xf32, #tpu.memory_space<vmem>>, vector<16xf32>,
    %broadcast_in_dim3A_148 = arith.constant 0.000000e+00 : f32
    %broadcast_in_dim3A_149 = vector.broadcast %broadcast_in_dim3A_148 : f32 to vector<16xf32>
    %swap3A_150 = arith.constant 3 : i32
    %swap3A_151 = arith.index_cast %swap3A_150 : i32 to index
    %swap3A_152 = arith.constant 16 : index
    %swap3A_153 = tpu.vector_load %arg13[%swap3A_151, %swap3A_152] {strides = array<i32>} : memref<32x128xf32, #tpu.memory_space<vmem>>, vector<16xf32>,
    tpu.vector_store %arg13[%swap3A_151, %swap3A_152], %broadcast_in_dim3A_149 {strides = array<i32>} : memref<32x128xf32, #tpu.memory_space<vmem>>, vector<16xf32>,
    %broadcast_in_dim3A_154 = arith.constant 0.000000e+00 : f32
    %broadcast_in_dim3A_155 = vector.broadcast %broadcast_in_dim3A_154 : f32 to vector<16xf32>
    %swap3A_156 = arith.constant 3 : i32
    %swap3A_157 = arith.index_cast %swap3A_156 : i32 to index
    %swap3A_158 = arith.constant 32 : index
    %swap3A_159 = tpu.vector_load %arg13[%swap3A_157, %swap3A_158] {strides = array<i32>} : memref<32x128xf32, #tpu.memory_space<vmem>>, vector<16xf32>,
    tpu.vector_store %arg13[%swap3A_157, %swap3A_158], %broadcast_in_dim3A_155 {strides = array<i32>} : memref<32x128xf32, #tpu.memory_space<vmem>>, vector<16xf32>,
    %broadcast_in_dim3A_160 = arith.constant 0.000000e+00 : f32
    %broadcast_in_dim3A_161 = vector.broadcast %broadcast_in_dim3A_160 : f32 to vector<16xf32>
    %swap3A_162 = arith.constant 3 : i32
    %swap3A_163 = arith.index_cast %swap3A_162 : i32 to index
    %swap3A_164 = arith.constant 48 : index
    %swap3A_165 = tpu.vector_load %arg13[%swap3A_163, %swap3A_164] {strides = array<i32>} : memref<32x128xf32, #tpu.memory_space<vmem>>, vector<16xf32>,
    tpu.vector_store %arg13[%swap3A_163, %swap3A_164], %broadcast_in_dim3A_161 {strides = array<i32>} : memref<32x128xf32, #tpu.memory_space<vmem>>, vector<16xf32>,
    %broadcast_in_dim3A_166 = arith.constant 0.000000e+00 : f32
    %broadcast_in_dim3A_167 = vector.broadcast %broadcast_in_dim3A_166 : f32 to vector<16xf32>
    %swap3A_168 = arith.constant 3 : i32
    %swap3A_169 = arith.index_cast %swap3A_168 : i32 to index
    %swap3A_170 = arith.constant 64 : index
    %swap3A_171 = tpu.vector_load %arg13[%swap3A_169, %swap3A_170] {strides = array<i32>} : memref<32x128xf32, #tpu.memory_space<vmem>>, vector<16xf32>,
    tpu.vector_store %arg13[%swap3A_169, %swap3A_170], %broadcast_in_dim3A_167 {strides = array<i32>} : memref<32x128xf32, #tpu.memory_space<vmem>>, vector<16xf32>,
    %broadcast_in_dim3A_172 = arith.constant 0.000000e+00 : f32
    %broadcast_in_dim3A_173 = vector.broadcast %broadcast_in_dim3A_172 : f32 to vector<16xf32>
    %swap3A_174 = arith.constant 3 : i32
    %swap3A_175 = arith.index_cast %swap3A_174 : i32 to index
    %swap3A_176 = arith.constant 80 : index
    %swap3A_177 = tpu.vector_load %arg13[%swap3A_175, %swap3A_176] {strides = array<i32>} : memref<32x128xf32, #tpu.memory_space<vmem>>, vector<16xf32>,
    tpu.vector_store %arg13[%swap3A_175, %swap3A_176], %broadcast_in_dim3A_173 {strides = array<i32>} : memref<32x128xf32, #tpu.memory_space<vmem>>, vector<16xf32>,
    %broadcast_in_dim3A_178 = arith.constant 0.000000e+00 : f32
    %broadcast_in_dim3A_179 = vector.broadcast %broadcast_in_dim3A_178 : f32 to vector<16xf32>
    %swap3A_180 = arith.constant 3 : i32
    %swap3A_181 = arith.index_cast %swap3A_180 : i32 to index
    %swap3A_182 = arith.constant 96 : index
    %swap3A_183 = tpu.vector_load %arg13[%swap3A_181, %swap3A_182] {strides = array<i32>} : memref<32x128xf32, #tpu.memory_space<vmem>>, vector<16xf32>,
    tpu.vector_store %arg13[%swap3A_181, %swap3A_182], %broadcast_in_dim3A_179 {strides = array<i32>} : memref<32x128xf32, #tpu.memory_space<vmem>>, vector<16xf32>,
    %broadcast_in_dim3A_184 = arith.constant 0.000000e+00 : f32
    %broadcast_in_dim3A_185 = vector.broadcast %broadcast_in_dim3A_184 : f32 to vector<16xf32>
    %swap3A_186 = arith.constant 3 : i32
    %swap3A_187 = arith.index_cast %swap3A_186 : i32 to index
    %swap3A_188 = arith.constant 112 : index
    %swap3A_189 = tpu.vector_load %arg13[%swap3A_187, %swap3A_188] {strides = array<i32>} : memref<32x128xf32, #tpu.memory_space<vmem>>, vector<16xf32>,
    tpu.vector_store %arg13[%swap3A_187, %swap3A_188], %broadcast_in_dim3A_185 {strides = array<i32>} : memref<32x128xf32, #tpu.memory_space<vmem>>, vector<16xf32>,
    %broadcast_in_dim3A_190 = arith.constant 0.000000e+00 : f32
    %broadcast_in_dim3A_191 = vector.broadcast %broadcast_in_dim3A_190 : f32 to vector<16xf32>
    %swap3A_192 = arith.constant 4 : i32
    %swap3A_193 = arith.index_cast %swap3A_192 : i32 to index
    %swap3A_194 = arith.constant 0 : index
    %swap3A_195 = tpu.vector_load %arg13[%swap3A_193, %swap3A_194] {strides = array<i32>} : memref<32x128xf32, #tpu.memory_space<vmem>>, vector<16xf32>,
    tpu.vector_store %arg13[%swap3A_193, %swap3A_194], %broadcast_in_dim3A_191 {strides = array<i32>} : memref<32x128xf32, #tpu.memory_space<vmem>>, vector<16xf32>,
    %broadcast_in_dim3A_196 = arith.constant 0.000000e+00 : f32
    %broadcast_in_dim3A_197 = vector.broadcast %broadcast_in_dim3A_196 : f32 to vector<16xf32>
    %swap3A_198 = arith.constant 4 : i32
    %swap3A_199 = arith.index_cast %swap3A_198 : i32 to index
    %swap3A_200 = arith.constant 16 : index
    %swap3A_201 = tpu.vector_load %arg13[%swap3A_199, %swap3A_200] {strides = array<i32>} : memref<32x128xf32, #tpu.memory_space<vmem>>, vector<16xf32>,
    tpu.vector_store %arg13[%swap3A_199, %swap3A_200], %broadcast_in_dim3A_197 {strides = array<i32>} : memref<32x128xf32, #tpu.memory_space<vmem>>, vector<16xf32>,
    %broadcast_in_dim3A_202 = arith.constant 0.000000e+00 : f32
    %broadcast_in_dim3A_203 = vector.broadcast %broadcast_in_dim3A_202 : f32 to vector<16xf32>
    %swap3A_204 = arith.constant 4 : i32
    %swap3A_205 = arith.index_cast %swap3A_204 : i32 to index
    %swap3A_206 = arith.constant 32 : index
    %swap3A_207 = tpu.vector_load %arg13[%swap3A_205, %swap3A_206] {strides = array<i32>} : memref<32x128xf32, #tpu.memory_space<vmem>>, vector<16xf32>,
    tpu.vector_store %arg13[%swap3A_205, %swap3A_206], %broadcast_in_dim3A_203 {strides = array<i32>} : memref<32x128xf32, #tpu.memory_space<vmem>>, vector<16xf32>,
    %broadcast_in_dim3A_208 = arith.constant 0.000000e+00 : f32
    %broadcast_in_dim3A_209 = vector.broadcast %broadcast_in_dim3A_208 : f32 to vector<16xf32>
    %swap3A_210 = arith.constant 4 : i32
    %swap3A_211 = arith.index_cast %swap3A_210 : i32 to index
    %swap3A_212 = arith.constant 48 : index
    %swap3A_213 = tpu.vector_load %arg13[%swap3A_211, %swap3A_212] {strides = array<i32>} : memref<32x128xf32, #tpu.memory_space<vmem>>, vector<16xf32>,
    tpu.vector_store %arg13[%swap3A_211, %swap3A_212], %broadcast_in_dim3A_209 {strides = array<i32>} : memref<32x128xf32, #tpu.memory_space<vmem>>, vector<16xf32>,
    %broadcast_in_dim3A_214 = arith.constant 0.000000e+00 : f32
    %broadcast_in_dim3A_215 = vector.broadcast %broadcast_in_dim3A_214 : f32 to vector<16xf32>
    %swap3A_216 = arith.constant 4 : i32
    %swap3A_217 = arith.index_cast %swap3A_216 : i32 to index
    %swap3A_218 = arith.constant 64 : index
    %swap3A_219 = tpu.vector_load %arg13[%swap3A_217, %swap3A_218] {strides = array<i32>} : memref<32x128xf32, #tpu.memory_space<vmem>>, vector<16xf32>,
    tpu.vector_store %arg13[%swap3A_217, %swap3A_218], %broadcast_in_dim3A_215 {strides = array<i32>} : memref<32x128xf32, #tpu.memory_space<vmem>>, vector<16xf32>,
    %broadcast_in_dim3A_220 = arith.constant 0.000000e+00 : f32
    %broadcast_in_dim3A_221 = vector.broadcast %broadcast_in_dim3A_220 : f32 to vector<16xf32>
    %swap3A_222 = arith.constant 4 : i32
    %swap3A_223 = arith.index_cast %swap3A_222 : i32 to index
    %swap3A_224 = arith.constant 80 : index
    %swap3A_225 = tpu.vector_load %arg13[%swap3A_223, %swap3A_224] {strides = array<i32>} : memref<32x128xf32, #tpu.memory_space<vmem>>, vector<16xf32>,
    tpu.vector_store %arg13[%swap3A_223, %swap3A_224], %broadcast_in_dim3A_221 {strides = array<i32>} : memref<32x128xf32, #tpu.memory_space<vmem>>, vector<16xf32>,
    %broadcast_in_dim3A_226 = arith.constant 0.000000e+00 : f32
    %broadcast_in_dim3A_227 = vector.broadcast %broadcast_in_dim3A_226 : f32 to vector<16xf32>
    %swap3A_228 = arith.constant 4 : i32
    %swap3A_229 = arith.index_cast %swap3A_228 : i32 to index
    %swap3A_230 = arith.constant 96 : index
    %swap3A_231 = tpu.vector_load %arg13[%swap3A_229, %swap3A_230] {strides = array<i32>} : memref<32x128xf32, #tpu.memory_space<vmem>>, vector<16xf32>,
    tpu.vector_store %arg13[%swap3A_229, %swap3A_230], %broadcast_in_dim3A_227 {strides = array<i32>} : memref<32x128xf32, #tpu.memory_space<vmem>>, vector<16xf32>,
    %broadcast_in_dim3A_232 = arith.constant 0.000000e+00 : f32
    %broadcast_in_dim3A_233 = vector.broadcast %broadcast_in_dim3A_232 : f32 to vector<16xf32>
    %swap3A_234 = arith.constant 4 : i32
    %swap3A_235 = arith.index_cast %swap3A_234 : i32 to index
    %swap3A_236 = arith.constant 112 : index
    %swap3A_237 = tpu.vector_load %arg13[%swap3A_235, %swap3A_236] {strides = array<i32>} : memref<32x128xf32, #tpu.memory_space<vmem>>, vector<16xf32>,
    tpu.vector_store %arg13[%swap3A_235, %swap3A_236], %broadcast_in_dim3A_233 {strides = array<i32>} : memref<32x128xf32, #tpu.memory_space<vmem>>, vector<16xf32>,
    %broadcast_in_dim3A_238 = arith.constant 0.000000e+00 : f32
    %broadcast_in_dim3A_239 = vector.broadcast %broadcast_in_dim3A_238 : f32 to vector<16xf32>
    %swap3A_240 = arith.constant 5 : i32
    %swap3A_241 = arith.index_cast %swap3A_240 : i32 to index
    %swap3A_242 = arith.constant 0 : index
    %swap3A_243 = tpu.vector_load %arg13[%swap3A_241, %swap3A_242] {strides = array<i32>} : memref<32x128xf32, #tpu.memory_space<vmem>>, vector<16xf32>,
    tpu.vector_store %arg13[%swap3A_241, %swap3A_242], %broadcast_in_dim3A_239 {strides = array<i32>} : memref<32x128xf32, #tpu.memory_space<vmem>>, vector<16xf32>,
    %broadcast_in_dim3A_244 = arith.constant 0.000000e+00 : f32
    %broadcast_in_dim3A_245 = vector.broadcast %broadcast_in_dim3A_244 : f32 to vector<16xf32>
    %swap3A_246 = arith.constant 5 : i32
    %swap3A_247 = arith.index_cast %swap3A_246 : i32 to index
    %swap3A_248 = arith.constant 16 : index
    %swap3A_249 = tpu.vector_load %arg13[%swap3A_247, %swap3A_248] {strides = array<i32>} : memref<32x128xf32, #tpu.memory_space<vmem>>, vector<16xf32>,
    tpu.vector_store %arg13[%swap3A_247, %swap3A_248], %broadcast_in_dim3A_245 {strides = array<i32>} : memref<32x128xf32, #tpu.memory_space<vmem>>, vector<16xf32>,
    %broadcast_in_dim3A_250 = arith.constant 0.000000e+00 : f32
    %broadcast_in_dim3A_251 = vector.broadcast %broadcast_in_dim3A_250 : f32 to vector<16xf32>
    %swap3A_252 = arith.constant 5 : i32
    %swap3A_253 = arith.index_cast %swap3A_252 : i32 to index
    %swap3A_254 = arith.constant 32 : index
    %swap3A_255 = tpu.vector_load %arg13[%swap3A_253, %swap3A_254] {strides = array<i32>} : memref<32x128xf32, #tpu.memory_space<vmem>>, vector<16xf32>,
    tpu.vector_store %arg13[%swap3A_253, %swap3A_254], %broadcast_in_dim3A_251 {strides = array<i32>} : memref<32x128xf32, #tpu.memory_space<vmem>>, vector<16xf32>,
    %broadcast_in_dim3A_256 = arith.constant 0.000000e+00 : f32
    %broadcast_in_dim3A_257 = vector.broadcast %broadcast_in_dim3A_256 : f32 to vector<16xf32>
    %swap3A_258 = arith.constant 5 : i32
    %swap3A_259 = arith.index_cast %swap3A_258 : i32 to index
    %swap3A_260 = arith.constant 48 : index
    %swap3A_261 = tpu.vector_load %arg13[%swap3A_259, %swap3A_260] {strides = array<i32>} : memref<32x128xf32, #tpu.memory_space<vmem>>, vector<16xf32>,
    tpu.vector_store %arg13[%swap3A_259, %swap3A_260], %broadcast_in_dim3A_257 {strides = array<i32>} : memref<32x128xf32, #tpu.memory_space<vmem>>, vector<16xf32>,
    %broadcast_in_dim3A_262 = arith.constant 0.000000e+00 : f32
    %broadcast_in_dim3A_263 = vector.broadcast %broadcast_in_dim3A_262 : f32 to vector<16xf32>
    %swap3A_264 = arith.constant 5 : i32
    %swap3A_265 = arith.index_cast %swap3A_264 : i32 to index
    %swap3A_266 = arith.constant 64 : index
    %swap3A_267 = tpu.vector_load %arg13[%swap3A_265, %swap3A_266] {strides = array<i32>} : memref<32x128xf32, #tpu.memory_space<vmem>>, vector<16xf32>,
    tpu.vector_store %arg13[%swap3A_265, %swap3A_266], %broadcast_in_dim3A_263 {strides = array<i32>} : memref<32x128xf32, #tpu.memory_space<vmem>>, vector<16xf32>,
    %broadcast_in_dim3A_268 = arith.constant 0.000000e+00 : f32
    %broadcast_in_dim3A_269 = vector.broadcast %broadcast_in_dim3A_268 : f32 to vector<16xf32>
    %swap3A_270 = arith.constant 5 : i32
    %swap3A_271 = arith.index_cast %swap3A_270 : i32 to index
    %swap3A_272 = arith.constant 80 : index
    %swap3A_273 = tpu.vector_load %arg13[%swap3A_271, %swap3A_272] {strides = array<i32>} : memref<32x128xf32, #tpu.memory_space<vmem>>, vector<16xf32>,
    tpu.vector_store %arg13[%swap3A_271, %swap3A_272], %broadcast_in_dim3A_269 {strides = array<i32>} : memref<32x128xf32, #tpu.memory_space<vmem>>, vector<16xf32>,
    %broadcast_in_dim3A_274 = arith.constant 0.000000e+00 : f32
    %broadcast_in_dim3A_275 = vector.broadcast %broadcast_in_dim3A_274 : f32 to vector<16xf32>
    %swap3A_276 = arith.constant 5 : i32
    %swap3A_277 = arith.index_cast %swap3A_276 : i32 to index
    %swap3A_278 = arith.constant 96 : index
    %swap3A_279 = tpu.vector_load %arg13[%swap3A_277, %swap3A_278] {strides = array<i32>} : memref<32x128xf32, #tpu.memory_space<vmem>>, vector<16xf32>,
    tpu.vector_store %arg13[%swap3A_277, %swap3A_278], %broadcast_in_dim3A_275 {strides = array<i32>} : memref<32x128xf32, #tpu.memory_space<vmem>>, vector<16xf32>,
    %broadcast_in_dim3A_280 = arith.constant 0.000000e+00 : f32
    %broadcast_in_dim3A_281 = vector.broadcast %broadcast_in_dim3A_280 : f32 to vector<16xf32>
    %swap3A_282 = arith.constant 5 : i32
    %swap3A_283 = arith.index_cast %swap3A_282 : i32 to index
    %swap3A_284 = arith.constant 112 : index
    %swap3A_285 = tpu.vector_load %arg13[%swap3A_283, %swap3A_284] {strides = array<i32>} : memref<32x128xf32, #tpu.memory_space<vmem>>, vector<16xf32>,
    tpu.vector_store %arg13[%swap3A_283, %swap3A_284], %broadcast_in_dim3A_281 {strides = array<i32>} : memref<32x128xf32, #tpu.memory_space<vmem>>, vector<16xf32>,
    %broadcast_in_dim3A_286 = arith.constant 0.000000e+00 : f32
    %broadcast_in_dim3A_287 = vector.broadcast %broadcast_in_dim3A_286 : f32 to vector<16xf32>
    %swap3A_288 = arith.constant 6 : i32
    %swap3A_289 = arith.index_cast %swap3A_288 : i32 to index
    %swap3A_290 = arith.constant 0 : index
    %swap3A_291 = tpu.vector_load %arg13[%swap3A_289, %swap3A_290] {strides = array<i32>} : memref<32x128xf32, #tpu.memory_space<vmem>>, vector<16xf32>,
    tpu.vector_store %arg13[%swap3A_289, %swap3A_290], %broadcast_in_dim3A_287 {strides = array<i32>} : memref<32x128xf32, #tpu.memory_space<vmem>>, vector<16xf32>,
    %broadcast_in_dim3A_292 = arith.constant 0.000000e+00 : f32
    %broadcast_in_dim3A_293 = vector.broadcast %broadcast_in_dim3A_292 : f32 to vector<16xf32>
    %swap3A_294 = arith.constant 6 : i32
    %swap3A_295 = arith.index_cast %swap3A_294 : i32 to index
    %swap3A_296 = arith.constant 16 : index
    %swap3A_297 = tpu.vector_load %arg13[%swap3A_295, %swap3A_296] {strides = array<i32>} : memref<32x128xf32, #tpu.memory_space<vmem>>, vector<16xf32>,
    tpu.vector_store %arg13[%swap3A_295, %swap3A_296], %broadcast_in_dim3A_293 {strides = array<i32>} : memref<32x128xf32, #tpu.memory_space<vmem>>, vector<16xf32>,
    %broadcast_in_dim3A_298 = arith.constant 0.000000e+00 : f32
    %broadcast_in_dim3A_299 = vector.broadcast %broadcast_in_dim3A_298 : f32 to vector<16xf32>
    %swap3A_300 = arith.constant 6 : i32
    %swap3A_301 = arith.index_cast %swap3A_300 : i32 to index
    %swap3A_302 = arith.constant 32 : index
    %swap3A_303 = tpu.vector_load %arg13[%swap3A_301, %swap3A_302] {strides = array<i32>} : memref<32x128xf32, #tpu.memory_space<vmem>>, vector<16xf32>,
    tpu.vector_store %arg13[%swap3A_301, %swap3A_302], %broadcast_in_dim3A_299 {strides = array<i32>} : memref<32x128xf32, #tpu.memory_space<vmem>>, vector<16xf32>,
    %broadcast_in_dim3A_304 = arith.constant 0.000000e+00 : f32
    %broadcast_in_dim3A_305 = vector.broadcast %broadcast_in_dim3A_304 : f32 to vector<16xf32>
    %swap3A_306 = arith.constant 6 : i32
    %swap3A_307 = arith.index_cast %swap3A_306 : i32 to index
    %swap3A_308 = arith.constant 48 : index
    %swap3A_309 = tpu.vector_load %arg13[%swap3A_307, %swap3A_308] {strides = array<i32>} : memref<32x128xf32, #tpu.memory_space<vmem>>, vector<16xf32>,
    tpu.vector_store %arg13[%swap3A_307, %swap3A_308], %broadcast_in_dim3A_305 {strides = array<i32>} : memref<32x128xf32, #tpu.memory_space<vmem>>, vector<16xf32>,
    %broadcast_in_dim3A_310 = arith.constant 0.000000e+00 : f32
    %broadcast_in_dim3A_311 = vector.broadcast %broadcast_in_dim3A_310 : f32 to vector<16xf32>
    %swap3A_312 = arith.constant 6 : i32
    %swap3A_313 = arith.index_cast %swap3A_312 : i32 to index
    %swap3A_314 = arith.constant 64 : index
    %swap3A_315 = tpu.vector_load %arg13[%swap3A_313, %swap3A_314] {strides = array<i32>} : memref<32x128xf32, #tpu.memory_space<vmem>>, vector<16xf32>,
    tpu.vector_store %arg13[%swap3A_313, %swap3A_314], %broadcast_in_dim3A_311 {strides = array<i32>} : memref<32x128xf32, #tpu.memory_space<vmem>>, vector<16xf32>,
    %broadcast_in_dim3A_316 = arith.constant 0.000000e+00 : f32
    %broadcast_in_dim3A_317 = vector.broadcast %broadcast_in_dim3A_316 : f32 to vector<16xf32>
    %swap3A_318 = arith.constant 6 : i32
    %swap3A_319 = arith.index_cast %swap3A_318 : i32 to index
    %swap3A_320 = arith.constant 80 : index
    %swap3A_321 = tpu.vector_load %arg13[%swap3A_319, %swap3A_320] {strides = array<i32>} : memref<32x128xf32, #tpu.memory_space<vmem>>, vector<16xf32>,
    tpu.vector_store %arg13[%swap3A_319, %swap3A_320], %broadcast_in_dim3A_317 {strides = array<i32>} : memref<32x128xf32, #tpu.memory_space<vmem>>, vector<16xf32>,
    %broadcast_in_dim3A_322 = arith.constant 0.000000e+00 : f32
    %broadcast_in_dim3A_323 = vector.broadcast %broadcast_in_dim3A_322 : f32 to vector<16xf32>
    %swap3A_324 = arith.constant 6 : i32
    %swap3A_325 = arith.index_cast %swap3A_324 : i32 to index
    %swap3A_326 = arith.constant 96 : index
    %swap3A_327 = tpu.vector_load %arg13[%swap3A_325, %swap3A_326] {strides = array<i32>} : memref<32x128xf32, #tpu.memory_space<vmem>>, vector<16xf32>,
    tpu.vector_store %arg13[%swap3A_325, %swap3A_326], %broadcast_in_dim3A_323 {strides = array<i32>} : memref<32x128xf32, #tpu.memory_space<vmem>>, vector<16xf32>,
    %broadcast_in_dim3A_328 = arith.constant 0.000000e+00 : f32
    %broadcast_in_dim3A_329 = vector.broadcast %broadcast_in_dim3A_328 : f32 to vector<16xf32>
    %swap3A_330 = arith.constant 6 : i32
    %swap3A_331 = arith.index_cast %swap3A_330 : i32 to index
    %swap3A_332 = arith.constant 112 : index
    %swap3A_333 = tpu.vector_load %arg13[%swap3A_331, %swap3A_332] {strides = array<i32>} : memref<32x128xf32, #tpu.memory_space<vmem>>, vector<16xf32>,
    tpu.vector_store %arg13[%swap3A_331, %swap3A_332], %broadcast_in_dim3A_329 {strides = array<i32>} : memref<32x128xf32, #tpu.memory_space<vmem>>, vector<16xf32>,
    %broadcast_in_dim3A_334 = arith.constant 0.000000e+00 : f32
    %broadcast_in_dim3A_335 = vector.broadcast %broadcast_in_dim3A_334 : f32 to vector<16xf32>
    %swap3A_336 = arith.constant 7 : i32
    %swap3A_337 = arith.index_cast %swap3A_336 : i32 to index
    %swap3A_338 = arith.constant 0 : index
    %swap3A_339 = tpu.vector_load %arg13[%swap3A_337, %swap3A_338] {strides = array<i32>} : memref<32x128xf32, #tpu.memory_space<vmem>>, vector<16xf32>,
    tpu.vector_store %arg13[%swap3A_337, %swap3A_338], %broadcast_in_dim3A_335 {strides = array<i32>} : memref<32x128xf32, #tpu.memory_space<vmem>>, vector<16xf32>,
    %broadcast_in_dim3A_340 = arith.constant 0.000000e+00 : f32
    %broadcast_in_dim3A_341 = vector.broadcast %broadcast_in_dim3A_340 : f32 to vector<16xf32>
    %swap3A_342 = arith.constant 7 : i32
    %swap3A_343 = arith.index_cast %swap3A_342 : i32 to index
    %swap3A_344 = arith.constant 16 : index
    %swap3A_345 = tpu.vector_load %arg13[%swap3A_343, %swap3A_344] {strides = array<i32>} : memref<32x128xf32, #tpu.memory_space<vmem>>, vector<16xf32>,
    tpu.vector_store %arg13[%swap3A_343, %swap3A_344], %broadcast_in_dim3A_341 {strides = array<i32>} : memref<32x128xf32, #tpu.memory_space<vmem>>, vector<16xf32>,
    %broadcast_in_dim3A_346 = arith.constant 0.000000e+00 : f32
    %broadcast_in_dim3A_347 = vector.broadcast %broadcast_in_dim3A_346 : f32 to vector<16xf32>
    %swap3A_348 = arith.constant 7 : i32
    %swap3A_349 = arith.index_cast %swap3A_348 : i32 to index
    %swap3A_350 = arith.constant 32 : index
    %swap3A_351 = tpu.vector_load %arg13[%swap3A_349, %swap3A_350] {strides = array<i32>} : memref<32x128xf32, #tpu.memory_space<vmem>>, vector<16xf32>,
    tpu.vector_store %arg13[%swap3A_349, %swap3A_350], %broadcast_in_dim3A_347 {strides = array<i32>} : memref<32x128xf32, #tpu.memory_space<vmem>>, vector<16xf32>,
    %broadcast_in_dim3A_352 = arith.constant 0.000000e+00 : f32
    %broadcast_in_dim3A_353 = vector.broadcast %broadcast_in_dim3A_352 : f32 to vector<16xf32>
    %swap3A_354 = arith.constant 7 : i32
    %swap3A_355 = arith.index_cast %swap3A_354 : i32 to index
    %swap3A_356 = arith.constant 48 : index
    %swap3A_357 = tpu.vector_load %arg13[%swap3A_355, %swap3A_356] {strides = array<i32>} : memref<32x128xf32, #tpu.memory_space<vmem>>, vector<16xf32>,
    tpu.vector_store %arg13[%swap3A_355, %swap3A_356], %broadcast_in_dim3A_353 {strides = array<i32>} : memref<32x128xf32, #tpu.memory_space<vmem>>, vector<16xf32>,
    %broadcast_in_dim3A_358 = arith.constant 0.000000e+00 : f32
    %broadcast_in_dim3A_359 = vector.broadcast %broadcast_in_dim3A_358 : f32 to vector<16xf32>
    %swap3A_360 = arith.constant 7 : i32
    %swap3A_361 = arith.index_cast %swap3A_360 : i32 to index
    %swap3A_362 = arith.constant 64 : index
    %swap3A_363 = tpu.vector_load %arg13[%swap3A_361, %swap3A_362] {strides = array<i32>} : memref<32x128xf32, #tpu.memory_space<vmem>>, vector<16xf32>,
    tpu.vector_store %arg13[%swap3A_361, %swap3A_362], %broadcast_in_dim3A_359 {strides = array<i32>} : memref<32x128xf32, #tpu.memory_space<vmem>>, vector<16xf32>,
    %broadcast_in_dim3A_364 = arith.constant 0.000000e+00 : f32
    %broadcast_in_dim3A_365 = vector.broadcast %broadcast_in_dim3A_364 : f32 to vector<16xf32>
    %swap3A_366 = arith.constant 7 : i32
    %swap3A_367 = arith.index_cast %swap3A_366 : i32 to index
    %swap3A_368 = arith.constant 80 : index
    %swap3A_369 = tpu.vector_load %arg13[%swap3A_367, %swap3A_368] {strides = array<i32>} : memref<32x128xf32, #tpu.memory_space<vmem>>, vector<16xf32>,
    tpu.vector_store %arg13[%swap3A_367, %swap3A_368], %broadcast_in_dim3A_365 {strides = array<i32>} : memref<32x128xf32, #tpu.memory_space<vmem>>, vector<16xf32>,
    %broadcast_in_dim3A_370 = arith.constant 0.000000e+00 : f32
    %broadcast_in_dim3A_371 = vector.broadcast %broadcast_in_dim3A_370 : f32 to vector<16xf32>
    %swap3A_372 = arith.constant 7 : i32
    %swap3A_373 = arith.index_cast %swap3A_372 : i32 to index
    %swap3A_374 = arith.constant 96 : index
    %swap3A_375 = tpu.vector_load %arg13[%swap3A_373, %swap3A_374] {strides = array<i32>} : memref<32x128xf32, #tpu.memory_space<vmem>>, vector<16xf32>,
    tpu.vector_store %arg13[%swap3A_373, %swap3A_374], %broadcast_in_dim3A_371 {strides = array<i32>} : memref<32x128xf32, #tpu.memory_space<vmem>>, vector<16xf32>,
    %broadcast_in_dim3A_376 = arith.constant 0.000000e+00 : f32
    %broadcast_in_dim3A_377 = vector.broadcast %broadcast_in_dim3A_376 : f32 to vector<16xf32>
    %swap3A_378 = arith.constant 7 : i32
    %swap3A_379 = arith.index_cast %swap3A_378 : i32 to index
    %swap3A_380 = arith.constant 112 : index
    %swap3A_381 = tpu.vector_load %arg13[%swap3A_379, %swap3A_380] {strides = array<i32>} : memref<32x128xf32, #tpu.memory_space<vmem>>, vector<16xf32>,
    tpu.vector_store %arg13[%swap3A_379, %swap3A_380], %broadcast_in_dim3A_377 {strides = array<i32>} : memref<32x128xf32, #tpu.memory_space<vmem>>, vector<16xf32>,
    %broadcast_in_dim3A_382 = arith.constant 0.000000e+00 : f32
    %broadcast_in_dim3A_383 = vector.broadcast %broadcast_in_dim3A_382 : f32 to vector<16xf32>
    %swap3A_384 = arith.constant 8 : i32
    %swap3A_385 = arith.index_cast %swap3A_384 : i32 to index
    %swap3A_386 = arith.constant 0 : index
    %swap3A_387 = tpu.vector_load %arg13[%swap3A_385, %swap3A_386] {strides = array<i32>} : memref<32x128xf32, #tpu.memory_space<vmem>>, vector<16xf32>,
    tpu.vector_store %arg13[%swap3A_385, %swap3A_386], %broadcast_in_dim3A_383 {strides = array<i32>} : memref<32x128xf32, #tpu.memory_space<vmem>>, vector<16xf32>,
    %broadcast_in_dim3A_388 = arith.constant 0.000000e+00 : f32
    %broadcast_in_dim3A_389 = vector.broadcast %broadcast_in_dim3A_388 : f32 to vector<16xf32>
    %swap3A_390 = arith.constant 8 : i32
    %swap3A_391 = arith.index_cast %swap3A_390 : i32 to index
    %swap3A_392 = arith.constant 16 : index
    %swap3A_393 = tpu.vector_load %arg13[%swap3A_391, %swap3A_392] {strides = array<i32>} : memref<32x128xf32, #tpu.memory_space<vmem>>, vector<16xf32>,
    tpu.vector_store %arg13[%swap3A_391, %swap3A_392], %broadcast_in_dim3A_389 {strides = array<i32>} : memref<32x128xf32, #tpu.memory_space<vmem>>, vector<16xf32>,
    %broadcast_in_dim3A_394 = arith.constant 0.000000e+00 : f32
    %broadcast_in_dim3A_395 = vector.broadcast %broadcast_in_dim3A_394 : f32 to vector<16xf32>
    %swap3A_396 = arith.constant 8 : i32
    %swap3A_397 = arith.index_cast %swap3A_396 : i32 to index
    %swap3A_398 = arith.constant 32 : index
    %swap3A_399 = tpu.vector_load %arg13[%swap3A_397, %swap3A_398] {strides = array<i32>} : memref<32x128xf32, #tpu.memory_space<vmem>>, vector<16xf32>,
    tpu.vector_store %arg13[%swap3A_397, %swap3A_398], %broadcast_in_dim3A_395 {strides = array<i32>} : memref<32x128xf32, #tpu.memory_space<vmem>>, vector<16xf32>,
    %broadcast_in_dim3A_400 = arith.constant 0.000000e+00 : f32
    %broadcast_in_dim3A_401 = vector.broadcast %broadcast_in_dim3A_400 : f32 to vector<16xf32>
    %swap3A_402 = arith.constant 8 : i32
    %swap3A_403 = arith.index_cast %swap3A_402 : i32 to index
    %swap3A_404 = arith.constant 48 : index
    %swap3A_405 = tpu.vector_load %arg13[%swap3A_403, %swap3A_404] {strides = array<i32>} : memref<32x128xf32, #tpu.memory_space<vmem>>, vector<16xf32>,
    tpu.vector_store %arg13[%swap3A_403, %swap3A_404], %broadcast_in_dim3A_401 {strides = array<i32>} : memref<32x128xf32, #tpu.memory_space<vmem>>, vector<16xf32>,
    %broadcast_in_dim3A_406 = arith.constant 0.000000e+00 : f32
    %broadcast_in_dim3A_407 = vector.broadcast %broadcast_in_dim3A_406 : f32 to vector<16xf32>
    %swap3A_408 = arith.constant 8 : i32
    %swap3A_409 = arith.index_cast %swap3A_408 : i32 to index
    %swap3A_410 = arith.constant 64 : index
    %swap3A_411 = tpu.vector_load %arg13[%swap3A_409, %swap3A_410] {strides = array<i32>} : memref<32x128xf32, #tpu.memory_space<vmem>>, vector<16xf32>,
    tpu.vector_store %arg13[%swap3A_409, %swap3A_410], %broadcast_in_dim3A_407 {strides = array<i32>} : memref<32x128xf32, #tpu.memory_space<vmem>>, vector<16xf32>,
    %broadcast_in_dim3A_412 = arith.constant 0.000000e+00 : f32
    %broadcast_in_dim3A_413 = vector.broadcast %broadcast_in_dim3A_412 : f32 to vector<16xf32>
    %swap3A_414 = arith.constant 8 : i32
    %swap3A_415 = arith.index_cast %swap3A_414 : i32 to index
    %swap3A_416 = arith.constant 80 : index
    %swap3A_417 = tpu.vector_load %arg13[%swap3A_415, %swap3A_416] {strides = array<i32>} : memref<32x128xf32, #tpu.memory_space<vmem>>, vector<16xf32>,
    tpu.vector_store %arg13[%swap3A_415, %swap3A_416], %broadcast_in_dim3A_413 {strides = array<i32>} : memref<32x128xf32, #tpu.memory_space<vmem>>, vector<16xf32>,
    %broadcast_in_dim3A_418 = arith.constant 0.000000e+00 : f32
    %broadcast_in_dim3A_419 = vector.broadcast %broadcast_in_dim3A_418 : f32 to vector<16xf32>
    %swap3A_420 = arith.constant 8 : i32
    %swap3A_421 = arith.index_cast %swap3A_420 : i32 to index
    %swap3A_422 = arith.constant 96 : index
    %swap3A_423 = tpu.vector_load %arg13[%swap3A_421, %swap3A_422] {strides = array<i32>} : memref<32x128xf32, #tpu.memory_space<vmem>>, vector<16xf32>,
    tpu.vector_store %arg13[%swap3A_421, %swap3A_422], %broadcast_in_dim3A_419 {strides = array<i32>} : memref<32x128xf32, #tpu.memory_space<vmem>>, vector<16xf32>,
    %broadcast_in_dim3A_424 = arith.constant 0.000000e+00 : f32
    %broadcast_in_dim3A_425 = vector.broadcast %broadcast_in_dim3A_424 : f32 to vector<16xf32>
    %swap3A_426 = arith.constant 8 : i32
    %swap3A_427 = arith.index_cast %swap3A_426 : i32 to index
    %swap3A_428 = arith.constant 112 : index
    %swap3A_429 = tpu.vector_load %arg13[%swap3A_427, %swap3A_428] {strides = array<i32>} : memref<32x128xf32, #tpu.memory_space<vmem>>, vector<16xf32>,
    tpu.vector_store %arg13[%swap3A_427, %swap3A_428], %broadcast_in_dim3A_425 {strides = array<i32>} : memref<32x128xf32, #tpu.memory_space<vmem>>, vector<16xf32>,
    %broadcast_in_dim3A_430 = arith.constant 0.000000e+00 : f32
    %broadcast_in_dim3A_431 = vector.broadcast %broadcast_in_dim3A_430 : f32 to vector<16xf32>
    %swap3A_432 = arith.constant 9 : i32
    %swap3A_433 = arith.index_cast %swap3A_432 : i32 to index
    %swap3A_434 = arith.constant 0 : index
    %swap3A_435 = tpu.vector_load %arg13[%swap3A_433, %swap3A_434] {strides = array<i32>} : memref<32x128xf32, #tpu.memory_space<vmem>>, vector<16xf32>,
    tpu.vector_store %arg13[%swap3A_433, %swap3A_434], %broadcast_in_dim3A_431 {strides = array<i32>} : memref<32x128xf32, #tpu.memory_space<vmem>>, vector<16xf32>,
    %broadcast_in_dim3A_436 = arith.constant 0.000000e+00 : f32
    %broadcast_in_dim3A_437 = vector.broadcast %broadcast_in_dim3A_436 : f32 to vector<16xf32>
    %swap3A_438 = arith.constant 9 : i32
    %swap3A_439 = arith.index_cast %swap3A_438 : i32 to index
    %swap3A_440 = arith.constant 16 : index
    %swap3A_441 = tpu.vector_load %arg13[%swap3A_439, %swap3A_440] {strides = array<i32>} : memref<32x128xf32, #tpu.memory_space<vmem>>, vector<16xf32>,
    tpu.vector_store %arg13[%swap3A_439, %swap3A_440], %broadcast_in_dim3A_437 {strides = array<i32>} : memref<32x128xf32, #tpu.memory_space<vmem>>, vector<16xf32>,
    %broadcast_in_dim3A_442 = arith.constant 0.000000e+00 : f32
    %broadcast_in_dim3A_443 = vector.broadcast %broadcast_in_dim3A_442 : f32 to vector<16xf32>
    %swap3A_444 = arith.constant 9 : i32
    %swap3A_445 = arith.index_cast %swap3A_444 : i32 to index
    %swap3A_446 = arith.constant 32 : index
    %swap3A_447 = tpu.vector_load %arg13[%swap3A_445, %swap3A_446] {strides = array<i32>} : memref<32x128xf32, #tpu.memory_space<vmem>>, vector<16xf32>,
    tpu.vector_store %arg13[%swap3A_445, %swap3A_446], %broadcast_in_dim3A_443 {strides = array<i32>} : memref<32x128xf32, #tpu.memory_space<vmem>>, vector<16xf32>,
    %broadcast_in_dim3A_448 = arith.constant 0.000000e+00 : f32
    %broadcast_in_dim3A_449 = vector.broadcast %broadcast_in_dim3A_448 : f32 to vector<16xf32>
    %swap3A_450 = arith.constant 9 : i32
    %swap3A_451 = arith.index_cast %swap3A_450 : i32 to index
    %swap3A_452 = arith.constant 48 : index
    %swap3A_453 = tpu.vector_load %arg13[%swap3A_451, %swap3A_452] {strides = array<i32>} : memref<32x128xf32, #tpu.memory_space<vmem>>, vector<16xf32>,
    tpu.vector_store %arg13[%swap3A_451, %swap3A_452], %broadcast_in_dim3A_449 {strides = array<i32>} : memref<32x128xf32, #tpu.memory_space<vmem>>, vector<16xf32>,
    %broadcast_in_dim3A_454 = arith.constant 0.000000e+00 : f32
    %broadcast_in_dim3A_455 = vector.broadcast %broadcast_in_dim3A_454 : f32 to vector<16xf32>
    %swap3A_456 = arith.constant 9 : i32
    %swap3A_457 = arith.index_cast %swap3A_456 : i32 to index
    %swap3A_458 = arith.constant 64 : index
    %swap3A_459 = tpu.vector_load %arg13[%swap3A_457, %swap3A_458] {strides = array<i32>} : memref<32x128xf32, #tpu.memory_space<vmem>>, vector<16xf32>,
    tpu.vector_store %arg13[%swap3A_457, %swap3A_458], %broadcast_in_dim3A_455 {strides = array<i32>} : memref<32x128xf32, #tpu.memory_space<vmem>>, vector<16xf32>,
    %broadcast_in_dim3A_460 = arith.constant 0.000000e+00 : f32
    %broadcast_in_dim3A_461 = vector.broadcast %broadcast_in_dim3A_460 : f32 to vector<16xf32>
    %swap3A_462 = arith.constant 9 : i32
    %swap3A_463 = arith.index_cast %swap3A_462 : i32 to index
    %swap3A_464 = arith.constant 80 : index
    %swap3A_465 = tpu.vector_load %arg13[%swap3A_463, %swap3A_464] {strides = array<i32>} : memref<32x128xf32, #tpu.memory_space<vmem>>, vector<16xf32>,
    tpu.vector_store %arg13[%swap3A_463, %swap3A_464], %broadcast_in_dim3A_461 {strides = array<i32>} : memref<32x128xf32, #tpu.memory_space<vmem>>, vector<16xf32>,
    %broadcast_in_dim3A_466 = arith.constant 0.000000e+00 : f32
    %broadcast_in_dim3A_467 = vector.broadcast %broadcast_in_dim3A_466 : f32 to vector<16xf32>
    %swap3A_468 = arith.constant 9 : i32
    %swap3A_469 = arith.index_cast %swap3A_468 : i32 to index
    %swap3A_470 = arith.constant 96 : index
    %swap3A_471 = tpu.vector_load %arg13[%swap3A_469, %swap3A_470] {strides = array<i32>} : memref<32x128xf32, #tpu.memory_space<vmem>>, vector<16xf32>,
    tpu.vector_store %arg13[%swap3A_469, %swap3A_470], %broadcast_in_dim3A_467 {strides = array<i32>} : memref<32x128xf32, #tpu.memory_space<vmem>>, vector<16xf32>,
    %broadcast_in_dim3A_472 = arith.constant 0.000000e+00 : f32
    %broadcast_in_dim3A_473 = vector.broadcast %broadcast_in_dim3A_472 : f32 to vector<16xf32>
    %swap3A_474 = arith.constant 9 : i32
    %swap3A_475 = arith.index_cast %swap3A_474 : i32 to index
    %swap3A_476 = arith.constant 112 : index
    %swap3A_477 = tpu.vector_load %arg13[%swap3A_475, %swap3A_476] {strides = array<i32>} : memref<32x128xf32, #tpu.memory_space<vmem>>, vector<16xf32>,
    tpu.vector_store %arg13[%swap3A_475, %swap3A_476], %broadcast_in_dim3A_473 {strides = array<i32>} : memref<32x128xf32, #tpu.memory_space<vmem>>, vector<16xf32>,
    %broadcast_in_dim3A_478 = arith.constant 0.000000e+00 : f32
    %broadcast_in_dim3A_479 = vector.broadcast %broadcast_in_dim3A_478 : f32 to vector<16xf32>
    %swap3A_480 = arith.constant 10 : i32
    %swap3A_481 = arith.index_cast %swap3A_480 : i32 to index
    %swap3A_482 = arith.constant 0 : index
    %swap3A_483 = tpu.vector_load %arg13[%swap3A_481, %swap3A_482] {strides = array<i32>} : memref<32x128xf32, #tpu.memory_space<vmem>>, vector<16xf32>,
    tpu.vector_store %arg13[%swap3A_481, %swap3A_482], %broadcast_in_dim3A_479 {strides = array<i32>} : memref<32x128xf32, #tpu.memory_space<vmem>>, vector<16xf32>,
    %broadcast_in_dim3A_484 = arith.constant 0.000000e+00 : f32
    %broadcast_in_dim3A_485 = vector.broadcast %broadcast_in_dim3A_484 : f32 to vector<16xf32>
    %swap3A_486 = arith.constant 10 : i32
    %swap3A_487 = arith.index_cast %swap3A_486 : i32 to index
    %swap3A_488 = arith.constant 16 : index
    %swap3A_489 = tpu.vector_load %arg13[%swap3A_487, %swap3A_488] {strides = array<i32>} : memref<32x128xf32, #tpu.memory_space<vmem>>, vector<16xf32>,
    tpu.vector_store %arg13[%swap3A_487, %swap3A_488], %broadcast_in_dim3A_485 {strides = array<i32>} : memref<32x128xf32, #tpu.memory_space<vmem>>, vector<16xf32>,
    %broadcast_in_dim3A_490 = arith.constant 0.000000e+00 : f32
    %broadcast_in_dim3A_491 = vector.broadcast %broadcast_in_dim3A_490 : f32 to vector<16xf32>
    %swap3A_492 = arith.constant 10 : i32
    %swap3A_493 = arith.index_cast %swap3A_492 : i32 to index
    %swap3A_494 = arith.constant 32 : index
    %swap3A_495 = tpu.vector_load %arg13[%swap3A_493, %swap3A_494] {strides = array<i32>} : memref<32x128xf32, #tpu.memory_space<vmem>>, vector<16xf32>,
    tpu.vector_store %arg13[%swap3A_493, %swap3A_494], %broadcast_in_dim3A_491 {strides = array<i32>} : memref<32x128xf32, #tpu.memory_space<vmem>>, vector<16xf32>,
    %broadcast_in_dim3A_496 = arith.constant 0.000000e+00 : f32
    %broadcast_in_dim3A_497 = vector.broadcast %broadcast_in_dim3A_496 : f32 to vector<16xf32>
    %swap3A_498 = arith.constant 10 : i32
    %swap3A_499 = arith.index_cast %swap3A_498 : i32 to index
    %swap3A_500 = arith.constant 48 : index
    %swap3A_501 = tpu.vector_load %arg13[%swap3A_499, %swap3A_500] {strides = array<i32>} : memref<32x128xf32, #tpu.memory_space<vmem>>, vector<16xf32>,
    tpu.vector_store %arg13[%swap3A_499, %swap3A_500], %broadcast_in_dim3A_497 {strides = array<i32>} : memref<32x128xf32, #tpu.memory_space<vmem>>, vector<16xf32>,
    %broadcast_in_dim3A_502 = arith.constant 0.000000e+00 : f32
    %broadcast_in_dim3A_503 = vector.broadcast %broadcast_in_dim3A_502 : f32 to vector<16xf32>
    %swap3A_504 = arith.constant 10 : i32
    %swap3A_505 = arith.index_cast %swap3A_504 : i32 to index
    %swap3A_506 = arith.constant 64 : index
    %swap3A_507 = tpu.vector_load %arg13[%swap3A_505, %swap3A_506] {strides = array<i32>} : memref<32x128xf32, #tpu.memory_space<vmem>>, vector<16xf32>,
    tpu.vector_store %arg13[%swap3A_505, %swap3A_506], %broadcast_in_dim3A_503 {strides = array<i32>} : memref<32x128xf32, #tpu.memory_space<vmem>>, vector<16xf32>,
    %broadcast_in_dim3A_508 = arith.constant 0.000000e+00 : f32
    %broadcast_in_dim3A_509 = vector.broadcast %broadcast_in_dim3A_508 : f32 to vector<16xf32>
    %swap3A_510 = arith.constant 10 : i32
    %swap3A_511 = arith.index_cast %swap3A_510 : i32 to index
    %swap3A_512 = arith.constant 80 : index
    %swap3A_513 = tpu.vector_load %arg13[%swap3A_511, %swap3A_512] {strides = array<i32>} : memref<32x128xf32, #tpu.memory_space<vmem>>, vector<16xf32>,
    tpu.vector_store %arg13[%swap3A_511, %swap3A_512], %broadcast_in_dim3A_509 {strides = array<i32>} : memref<32x128xf32, #tpu.memory_space<vmem>>, vector<16xf32>,
    %broadcast_in_dim3A_514 = arith.constant 0.000000e+00 : f32
    %broadcast_in_dim3A_515 = vector.broadcast %broadcast_in_dim3A_514 : f32 to vector<16xf32>
    %swap3A_516 = arith.constant 10 : i32
    %swap3A_517 = arith.index_cast %swap3A_516 : i32 to index
    %swap3A_518 = arith.constant 96 : index
    %swap3A_519 = tpu.vector_load %arg13[%swap3A_517, %swap3A_518] {strides = array<i32>} : memref<32x128xf32, #tpu.memory_space<vmem>>, vector<16xf32>,
    tpu.vector_store %arg13[%swap3A_517, %swap3A_518], %broadcast_in_dim3A_515 {strides = array<i32>} : memref<32x128xf32, #tpu.memory_space<vmem>>, vector<16xf32>,
    %broadcast_in_dim3A_520 = arith.constant 0.000000e+00 : f32
    %broadcast_in_dim3A_521 = vector.broadcast %broadcast_in_dim3A_520 : f32 to vector<16xf32>
    %swap3A_522 = arith.constant 10 : i32
    %swap3A_523 = arith.index_cast %swap3A_522 : i32 to index
    %swap3A_524 = arith.constant 112 : index
    %swap3A_525 = tpu.vector_load %arg13[%swap3A_523, %swap3A_524] {strides = array<i32>} : memref<32x128xf32, #tpu.memory_space<vmem>>, vector<16xf32>,
    tpu.vector_store %arg13[%swap3A_523, %swap3A_524], %broadcast_in_dim3A_521 {strides = array<i32>} : memref<32x128xf32, #tpu.memory_space<vmem>>, vector<16xf32>,
    %broadcast_in_dim3A_526 = arith.constant 0.000000e+00 : f32
    %broadcast_in_dim3A_527 = vector.broadcast %broadcast_in_dim3A_526 : f32 to vector<16xf32>
    %swap3A_528 = arith.constant 11 : i32
    %swap3A_529 = arith.index_cast %swap3A_528 : i32 to index
    %swap3A_530 = arith.constant 0 : index
    %swap3A_531 = tpu.vector_load %arg13[%swap3A_529, %swap3A_530] {strides = array<i32>} : memref<32x128xf32, #tpu.memory_space<vmem>>, vector<16xf32>,
    tpu.vector_store %arg13[%swap3A_529, %swap3A_530], %broadcast_in_dim3A_527 {strides = array<i32>} : memref<32x128xf32, #tpu.memory_space<vmem>>, vector<16xf32>,
    %broadcast_in_dim3A_532 = arith.constant 0.000000e+00 : f32
    %broadcast_in_dim3A_533 = vector.broadcast %broadcast_in_dim3A_532 : f32 to vector<16xf32>
    %swap3A_534 = arith.constant 11 : i32
    %swap3A_535 = arith.index_cast %swap3A_534 : i32 to index
    %swap3A_536 = arith.constant 16 : index
    %swap3A_537 = tpu.vector_load %arg13[%swap3A_535, %swap3A_536] {strides = array<i32>} : memref<32x128xf32, #tpu.memory_space<vmem>>, vector<16xf32>,
    tpu.vector_store %arg13[%swap3A_535, %swap3A_536], %broadcast_in_dim3A_533 {strides = array<i32>} : memref<32x128xf32, #tpu.memory_space<vmem>>, vector<16xf32>,
    %broadcast_in_dim3A_538 = arith.constant 0.000000e+00 : f32
    %broadcast_in_dim3A_539 = vector.broadcast %broadcast_in_dim3A_538 : f32 to vector<16xf32>
    %swap3A_540 = arith.constant 11 : i32
    %swap3A_541 = arith.index_cast %swap3A_540 : i32 to index
    %swap3A_542 = arith.constant 32 : index
    %swap3A_543 = tpu.vector_load %arg13[%swap3A_541, %swap3A_542] {strides = array<i32>} : memref<32x128xf32, #tpu.memory_space<vmem>>, vector<16xf32>,
    tpu.vector_store %arg13[%swap3A_541, %swap3A_542], %broadcast_in_dim3A_539 {strides = array<i32>} : memref<32x128xf32, #tpu.memory_space<vmem>>, vector<16xf32>,
    %broadcast_in_dim3A_544 = arith.constant 0.000000e+00 : f32
    %broadcast_in_dim3A_545 = vector.broadcast %broadcast_in_dim3A_544 : f32 to vector<16xf32>
    %swap3A_546 = arith.constant 11 : i32
    %swap3A_547 = arith.index_cast %swap3A_546 : i32 to index
    %swap3A_548 = arith.constant 48 : index
    %swap3A_549 = tpu.vector_load %arg13[%swap3A_547, %swap3A_548] {strides = array<i32>} : memref<32x128xf32, #tpu.memory_space<vmem>>, vector<16xf32>,
    tpu.vector_store %arg13[%swap3A_547, %swap3A_548], %broadcast_in_dim3A_545 {strides = array<i32>} : memref<32x128xf32, #tpu.memory_space<vmem>>, vector<16xf32>,
    %broadcast_in_dim3A_550 = arith.constant 0.000000e+00 : f32
    %broadcast_in_dim3A_551 = vector.broadcast %broadcast_in_dim3A_550 : f32 to vector<16xf32>
    %swap3A_552 = arith.constant 11 : i32
    %swap3A_553 = arith.index_cast %swap3A_552 : i32 to index
    %swap3A_554 = arith.constant 64 : index
    %swap3A_555 = tpu.vector_load %arg13[%swap3A_553, %swap3A_554] {strides = array<i32>} : memref<32x128xf32, #tpu.memory_space<vmem>>, vector<16xf32>,
    tpu.vector_store %arg13[%swap3A_553, %swap3A_554], %broadcast_in_dim3A_551 {strides = array<i32>} : memref<32x128xf32, #tpu.memory_space<vmem>>, vector<16xf32>,
    %broadcast_in_dim3A_556 = arith.constant 0.000000e+00 : f32
    %broadcast_in_dim3A_557 = vector.broadcast %broadcast_in_dim3A_556 : f32 to vector<16xf32>
    %swap3A_558 = arith.constant 11 : i32
    %swap3A_559 = arith.index_cast %swap3A_558 : i32 to index
    %swap3A_560 = arith.constant 80 : index
    %swap3A_561 = tpu.vector_load %arg13[%swap3A_559, %swap3A_560] {strides = array<i32>} : memref<32x128xf32, #tpu.memory_space<vmem>>, vector<16xf32>,
    tpu.vector_store %arg13[%swap3A_559, %swap3A_560], %broadcast_in_dim3A_557 {strides = array<i32>} : memref<32x128xf32, #tpu.memory_space<vmem>>, vector<16xf32>,
    %broadcast_in_dim3A_562 = arith.constant 0.000000e+00 : f32
    %broadcast_in_dim3A_563 = vector.broadcast %broadcast_in_dim3A_562 : f32 to vector<16xf32>
    %swap3A_564 = arith.constant 11 : i32
    %swap3A_565 = arith.index_cast %swap3A_564 : i32 to index
    %swap3A_566 = arith.constant 96 : index
    %swap3A_567 = tpu.vector_load %arg13[%swap3A_565, %swap3A_566] {strides = array<i32>} : memref<32x128xf32, #tpu.memory_space<vmem>>, vector<16xf32>,
    tpu.vector_store %arg13[%swap3A_565, %swap3A_566], %broadcast_in_dim3A_563 {strides = array<i32>} : memref<32x128xf32, #tpu.memory_space<vmem>>, vector<16xf32>,
    %broadcast_in_dim3A_568 = arith.constant 0.000000e+00 : f32
    %broadcast_in_dim3A_569 = vector.broadcast %broadcast_in_dim3A_568 : f32 to vector<16xf32>
    %swap3A_570 = arith.constant 11 : i32
    %swap3A_571 = arith.index_cast %swap3A_570 : i32 to index
    %swap3A_572 = arith.constant 112 : index
    %swap3A_573 = tpu.vector_load %arg13[%swap3A_571, %swap3A_572] {strides = array<i32>} : memref<32x128xf32, #tpu.memory_space<vmem>>, vector<16xf32>,
    tpu.vector_store %arg13[%swap3A_571, %swap3A_572], %broadcast_in_dim3A_569 {strides = array<i32>} : memref<32x128xf32, #tpu.memory_space<vmem>>, vector<16xf32>,
    %broadcast_in_dim3A_574 = arith.constant 0.000000e+00 : f32
    %broadcast_in_dim3A_575 = vector.broadcast %broadcast_in_dim3A_574 : f32 to vector<16xf32>
    %swap3A_576 = arith.constant 12 : i32
    %swap3A_577 = arith.index_cast %swap3A_576 : i32 to index
    %swap3A_578 = arith.constant 0 : index
    %swap3A_579 = tpu.vector_load %arg13[%swap3A_577, %swap3A_578] {strides = array<i32>} : memref<32x128xf32, #tpu.memory_space<vmem>>, vector<16xf32>,
    tpu.vector_store %arg13[%swap3A_577, %swap3A_578], %broadcast_in_dim3A_575 {strides = array<i32>} : memref<32x128xf32, #tpu.memory_space<vmem>>, vector<16xf32>,
    %broadcast_in_dim3A_580 = arith.constant 0.000000e+00 : f32
    %broadcast_in_dim3A_581 = vector.broadcast %broadcast_in_dim3A_580 : f32 to vector<16xf32>
    %swap3A_582 = arith.constant 12 : i32
    %swap3A_583 = arith.index_cast %swap3A_582 : i32 to index
    %swap3A_584 = arith.constant 16 : index
    %swap3A_585 = tpu.vector_load %arg13[%swap3A_583, %swap3A_584] {strides = array<i32>} : memref<32x128xf32, #tpu.memory_space<vmem>>, vector<16xf32>,
    tpu.vector_store %arg13[%swap3A_583, %swap3A_584], %broadcast_in_dim3A_581 {strides = array<i32>} : memref<32x128xf32, #tpu.memory_space<vmem>>, vector<16xf32>,
    %broadcast_in_dim3A_586 = arith.constant 0.000000e+00 : f32
    %broadcast_in_dim3A_587 = vector.broadcast %broadcast_in_dim3A_586 : f32 to vector<16xf32>
    %swap3A_588 = arith.constant 12 : i32
    %swap3A_589 = arith.index_cast %swap3A_588 : i32 to index
    %swap3A_590 = arith.constant 32 : index
    %swap3A_591 = tpu.vector_load %arg13[%swap3A_589, %swap3A_590] {strides = array<i32>} : memref<32x128xf32, #tpu.memory_space<vmem>>, vector<16xf32>,
    tpu.vector_store %arg13[%swap3A_589, %swap3A_590], %broadcast_in_dim3A_587 {strides = array<i32>} : memref<32x128xf32, #tpu.memory_space<vmem>>, vector<16xf32>,
    %broadcast_in_dim3A_592 = arith.constant 0.000000e+00 : f32
    %broadcast_in_dim3A_593 = vector.broadcast %broadcast_in_dim3A_592 : f32 to vector<16xf32>
    %swap3A_594 = arith.constant 12 : i32
    %swap3A_595 = arith.index_cast %swap3A_594 : i32 to index
    %swap3A_596 = arith.constant 48 : index
    %swap3A_597 = tpu.vector_load %arg13[%swap3A_595, %swap3A_596] {strides = array<i32>} : memref<32x128xf32, #tpu.memory_space<vmem>>, vector<16xf32>,
    tpu.vector_store %arg13[%swap3A_595, %swap3A_596], %broadcast_in_dim3A_593 {strides = array<i32>} : memref<32x128xf32, #tpu.memory_space<vmem>>, vector<16xf32>,
    %broadcast_in_dim3A_598 = arith.constant 0.000000e+00 : f32
    %broadcast_in_dim3A_599 = vector.broadcast %broadcast_in_dim3A_598 : f32 to vector<16xf32>
    %swap3A_600 = arith.constant 12 : i32
    %swap3A_601 = arith.index_cast %swap3A_600 : i32 to index
    %swap3A_602 = arith.constant 64 : index
    %swap3A_603 = tpu.vector_load %arg13[%swap3A_601, %swap3A_602] {strides = array<i32>} : memref<32x128xf32, #tpu.memory_space<vmem>>, vector<16xf32>,
    tpu.vector_store %arg13[%swap3A_601, %swap3A_602], %broadcast_in_dim3A_599 {strides = array<i32>} : memref<32x128xf32, #tpu.memory_space<vmem>>, vector<16xf32>,
    %broadcast_in_dim3A_604 = arith.constant 0.000000e+00 : f32
    %broadcast_in_dim3A_605 = vector.broadcast %broadcast_in_dim3A_604 : f32 to vector<16xf32>
    %swap3A_606 = arith.constant 12 : i32
    %swap3A_607 = arith.index_cast %swap3A_606 : i32 to index
    %swap3A_608 = arith.constant 80 : index
    %swap3A_609 = tpu.vector_load %arg13[%swap3A_607, %swap3A_608] {strides = array<i32>} : memref<32x128xf32, #tpu.memory_space<vmem>>, vector<16xf32>,
    tpu.vector_store %arg13[%swap3A_607, %swap3A_608], %broadcast_in_dim3A_605 {strides = array<i32>} : memref<32x128xf32, #tpu.memory_space<vmem>>, vector<16xf32>,
    %broadcast_in_dim3A_610 = arith.constant 0.000000e+00 : f32
    %broadcast_in_dim3A_611 = vector.broadcast %broadcast_in_dim3A_610 : f32 to vector<16xf32>
    %swap3A_612 = arith.constant 12 : i32
    %swap3A_613 = arith.index_cast %swap3A_612 : i32 to index
    %swap3A_614 = arith.constant 96 : index
    %swap3A_615 = tpu.vector_load %arg13[%swap3A_613, %swap3A_614] {strides = array<i32>} : memref<32x128xf32, #tpu.memory_space<vmem>>, vector<16xf32>,
    tpu.vector_store %arg13[%swap3A_613, %swap3A_614], %broadcast_in_dim3A_611 {strides = array<i32>} : memref<32x128xf32, #tpu.memory_space<vmem>>, vector<16xf32>,
    %broadcast_in_dim3A_616 = arith.constant 0.000000e+00 : f32
    %broadcast_in_dim3A_617 = vector.broadcast %broadcast_in_dim3A_616 : f32 to vector<16xf32>
    %swap3A_618 = arith.constant 12 : i32
    %swap3A_619 = arith.index_cast %swap3A_618 : i32 to index
    %swap3A_620 = arith.constant 112 : index
    %swap3A_621 = tpu.vector_load %arg13[%swap3A_619, %swap3A_620] {strides = array<i32>} : memref<32x128xf32, #tpu.memory_space<vmem>>, vector<16xf32>,
    tpu.vector_store %arg13[%swap3A_619, %swap3A_620], %broadcast_in_dim3A_617 {strides = array<i32>} : memref<32x128xf32, #tpu.memory_space<vmem>>, vector<16xf32>,
    %broadcast_in_dim3A_622 = arith.constant 0.000000e+00 : f32
    %broadcast_in_dim3A_623 = vector.broadcast %broadcast_in_dim3A_622 : f32 to vector<16xf32>
    %swap3A_624 = arith.constant 13 : i32
    %swap3A_625 = arith.index_cast %swap3A_624 : i32 to index
    %swap3A_626 = arith.constant 0 : index
    %swap3A_627 = tpu.vector_load %arg13[%swap3A_625, %swap3A_626] {strides = array<i32>} : memref<32x128xf32, #tpu.memory_space<vmem>>, vector<16xf32>,
    tpu.vector_store %arg13[%swap3A_625, %swap3A_626], %broadcast_in_dim3A_623 {strides = array<i32>} : memref<32x128xf32, #tpu.memory_space<vmem>>, vector<16xf32>,
    %broadcast_in_dim3A_628 = arith.constant 0.000000e+00 : f32
    %broadcast_in_dim3A_629 = vector.broadcast %broadcast_in_dim3A_628 : f32 to vector<16xf32>
    %swap3A_630 = arith.constant 13 : i32
    %swap3A_631 = arith.index_cast %swap3A_630 : i32 to index
    %swap3A_632 = arith.constant 16 : index
    %swap3A_633 = tpu.vector_load %arg13[%swap3A_631, %swap3A_632] {strides = array<i32>} : memref<32x128xf32, #tpu.memory_space<vmem>>, vector<16xf32>,
    tpu.vector_store %arg13[%swap3A_631, %swap3A_632], %broadcast_in_dim3A_629 {strides = array<i32>} : memref<32x128xf32, #tpu.memory_space<vmem>>, vector<16xf32>,
    %broadcast_in_dim3A_634 = arith.constant 0.000000e+00 : f32
    %broadcast_in_dim3A_635 = vector.broadcast %broadcast_in_dim3A_634 : f32 to vector<16xf32>
    %swap3A_636 = arith.constant 13 : i32
    %swap3A_637 = arith.index_cast %swap3A_636 : i32 to index
    %swap3A_638 = arith.constant 32 : index
    %swap3A_639 = tpu.vector_load %arg13[%swap3A_637, %swap3A_638] {strides = array<i32>} : memref<32x128xf32, #tpu.memory_space<vmem>>, vector<16xf32>,
    tpu.vector_store %arg13[%swap3A_637, %swap3A_638], %broadcast_in_dim3A_635 {strides = array<i32>} : memref<32x128xf32, #tpu.memory_space<vmem>>, vector<16xf32>,
    %broadcast_in_dim3A_640 = arith.constant 0.000000e+00 : f32
    %broadcast_in_dim3A_641 = vector.broadcast %broadcast_in_dim3A_640 : f32 to vector<16xf32>
    %swap3A_642 = arith.constant 13 : i32
    %swap3A_643 = arith.index_cast %swap3A_642 : i32 to index
    %swap3A_644 = arith.constant 48 : index
    %swap3A_645 = tpu.vector_load %arg13[%swap3A_643, %swap3A_644] {strides = array<i32>} : memref<32x128xf32, #tpu.memory_space<vmem>>, vector<16xf32>,
    tpu.vector_store %arg13[%swap3A_643, %swap3A_644], %broadcast_in_dim3A_641 {strides = array<i32>} : memref<32x128xf32, #tpu.memory_space<vmem>>, vector<16xf32>,
    %broadcast_in_dim3A_646 = arith.constant 0.000000e+00 : f32
    %broadcast_in_dim3A_647 = vector.broadcast %broadcast_in_dim3A_646 : f32 to vector<16xf32>
    %swap3A_648 = arith.constant 13 : i32
    %swap3A_649 = arith.index_cast %swap3A_648 : i32 to index
    %swap3A_650 = arith.constant 64 : index
    %swap3A_651 = tpu.vector_load %arg13[%swap3A_649, %swap3A_650] {strides = array<i32>} : memref<32x128xf32, #tpu.memory_space<vmem>>, vector<16xf32>,
    tpu.vector_store %arg13[%swap3A_649, %swap3A_650], %broadcast_in_dim3A_647 {strides = array<i32>} : memref<32x128xf32, #tpu.memory_space<vmem>>, vector<16xf32>,
    %broadcast_in_dim3A_652 = arith.constant 0.000000e+00 : f32
    %broadcast_in_dim3A_653 = vector.broadcast %broadcast_in_dim3A_652 : f32 to vector<16xf32>
    %swap3A_654 = arith.constant 13 : i32
    %swap3A_655 = arith.index_cast %swap3A_654 : i32 to index
    %swap3A_656 = arith.constant 80 : index
    %swap3A_657 = tpu.vector_load %arg13[%swap3A_655, %swap3A_656] {strides = array<i32>} : memref<32x128xf32, #tpu.memory_space<vmem>>, vector<16xf32>,
    tpu.vector_store %arg13[%swap3A_655, %swap3A_656], %broadcast_in_dim3A_653 {strides = array<i32>} : memref<32x128xf32, #tpu.memory_space<vmem>>, vector<16xf32>,
    %broadcast_in_dim3A_658 = arith.constant 0.000000e+00 : f32
    %broadcast_in_dim3A_659 = vector.broadcast %broadcast_in_dim3A_658 : f32 to vector<16xf32>
    %swap3A_660 = arith.constant 13 : i32
    %swap3A_661 = arith.index_cast %swap3A_660 : i32 to index
    %swap3A_662 = arith.constant 96 : index
    %swap3A_663 = tpu.vector_load %arg13[%swap3A_661, %swap3A_662] {strides = array<i32>} : memref<32x128xf32, #tpu.memory_space<vmem>>, vector<16xf32>,
    tpu.vector_store %arg13[%swap3A_661, %swap3A_662], %broadcast_in_dim3A_659 {strides = array<i32>} : memref<32x128xf32, #tpu.memory_space<vmem>>, vector<16xf32>,
    %broadcast_in_dim3A_664 = arith.constant 0.000000e+00 : f32
    %broadcast_in_dim3A_665 = vector.broadcast %broadcast_in_dim3A_664 : f32 to vector<16xf32>
    %swap3A_666 = arith.constant 13 : i32
    %swap3A_667 = arith.index_cast %swap3A_666 : i32 to index
    %swap3A_668 = arith.constant 112 : index
    %swap3A_669 = tpu.vector_load %arg13[%swap3A_667, %swap3A_668] {strides = array<i32>} : memref<32x128xf32, #tpu.memory_space<vmem>>, vector<16xf32>,
    tpu.vector_store %arg13[%swap3A_667, %swap3A_668], %broadcast_in_dim3A_665 {strides = array<i32>} : memref<32x128xf32, #tpu.memory_space<vmem>>, vector<16xf32>,
    %broadcast_in_dim3A_670 = arith.constant 0.000000e+00 : f32
    %broadcast_in_dim3A_671 = vector.broadcast %broadcast_in_dim3A_670 : f32 to vector<16xf32>
    %swap3A_672 = arith.constant 14 : i32
    %swap3A_673 = arith.index_cast %swap3A_672 : i32 to index
    %swap3A_674 = arith.constant 0 : index
    %swap3A_675 = tpu.vector_load %arg13[%swap3A_673, %swap3A_674] {strides = array<i32>} : memref<32x128xf32, #tpu.memory_space<vmem>>, vector<16xf32>,
    tpu.vector_store %arg13[%swap3A_673, %swap3A_674], %broadcast_in_dim3A_671 {strides = array<i32>} : memref<32x128xf32, #tpu.memory_space<vmem>>, vector<16xf32>,
    %broadcast_in_dim3A_676 = arith.constant 0.000000e+00 : f32
    %broadcast_in_dim3A_677 = vector.broadcast %broadcast_in_dim3A_676 : f32 to vector<16xf32>
    %swap3A_678 = arith.constant 14 : i32
    %swap3A_679 = arith.index_cast %swap3A_678 : i32 to index
    %swap3A_680 = arith.constant 16 : index
    %swap3A_681 = tpu.vector_load %arg13[%swap3A_679, %swap3A_680] {strides = array<i32>} : memref<32x128xf32, #tpu.memory_space<vmem>>, vector<16xf32>,
    tpu.vector_store %arg13[%swap3A_679, %swap3A_680], %broadcast_in_dim3A_677 {strides = array<i32>} : memref<32x128xf32, #tpu.memory_space<vmem>>, vector<16xf32>,
    %broadcast_in_dim3A_682 = arith.constant 0.000000e+00 : f32
    %broadcast_in_dim3A_683 = vector.broadcast %broadcast_in_dim3A_682 : f32 to vector<16xf32>
    %swap3A_684 = arith.constant 14 : i32
    %swap3A_685 = arith.index_cast %swap3A_684 : i32 to index
    %swap3A_686 = arith.constant 32 : index
    %swap3A_687 = tpu.vector_load %arg13[%swap3A_685, %swap3A_686] {strides = array<i32>} : memref<32x128xf32, #tpu.memory_space<vmem>>, vector<16xf32>,
    tpu.vector_store %arg13[%swap3A_685, %swap3A_686], %broadcast_in_dim3A_683 {strides = array<i32>} : memref<32x128xf32, #tpu.memory_space<vmem>>, vector<16xf32>,
    %broadcast_in_dim3A_688 = arith.constant 0.000000e+00 : f32
    %broadcast_in_dim3A_689 = vector.broadcast %broadcast_in_dim3A_688 : f32 to vector<16xf32>
    %swap3A_690 = arith.constant 14 : i32
    %swap3A_691 = arith.index_cast %swap3A_690 : i32 to index
    %swap3A_692 = arith.constant 48 : index
    %swap3A_693 = tpu.vector_load %arg13[%swap3A_691, %swap3A_692] {strides = array<i32>} : memref<32x128xf32, #tpu.memory_space<vmem>>, vector<16xf32>,
    tpu.vector_store %arg13[%swap3A_691, %swap3A_692], %broadcast_in_dim3A_689 {strides = array<i32>} : memref<32x128xf32, #tpu.memory_space<vmem>>, vector<16xf32>,
    %broadcast_in_dim3A_694 = arith.constant 0.000000e+00 : f32
    %broadcast_in_dim3A_695 = vector.broadcast %broadcast_in_dim3A_694 : f32 to vector<16xf32>
    %swap3A_696 = arith.constant 14 : i32
    %swap3A_697 = arith.index_cast %swap3A_696 : i32 to index
    %swap3A_698 = arith.constant 64 : index
    %swap3A_699 = tpu.vector_load %arg13[%swap3A_697, %swap3A_698] {strides = array<i32>} : memref<32x128xf32, #tpu.memory_space<vmem>>, vector<16xf32>,
    tpu.vector_store %arg13[%swap3A_697, %swap3A_698], %broadcast_in_dim3A_695 {strides = array<i32>} : memref<32x128xf32, #tpu.memory_space<vmem>>, vector<16xf32>,
    %broadcast_in_dim3A_700 = arith.constant 0.000000e+00 : f32
    %broadcast_in_dim3A_701 = vector.broadcast %broadcast_in_dim3A_700 : f32 to vector<16xf32>
    %swap3A_702 = arith.constant 14 : i32
    %swap3A_703 = arith.index_cast %swap3A_702 : i32 to index
    %swap3A_704 = arith.constant 80 : index
    %swap3A_705 = tpu.vector_load %arg13[%swap3A_703, %swap3A_704] {strides = array<i32>} : memref<32x128xf32, #tpu.memory_space<vmem>>, vector<16xf32>,
    tpu.vector_store %arg13[%swap3A_703, %swap3A_704], %broadcast_in_dim3A_701 {strides = array<i32>} : memref<32x128xf32, #tpu.memory_space<vmem>>, vector<16xf32>,
    %broadcast_in_dim3A_706 = arith.constant 0.000000e+00 : f32
    %broadcast_in_dim3A_707 = vector.broadcast %broadcast_in_dim3A_706 : f32 to vector<16xf32>
    %swap3A_708 = arith.constant 14 : i32
    %swap3A_709 = arith.index_cast %swap3A_708 : i32 to index
    %swap3A_710 = arith.constant 96 : index
    %swap3A_711 = tpu.vector_load %arg13[%swap3A_709, %swap3A_710] {strides = array<i32>} : memref<32x128xf32, #tpu.memory_space<vmem>>, vector<16xf32>,
    tpu.vector_store %arg13[%swap3A_709, %swap3A_710], %broadcast_in_dim3A_707 {strides = array<i32>} : memref<32x128xf32, #tpu.memory_space<vmem>>, vector<16xf32>,
    %broadcast_in_dim3A_712 = arith.constant 0.000000e+00 : f32
    %broadcast_in_dim3A_713 = vector.broadcast %broadcast_in_dim3A_712 : f32 to vector<16xf32>
    %swap3A_714 = arith.constant 14 : i32
    %swap3A_715 = arith.index_cast %swap3A_714 : i32 to index
    %swap3A_716 = arith.constant 112 : index
    %swap3A_717 = tpu.vector_load %arg13[%swap3A_715, %swap3A_716] {strides = array<i32>} : memref<32x128xf32, #tpu.memory_space<vmem>>, vector<16xf32>,
    tpu.vector_store %arg13[%swap3A_715, %swap3A_716], %broadcast_in_dim3A_713 {strides = array<i32>} : memref<32x128xf32, #tpu.memory_space<vmem>>, vector<16xf32>,
    %broadcast_in_dim3A_718 = arith.constant 0.000000e+00 : f32
    %broadcast_in_dim3A_719 = vector.broadcast %broadcast_in_dim3A_718 : f32 to vector<16xf32>
    %swap3A_720 = arith.constant 15 : i32
    %swap3A_721 = arith.index_cast %swap3A_720 : i32 to index
    %swap3A_722 = arith.constant 0 : index
    %swap3A_723 = tpu.vector_load %arg13[%swap3A_721, %swap3A_722] {strides = array<i32>} : memref<32x128xf32, #tpu.memory_space<vmem>>, vector<16xf32>,
    tpu.vector_store %arg13[%swap3A_721, %swap3A_722], %broadcast_in_dim3A_719 {strides = array<i32>} : memref<32x128xf32, #tpu.memory_space<vmem>>, vector<16xf32>,
    %broadcast_in_dim3A_724 = arith.constant 0.000000e+00 : f32
    %broadcast_in_dim3A_725 = vector.broadcast %broadcast_in_dim3A_724 : f32 to vector<16xf32>
    %swap3A_726 = arith.constant 15 : i32
    %swap3A_727 = arith.index_cast %swap3A_726 : i32 to index
    %swap3A_728 = arith.constant 16 : index
    %swap3A_729 = tpu.vector_load %arg13[%swap3A_727, %swap3A_728] {strides = array<i32>} : memref<32x128xf32, #tpu.memory_space<vmem>>, vector<16xf32>,
    tpu.vector_store %arg13[%swap3A_727, %swap3A_728], %broadcast_in_dim3A_725 {strides = array<i32>} : memref<32x128xf32, #tpu.memory_space<vmem>>, vector<16xf32>,
    %broadcast_in_dim3A_730 = arith.constant 0.000000e+00 : f32
    %broadcast_in_dim3A_731 = vector.broadcast %broadcast_in_dim3A_730 : f32 to vector<16xf32>
    %swap3A_732 = arith.constant 15 : i32
    %swap3A_733 = arith.index_cast %swap3A_732 : i32 to index
    %swap3A_734 = arith.constant 32 : index
    %swap3A_735 = tpu.vector_load %arg13[%swap3A_733, %swap3A_734] {strides = array<i32>} : memref<32x128xf32, #tpu.memory_space<vmem>>, vector<16xf32>,
    tpu.vector_store %arg13[%swap3A_733, %swap3A_734], %broadcast_in_dim3A_731 {strides = array<i32>} : memref<32x128xf32, #tpu.memory_space<vmem>>, vector<16xf32>,
    %broadcast_in_dim3A_736 = arith.constant 0.000000e+00 : f32
    %broadcast_in_dim3A_737 = vector.broadcast %broadcast_in_dim3A_736 : f32 to vector<16xf32>
    %swap3A_738 = arith.constant 15 : i32
    %swap3A_739 = arith.index_cast %swap3A_738 : i32 to index
    %swap3A_740 = arith.constant 48 : index
    %swap3A_741 = tpu.vector_load %arg13[%swap3A_739, %swap3A_740] {strides = array<i32>} : memref<32x128xf32, #tpu.memory_space<vmem>>, vector<16xf32>,
    tpu.vector_store %arg13[%swap3A_739, %swap3A_740], %broadcast_in_dim3A_737 {strides = array<i32>} : memref<32x128xf32, #tpu.memory_space<vmem>>, vector<16xf32>,
    %broadcast_in_dim3A_742 = arith.constant 0.000000e+00 : f32
    %broadcast_in_dim3A_743 = vector.broadcast %broadcast_in_dim3A_742 : f32 to vector<16xf32>
    %swap3A_744 = arith.constant 15 : i32
    %swap3A_745 = arith.index_cast %swap3A_744 : i32 to index
    %swap3A_746 = arith.constant 64 : index
    %swap3A_747 = tpu.vector_load %arg13[%swap3A_745, %swap3A_746] {strides = array<i32>} : memref<32x128xf32, #tpu.memory_space<vmem>>, vector<16xf32>,
    tpu.vector_store %arg13[%swap3A_745, %swap3A_746], %broadcast_in_dim3A_743 {strides = array<i32>} : memref<32x128xf32, #tpu.memory_space<vmem>>, vector<16xf32>,
    %broadcast_in_dim3A_748 = arith.constant 0.000000e+00 : f32
    %broadcast_in_dim3A_749 = vector.broadcast %broadcast_in_dim3A_748 : f32 to vector<16xf32>
    %swap3A_750 = arith.constant 15 : i32
    %swap3A_751 = arith.index_cast %swap3A_750 : i32 to index
    %swap3A_752 = arith.constant 80 : index
    %swap3A_753 = tpu.vector_load %arg13[%swap3A_751, %swap3A_752] {strides = array<i32>} : memref<32x128xf32, #tpu.memory_space<vmem>>, vector<16xf32>,
    tpu.vector_store %arg13[%swap3A_751, %swap3A_752], %broadcast_in_dim3A_749 {strides = array<i32>} : memref<32x128xf32, #tpu.memory_space<vmem>>, vector<16xf32>,
    %broadcast_in_dim3A_754 = arith.constant 0.000000e+00 : f32
    %broadcast_in_dim3A_755 = vector.broadcast %broadcast_in_dim3A_754 : f32 to vector<16xf32>
    %swap3A_756 = arith.constant 15 : i32
    %swap3A_757 = arith.index_cast %swap3A_756 : i32 to index
    %swap3A_758 = arith.constant 96 : index
    %swap3A_759 = tpu.vector_load %arg13[%swap3A_757, %swap3A_758] {strides = array<i32>} : memref<32x128xf32, #tpu.memory_space<vmem>>, vector<16xf32>,
    tpu.vector_store %arg13[%swap3A_757, %swap3A_758], %broadcast_in_dim3A_755 {strides = array<i32>} : memref<32x128xf32, #tpu.memory_space<vmem>>, vector<16xf32>,
    %broadcast_in_dim3A_760 = arith.constant 0.000000e+00 : f32
    %broadcast_in_dim3A_761 = vector.broadcast %broadcast_in_dim3A_760 : f32 to vector<16xf32>
    %swap3A_762 = arith.constant 15 : i32
    %swap3A_763 = arith.index_cast %swap3A_762 : i32 to index
    %swap3A_764 = arith.constant 112 : index
    %swap3A_765 = tpu.vector_load %arg13[%swap3A_763, %swap3A_764] {strides = array<i32>} : memref<32x128xf32, #tpu.memory_space<vmem>>, vector<16xf32>,
    tpu.vector_store %arg13[%swap3A_763, %swap3A_764], %broadcast_in_dim3A_761 {strides = array<i32>} : memref<32x128xf32, #tpu.memory_space<vmem>>, vector<16xf32>,
    %broadcast_in_dim3A_766 = arith.constant 0.000000e+00 : f32
    %broadcast_in_dim3A_767 = vector.broadcast %broadcast_in_dim3A_766 : f32 to vector<16xf32>
    %swap3A_768 = arith.constant 16 : i32
    %swap3A_769 = arith.index_cast %swap3A_768 : i32 to index
    %swap3A_770 = arith.constant 0 : index
    %swap3A_771 = tpu.vector_load %arg13[%swap3A_769, %swap3A_770] {strides = array<i32>} : memref<32x128xf32, #tpu.memory_space<vmem>>, vector<16xf32>,
    tpu.vector_store %arg13[%swap3A_769, %swap3A_770], %broadcast_in_dim3A_767 {strides = array<i32>} : memref<32x128xf32, #tpu.memory_space<vmem>>, vector<16xf32>,
    %broadcast_in_dim3A_772 = arith.constant 0.000000e+00 : f32
    %broadcast_in_dim3A_773 = vector.broadcast %broadcast_in_dim3A_772 : f32 to vector<16xf32>
    %swap3A_774 = arith.constant 16 : i32
    %swap3A_775 = arith.index_cast %swap3A_774 : i32 to index
    %swap3A_776 = arith.constant 16 : index
    %swap3A_777 = tpu.vector_load %arg13[%swap3A_775, %swap3A_776] {strides = array<i32>} : memref<32x128xf32, #tpu.memory_space<vmem>>, vector<16xf32>,
    tpu.vector_store %arg13[%swap3A_775, %swap3A_776], %broadcast_in_dim3A_773 {strides = array<i32>} : memref<32x128xf32, #tpu.memory_space<vmem>>, vector<16xf32>,
    %broadcast_in_dim3A_778 = arith.constant 0.000000e+00 : f32
    %broadcast_in_dim3A_779 = vector.broadcast %broadcast_in_dim3A_778 : f32 to vector<16xf32>
    %swap3A_780 = arith.constant 16 : i32
    %swap3A_781 = arith.index_cast %swap3A_780 : i32 to index
    %swap3A_782 = arith.constant 32 : index
    %swap3A_783 = tpu.vector_load %arg13[%swap3A_781, %swap3A_782] {strides = array<i32>} : memref<32x128xf32, #tpu.memory_space<vmem>>, vector<16xf32>,
    tpu.vector_store %arg13[%swap3A_781, %swap3A_782], %broadcast_in_dim3A_779 {strides = array<i32>} : memref<32x128xf32, #tpu.memory_space<vmem>>, vector<16xf32>,
    %broadcast_in_dim3A_784 = arith.constant 0.000000e+00 : f32
    %broadcast_in_dim3A_785 = vector.broadcast %broadcast_in_dim3A_784 : f32 to vector<16xf32>
    %swap3A_786 = arith.constant 16 : i32
    %swap3A_787 = arith.index_cast %swap3A_786 : i32 to index
    %swap3A_788 = arith.constant 48 : index
    %swap3A_789 = tpu.vector_load %arg13[%swap3A_787, %swap3A_788] {strides = array<i32>} : memref<32x128xf32, #tpu.memory_space<vmem>>, vector<16xf32>,
    tpu.vector_store %arg13[%swap3A_787, %swap3A_788], %broadcast_in_dim3A_785 {strides = array<i32>} : memref<32x128xf32, #tpu.memory_space<vmem>>, vector<16xf32>,
    %broadcast_in_dim3A_790 = arith.constant 0.000000e+00 : f32
    %broadcast_in_dim3A_791 = vector.broadcast %broadcast_in_dim3A_790 : f32 to vector<16xf32>
    %swap3A_792 = arith.constant 16 : i32
    %swap3A_793 = arith.index_cast %swap3A_792 : i32 to index
    %swap3A_794 = arith.constant 64 : index
    %swap3A_795 = tpu.vector_load %arg13[%swap3A_793, %swap3A_794] {strides = array<i32>} : memref<32x128xf32, #tpu.memory_space<vmem>>, vector<16xf32>,
    tpu.vector_store %arg13[%swap3A_793, %swap3A_794], %broadcast_in_dim3A_791 {strides = array<i32>} : memref<32x128xf32, #tpu.memory_space<vmem>>, vector<16xf32>,
    %broadcast_in_dim3A_796 = arith.constant 0.000000e+00 : f32
    %broadcast_in_dim3A_797 = vector.broadcast %broadcast_in_dim3A_796 : f32 to vector<16xf32>
    %swap3A_798 = arith.constant 16 : i32
    %swap3A_799 = arith.index_cast %swap3A_798 : i32 to index
    %swap3A_800 = arith.constant 80 : index
    %swap3A_801 = tpu.vector_load %arg13[%swap3A_799, %swap3A_800] {strides = array<i32>} : memref<32x128xf32, #tpu.memory_space<vmem>>, vector<16xf32>,
    tpu.vector_store %arg13[%swap3A_799, %swap3A_800], %broadcast_in_dim3A_797 {strides = array<i32>} : memref<32x128xf32, #tpu.memory_space<vmem>>, vector<16xf32>,
    %broadcast_in_dim3A_802 = arith.constant 0.000000e+00 : f32
    %broadcast_in_dim3A_803 = vector.broadcast %broadcast_in_dim3A_802 : f32 to vector<16xf32>
    %swap3A_804 = arith.constant 16 : i32
    %swap3A_805 = arith.index_cast %swap3A_804 : i32 to index
    %swap3A_806 = arith.constant 96 : index
    %swap3A_807 = tpu.vector_load %arg13[%swap3A_805, %swap3A_806] {strides = array<i32>} : memref<32x128xf32, #tpu.memory_space<vmem>>, vector<16xf32>,
    tpu.vector_store %arg13[%swap3A_805, %swap3A_806], %broadcast_in_dim3A_803 {strides = array<i32>} : memref<32x128xf32, #tpu.memory_space<vmem>>, vector<16xf32>,
    %broadcast_in_dim3A_808 = arith.constant 0.000000e+00 : f32
    %broadcast_in_dim3A_809 = vector.broadcast %broadcast_in_dim3A_808 : f32 to vector<16xf32>
    %swap3A_810 = arith.constant 16 : i32
    %swap3A_811 = arith.index_cast %swap3A_810 : i32 to index
    %swap3A_812 = arith.constant 112 : index
    %swap3A_813 = tpu.vector_load %arg13[%swap3A_811, %swap3A_812] {strides = array<i32>} : memref<32x128xf32, #tpu.memory_space<vmem>>, vector<16xf32>,
    tpu.vector_store %arg13[%swap3A_811, %swap3A_812], %broadcast_in_dim3A_809 {strides = array<i32>} : memref<32x128xf32, #tpu.memory_space<vmem>>, vector<16xf32>,
    %broadcast_in_dim3A_814 = arith.constant 0.000000e+00 : f32
    %broadcast_in_dim3A_815 = vector.broadcast %broadcast_in_dim3A_814 : f32 to vector<16xf32>
    %swap3A_816 = arith.constant 17 : i32
    %swap3A_817 = arith.index_cast %swap3A_816 : i32 to index
    %swap3A_818 = arith.constant 0 : index
    %swap3A_819 = tpu.vector_load %arg13[%swap3A_817, %swap3A_818] {strides = array<i32>} : memref<32x128xf32, #tpu.memory_space<vmem>>, vector<16xf32>,
    tpu.vector_store %arg13[%swap3A_817, %swap3A_818], %broadcast_in_dim3A_815 {strides = array<i32>} : memref<32x128xf32, #tpu.memory_space<vmem>>, vector<16xf32>,
    %broadcast_in_dim3A_820 = arith.constant 0.000000e+00 : f32
    %broadcast_in_dim3A_821 = vector.broadcast %broadcast_in_dim3A_820 : f32 to vector<16xf32>
    %swap3A_822 = arith.constant 17 : i32
    %swap3A_823 = arith.index_cast %swap3A_822 : i32 to index
    %swap3A_824 = arith.constant 16 : index
    %swap3A_825 = tpu.vector_load %arg13[%swap3A_823, %swap3A_824] {strides = array<i32>} : memref<32x128xf32, #tpu.memory_space<vmem>>, vector<16xf32>,
    tpu.vector_store %arg13[%swap3A_823, %swap3A_824], %broadcast_in_dim3A_821 {strides = array<i32>} : memref<32x128xf32, #tpu.memory_space<vmem>>, vector<16xf32>,
    %broadcast_in_dim3A_826 = arith.constant 0.000000e+00 : f32
    %broadcast_in_dim3A_827 = vector.broadcast %broadcast_in_dim3A_826 : f32 to vector<16xf32>
    %swap3A_828 = arith.constant 17 : i32
    %swap3A_829 = arith.index_cast %swap3A_828 : i32 to index
    %swap3A_830 = arith.constant 32 : index
    %swap3A_831 = tpu.vector_load %arg13[%swap3A_829, %swap3A_830] {strides = array<i32>} : memref<32x128xf32, #tpu.memory_space<vmem>>, vector<16xf32>,
    tpu.vector_store %arg13[%swap3A_829, %swap3A_830], %broadcast_in_dim3A_827 {strides = array<i32>} : memref<32x128xf32, #tpu.memory_space<vmem>>, vector<16xf32>,
    %broadcast_in_dim3A_832 = arith.constant 0.000000e+00 : f32
    %broadcast_in_dim3A_833 = vector.broadcast %broadcast_in_dim3A_832 : f32 to vector<16xf32>
    %swap3A_834 = arith.constant 17 : i32
    %swap3A_835 = arith.index_cast %swap3A_834 : i32 to index
    %swap3A_836 = arith.constant 48 : index
    %swap3A_837 = tpu.vector_load %arg13[%swap3A_835, %swap3A_836] {strides = array<i32>} : memref<32x128xf32, #tpu.memory_space<vmem>>, vector<16xf32>,
    tpu.vector_store %arg13[%swap3A_835, %swap3A_836], %broadcast_in_dim3A_833 {strides = array<i32>} : memref<32x128xf32, #tpu.memory_space<vmem>>, vector<16xf32>,
    %broadcast_in_dim3A_838 = arith.constant 0.000000e+00 : f32
    %broadcast_in_dim3A_839 = vector.broadcast %broadcast_in_dim3A_838 : f32 to vector<16xf32>
    %swap3A_840 = arith.constant 17 : i32
    %swap3A_841 = arith.index_cast %swap3A_840 : i32 to index
    %swap3A_842 = arith.constant 64 : index
    %swap3A_843 = tpu.vector_load %arg13[%swap3A_841, %swap3A_842] {strides = array<i32>} : memref<32x128xf32, #tpu.memory_space<vmem>>, vector<16xf32>,
    tpu.vector_store %arg13[%swap3A_841, %swap3A_842], %broadcast_in_dim3A_839 {strides = array<i32>} : memref<32x128xf32, #tpu.memory_space<vmem>>, vector<16xf32>,
    %broadcast_in_dim3A_844 = arith.constant 0.000000e+00 : f32
    %broadcast_in_dim3A_845 = vector.broadcast %broadcast_in_dim3A_844 : f32 to vector<16xf32>
    %swap3A_846 = arith.constant 17 : i32
    %swap3A_847 = arith.index_cast %swap3A_846 : i32 to index
    %swap3A_848 = arith.constant 80 : index
    %swap3A_849 = tpu.vector_load %arg13[%swap3A_847, %swap3A_848] {strides = array<i32>} : memref<32x128xf32, #tpu.memory_space<vmem>>, vector<16xf32>,
    tpu.vector_store %arg13[%swap3A_847, %swap3A_848], %broadcast_in_dim3A_845 {strides = array<i32>} : memref<32x128xf32, #tpu.memory_space<vmem>>, vector<16xf32>,
    %broadcast_in_dim3A_850 = arith.constant 0.000000e+00 : f32
    %broadcast_in_dim3A_851 = vector.broadcast %broadcast_in_dim3A_850 : f32 to vector<16xf32>
    %swap3A_852 = arith.constant 17 : i32
    %swap3A_853 = arith.index_cast %swap3A_852 : i32 to index
    %swap3A_854 = arith.constant 96 : index
    %swap3A_855 = tpu.vector_load %arg13[%swap3A_853, %swap3A_854] {strides = array<i32>} : memref<32x128xf32, #tpu.memory_space<vmem>>, vector<16xf32>,
    tpu.vector_store %arg13[%swap3A_853, %swap3A_854], %broadcast_in_dim3A_851 {strides = array<i32>} : memref<32x128xf32, #tpu.memory_space<vmem>>, vector<16xf32>,
    %broadcast_in_dim3A_856 = arith.constant 0.000000e+00 : f32
    %broadcast_in_dim3A_857 = vector.broadcast %broadcast_in_dim3A_856 : f32 to vector<16xf32>
    %swap3A_858 = arith.constant 17 : i32
    %swap3A_859 = arith.index_cast %swap3A_858 : i32 to index
    %swap3A_860 = arith.constant 112 : index
    %swap3A_861 = tpu.vector_load %arg13[%swap3A_859, %swap3A_860] {strides = array<i32>} : memref<32x128xf32, #tpu.memory_space<vmem>>, vector<16xf32>,
    tpu.vector_store %arg13[%swap3A_859, %swap3A_860], %broadcast_in_dim3A_857 {strides = array<i32>} : memref<32x128xf32, #tpu.memory_space<vmem>>, vector<16xf32>,
    %broadcast_in_dim3A_862 = arith.constant 0.000000e+00 : f32
    %broadcast_in_dim3A_863 = vector.broadcast %broadcast_in_dim3A_862 : f32 to vector<16xf32>
    %swap3A_864 = arith.constant 18 : i32
    %swap3A_865 = arith.index_cast %swap3A_864 : i32 to index
    %swap3A_866 = arith.constant 0 : index
    %swap3A_867 = tpu.vector_load %arg13[%swap3A_865, %swap3A_866] {strides = array<i32>} : memref<32x128xf32, #tpu.memory_space<vmem>>, vector<16xf32>,
    tpu.vector_store %arg13[%swap3A_865, %swap3A_866], %broadcast_in_dim3A_863 {strides = array<i32>} : memref<32x128xf32, #tpu.memory_space<vmem>>, vector<16xf32>,
    %broadcast_in_dim3A_868 = arith.constant 0.000000e+00 : f32
    %broadcast_in_dim3A_869 = vector.broadcast %broadcast_in_dim3A_868 : f32 to vector<16xf32>
    %swap3A_870 = arith.constant 18 : i32
    %swap3A_871 = arith.index_cast %swap3A_870 : i32 to index
    %swap3A_872 = arith.constant 16 : index
    %swap3A_873 = tpu.vector_load %arg13[%swap3A_871, %swap3A_872] {strides = array<i32>} : memref<32x128xf32, #tpu.memory_space<vmem>>, vector<16xf32>,
    tpu.vector_store %arg13[%swap3A_871, %swap3A_872], %broadcast_in_dim3A_869 {strides = array<i32>} : memref<32x128xf32, #tpu.memory_space<vmem>>, vector<16xf32>,
    %broadcast_in_dim3A_874 = arith.constant 0.000000e+00 : f32
    %broadcast_in_dim3A_875 = vector.broadcast %broadcast_in_dim3A_874 : f32 to vector<16xf32>
    %swap3A_876 = arith.constant 18 : i32
    %swap3A_877 = arith.index_cast %swap3A_876 : i32 to index
    %swap3A_878 = arith.constant 32 : index
    %swap3A_879 = tpu.vector_load %arg13[%swap3A_877, %swap3A_878] {strides = array<i32>} : memref<32x128xf32, #tpu.memory_space<vmem>>, vector<16xf32>,
    tpu.vector_store %arg13[%swap3A_877, %swap3A_878], %broadcast_in_dim3A_875 {strides = array<i32>} : memref<32x128xf32, #tpu.memory_space<vmem>>, vector<16xf32>,
    %broadcast_in_dim3A_880 = arith.constant 0.000000e+00 : f32
    %broadcast_in_dim3A_881 = vector.broadcast %broadcast_in_dim3A_880 : f32 to vector<16xf32>
    %swap3A_882 = arith.constant 18 : i32
    %swap3A_883 = arith.index_cast %swap3A_882 : i32 to index
    %swap3A_884 = arith.constant 48 : index
    %swap3A_885 = tpu.vector_load %arg13[%swap3A_883, %swap3A_884] {strides = array<i32>} : memref<32x128xf32, #tpu.memory_space<vmem>>, vector<16xf32>,
    tpu.vector_store %arg13[%swap3A_883, %swap3A_884], %broadcast_in_dim3A_881 {strides = array<i32>} : memref<32x128xf32, #tpu.memory_space<vmem>>, vector<16xf32>,
    %broadcast_in_dim3A_886 = arith.constant 0.000000e+00 : f32
    %broadcast_in_dim3A_887 = vector.broadcast %broadcast_in_dim3A_886 : f32 to vector<16xf32>
    %swap3A_888 = arith.constant 18 : i32
    %swap3A_889 = arith.index_cast %swap3A_888 : i32 to index
    %swap3A_890 = arith.constant 64 : index
    %swap3A_891 = tpu.vector_load %arg13[%swap3A_889, %swap3A_890] {strides = array<i32>} : memref<32x128xf32, #tpu.memory_space<vmem>>, vector<16xf32>,
    tpu.vector_store %arg13[%swap3A_889, %swap3A_890], %broadcast_in_dim3A_887 {strides = array<i32>} : memref<32x128xf32, #tpu.memory_space<vmem>>, vector<16xf32>,
    %broadcast_in_dim3A_892 = arith.constant 0.000000e+00 : f32
    %broadcast_in_dim3A_893 = vector.broadcast %broadcast_in_dim3A_892 : f32 to vector<16xf32>
    %swap3A_894 = arith.constant 18 : i32
    %swap3A_895 = arith.index_cast %swap3A_894 : i32 to index
    %swap3A_896 = arith.constant 80 : index
    %swap3A_897 = tpu.vector_load %arg13[%swap3A_895, %swap3A_896] {strides = array<i32>} : memref<32x128xf32, #tpu.memory_space<vmem>>, vector<16xf32>,
    tpu.vector_store %arg13[%swap3A_895, %swap3A_896], %broadcast_in_dim3A_893 {strides = array<i32>} : memref<32x128xf32, #tpu.memory_space<vmem>>, vector<16xf32>,
    %broadcast_in_dim3A_898 = arith.constant 0.000000e+00 : f32
    %broadcast_in_dim3A_899 = vector.broadcast %broadcast_in_dim3A_898 : f32 to vector<16xf32>
    %swap3A_900 = arith.constant 18 : i32
    %swap3A_901 = arith.index_cast %swap3A_900 : i32 to index
    %swap3A_902 = arith.constant 96 : index
    %swap3A_903 = tpu.vector_load %arg13[%swap3A_901, %swap3A_902] {strides = array<i32>} : memref<32x128xf32, #tpu.memory_space<vmem>>, vector<16xf32>,
    tpu.vector_store %arg13[%swap3A_901, %swap3A_902], %broadcast_in_dim3A_899 {strides = array<i32>} : memref<32x128xf32, #tpu.memory_space<vmem>>, vector<16xf32>,
    %broadcast_in_dim3A_904 = arith.constant 0.000000e+00 : f32
    %broadcast_in_dim3A_905 = vector.broadcast %broadcast_in_dim3A_904 : f32 to vector<16xf32>
    %swap3A_906 = arith.constant 18 : i32
    %swap3A_907 = arith.index_cast %swap3A_906 : i32 to index
    %swap3A_908 = arith.constant 112 : index
    %swap3A_909 = tpu.vector_load %arg13[%swap3A_907, %swap3A_908] {strides = array<i32>} : memref<32x128xf32, #tpu.memory_space<vmem>>, vector<16xf32>,
    tpu.vector_store %arg13[%swap3A_907, %swap3A_908], %broadcast_in_dim3A_905 {strides = array<i32>} : memref<32x128xf32, #tpu.memory_space<vmem>>, vector<16xf32>,
    %broadcast_in_dim3A_910 = arith.constant 0.000000e+00 : f32
    %broadcast_in_dim3A_911 = vector.broadcast %broadcast_in_dim3A_910 : f32 to vector<16xf32>
    %swap3A_912 = arith.constant 19 : i32
    %swap3A_913 = arith.index_cast %swap3A_912 : i32 to index
    %swap3A_914 = arith.constant 0 : index
    %swap3A_915 = tpu.vector_load %arg13[%swap3A_913, %swap3A_914] {strides = array<i32>} : memref<32x128xf32, #tpu.memory_space<vmem>>, vector<16xf32>,
    tpu.vector_store %arg13[%swap3A_913, %swap3A_914], %broadcast_in_dim3A_911 {strides = array<i32>} : memref<32x128xf32, #tpu.memory_space<vmem>>, vector<16xf32>,
    %broadcast_in_dim3A_916 = arith.constant 0.000000e+00 : f32
    %broadcast_in_dim3A_917 = vector.broadcast %broadcast_in_dim3A_916 : f32 to vector<16xf32>
    %swap3A_918 = arith.constant 19 : i32
    %swap3A_919 = arith.index_cast %swap3A_918 : i32 to index
    %swap3A_920 = arith.constant 16 : index
    %swap3A_921 = tpu.vector_load %arg13[%swap3A_919, %swap3A_920] {strides = array<i32>} : memref<32x128xf32, #tpu.memory_space<vmem>>, vector<16xf32>,
    tpu.vector_store %arg13[%swap3A_919, %swap3A_920], %broadcast_in_dim3A_917 {strides = array<i32>} : memref<32x128xf32, #tpu.memory_space<vmem>>, vector<16xf32>,
    %broadcast_in_dim3A_922 = arith.constant 0.000000e+00 : f32
    %broadcast_in_dim3A_923 = vector.broadcast %broadcast_in_dim3A_922 : f32 to vector<16xf32>
    %swap3A_924 = arith.constant 19 : i32
    %swap3A_925 = arith.index_cast %swap3A_924 : i32 to index
    %swap3A_926 = arith.constant 32 : index
    %swap3A_927 = tpu.vector_load %arg13[%swap3A_925, %swap3A_926] {strides = array<i32>} : memref<32x128xf32, #tpu.memory_space<vmem>>, vector<16xf32>,
    tpu.vector_store %arg13[%swap3A_925, %swap3A_926], %broadcast_in_dim3A_923 {strides = array<i32>} : memref<32x128xf32, #tpu.memory_space<vmem>>, vector<16xf32>,
    %broadcast_in_dim3A_928 = arith.constant 0.000000e+00 : f32
    %broadcast_in_dim3A_929 = vector.broadcast %broadcast_in_dim3A_928 : f32 to vector<16xf32>
    %swap3A_930 = arith.constant 19 : i32
    %swap3A_931 = arith.index_cast %swap3A_930 : i32 to index
    %swap3A_932 = arith.constant 48 : index
    %swap3A_933 = tpu.vector_load %arg13[%swap3A_931, %swap3A_932] {strides = array<i32>} : memref<32x128xf32, #tpu.memory_space<vmem>>, vector<16xf32>,
    tpu.vector_store %arg13[%swap3A_931, %swap3A_932], %broadcast_in_dim3A_929 {strides = array<i32>} : memref<32x128xf32, #tpu.memory_space<vmem>>, vector<16xf32>,
    %broadcast_in_dim3A_934 = arith.constant 0.000000e+00 : f32
    %broadcast_in_dim3A_935 = vector.broadcast %broadcast_in_dim3A_934 : f32 to vector<16xf32>
    %swap3A_936 = arith.constant 19 : i32
    %swap3A_937 = arith.index_cast %swap3A_936 : i32 to index
    %swap3A_938 = arith.constant 64 : index
    %swap3A_939 = tpu.vector_load %arg13[%swap3A_937, %swap3A_938] {strides = array<i32>} : memref<32x128xf32, #tpu.memory_space<vmem>>, vector<16xf32>,
    tpu.vector_store %arg13[%swap3A_937, %swap3A_938], %broadcast_in_dim3A_935 {strides = array<i32>} : memref<32x128xf32, #tpu.memory_space<vmem>>, vector<16xf32>,
    %broadcast_in_dim3A_940 = arith.constant 0.000000e+00 : f32
    %broadcast_in_dim3A_941 = vector.broadcast %broadcast_in_dim3A_940 : f32 to vector<16xf32>
    %swap3A_942 = arith.constant 19 : i32
    %swap3A_943 = arith.index_cast %swap3A_942 : i32 to index
    %swap3A_944 = arith.constant 80 : index
    %swap3A_945 = tpu.vector_load %arg13[%swap3A_943, %swap3A_944] {strides = array<i32>} : memref<32x128xf32, #tpu.memory_space<vmem>>, vector<16xf32>,
    tpu.vector_store %arg13[%swap3A_943, %swap3A_944], %broadcast_in_dim3A_941 {strides = array<i32>} : memref<32x128xf32, #tpu.memory_space<vmem>>, vector<16xf32>,
    %broadcast_in_dim3A_946 = arith.constant 0.000000e+00 : f32
    %broadcast_in_dim3A_947 = vector.broadcast %broadcast_in_dim3A_946 : f32 to vector<16xf32>
    %swap3A_948 = arith.constant 19 : i32
    %swap3A_949 = arith.index_cast %swap3A_948 : i32 to index
    %swap3A_950 = arith.constant 96 : index
    %swap3A_951 = tpu.vector_load %arg13[%swap3A_949, %swap3A_950] {strides = array<i32>} : memref<32x128xf32, #tpu.memory_space<vmem>>, vector<16xf32>,
    tpu.vector_store %arg13[%swap3A_949, %swap3A_950], %broadcast_in_dim3A_947 {strides = array<i32>} : memref<32x128xf32, #tpu.memory_space<vmem>>, vector<16xf32>,
    %broadcast_in_dim3A_952 = arith.constant 0.000000e+00 : f32
    %broadcast_in_dim3A_953 = vector.broadcast %broadcast_in_dim3A_952 : f32 to vector<16xf32>
    %swap3A_954 = arith.constant 19 : i32
    %swap3A_955 = arith.index_cast %swap3A_954 : i32 to index
    %swap3A_956 = arith.constant 112 : index
    %swap3A_957 = tpu.vector_load %arg13[%swap3A_955, %swap3A_956] {strides = array<i32>} : memref<32x128xf32, #tpu.memory_space<vmem>>, vector<16xf32>,
    tpu.vector_store %arg13[%swap3A_955, %swap3A_956], %broadcast_in_dim3A_953 {strides = array<i32>} : memref<32x128xf32, #tpu.memory_space<vmem>>, vector<16xf32>,
    %broadcast_in_dim3A_958 = arith.constant 0.000000e+00 : f32
    %broadcast_in_dim3A_959 = vector.broadcast %broadcast_in_dim3A_958 : f32 to vector<16xf32>
    %swap3A_960 = arith.constant 20 : i32
    %swap3A_961 = arith.index_cast %swap3A_960 : i32 to index
    %swap3A_962 = arith.constant 0 : index
    %swap3A_963 = tpu.vector_load %arg13[%swap3A_961, %swap3A_962] {strides = array<i32>} : memref<32x128xf32, #tpu.memory_space<vmem>>, vector<16xf32>,
    tpu.vector_store %arg13[%swap3A_961, %swap3A_962], %broadcast_in_dim3A_959 {strides = array<i32>} : memref<32x128xf32, #tpu.memory_space<vmem>>, vector<16xf32>,
    %broadcast_in_dim3A_964 = arith.constant 0.000000e+00 : f32
    %broadcast_in_dim3A_965 = vector.broadcast %broadcast_in_dim3A_964 : f32 to vector<16xf32>
    %swap3A_966 = arith.constant 20 : i32
    %swap3A_967 = arith.index_cast %swap3A_966 : i32 to index
    %swap3A_968 = arith.constant 16 : index
    %swap3A_969 = tpu.vector_load %arg13[%swap3A_967, %swap3A_968] {strides = array<i32>} : memref<32x128xf32, #tpu.memory_space<vmem>>, vector<16xf32>,
    tpu.vector_store %arg13[%swap3A_967, %swap3A_968], %broadcast_in_dim3A_965 {strides = array<i32>} : memref<32x128xf32, #tpu.memory_space<vmem>>, vector<16xf32>,
    %broadcast_in_dim3A_970 = arith.constant 0.000000e+00 : f32
    %broadcast_in_dim3A_971 = vector.broadcast %broadcast_in_dim3A_970 : f32 to vector<16xf32>
    %swap3A_972 = arith.constant 20 : i32
    %swap3A_973 = arith.index_cast %swap3A_972 : i32 to index
    %swap3A_974 = arith.constant 32 : index
    %swap3A_975 = tpu.vector_load %arg13[%swap3A_973, %swap3A_974] {strides = array<i32>} : memref<32x128xf32, #tpu.memory_space<vmem>>, vector<16xf32>,
    tpu.vector_store %arg13[%swap3A_973, %swap3A_974], %broadcast_in_dim3A_971 {strides = array<i32>} : memref<32x128xf32, #tpu.memory_space<vmem>>, vector<16xf32>,
    %broadcast_in_dim3A_976 = arith.constant 0.000000e+00 : f32
    %broadcast_in_dim3A_977 = vector.broadcast %broadcast_in_dim3A_976 : f32 to vector<16xf32>
    %swap3A_978 = arith.constant 20 : i32
    %swap3A_979 = arith.index_cast %swap3A_978 : i32 to index
    %swap3A_980 = arith.constant 48 : index
    %swap3A_981 = tpu.vector_load %arg13[%swap3A_979, %swap3A_980] {strides = array<i32>} : memref<32x128xf32, #tpu.memory_space<vmem>>, vector<16xf32>,
    tpu.vector_store %arg13[%swap3A_979, %swap3A_980], %broadcast_in_dim3A_977 {strides = array<i32>} : memref<32x128xf32, #tpu.memory_space<vmem>>, vector<16xf32>,
    %broadcast_in_dim3A_982 = arith.constant 0.000000e+00 : f32
    %broadcast_in_dim3A_983 = vector.broadcast %broadcast_in_dim3A_982 : f32 to vector<16xf32>
    %swap3A_984 = arith.constant 20 : i32
    %swap3A_985 = arith.index_cast %swap3A_984 : i32 to index
    %swap3A_986 = arith.constant 64 : index
    %swap3A_987 = tpu.vector_load %arg13[%swap3A_985, %swap3A_986] {strides = array<i32>} : memref<32x128xf32, #tpu.memory_space<vmem>>, vector<16xf32>,
    tpu.vector_store %arg13[%swap3A_985, %swap3A_986], %broadcast_in_dim3A_983 {strides = array<i32>} : memref<32x128xf32, #tpu.memory_space<vmem>>, vector<16xf32>,
    %broadcast_in_dim3A_988 = arith.constant 0.000000e+00 : f32
    %broadcast_in_dim3A_989 = vector.broadcast %broadcast_in_dim3A_988 : f32 to vector<16xf32>
    %swap3A_990 = arith.constant 20 : i32
    %swap3A_991 = arith.index_cast %swap3A_990 : i32 to index
    %swap3A_992 = arith.constant 80 : index
    %swap3A_993 = tpu.vector_load %arg13[%swap3A_991, %swap3A_992] {strides = array<i32>} : memref<32x128xf32, #tpu.memory_space<vmem>>, vector<16xf32>,
    tpu.vector_store %arg13[%swap3A_991, %swap3A_992], %broadcast_in_dim3A_989 {strides = array<i32>} : memref<32x128xf32, #tpu.memory_space<vmem>>, vector<16xf32>,
    %broadcast_in_dim3A_994 = arith.constant 0.000000e+00 : f32
    %broadcast_in_dim3A_995 = vector.broadcast %broadcast_in_dim3A_994 : f32 to vector<16xf32>
    %swap3A_996 = arith.constant 20 : i32
    %swap3A_997 = arith.index_cast %swap3A_996 : i32 to index
    %swap3A_998 = arith.constant 96 : index
    %swap3A_999 = tpu.vector_load %arg13[%swap3A_997, %swap3A_998] {strides = array<i32>} : memref<32x128xf32, #tpu.memory_space<vmem>>, vector<16xf32>,
    tpu.vector_store %arg13[%swap3A_997, %swap3A_998], %broadcast_in_dim3A_995 {strides = array<i32>} : memref<32x128xf32, #tpu.memory_space<vmem>>, vector<16xf32>,
    %broadcast_in_dim3A_1000 = arith.constant 0.000000e+00 : f32
    %broadcast_in_dim3A_1001 = vector.broadcast %broadcast_in_dim3A_1000 : f32 to vector<16xf32>
    %swap3A_1002 = arith.constant 20 : i32
    %swap3A_1003 = arith.index_cast %swap3A_1002 : i32 to index
    %swap3A_1004 = arith.constant 112 : index
    %swap3A_1005 = tpu.vector_load %arg13[%swap3A_1003, %swap3A_1004] {strides = array<i32>} : memref<32x128xf32, #tpu.memory_space<vmem>>, vector<16xf32>,
    tpu.vector_store %arg13[%swap3A_1003, %swap3A_1004], %broadcast_in_dim3A_1001 {strides = array<i32>} : memref<32x128xf32, #tpu.memory_space<vmem>>, vector<16xf32>,
    %broadcast_in_dim3A_1006 = arith.constant 0.000000e+00 : f32
    %broadcast_in_dim3A_1007 = vector.broadcast %broadcast_in_dim3A_1006 : f32 to vector<16xf32>
    %swap3A_1008 = arith.constant 21 : i32
    %swap3A_1009 = arith.index_cast %swap3A_1008 : i32 to index
    %swap3A_1010 = arith.constant 0 : index
    %swap3A_1011 = tpu.vector_load %arg13[%swap3A_1009, %swap3A_1010] {strides = array<i32>} : memref<32x128xf32, #tpu.memory_space<vmem>>, vector<16xf32>,
    tpu.vector_store %arg13[%swap3A_1009, %swap3A_1010], %broadcast_in_dim3A_1007 {strides = array<i32>} : memref<32x128xf32, #tpu.memory_space<vmem>>, vector<16xf32>,
    %broadcast_in_dim3A_1012 = arith.constant 0.000000e+00 : f32
    %broadcast_in_dim3A_1013 = vector.broadcast %broadcast_in_dim3A_1012 : f32 to vector<16xf32>
    %swap3A_1014 = arith.constant 21 : i32
    %swap3A_1015 = arith.index_cast %swap3A_1014 : i32 to index
    %swap3A_1016 = arith.constant 16 : index
    %swap3A_1017 = tpu.vector_load %arg13[%swap3A_1015, %swap3A_1016] {strides = array<i32>} : memref<32x128xf32, #tpu.memory_space<vmem>>, vector<16xf32>,
    tpu.vector_store %arg13[%swap3A_1015, %swap3A_1016], %broadcast_in_dim3A_1013 {strides = array<i32>} : memref<32x128xf32, #tpu.memory_space<vmem>>, vector<16xf32>,
    %broadcast_in_dim3A_1018 = arith.constant 0.000000e+00 : f32
    %broadcast_in_dim3A_1019 = vector.broadcast %broadcast_in_dim3A_1018 : f32 to vector<16xf32>
    %swap3A_1020 = arith.constant 21 : i32
    %swap3A_1021 = arith.index_cast %swap3A_1020 : i32 to index
    %swap3A_1022 = arith.constant 32 : index
    %swap3A_1023 = tpu.vector_load %arg13[%swap3A_1021, %swap3A_1022] {strides = array<i32>} : memref<32x128xf32, #tpu.memory_space<vmem>>, vector<16xf32>,
    tpu.vector_store %arg13[%swap3A_1021, %swap3A_1022], %broadcast_in_dim3A_1019 {strides = array<i32>} : memref<32x128xf32, #tpu.memory_space<vmem>>, vector<16xf32>,
    %broadcast_in_dim3A_1024 = arith.constant 0.000000e+00 : f32
    %broadcast_in_dim3A_1025 = vector.broadcast %broadcast_in_dim3A_1024 : f32 to vector<16xf32>
    %swap3A_1026 = arith.constant 21 : i32
    %swap3A_1027 = arith.index_cast %swap3A_1026 : i32 to index
    %swap3A_1028 = arith.constant 48 : index
    %swap3A_1029 = tpu.vector_load %arg13[%swap3A_1027, %swap3A_1028] {strides = array<i32>} : memref<32x128xf32, #tpu.memory_space<vmem>>, vector<16xf32>,
    tpu.vector_store %arg13[%swap3A_1027, %swap3A_1028], %broadcast_in_dim3A_1025 {strides = array<i32>} : memref<32x128xf32, #tpu.memory_space<vmem>>, vector<16xf32>,
    %broadcast_in_dim3A_1030 = arith.constant 0.000000e+00 : f32
    %broadcast_in_dim3A_1031 = vector.broadcast %broadcast_in_dim3A_1030 : f32 to vector<16xf32>
    %swap3A_1032 = arith.constant 21 : i32
    %swap3A_1033 = arith.index_cast %swap3A_1032 : i32 to index
    %swap3A_1034 = arith.constant 64 : index
    %swap3A_1035 = tpu.vector_load %arg13[%swap3A_1033, %swap3A_1034] {strides = array<i32>} : memref<32x128xf32, #tpu.memory_space<vmem>>, vector<16xf32>,
    tpu.vector_store %arg13[%swap3A_1033, %swap3A_1034], %broadcast_in_dim3A_1031 {strides = array<i32>} : memref<32x128xf32, #tpu.memory_space<vmem>>, vector<16xf32>,
    %broadcast_in_dim3A_1036 = arith.constant 0.000000e+00 : f32
    %broadcast_in_dim3A_1037 = vector.broadcast %broadcast_in_dim3A_1036 : f32 to vector<16xf32>
    %swap3A_1038 = arith.constant 21 : i32
    %swap3A_1039 = arith.index_cast %swap3A_1038 : i32 to index
    %swap3A_1040 = arith.constant 80 : index
    %swap3A_1041 = tpu.vector_load %arg13[%swap3A_1039, %swap3A_1040] {strides = array<i32>} : memref<32x128xf32, #tpu.memory_space<vmem>>, vector<16xf32>,
    tpu.vector_store %arg13[%swap3A_1039, %swap3A_1040], %broadcast_in_dim3A_1037 {strides = array<i32>} : memref<32x128xf32, #tpu.memory_space<vmem>>, vector<16xf32>,
    %broadcast_in_dim3A_1042 = arith.constant 0.000000e+00 : f32
    %broadcast_in_dim3A_1043 = vector.broadcast %broadcast_in_dim3A_1042 : f32 to vector<16xf32>
    %swap3A_1044 = arith.constant 21 : i32
    %swap3A_1045 = arith.index_cast %swap3A_1044 : i32 to index
    %swap3A_1046 = arith.constant 96 : index
    %swap3A_1047 = tpu.vector_load %arg13[%swap3A_1045, %swap3A_1046] {strides = array<i32>} : memref<32x128xf32, #tpu.memory_space<vmem>>, vector<16xf32>,
    tpu.vector_store %arg13[%swap3A_1045, %swap3A_1046], %broadcast_in_dim3A_1043 {strides = array<i32>} : memref<32x128xf32, #tpu.memory_space<vmem>>, vector<16xf32>,
    %broadcast_in_dim3A_1048 = arith.constant 0.000000e+00 : f32
    %broadcast_in_dim3A_1049 = vector.broadcast %broadcast_in_dim3A_1048 : f32 to vector<16xf32>
    %swap3A_1050 = arith.constant 21 : i32
    %swap3A_1051 = arith.index_cast %swap3A_1050 : i32 to index
    %swap3A_1052 = arith.constant 112 : index
    %swap3A_1053 = tpu.vector_load %arg13[%swap3A_1051, %swap3A_1052] {strides = array<i32>} : memref<32x128xf32, #tpu.memory_space<vmem>>, vector<16xf32>,
    tpu.vector_store %arg13[%swap3A_1051, %swap3A_1052], %broadcast_in_dim3A_1049 {strides = array<i32>} : memref<32x128xf32, #tpu.memory_space<vmem>>, vector<16xf32>,
    %broadcast_in_dim3A_1054 = arith.constant 0.000000e+00 : f32
    %broadcast_in_dim3A_1055 = vector.broadcast %broadcast_in_dim3A_1054 : f32 to vector<16xf32>
    %swap3A_1056 = arith.constant 22 : i32
    %swap3A_1057 = arith.index_cast %swap3A_1056 : i32 to index
    %swap3A_1058 = arith.constant 0 : index
    %swap3A_1059 = tpu.vector_load %arg13[%swap3A_1057, %swap3A_1058] {strides = array<i32>} : memref<32x128xf32, #tpu.memory_space<vmem>>, vector<16xf32>,
    tpu.vector_store %arg13[%swap3A_1057, %swap3A_1058], %broadcast_in_dim3A_1055 {strides = array<i32>} : memref<32x128xf32, #tpu.memory_space<vmem>>, vector<16xf32>,
    %broadcast_in_dim3A_1060 = arith.constant 0.000000e+00 : f32
    %broadcast_in_dim3A_1061 = vector.broadcast %broadcast_in_dim3A_1060 : f32 to vector<16xf32>
    %swap3A_1062 = arith.constant 22 : i32
    %swap3A_1063 = arith.index_cast %swap3A_1062 : i32 to index
    %swap3A_1064 = arith.constant 16 : index
    %swap3A_1065 = tpu.vector_load %arg13[%swap3A_1063, %swap3A_1064] {strides = array<i32>} : memref<32x128xf32, #tpu.memory_space<vmem>>, vector<16xf32>,
    tpu.vector_store %arg13[%swap3A_1063, %swap3A_1064], %broadcast_in_dim3A_1061 {strides = array<i32>} : memref<32x128xf32, #tpu.memory_space<vmem>>, vector<16xf32>,
    %broadcast_in_dim3A_1066 = arith.constant 0.000000e+00 : f32
    %broadcast_in_dim3A_1067 = vector.broadcast %broadcast_in_dim3A_1066 : f32 to vector<16xf32>
    %swap3A_1068 = arith.constant 22 : i32
    %swap3A_1069 = arith.index_cast %swap3A_1068 : i32 to index
    %swap3A_1070 = arith.constant 32 : index
    %swap3A_1071 = tpu.vector_load %arg13[%swap3A_1069, %swap3A_1070] {strides = array<i32>} : memref<32x128xf32, #tpu.memory_space<vmem>>, vector<16xf32>,
    tpu.vector_store %arg13[%swap3A_1069, %swap3A_1070], %broadcast_in_dim3A_1067 {strides = array<i32>} : memref<32x128xf32, #tpu.memory_space<vmem>>, vector<16xf32>,
    %broadcast_in_dim3A_1072 = arith.constant 0.000000e+00 : f32
    %broadcast_in_dim3A_1073 = vector.broadcast %broadcast_in_dim3A_1072 : f32 to vector<16xf32>
    %swap3A_1074 = arith.constant 22 : i32
    %swap3A_1075 = arith.index_cast %swap3A_1074 : i32 to index
    %swap3A_1076 = arith.constant 48 : index
    %swap3A_1077 = tpu.vector_load %arg13[%swap3A_1075, %swap3A_1076] {strides = array<i32>} : memref<32x128xf32, #tpu.memory_space<vmem>>, vector<16xf32>,
    tpu.vector_store %arg13[%swap3A_1075, %swap3A_1076], %broadcast_in_dim3A_1073 {strides = array<i32>} : memref<32x128xf32, #tpu.memory_space<vmem>>, vector<16xf32>,
    %broadcast_in_dim3A_1078 = arith.constant 0.000000e+00 : f32
    %broadcast_in_dim3A_1079 = vector.broadcast %broadcast_in_dim3A_1078 : f32 to vector<16xf32>
    %swap3A_1080 = arith.constant 22 : i32
    %swap3A_1081 = arith.index_cast %swap3A_1080 : i32 to index
    %swap3A_1082 = arith.constant 64 : index
    %swap3A_1083 = tpu.vector_load %arg13[%swap3A_1081, %swap3A_1082] {strides = array<i32>} : memref<32x128xf32, #tpu.memory_space<vmem>>, vector<16xf32>,
    tpu.vector_store %arg13[%swap3A_1081, %swap3A_1082], %broadcast_in_dim3A_1079 {strides = array<i32>} : memref<32x128xf32, #tpu.memory_space<vmem>>, vector<16xf32>,
    %broadcast_in_dim3A_1084 = arith.constant 0.000000e+00 : f32
    %broadcast_in_dim3A_1085 = vector.broadcast %broadcast_in_dim3A_1084 : f32 to vector<16xf32>
    %swap3A_1086 = arith.constant 22 : i32
    %swap3A_1087 = arith.index_cast %swap3A_1086 : i32 to index
    %swap3A_1088 = arith.constant 80 : index
    %swap3A_1089 = tpu.vector_load %arg13[%swap3A_1087, %swap3A_1088] {strides = array<i32>} : memref<32x128xf32, #tpu.memory_space<vmem>>, vector<16xf32>,
    tpu.vector_store %arg13[%swap3A_1087, %swap3A_1088], %broadcast_in_dim3A_1085 {strides = array<i32>} : memref<32x128xf32, #tpu.memory_space<vmem>>, vector<16xf32>,
    %broadcast_in_dim3A_1090 = arith.constant 0.000000e+00 : f32
    %broadcast_in_dim3A_1091 = vector.broadcast %broadcast_in_dim3A_1090 : f32 to vector<16xf32>
    %swap3A_1092 = arith.constant 22 : i32
    %swap3A_1093 = arith.index_cast %swap3A_1092 : i32 to index
    %swap3A_1094 = arith.constant 96 : index
    %swap3A_1095 = tpu.vector_load %arg13[%swap3A_1093, %swap3A_1094] {strides = array<i32>} : memref<32x128xf32, #tpu.memory_space<vmem>>, vector<16xf32>,
    tpu.vector_store %arg13[%swap3A_1093, %swap3A_1094], %broadcast_in_dim3A_1091 {strides = array<i32>} : memref<32x128xf32, #tpu.memory_space<vmem>>, vector<16xf32>,
    %broadcast_in_dim3A_1096 = arith.constant 0.000000e+00 : f32
    %broadcast_in_dim3A_1097 = vector.broadcast %broadcast_in_dim3A_1096 : f32 to vector<16xf32>
    %swap3A_1098 = arith.constant 22 : i32
    %swap3A_1099 = arith.index_cast %swap3A_1098 : i32 to index
    %swap3A_1100 = arith.constant 112 : index
    %swap3A_1101 = tpu.vector_load %arg13[%swap3A_1099, %swap3A_1100] {strides = array<i32>} : memref<32x128xf32, #tpu.memory_space<vmem>>, vector<16xf32>,
    tpu.vector_store %arg13[%swap3A_1099, %swap3A_1100], %broadcast_in_dim3A_1097 {strides = array<i32>} : memref<32x128xf32, #tpu.memory_space<vmem>>, vector<16xf32>,
    %broadcast_in_dim3A_1102 = arith.constant 0.000000e+00 : f32
    %broadcast_in_dim3A_1103 = vector.broadcast %broadcast_in_dim3A_1102 : f32 to vector<16xf32>
    %swap3A_1104 = arith.constant 23 : i32
    %swap3A_1105 = arith.index_cast %swap3A_1104 : i32 to index
    %swap3A_1106 = arith.constant 0 : index
    %swap3A_1107 = tpu.vector_load %arg13[%swap3A_1105, %swap3A_1106] {strides = array<i32>} : memref<32x128xf32, #tpu.memory_space<vmem>>, vector<16xf32>,
    tpu.vector_store %arg13[%swap3A_1105, %swap3A_1106], %broadcast_in_dim3A_1103 {strides = array<i32>} : memref<32x128xf32, #tpu.memory_space<vmem>>, vector<16xf32>,
    %broadcast_in_dim3A_1108 = arith.constant 0.000000e+00 : f32
    %broadcast_in_dim3A_1109 = vector.broadcast %broadcast_in_dim3A_1108 : f32 to vector<16xf32>
    %swap3A_1110 = arith.constant 23 : i32
    %swap3A_1111 = arith.index_cast %swap3A_1110 : i32 to index
    %swap3A_1112 = arith.constant 16 : index
    %swap3A_1113 = tpu.vector_load %arg13[%swap3A_1111, %swap3A_1112] {strides = array<i32>} : memref<32x128xf32, #tpu.memory_space<vmem>>, vector<16xf32>,
    tpu.vector_store %arg13[%swap3A_1111, %swap3A_1112], %broadcast_in_dim3A_1109 {strides = array<i32>} : memref<32x128xf32, #tpu.memory_space<vmem>>, vector<16xf32>,
    %broadcast_in_dim3A_1114 = arith.constant 0.000000e+00 : f32
    %broadcast_in_dim3A_1115 = vector.broadcast %broadcast_in_dim3A_1114 : f32 to vector<16xf32>
    %swap3A_1116 = arith.constant 23 : i32
    %swap3A_1117 = arith.index_cast %swap3A_1116 : i32 to index
    %swap3A_1118 = arith.constant 32 : index
    %swap3A_1119 = tpu.vector_load %arg13[%swap3A_1117, %swap3A_1118] {strides = array<i32>} : memref<32x128xf32, #tpu.memory_space<vmem>>, vector<16xf32>,
    tpu.vector_store %arg13[%swap3A_1117, %swap3A_1118], %broadcast_in_dim3A_1115 {strides = array<i32>} : memref<32x128xf32, #tpu.memory_space<vmem>>, vector<16xf32>,
    %broadcast_in_dim3A_1120 = arith.constant 0.000000e+00 : f32
    %broadcast_in_dim3A_1121 = vector.broadcast %broadcast_in_dim3A_1120 : f32 to vector<16xf32>
    %swap3A_1122 = arith.constant 23 : i32
    %swap3A_1123 = arith.index_cast %swap3A_1122 : i32 to index
    %swap3A_1124 = arith.constant 48 : index
    %swap3A_1125 = tpu.vector_load %arg13[%swap3A_1123, %swap3A_1124] {strides = array<i32>} : memref<32x128xf32, #tpu.memory_space<vmem>>, vector<16xf32>,
    tpu.vector_store %arg13[%swap3A_1123, %swap3A_1124], %broadcast_in_dim3A_1121 {strides = array<i32>} : memref<32x128xf32, #tpu.memory_space<vmem>>, vector<16xf32>,
    %broadcast_in_dim3A_1126 = arith.constant 0.000000e+00 : f32
    %broadcast_in_dim3A_1127 = vector.broadcast %broadcast_in_dim3A_1126 : f32 to vector<16xf32>
    %swap3A_1128 = arith.constant 23 : i32
    %swap3A_1129 = arith.index_cast %swap3A_1128 : i32 to index
    %swap3A_1130 = arith.constant 64 : index
    %swap3A_1131 = tpu.vector_load %arg13[%swap3A_1129, %swap3A_1130] {strides = array<i32>} : memref<32x128xf32, #tpu.memory_space<vmem>>, vector<16xf32>,
    tpu.vector_store %arg13[%swap3A_1129, %swap3A_1130], %broadcast_in_dim3A_1127 {strides = array<i32>} : memref<32x128xf32, #tpu.memory_space<vmem>>, vector<16xf32>,
    %broadcast_in_dim3A_1132 = arith.constant 0.000000e+00 : f32
    %broadcast_in_dim3A_1133 = vector.broadcast %broadcast_in_dim3A_1132 : f32 to vector<16xf32>
    %swap3A_1134 = arith.constant 23 : i32
    %swap3A_1135 = arith.index_cast %swap3A_1134 : i32 to index
    %swap3A_1136 = arith.constant 80 : index
    %swap3A_1137 = tpu.vector_load %arg13[%swap3A_1135, %swap3A_1136] {strides = array<i32>} : memref<32x128xf32, #tpu.memory_space<vmem>>, vector<16xf32>,
    tpu.vector_store %arg13[%swap3A_1135, %swap3A_1136], %broadcast_in_dim3A_1133 {strides = array<i32>} : memref<32x128xf32, #tpu.memory_space<vmem>>, vector<16xf32>,
    %broadcast_in_dim3A_1138 = arith.constant 0.000000e+00 : f32
    %broadcast_in_dim3A_1139 = vector.broadcast %broadcast_in_dim3A_1138 : f32 to vector<16xf32>
    %swap3A_1140 = arith.constant 23 : i32
    %swap3A_1141 = arith.index_cast %swap3A_1140 : i32 to index
    %swap3A_1142 = arith.constant 96 : index
    %swap3A_1143 = tpu.vector_load %arg13[%swap3A_1141, %swap3A_1142] {strides = array<i32>} : memref<32x128xf32, #tpu.memory_space<vmem>>, vector<16xf32>,
    tpu.vector_store %arg13[%swap3A_1141, %swap3A_1142], %broadcast_in_dim3A_1139 {strides = array<i32>} : memref<32x128xf32, #tpu.memory_space<vmem>>, vector<16xf32>,
    %broadcast_in_dim3A_1144 = arith.constant 0.000000e+00 : f32
    %broadcast_in_dim3A_1145 = vector.broadcast %broadcast_in_dim3A_1144 : f32 to vector<16xf32>
    %swap3A_1146 = arith.constant 23 : i32
    %swap3A_1147 = arith.index_cast %swap3A_1146 : i32 to index
    %swap3A_1148 = arith.constant 112 : index
    %swap3A_1149 = tpu.vector_load %arg13[%swap3A_1147, %swap3A_1148] {strides = array<i32>} : memref<32x128xf32, #tpu.memory_space<vmem>>, vector<16xf32>,
    tpu.vector_store %arg13[%swap3A_1147, %swap3A_1148], %broadcast_in_dim3A_1145 {strides = array<i32>} : memref<32x128xf32, #tpu.memory_space<vmem>>, vector<16xf32>,
    %broadcast_in_dim3A_1150 = arith.constant 0.000000e+00 : f32
    %broadcast_in_dim3A_1151 = vector.broadcast %broadcast_in_dim3A_1150 : f32 to vector<16xf32>
    %swap3A_1152 = arith.constant 24 : i32
    %swap3A_1153 = arith.index_cast %swap3A_1152 : i32 to index
    %swap3A_1154 = arith.constant 0 : index
    %swap3A_1155 = tpu.vector_load %arg13[%swap3A_1153, %swap3A_1154] {strides = array<i32>} : memref<32x128xf32, #tpu.memory_space<vmem>>, vector<16xf32>,
    tpu.vector_store %arg13[%swap3A_1153, %swap3A_1154], %broadcast_in_dim3A_1151 {strides = array<i32>} : memref<32x128xf32, #tpu.memory_space<vmem>>, vector<16xf32>,
    %broadcast_in_dim3A_1156 = arith.constant 0.000000e+00 : f32
    %broadcast_in_dim3A_1157 = vector.broadcast %broadcast_in_dim3A_1156 : f32 to vector<16xf32>
    %swap3A_1158 = arith.constant 24 : i32
    %swap3A_1159 = arith.index_cast %swap3A_1158 : i32 to index
    %swap3A_1160 = arith.constant 16 : index
    %swap3A_1161 = tpu.vector_load %arg13[%swap3A_1159, %swap3A_1160] {strides = array<i32>} : memref<32x128xf32, #tpu.memory_space<vmem>>, vector<16xf32>,
    tpu.vector_store %arg13[%swap3A_1159, %swap3A_1160], %broadcast_in_dim3A_1157 {strides = array<i32>} : memref<32x128xf32, #tpu.memory_space<vmem>>, vector<16xf32>,
    %broadcast_in_dim3A_1162 = arith.constant 0.000000e+00 : f32
    %broadcast_in_dim3A_1163 = vector.broadcast %broadcast_in_dim3A_1162 : f32 to vector<16xf32>
    %swap3A_1164 = arith.constant 24 : i32
    %swap3A_1165 = arith.index_cast %swap3A_1164 : i32 to index
    %swap3A_1166 = arith.constant 32 : index
    %swap3A_1167 = tpu.vector_load %arg13[%swap3A_1165, %swap3A_1166] {strides = array<i32>} : memref<32x128xf32, #tpu.memory_space<vmem>>, vector<16xf32>,
    tpu.vector_store %arg13[%swap3A_1165, %swap3A_1166], %broadcast_in_dim3A_1163 {strides = array<i32>} : memref<32x128xf32, #tpu.memory_space<vmem>>, vector<16xf32>,
    %broadcast_in_dim3A_1168 = arith.constant 0.000000e+00 : f32
    %broadcast_in_dim3A_1169 = vector.broadcast %broadcast_in_dim3A_1168 : f32 to vector<16xf32>
    %swap3A_1170 = arith.constant 24 : i32
    %swap3A_1171 = arith.index_cast %swap3A_1170 : i32 to index
    %swap3A_1172 = arith.constant 48 : index
    %swap3A_1173 = tpu.vector_load %arg13[%swap3A_1171, %swap3A_1172] {strides = array<i32>} : memref<32x128xf32, #tpu.memory_space<vmem>>, vector<16xf32>,
    tpu.vector_store %arg13[%swap3A_1171, %swap3A_1172], %broadcast_in_dim3A_1169 {strides = array<i32>} : memref<32x128xf32, #tpu.memory_space<vmem>>, vector<16xf32>,
    %broadcast_in_dim3A_1174 = arith.constant 0.000000e+00 : f32
    %broadcast_in_dim3A_1175 = vector.broadcast %broadcast_in_dim3A_1174 : f32 to vector<16xf32>
    %swap3A_1176 = arith.constant 24 : i32
    %swap3A_1177 = arith.index_cast %swap3A_1176 : i32 to index
    %swap3A_1178 = arith.constant 64 : index
    %swap3A_1179 = tpu.vector_load %arg13[%swap3A_1177, %swap3A_1178] {strides = array<i32>} : memref<32x128xf32, #tpu.memory_space<vmem>>, vector<16xf32>,
    tpu.vector_store %arg13[%swap3A_1177, %swap3A_1178], %broadcast_in_dim3A_1175 {strides = array<i32>} : memref<32x128xf32, #tpu.memory_space<vmem>>, vector<16xf32>,
    %broadcast_in_dim3A_1180 = arith.constant 0.000000e+00 : f32
    %broadcast_in_dim3A_1181 = vector.broadcast %broadcast_in_dim3A_1180 : f32 to vector<16xf32>
    %swap3A_1182 = arith.constant 24 : i32
    %swap3A_1183 = arith.index_cast %swap3A_1182 : i32 to index
    %swap3A_1184 = arith.constant 80 : index
    %swap3A_1185 = tpu.vector_load %arg13[%swap3A_1183, %swap3A_1184] {strides = array<i32>} : memref<32x128xf32, #tpu.memory_space<vmem>>, vector<16xf32>,
    tpu.vector_store %arg13[%swap3A_1183, %swap3A_1184], %broadcast_in_dim3A_1181 {strides = array<i32>} : memref<32x128xf32, #tpu.memory_space<vmem>>, vector<16xf32>,
    %broadcast_in_dim3A_1186 = arith.constant 0.000000e+00 : f32
    %broadcast_in_dim3A_1187 = vector.broadcast %broadcast_in_dim3A_1186 : f32 to vector<16xf32>
    %swap3A_1188 = arith.constant 24 : i32
    %swap3A_1189 = arith.index_cast %swap3A_1188 : i32 to index
    %swap3A_1190 = arith.constant 96 : index
    %swap3A_1191 = tpu.vector_load %arg13[%swap3A_1189, %swap3A_1190] {strides = array<i32>} : memref<32x128xf32, #tpu.memory_space<vmem>>, vector<16xf32>,
    tpu.vector_store %arg13[%swap3A_1189, %swap3A_1190], %broadcast_in_dim3A_1187 {strides = array<i32>} : memref<32x128xf32, #tpu.memory_space<vmem>>, vector<16xf32>,
    %broadcast_in_dim3A_1192 = arith.constant 0.000000e+00 : f32
    %broadcast_in_dim3A_1193 = vector.broadcast %broadcast_in_dim3A_1192 : f32 to vector<16xf32>
    %swap3A_1194 = arith.constant 24 : i32
    %swap3A_1195 = arith.index_cast %swap3A_1194 : i32 to index
    %swap3A_1196 = arith.constant 112 : index
    %swap3A_1197 = tpu.vector_load %arg13[%swap3A_1195, %swap3A_1196] {strides = array<i32>} : memref<32x128xf32, #tpu.memory_space<vmem>>, vector<16xf32>,
    tpu.vector_store %arg13[%swap3A_1195, %swap3A_1196], %broadcast_in_dim3A_1193 {strides = array<i32>} : memref<32x128xf32, #tpu.memory_space<vmem>>, vector<16xf32>,
    %broadcast_in_dim3A_1198 = arith.constant 0.000000e+00 : f32
    %broadcast_in_dim3A_1199 = vector.broadcast %broadcast_in_dim3A_1198 : f32 to vector<16xf32>
    %swap3A_1200 = arith.constant 25 : i32
    %swap3A_1201 = arith.index_cast %swap3A_1200 : i32 to index
    %swap3A_1202 = arith.constant 0 : index
    %swap3A_1203 = tpu.vector_load %arg13[%swap3A_1201, %swap3A_1202] {strides = array<i32>} : memref<32x128xf32, #tpu.memory_space<vmem>>, vector<16xf32>,
    tpu.vector_store %arg13[%swap3A_1201, %swap3A_1202], %broadcast_in_dim3A_1199 {strides = array<i32>} : memref<32x128xf32, #tpu.memory_space<vmem>>, vector<16xf32>,
    %broadcast_in_dim3A_1204 = arith.constant 0.000000e+00 : f32
    %broadcast_in_dim3A_1205 = vector.broadcast %broadcast_in_dim3A_1204 : f32 to vector<16xf32>
    %swap3A_1206 = arith.constant 25 : i32
    %swap3A_1207 = arith.index_cast %swap3A_1206 : i32 to index
    %swap3A_1208 = arith.constant 16 : index
    %swap3A_1209 = tpu.vector_load %arg13[%swap3A_1207, %swap3A_1208] {strides = array<i32>} : memref<32x128xf32, #tpu.memory_space<vmem>>, vector<16xf32>,
    tpu.vector_store %arg13[%swap3A_1207, %swap3A_1208], %broadcast_in_dim3A_1205 {strides = array<i32>} : memref<32x128xf32, #tpu.memory_space<vmem>>, vector<16xf32>,
    %broadcast_in_dim3A_1210 = arith.constant 0.000000e+00 : f32
    %broadcast_in_dim3A_1211 = vector.broadcast %broadcast_in_dim3A_1210 : f32 to vector<16xf32>
    %swap3A_1212 = arith.constant 25 : i32
    %swap3A_1213 = arith.index_cast %swap3A_1212 : i32 to index
    %swap3A_1214 = arith.constant 32 : index
    %swap3A_1215 = tpu.vector_load %arg13[%swap3A_1213, %swap3A_1214] {strides = array<i32>} : memref<32x128xf32, #tpu.memory_space<vmem>>, vector<16xf32>,
    tpu.vector_store %arg13[%swap3A_1213, %swap3A_1214], %broadcast_in_dim3A_1211 {strides = array<i32>} : memref<32x128xf32, #tpu.memory_space<vmem>>, vector<16xf32>,
    %broadcast_in_dim3A_1216 = arith.constant 0.000000e+00 : f32
    %broadcast_in_dim3A_1217 = vector.broadcast %broadcast_in_dim3A_1216 : f32 to vector<16xf32>
    %swap3A_1218 = arith.constant 25 : i32
    %swap3A_1219 = arith.index_cast %swap3A_1218 : i32 to index
    %swap3A_1220 = arith.constant 48 : index
    %swap3A_1221 = tpu.vector_load %arg13[%swap3A_1219, %swap3A_1220] {strides = array<i32>} : memref<32x128xf32, #tpu.memory_space<vmem>>, vector<16xf32>,
    tpu.vector_store %arg13[%swap3A_1219, %swap3A_1220], %broadcast_in_dim3A_1217 {strides = array<i32>} : memref<32x128xf32, #tpu.memory_space<vmem>>, vector<16xf32>,
    %broadcast_in_dim3A_1222 = arith.constant 0.000000e+00 : f32
    %broadcast_in_dim3A_1223 = vector.broadcast %broadcast_in_dim3A_1222 : f32 to vector<16xf32>
    %swap3A_1224 = arith.constant 25 : i32
    %swap3A_1225 = arith.index_cast %swap3A_1224 : i32 to index
    %swap3A_1226 = arith.constant 64 : index
    %swap3A_1227 = tpu.vector_load %arg13[%swap3A_1225, %swap3A_1226] {strides = array<i32>} : memref<32x128xf32, #tpu.memory_space<vmem>>, vector<16xf32>,
    tpu.vector_store %arg13[%swap3A_1225, %swap3A_1226], %broadcast_in_dim3A_1223 {strides = array<i32>} : memref<32x128xf32, #tpu.memory_space<vmem>>, vector<16xf32>,
    %broadcast_in_dim3A_1228 = arith.constant 0.000000e+00 : f32
    %broadcast_in_dim3A_1229 = vector.broadcast %broadcast_in_dim3A_1228 : f32 to vector<16xf32>
    %swap3A_1230 = arith.constant 25 : i32
    %swap3A_1231 = arith.index_cast %swap3A_1230 : i32 to index
    %swap3A_1232 = arith.constant 80 : index
    %swap3A_1233 = tpu.vector_load %arg13[%swap3A_1231, %swap3A_1232] {strides = array<i32>} : memref<32x128xf32, #tpu.memory_space<vmem>>, vector<16xf32>,
    tpu.vector_store %arg13[%swap3A_1231, %swap3A_1232], %broadcast_in_dim3A_1229 {strides = array<i32>} : memref<32x128xf32, #tpu.memory_space<vmem>>, vector<16xf32>,
    %broadcast_in_dim3A_1234 = arith.constant 0.000000e+00 : f32
    %broadcast_in_dim3A_1235 = vector.broadcast %broadcast_in_dim3A_1234 : f32 to vector<16xf32>
    %swap3A_1236 = arith.constant 25 : i32
    %swap3A_1237 = arith.index_cast %swap3A_1236 : i32 to index
    %swap3A_1238 = arith.constant 96 : index
    %swap3A_1239 = tpu.vector_load %arg13[%swap3A_1237, %swap3A_1238] {strides = array<i32>} : memref<32x128xf32, #tpu.memory_space<vmem>>, vector<16xf32>,
    tpu.vector_store %arg13[%swap3A_1237, %swap3A_1238], %broadcast_in_dim3A_1235 {strides = array<i32>} : memref<32x128xf32, #tpu.memory_space<vmem>>, vector<16xf32>,
    %broadcast_in_dim3A_1240 = arith.constant 0.000000e+00 : f32
    %broadcast_in_dim3A_1241 = vector.broadcast %broadcast_in_dim3A_1240 : f32 to vector<16xf32>
    %swap3A_1242 = arith.constant 25 : i32
    %swap3A_1243 = arith.index_cast %swap3A_1242 : i32 to index
    %swap3A_1244 = arith.constant 112 : index
    %swap3A_1245 = tpu.vector_load %arg13[%swap3A_1243, %swap3A_1244] {strides = array<i32>} : memref<32x128xf32, #tpu.memory_space<vmem>>, vector<16xf32>,
    tpu.vector_store %arg13[%swap3A_1243, %swap3A_1244], %broadcast_in_dim3A_1241 {strides = array<i32>} : memref<32x128xf32, #tpu.memory_space<vmem>>, vector<16xf32>,
    %broadcast_in_dim3A_1246 = arith.constant 0.000000e+00 : f32
    %broadcast_in_dim3A_1247 = vector.broadcast %broadcast_in_dim3A_1246 : f32 to vector<16xf32>
    %swap3A_1248 = arith.constant 26 : i32
    %swap3A_1249 = arith.index_cast %swap3A_1248 : i32 to index
    %swap3A_1250 = arith.constant 0 : index
    %swap3A_1251 = tpu.vector_load %arg13[%swap3A_1249, %swap3A_1250] {strides = array<i32>} : memref<32x128xf32, #tpu.memory_space<vmem>>, vector<16xf32>,
    tpu.vector_store %arg13[%swap3A_1249, %swap3A_1250], %broadcast_in_dim3A_1247 {strides = array<i32>} : memref<32x128xf32, #tpu.memory_space<vmem>>, vector<16xf32>,
    %broadcast_in_dim3A_1252 = arith.constant 0.000000e+00 : f32
    %broadcast_in_dim3A_1253 = vector.broadcast %broadcast_in_dim3A_1252 : f32 to vector<16xf32>
    %swap3A_1254 = arith.constant 26 : i32
    %swap3A_1255 = arith.index_cast %swap3A_1254 : i32 to index
    %swap3A_1256 = arith.constant 16 : index
    %swap3A_1257 = tpu.vector_load %arg13[%swap3A_1255, %swap3A_1256] {strides = array<i32>} : memref<32x128xf32, #tpu.memory_space<vmem>>, vector<16xf32>,
    tpu.vector_store %arg13[%swap3A_1255, %swap3A_1256], %broadcast_in_dim3A_1253 {strides = array<i32>} : memref<32x128xf32, #tpu.memory_space<vmem>>, vector<16xf32>,
    %broadcast_in_dim3A_1258 = arith.constant 0.000000e+00 : f32
    %broadcast_in_dim3A_1259 = vector.broadcast %broadcast_in_dim3A_1258 : f32 to vector<16xf32>
    %swap3A_1260 = arith.constant 26 : i32
    %swap3A_1261 = arith.index_cast %swap3A_1260 : i32 to index
    %swap3A_1262 = arith.constant 32 : index
    %swap3A_1263 = tpu.vector_load %arg13[%swap3A_1261, %swap3A_1262] {strides = array<i32>} : memref<32x128xf32, #tpu.memory_space<vmem>>, vector<16xf32>,
    tpu.vector_store %arg13[%swap3A_1261, %swap3A_1262], %broadcast_in_dim3A_1259 {strides = array<i32>} : memref<32x128xf32, #tpu.memory_space<vmem>>, vector<16xf32>,
    %broadcast_in_dim3A_1264 = arith.constant 0.000000e+00 : f32
    %broadcast_in_dim3A_1265 = vector.broadcast %broadcast_in_dim3A_1264 : f32 to vector<16xf32>
    %swap3A_1266 = arith.constant 26 : i32
    %swap3A_1267 = arith.index_cast %swap3A_1266 : i32 to index
    %swap3A_1268 = arith.constant 48 : index
    %swap3A_1269 = tpu.vector_load %arg13[%swap3A_1267, %swap3A_1268] {strides = array<i32>} : memref<32x128xf32, #tpu.memory_space<vmem>>, vector<16xf32>,
    tpu.vector_store %arg13[%swap3A_1267, %swap3A_1268], %broadcast_in_dim3A_1265 {strides = array<i32>} : memref<32x128xf32, #tpu.memory_space<vmem>>, vector<16xf32>,
    %broadcast_in_dim3A_1270 = arith.constant 0.000000e+00 : f32
    %broadcast_in_dim3A_1271 = vector.broadcast %broadcast_in_dim3A_1270 : f32 to vector<16xf32>
    %swap3A_1272 = arith.constant 26 : i32
    %swap3A_1273 = arith.index_cast %swap3A_1272 : i32 to index
    %swap3A_1274 = arith.constant 64 : index
    %swap3A_1275 = tpu.vector_load %arg13[%swap3A_1273, %swap3A_1274] {strides = array<i32>} : memref<32x128xf32, #tpu.memory_space<vmem>>, vector<16xf32>,
    tpu.vector_store %arg13[%swap3A_1273, %swap3A_1274], %broadcast_in_dim3A_1271 {strides = array<i32>} : memref<32x128xf32, #tpu.memory_space<vmem>>, vector<16xf32>,
    %broadcast_in_dim3A_1276 = arith.constant 0.000000e+00 : f32
    %broadcast_in_dim3A_1277 = vector.broadcast %broadcast_in_dim3A_1276 : f32 to vector<16xf32>
    %swap3A_1278 = arith.constant 26 : i32
    %swap3A_1279 = arith.index_cast %swap3A_1278 : i32 to index
    %swap3A_1280 = arith.constant 80 : index
    %swap3A_1281 = tpu.vector_load %arg13[%swap3A_1279, %swap3A_1280] {strides = array<i32>} : memref<32x128xf32, #tpu.memory_space<vmem>>, vector<16xf32>,
    tpu.vector_store %arg13[%swap3A_1279, %swap3A_1280], %broadcast_in_dim3A_1277 {strides = array<i32>} : memref<32x128xf32, #tpu.memory_space<vmem>>, vector<16xf32>,
    %broadcast_in_dim3A_1282 = arith.constant 0.000000e+00 : f32
    %broadcast_in_dim3A_1283 = vector.broadcast %broadcast_in_dim3A_1282 : f32 to vector<16xf32>
    %swap3A_1284 = arith.constant 26 : i32
    %swap3A_1285 = arith.index_cast %swap3A_1284 : i32 to index
    %swap3A_1286 = arith.constant 96 : index
    %swap3A_1287 = tpu.vector_load %arg13[%swap3A_1285, %swap3A_1286] {strides = array<i32>} : memref<32x128xf32, #tpu.memory_space<vmem>>, vector<16xf32>,
    tpu.vector_store %arg13[%swap3A_1285, %swap3A_1286], %broadcast_in_dim3A_1283 {strides = array<i32>} : memref<32x128xf32, #tpu.memory_space<vmem>>, vector<16xf32>,
    %broadcast_in_dim3A_1288 = arith.constant 0.000000e+00 : f32
    %broadcast_in_dim3A_1289 = vector.broadcast %broadcast_in_dim3A_1288 : f32 to vector<16xf32>
    %swap3A_1290 = arith.constant 26 : i32
    %swap3A_1291 = arith.index_cast %swap3A_1290 : i32 to index
    %swap3A_1292 = arith.constant 112 : index
    %swap3A_1293 = tpu.vector_load %arg13[%swap3A_1291, %swap3A_1292] {strides = array<i32>} : memref<32x128xf32, #tpu.memory_space<vmem>>, vector<16xf32>,
    tpu.vector_store %arg13[%swap3A_1291, %swap3A_1292], %broadcast_in_dim3A_1289 {strides = array<i32>} : memref<32x128xf32, #tpu.memory_space<vmem>>, vector<16xf32>,
    %broadcast_in_dim3A_1294 = arith.constant 0.000000e+00 : f32
    %broadcast_in_dim3A_1295 = vector.broadcast %broadcast_in_dim3A_1294 : f32 to vector<16xf32>
    %swap3A_1296 = arith.constant 27 : i32
    %swap3A_1297 = arith.index_cast %swap3A_1296 : i32 to index
    %swap3A_1298 = arith.constant 0 : index
    %swap3A_1299 = tpu.vector_load %arg13[%swap3A_1297, %swap3A_1298] {strides = array<i32>} : memref<32x128xf32, #tpu.memory_space<vmem>>, vector<16xf32>,
    tpu.vector_store %arg13[%swap3A_1297, %swap3A_1298], %broadcast_in_dim3A_1295 {strides = array<i32>} : memref<32x128xf32, #tpu.memory_space<vmem>>, vector<16xf32>,
    %broadcast_in_dim3A_1300 = arith.constant 0.000000e+00 : f32
    %broadcast_in_dim3A_1301 = vector.broadcast %broadcast_in_dim3A_1300 : f32 to vector<16xf32>
    %swap3A_1302 = arith.constant 27 : i32
    %swap3A_1303 = arith.index_cast %swap3A_1302 : i32 to index
    %swap3A_1304 = arith.constant 16 : index
    %swap3A_1305 = tpu.vector_load %arg13[%swap3A_1303, %swap3A_1304] {strides = array<i32>} : memref<32x128xf32, #tpu.memory_space<vmem>>, vector<16xf32>,
    tpu.vector_store %arg13[%swap3A_1303, %swap3A_1304], %broadcast_in_dim3A_1301 {strides = array<i32>} : memref<32x128xf32, #tpu.memory_space<vmem>>, vector<16xf32>,
    %broadcast_in_dim3A_1306 = arith.constant 0.000000e+00 : f32
    %broadcast_in_dim3A_1307 = vector.broadcast %broadcast_in_dim3A_1306 : f32 to vector<16xf32>
    %swap3A_1308 = arith.constant 27 : i32
    %swap3A_1309 = arith.index_cast %swap3A_1308 : i32 to index
    %swap3A_1310 = arith.constant 32 : index
    %swap3A_1311 = tpu.vector_load %arg13[%swap3A_1309, %swap3A_1310] {strides = array<i32>} : memref<32x128xf32, #tpu.memory_space<vmem>>, vector<16xf32>,
    tpu.vector_store %arg13[%swap3A_1309, %swap3A_1310], %broadcast_in_dim3A_1307 {strides = array<i32>} : memref<32x128xf32, #tpu.memory_space<vmem>>, vector<16xf32>,
    %broadcast_in_dim3A_1312 = arith.constant 0.000000e+00 : f32
    %broadcast_in_dim3A_1313 = vector.broadcast %broadcast_in_dim3A_1312 : f32 to vector<16xf32>
    %swap3A_1314 = arith.constant 27 : i32
    %swap3A_1315 = arith.index_cast %swap3A_1314 : i32 to index
    %swap3A_1316 = arith.constant 48 : index
    %swap3A_1317 = tpu.vector_load %arg13[%swap3A_1315, %swap3A_1316] {strides = array<i32>} : memref<32x128xf32, #tpu.memory_space<vmem>>, vector<16xf32>,
    tpu.vector_store %arg13[%swap3A_1315, %swap3A_1316], %broadcast_in_dim3A_1313 {strides = array<i32>} : memref<32x128xf32, #tpu.memory_space<vmem>>, vector<16xf32>,
    %broadcast_in_dim3A_1318 = arith.constant 0.000000e+00 : f32
    %broadcast_in_dim3A_1319 = vector.broadcast %broadcast_in_dim3A_1318 : f32 to vector<16xf32>
    %swap3A_1320 = arith.constant 27 : i32
    %swap3A_1321 = arith.index_cast %swap3A_1320 : i32 to index
    %swap3A_1322 = arith.constant 64 : index
    %swap3A_1323 = tpu.vector_load %arg13[%swap3A_1321, %swap3A_1322] {strides = array<i32>} : memref<32x128xf32, #tpu.memory_space<vmem>>, vector<16xf32>,
    tpu.vector_store %arg13[%swap3A_1321, %swap3A_1322], %broadcast_in_dim3A_1319 {strides = array<i32>} : memref<32x128xf32, #tpu.memory_space<vmem>>, vector<16xf32>,
    %broadcast_in_dim3A_1324 = arith.constant 0.000000e+00 : f32
    %broadcast_in_dim3A_1325 = vector.broadcast %broadcast_in_dim3A_1324 : f32 to vector<16xf32>
    %swap3A_1326 = arith.constant 27 : i32
    %swap3A_1327 = arith.index_cast %swap3A_1326 : i32 to index
    %swap3A_1328 = arith.constant 80 : index
    %swap3A_1329 = tpu.vector_load %arg13[%swap3A_1327, %swap3A_1328] {strides = array<i32>} : memref<32x128xf32, #tpu.memory_space<vmem>>, vector<16xf32>,
    tpu.vector_store %arg13[%swap3A_1327, %swap3A_1328], %broadcast_in_dim3A_1325 {strides = array<i32>} : memref<32x128xf32, #tpu.memory_space<vmem>>, vector<16xf32>,
    %broadcast_in_dim3A_1330 = arith.constant 0.000000e+00 : f32
    %broadcast_in_dim3A_1331 = vector.broadcast %broadcast_in_dim3A_1330 : f32 to vector<16xf32>
    %swap3A_1332 = arith.constant 27 : i32
    %swap3A_1333 = arith.index_cast %swap3A_1332 : i32 to index
    %swap3A_1334 = arith.constant 96 : index
    %swap3A_1335 = tpu.vector_load %arg13[%swap3A_1333, %swap3A_1334] {strides = array<i32>} : memref<32x128xf32, #tpu.memory_space<vmem>>, vector<16xf32>,
    tpu.vector_store %arg13[%swap3A_1333, %swap3A_1334], %broadcast_in_dim3A_1331 {strides = array<i32>} : memref<32x128xf32, #tpu.memory_space<vmem>>, vector<16xf32>,
    %broadcast_in_dim3A_1336 = arith.constant 0.000000e+00 : f32
    %broadcast_in_dim3A_1337 = vector.broadcast %broadcast_in_dim3A_1336 : f32 to vector<16xf32>
    %swap3A_1338 = arith.constant 27 : i32
    %swap3A_1339 = arith.index_cast %swap3A_1338 : i32 to index
    %swap3A_1340 = arith.constant 112 : index
    %swap3A_1341 = tpu.vector_load %arg13[%swap3A_1339, %swap3A_1340] {strides = array<i32>} : memref<32x128xf32, #tpu.memory_space<vmem>>, vector<16xf32>,
    tpu.vector_store %arg13[%swap3A_1339, %swap3A_1340], %broadcast_in_dim3A_1337 {strides = array<i32>} : memref<32x128xf32, #tpu.memory_space<vmem>>, vector<16xf32>,
    %broadcast_in_dim3A_1342 = arith.constant 0.000000e+00 : f32
    %broadcast_in_dim3A_1343 = vector.broadcast %broadcast_in_dim3A_1342 : f32 to vector<16xf32>
    %swap3A_1344 = arith.constant 28 : i32
    %swap3A_1345 = arith.index_cast %swap3A_1344 : i32 to index
    %swap3A_1346 = arith.constant 0 : index
    %swap3A_1347 = tpu.vector_load %arg13[%swap3A_1345, %swap3A_1346] {strides = array<i32>} : memref<32x128xf32, #tpu.memory_space<vmem>>, vector<16xf32>,
    tpu.vector_store %arg13[%swap3A_1345, %swap3A_1346], %broadcast_in_dim3A_1343 {strides = array<i32>} : memref<32x128xf32, #tpu.memory_space<vmem>>, vector<16xf32>,
    %broadcast_in_dim3A_1348 = arith.constant 0.000000e+00 : f32
    %broadcast_in_dim3A_1349 = vector.broadcast %broadcast_in_dim3A_1348 : f32 to vector<16xf32>
    %swap3A_1350 = arith.constant 28 : i32
    %swap3A_1351 = arith.index_cast %swap3A_1350 : i32 to index
    %swap3A_1352 = arith.constant 16 : index
    %swap3A_1353 = tpu.vector_load %arg13[%swap3A_1351, %swap3A_1352] {strides = array<i32>} : memref<32x128xf32, #tpu.memory_space<vmem>>, vector<16xf32>,
    tpu.vector_store %arg13[%swap3A_1351, %swap3A_1352], %broadcast_in_dim3A_1349 {strides = array<i32>} : memref<32x128xf32, #tpu.memory_space<vmem>>, vector<16xf32>,
    %broadcast_in_dim3A_1354 = arith.constant 0.000000e+00 : f32
    %broadcast_in_dim3A_1355 = vector.broadcast %broadcast_in_dim3A_1354 : f32 to vector<16xf32>
    %swap3A_1356 = arith.constant 28 : i32
    %swap3A_1357 = arith.index_cast %swap3A_1356 : i32 to index
    %swap3A_1358 = arith.constant 32 : index
    %swap3A_1359 = tpu.vector_load %arg13[%swap3A_1357, %swap3A_1358] {strides = array<i32>} : memref<32x128xf32, #tpu.memory_space<vmem>>, vector<16xf32>,
    tpu.vector_store %arg13[%swap3A_1357, %swap3A_1358], %broadcast_in_dim3A_1355 {strides = array<i32>} : memref<32x128xf32, #tpu.memory_space<vmem>>, vector<16xf32>,
    %broadcast_in_dim3A_1360 = arith.constant 0.000000e+00 : f32
    %broadcast_in_dim3A_1361 = vector.broadcast %broadcast_in_dim3A_1360 : f32 to vector<16xf32>
    %swap3A_1362 = arith.constant 28 : i32
    %swap3A_1363 = arith.index_cast %swap3A_1362 : i32 to index
    %swap3A_1364 = arith.constant 48 : index
    %swap3A_1365 = tpu.vector_load %arg13[%swap3A_1363, %swap3A_1364] {strides = array<i32>} : memref<32x128xf32, #tpu.memory_space<vmem>>, vector<16xf32>,
    tpu.vector_store %arg13[%swap3A_1363, %swap3A_1364], %broadcast_in_dim3A_1361 {strides = array<i32>} : memref<32x128xf32, #tpu.memory_space<vmem>>, vector<16xf32>,
    %broadcast_in_dim3A_1366 = arith.constant 0.000000e+00 : f32
    %broadcast_in_dim3A_1367 = vector.broadcast %broadcast_in_dim3A_1366 : f32 to vector<16xf32>
    %swap3A_1368 = arith.constant 28 : i32
    %swap3A_1369 = arith.index_cast %swap3A_1368 : i32 to index
    %swap3A_1370 = arith.constant 64 : index
    %swap3A_1371 = tpu.vector_load %arg13[%swap3A_1369, %swap3A_1370] {strides = array<i32>} : memref<32x128xf32, #tpu.memory_space<vmem>>, vector<16xf32>,
    tpu.vector_store %arg13[%swap3A_1369, %swap3A_1370], %broadcast_in_dim3A_1367 {strides = array<i32>} : memref<32x128xf32, #tpu.memory_space<vmem>>, vector<16xf32>,
    %broadcast_in_dim3A_1372 = arith.constant 0.000000e+00 : f32
    %broadcast_in_dim3A_1373 = vector.broadcast %broadcast_in_dim3A_1372 : f32 to vector<16xf32>
    %swap3A_1374 = arith.constant 28 : i32
    %swap3A_1375 = arith.index_cast %swap3A_1374 : i32 to index
    %swap3A_1376 = arith.constant 80 : index
    %swap3A_1377 = tpu.vector_load %arg13[%swap3A_1375, %swap3A_1376] {strides = array<i32>} : memref<32x128xf32, #tpu.memory_space<vmem>>, vector<16xf32>,
    tpu.vector_store %arg13[%swap3A_1375, %swap3A_1376], %broadcast_in_dim3A_1373 {strides = array<i32>} : memref<32x128xf32, #tpu.memory_space<vmem>>, vector<16xf32>,
    %broadcast_in_dim3A_1378 = arith.constant 0.000000e+00 : f32
    %broadcast_in_dim3A_1379 = vector.broadcast %broadcast_in_dim3A_1378 : f32 to vector<16xf32>
    %swap3A_1380 = arith.constant 28 : i32
    %swap3A_1381 = arith.index_cast %swap3A_1380 : i32 to index
    %swap3A_1382 = arith.constant 96 : index
    %swap3A_1383 = tpu.vector_load %arg13[%swap3A_1381, %swap3A_1382] {strides = array<i32>} : memref<32x128xf32, #tpu.memory_space<vmem>>, vector<16xf32>,
    tpu.vector_store %arg13[%swap3A_1381, %swap3A_1382], %broadcast_in_dim3A_1379 {strides = array<i32>} : memref<32x128xf32, #tpu.memory_space<vmem>>, vector<16xf32>,
    %broadcast_in_dim3A_1384 = arith.constant 0.000000e+00 : f32
    %broadcast_in_dim3A_1385 = vector.broadcast %broadcast_in_dim3A_1384 : f32 to vector<16xf32>
    %swap3A_1386 = arith.constant 28 : i32
    %swap3A_1387 = arith.index_cast %swap3A_1386 : i32 to index
    %swap3A_1388 = arith.constant 112 : index
    %swap3A_1389 = tpu.vector_load %arg13[%swap3A_1387, %swap3A_1388] {strides = array<i32>} : memref<32x128xf32, #tpu.memory_space<vmem>>, vector<16xf32>,
    tpu.vector_store %arg13[%swap3A_1387, %swap3A_1388], %broadcast_in_dim3A_1385 {strides = array<i32>} : memref<32x128xf32, #tpu.memory_space<vmem>>, vector<16xf32>,
    %broadcast_in_dim3A_1390 = arith.constant 0.000000e+00 : f32
    %broadcast_in_dim3A_1391 = vector.broadcast %broadcast_in_dim3A_1390 : f32 to vector<16xf32>
    %swap3A_1392 = arith.constant 29 : i32
    %swap3A_1393 = arith.index_cast %swap3A_1392 : i32 to index
    %swap3A_1394 = arith.constant 0 : index
    %swap3A_1395 = tpu.vector_load %arg13[%swap3A_1393, %swap3A_1394] {strides = array<i32>} : memref<32x128xf32, #tpu.memory_space<vmem>>, vector<16xf32>,
    tpu.vector_store %arg13[%swap3A_1393, %swap3A_1394], %broadcast_in_dim3A_1391 {strides = array<i32>} : memref<32x128xf32, #tpu.memory_space<vmem>>, vector<16xf32>,
    %broadcast_in_dim3A_1396 = arith.constant 0.000000e+00 : f32
    %broadcast_in_dim3A_1397 = vector.broadcast %broadcast_in_dim3A_1396 : f32 to vector<16xf32>
    %swap3A_1398 = arith.constant 29 : i32
    %swap3A_1399 = arith.index_cast %swap3A_1398 : i32 to index
    %swap3A_1400 = arith.constant 16 : index
    %swap3A_1401 = tpu.vector_load %arg13[%swap3A_1399, %swap3A_1400] {strides = array<i32>} : memref<32x128xf32, #tpu.memory_space<vmem>>, vector<16xf32>,
    tpu.vector_store %arg13[%swap3A_1399, %swap3A_1400], %broadcast_in_dim3A_1397 {strides = array<i32>} : memref<32x128xf32, #tpu.memory_space<vmem>>, vector<16xf32>,
    %broadcast_in_dim3A_1402 = arith.constant 0.000000e+00 : f32
    %broadcast_in_dim3A_1403 = vector.broadcast %broadcast_in_dim3A_1402 : f32 to vector<16xf32>
    %swap3A_1404 = arith.constant 29 : i32
    %swap3A_1405 = arith.index_cast %swap3A_1404 : i32 to index
    %swap3A_1406 = arith.constant 32 : index
    %swap3A_1407 = tpu.vector_load %arg13[%swap3A_1405, %swap3A_1406] {strides = array<i32>} : memref<32x128xf32, #tpu.memory_space<vmem>>, vector<16xf32>,
    tpu.vector_store %arg13[%swap3A_1405, %swap3A_1406], %broadcast_in_dim3A_1403 {strides = array<i32>} : memref<32x128xf32, #tpu.memory_space<vmem>>, vector<16xf32>,
    %broadcast_in_dim3A_1408 = arith.constant 0.000000e+00 : f32
    %broadcast_in_dim3A_1409 = vector.broadcast %broadcast_in_dim3A_1408 : f32 to vector<16xf32>
    %swap3A_1410 = arith.constant 29 : i32
    %swap3A_1411 = arith.index_cast %swap3A_1410 : i32 to index
    %swap3A_1412 = arith.constant 48 : index
    %swap3A_1413 = tpu.vector_load %arg13[%swap3A_1411, %swap3A_1412] {strides = array<i32>} : memref<32x128xf32, #tpu.memory_space<vmem>>, vector<16xf32>,
    tpu.vector_store %arg13[%swap3A_1411, %swap3A_1412], %broadcast_in_dim3A_1409 {strides = array<i32>} : memref<32x128xf32, #tpu.memory_space<vmem>>, vector<16xf32>,
    %broadcast_in_dim3A_1414 = arith.constant 0.000000e+00 : f32
    %broadcast_in_dim3A_1415 = vector.broadcast %broadcast_in_dim3A_1414 : f32 to vector<16xf32>
    %swap3A_1416 = arith.constant 29 : i32
    %swap3A_1417 = arith.index_cast %swap3A_1416 : i32 to index
    %swap3A_1418 = arith.constant 64 : index
    %swap3A_1419 = tpu.vector_load %arg13[%swap3A_1417, %swap3A_1418] {strides = array<i32>} : memref<32x128xf32, #tpu.memory_space<vmem>>, vector<16xf32>,
    tpu.vector_store %arg13[%swap3A_1417, %swap3A_1418], %broadcast_in_dim3A_1415 {strides = array<i32>} : memref<32x128xf32, #tpu.memory_space<vmem>>, vector<16xf32>,
    %broadcast_in_dim3A_1420 = arith.constant 0.000000e+00 : f32
    %broadcast_in_dim3A_1421 = vector.broadcast %broadcast_in_dim3A_1420 : f32 to vector<16xf32>
    %swap3A_1422 = arith.constant 29 : i32
    %swap3A_1423 = arith.index_cast %swap3A_1422 : i32 to index
    %swap3A_1424 = arith.constant 80 : index
    %swap3A_1425 = tpu.vector_load %arg13[%swap3A_1423, %swap3A_1424] {strides = array<i32>} : memref<32x128xf32, #tpu.memory_space<vmem>>, vector<16xf32>,
    tpu.vector_store %arg13[%swap3A_1423, %swap3A_1424], %broadcast_in_dim3A_1421 {strides = array<i32>} : memref<32x128xf32, #tpu.memory_space<vmem>>, vector<16xf32>,
    %broadcast_in_dim3A_1426 = arith.constant 0.000000e+00 : f32
    %broadcast_in_dim3A_1427 = vector.broadcast %broadcast_in_dim3A_1426 : f32 to vector<16xf32>
    %swap3A_1428 = arith.constant 29 : i32
    %swap3A_1429 = arith.index_cast %swap3A_1428 : i32 to index
    %swap3A_1430 = arith.constant 96 : index
    %swap3A_1431 = tpu.vector_load %arg13[%swap3A_1429, %swap3A_1430] {strides = array<i32>} : memref<32x128xf32, #tpu.memory_space<vmem>>, vector<16xf32>,
    tpu.vector_store %arg13[%swap3A_1429, %swap3A_1430], %broadcast_in_dim3A_1427 {strides = array<i32>} : memref<32x128xf32, #tpu.memory_space<vmem>>, vector<16xf32>,
    %broadcast_in_dim3A_1432 = arith.constant 0.000000e+00 : f32
    %broadcast_in_dim3A_1433 = vector.broadcast %broadcast_in_dim3A_1432 : f32 to vector<16xf32>
    %swap3A_1434 = arith.constant 29 : i32
    %swap3A_1435 = arith.index_cast %swap3A_1434 : i32 to index
    %swap3A_1436 = arith.constant 112 : index
    %swap3A_1437 = tpu.vector_load %arg13[%swap3A_1435, %swap3A_1436] {strides = array<i32>} : memref<32x128xf32, #tpu.memory_space<vmem>>, vector<16xf32>,
    tpu.vector_store %arg13[%swap3A_1435, %swap3A_1436], %broadcast_in_dim3A_1433 {strides = array<i32>} : memref<32x128xf32, #tpu.memory_space<vmem>>, vector<16xf32>,
    %broadcast_in_dim3A_1438 = arith.constant 0.000000e+00 : f32
    %broadcast_in_dim3A_1439 = vector.broadcast %broadcast_in_dim3A_1438 : f32 to vector<16xf32>
    %swap3A_1440 = arith.constant 30 : i32
    %swap3A_1441 = arith.index_cast %swap3A_1440 : i32 to index
    %swap3A_1442 = arith.constant 0 : index
    %swap3A_1443 = tpu.vector_load %arg13[%swap3A_1441, %swap3A_1442] {strides = array<i32>} : memref<32x128xf32, #tpu.memory_space<vmem>>, vector<16xf32>,
    tpu.vector_store %arg13[%swap3A_1441, %swap3A_1442], %broadcast_in_dim3A_1439 {strides = array<i32>} : memref<32x128xf32, #tpu.memory_space<vmem>>, vector<16xf32>,
    %broadcast_in_dim3A_1444 = arith.constant 0.000000e+00 : f32
    %broadcast_in_dim3A_1445 = vector.broadcast %broadcast_in_dim3A_1444 : f32 to vector<16xf32>
    %swap3A_1446 = arith.constant 30 : i32
    %swap3A_1447 = arith.index_cast %swap3A_1446 : i32 to index
    %swap3A_1448 = arith.constant 16 : index
    %swap3A_1449 = tpu.vector_load %arg13[%swap3A_1447, %swap3A_1448] {strides = array<i32>} : memref<32x128xf32, #tpu.memory_space<vmem>>, vector<16xf32>,
    tpu.vector_store %arg13[%swap3A_1447, %swap3A_1448], %broadcast_in_dim3A_1445 {strides = array<i32>} : memref<32x128xf32, #tpu.memory_space<vmem>>, vector<16xf32>,
    %broadcast_in_dim3A_1450 = arith.constant 0.000000e+00 : f32
    %broadcast_in_dim3A_1451 = vector.broadcast %broadcast_in_dim3A_1450 : f32 to vector<16xf32>
    %swap3A_1452 = arith.constant 30 : i32
    %swap3A_1453 = arith.index_cast %swap3A_1452 : i32 to index
    %swap3A_1454 = arith.constant 32 : index
    %swap3A_1455 = tpu.vector_load %arg13[%swap3A_1453, %swap3A_1454] {strides = array<i32>} : memref<32x128xf32, #tpu.memory_space<vmem>>, vector<16xf32>,
    tpu.vector_store %arg13[%swap3A_1453, %swap3A_1454], %broadcast_in_dim3A_1451 {strides = array<i32>} : memref<32x128xf32, #tpu.memory_space<vmem>>, vector<16xf32>,
    %broadcast_in_dim3A_1456 = arith.constant 0.000000e+00 : f32
    %broadcast_in_dim3A_1457 = vector.broadcast %broadcast_in_dim3A_1456 : f32 to vector<16xf32>
    %swap3A_1458 = arith.constant 30 : i32
    %swap3A_1459 = arith.index_cast %swap3A_1458 : i32 to index
    %swap3A_1460 = arith.constant 48 : index
    %swap3A_1461 = tpu.vector_load %arg13[%swap3A_1459, %swap3A_1460] {strides = array<i32>} : memref<32x128xf32, #tpu.memory_space<vmem>>, vector<16xf32>,
    tpu.vector_store %arg13[%swap3A_1459, %swap3A_1460], %broadcast_in_dim3A_1457 {strides = array<i32>} : memref<32x128xf32, #tpu.memory_space<vmem>>, vector<16xf32>,
    %broadcast_in_dim3A_1462 = arith.constant 0.000000e+00 : f32
    %broadcast_in_dim3A_1463 = vector.broadcast %broadcast_in_dim3A_1462 : f32 to vector<16xf32>
    %swap3A_1464 = arith.constant 30 : i32
    %swap3A_1465 = arith.index_cast %swap3A_1464 : i32 to index
    %swap3A_1466 = arith.constant 64 : index
    %swap3A_1467 = tpu.vector_load %arg13[%swap3A_1465, %swap3A_1466] {strides = array<i32>} : memref<32x128xf32, #tpu.memory_space<vmem>>, vector<16xf32>,
    tpu.vector_store %arg13[%swap3A_1465, %swap3A_1466], %broadcast_in_dim3A_1463 {strides = array<i32>} : memref<32x128xf32, #tpu.memory_space<vmem>>, vector<16xf32>,
    %broadcast_in_dim3A_1468 = arith.constant 0.000000e+00 : f32
    %broadcast_in_dim3A_1469 = vector.broadcast %broadcast_in_dim3A_1468 : f32 to vector<16xf32>
    %swap3A_1470 = arith.constant 30 : i32
    %swap3A_1471 = arith.index_cast %swap3A_1470 : i32 to index
    %swap3A_1472 = arith.constant 80 : index
    %swap3A_1473 = tpu.vector_load %arg13[%swap3A_1471, %swap3A_1472] {strides = array<i32>} : memref<32x128xf32, #tpu.memory_space<vmem>>, vector<16xf32>,
    tpu.vector_store %arg13[%swap3A_1471, %swap3A_1472], %broadcast_in_dim3A_1469 {strides = array<i32>} : memref<32x128xf32, #tpu.memory_space<vmem>>, vector<16xf32>,
    %broadcast_in_dim3A_1474 = arith.constant 0.000000e+00 : f32
    %broadcast_in_dim3A_1475 = vector.broadcast %broadcast_in_dim3A_1474 : f32 to vector<16xf32>
    %swap3A_1476 = arith.constant 30 : i32
    %swap3A_1477 = arith.index_cast %swap3A_1476 : i32 to index
    %swap3A_1478 = arith.constant 96 : index
    %swap3A_1479 = tpu.vector_load %arg13[%swap3A_1477, %swap3A_1478] {strides = array<i32>} : memref<32x128xf32, #tpu.memory_space<vmem>>, vector<16xf32>,
    tpu.vector_store %arg13[%swap3A_1477, %swap3A_1478], %broadcast_in_dim3A_1475 {strides = array<i32>} : memref<32x128xf32, #tpu.memory_space<vmem>>, vector<16xf32>,
    %broadcast_in_dim3A_1480 = arith.constant 0.000000e+00 : f32
    %broadcast_in_dim3A_1481 = vector.broadcast %broadcast_in_dim3A_1480 : f32 to vector<16xf32>
    %swap3A_1482 = arith.constant 30 : i32
    %swap3A_1483 = arith.index_cast %swap3A_1482 : i32 to index
    %swap3A_1484 = arith.constant 112 : index
    %swap3A_1485 = tpu.vector_load %arg13[%swap3A_1483, %swap3A_1484] {strides = array<i32>} : memref<32x128xf32, #tpu.memory_space<vmem>>, vector<16xf32>,
    tpu.vector_store %arg13[%swap3A_1483, %swap3A_1484], %broadcast_in_dim3A_1481 {strides = array<i32>} : memref<32x128xf32, #tpu.memory_space<vmem>>, vector<16xf32>,
    %broadcast_in_dim3A_1486 = arith.constant 0.000000e+00 : f32
    %broadcast_in_dim3A_1487 = vector.broadcast %broadcast_in_dim3A_1486 : f32 to vector<16xf32>
    %swap3A_1488 = arith.constant 31 : i32
    %swap3A_1489 = arith.index_cast %swap3A_1488 : i32 to index
    %swap3A_1490 = arith.constant 0 : index
    %swap3A_1491 = tpu.vector_load %arg13[%swap3A_1489, %swap3A_1490] {strides = array<i32>} : memref<32x128xf32, #tpu.memory_space<vmem>>, vector<16xf32>,
    tpu.vector_store %arg13[%swap3A_1489, %swap3A_1490], %broadcast_in_dim3A_1487 {strides = array<i32>} : memref<32x128xf32, #tpu.memory_space<vmem>>, vector<16xf32>,
    %broadcast_in_dim3A_1492 = arith.constant 0.000000e+00 : f32
    %broadcast_in_dim3A_1493 = vector.broadcast %broadcast_in_dim3A_1492 : f32 to vector<16xf32>
    %swap3A_1494 = arith.constant 31 : i32
    %swap3A_1495 = arith.index_cast %swap3A_1494 : i32 to index
    %swap3A_1496 = arith.constant 16 : index
    %swap3A_1497 = tpu.vector_load %arg13[%swap3A_1495, %swap3A_1496] {strides = array<i32>} : memref<32x128xf32, #tpu.memory_space<vmem>>, vector<16xf32>,
    tpu.vector_store %arg13[%swap3A_1495, %swap3A_1496], %broadcast_in_dim3A_1493 {strides = array<i32>} : memref<32x128xf32, #tpu.memory_space<vmem>>, vector<16xf32>,
    %broadcast_in_dim3A_1498 = arith.constant 0.000000e+00 : f32
    %broadcast_in_dim3A_1499 = vector.broadcast %broadcast_in_dim3A_1498 : f32 to vector<16xf32>
    %swap3A_1500 = arith.constant 31 : i32
    %swap3A_1501 = arith.index_cast %swap3A_1500 : i32 to index
    %swap3A_1502 = arith.constant 32 : index
    %swap3A_1503 = tpu.vector_load %arg13[%swap3A_1501, %swap3A_1502] {strides = array<i32>} : memref<32x128xf32, #tpu.memory_space<vmem>>, vector<16xf32>,
    tpu.vector_store %arg13[%swap3A_1501, %swap3A_1502], %broadcast_in_dim3A_1499 {strides = array<i32>} : memref<32x128xf32, #tpu.memory_space<vmem>>, vector<16xf32>,
    %broadcast_in_dim3A_1504 = arith.constant 0.000000e+00 : f32
    %broadcast_in_dim3A_1505 = vector.broadcast %broadcast_in_dim3A_1504 : f32 to vector<16xf32>
    %swap3A_1506 = arith.constant 31 : i32
    %swap3A_1507 = arith.index_cast %swap3A_1506 : i32 to index
    %swap3A_1508 = arith.constant 48 : index
    %swap3A_1509 = tpu.vector_load %arg13[%swap3A_1507, %swap3A_1508] {strides = array<i32>} : memref<32x128xf32, #tpu.memory_space<vmem>>, vector<16xf32>,
    tpu.vector_store %arg13[%swap3A_1507, %swap3A_1508], %broadcast_in_dim3A_1505 {strides = array<i32>} : memref<32x128xf32, #tpu.memory_space<vmem>>, vector<16xf32>,
    %broadcast_in_dim3A_1510 = arith.constant 0.000000e+00 : f32
    %broadcast_in_dim3A_1511 = vector.broadcast %broadcast_in_dim3A_1510 : f32 to vector<16xf32>
    %swap3A_1512 = arith.constant 31 : i32
    %swap3A_1513 = arith.index_cast %swap3A_1512 : i32 to index
    %swap3A_1514 = arith.constant 64 : index
    %swap3A_1515 = tpu.vector_load %arg13[%swap3A_1513, %swap3A_1514] {strides = array<i32>} : memref<32x128xf32, #tpu.memory_space<vmem>>, vector<16xf32>,
    tpu.vector_store %arg13[%swap3A_1513, %swap3A_1514], %broadcast_in_dim3A_1511 {strides = array<i32>} : memref<32x128xf32, #tpu.memory_space<vmem>>, vector<16xf32>,
    %broadcast_in_dim3A_1516 = arith.constant 0.000000e+00 : f32
    %broadcast_in_dim3A_1517 = vector.broadcast %broadcast_in_dim3A_1516 : f32 to vector<16xf32>
    %swap3A_1518 = arith.constant 31 : i32
    %swap3A_1519 = arith.index_cast %swap3A_1518 : i32 to index
    %swap3A_1520 = arith.constant 80 : index
    %swap3A_1521 = tpu.vector_load %arg13[%swap3A_1519, %swap3A_1520] {strides = array<i32>} : memref<32x128xf32, #tpu.memory_space<vmem>>, vector<16xf32>,
    tpu.vector_store %arg13[%swap3A_1519, %swap3A_1520], %broadcast_in_dim3A_1517 {strides = array<i32>} : memref<32x128xf32, #tpu.memory_space<vmem>>, vector<16xf32>,
    %broadcast_in_dim3A_1522 = arith.constant 0.000000e+00 : f32
    %broadcast_in_dim3A_1523 = vector.broadcast %broadcast_in_dim3A_1522 : f32 to vector<16xf32>
    %swap3A_1524 = arith.constant 31 : i32
    %swap3A_1525 = arith.index_cast %swap3A_1524 : i32 to index
    %swap3A_1526 = arith.constant 96 : index
    %swap3A_1527 = tpu.vector_load %arg13[%swap3A_1525, %swap3A_1526] {strides = array<i32>} : memref<32x128xf32, #tpu.memory_space<vmem>>, vector<16xf32>,
    tpu.vector_store %arg13[%swap3A_1525, %swap3A_1526], %broadcast_in_dim3A_1523 {strides = array<i32>} : memref<32x128xf32, #tpu.memory_space<vmem>>, vector<16xf32>,
    %broadcast_in_dim3A_1528 = arith.constant 0.000000e+00 : f32
    %broadcast_in_dim3A_1529 = vector.broadcast %broadcast_in_dim3A_1528 : f32 to vector<16xf32>
    %swap3A_1530 = arith.constant 31 : i32
    %swap3A_1531 = arith.index_cast %swap3A_1530 : i32 to index
    %swap3A_1532 = arith.constant 112 : index
    %swap3A_1533 = tpu.vector_load %arg13[%swap3A_1531, %swap3A_1532] {strides = array<i32>} : memref<32x128xf32, #tpu.memory_space<vmem>>, vector<16xf32>,
    tpu.vector_store %arg13[%swap3A_1531, %swap3A_1532], %broadcast_in_dim3A_1529 {strides = array<i32>} : memref<32x128xf32, #tpu.memory_space<vmem>>, vector<16xf32>,
    %scan3A = arith.constant 0 : i32
    %scan3A_1534 = arith.constant 0 : i32
    %scan3A_1535 = arith.constant 16 : i32
    %scan3A_1536 = arith.addi %scan3A_1534, %scan3A_1535 : i32
    %scan3A_1537 = arith.constant 1 : i32
    scf.for %scan3A_1539 = %scan3A_1534 to %scan3A_1536 step %scan3A_1537  : i32 {
      %mul3A = arith.constant 16 : i32
      %mul3A_1540 = arith.muli %arg0, %mul3A : i32
      %add3A = arith.addi %mul3A_1540, %scan3A_1539 : i32
      %mul3A_1541 = arith.constant 8192 : i32
      %mul3A_1542 = arith.muli %add3A, %mul3A_1541 : i32
      %mul3A_1543 = arith.constant 520 : i32
      %mul3A_1544 = arith.muli %arg1, %mul3A_1543 : i32
      %add3A_1545 = arith.constant 0 : i32
      %add3A_1546 = arith.addi %mul3A_1544, %add3A_1545 : i32
      %dma_start3A = arith.constant 0 : i32
      %dma_start3A_1547 = tpu.memref_slice %arg15[%add3A_1546, %dma_start3A] : memref<8320x128xf32, #tpu.memory_space<vmem_shared>> -> memref<32x128xf32, #tpu.memory_space<vmem_shared>>
      %dma_start3A_1548 = arith.constant 0 : i32
      %dma_start3A_1549 = tpu.memref_slice %arg15[%add3A_1546, %dma_start3A_1548] : memref<8320x128xf32, #tpu.memory_space<vmem_shared>> -> memref<32x128xf32, #tpu.memory_space<vmem_shared>>
      tpu.enqueue_dma source(%arg13 : memref<32x128xf32, #tpu.memory_space<vmem>>) target(%dma_start3A_1549 : memref<32x128xf32, #tpu.memory_space<vmem_shared>>) target_semaphore(%arg18 : memref<!tpu.dma_semaphore, #tpu.memory_space<semaphore_mem>>)
      %mul3A_1550 = arith.constant 520 : i32
      %mul3A_1551 = arith.muli %arg1, %mul3A_1550 : i32
      %add3A_1552 = arith.constant 32 : i32
      %add3A_1553 = arith.addi %mul3A_1551, %add3A_1552 : i32
      %dma_start3A_1554 = arith.constant 0 : i32
      %dma_start3A_1555 = tpu.memref_slice %arg15[%add3A_1553, %dma_start3A_1554] : memref<8320x128xf32, #tpu.memory_space<vmem_shared>> -> memref<32x128xf32, #tpu.memory_space<vmem_shared>>
      %dma_start3A_1556 = arith.constant 0 : i32
      %dma_start3A_1557 = tpu.memref_slice %arg15[%add3A_1553, %dma_start3A_1556] : memref<8320x128xf32, #tpu.memory_space<vmem_shared>> -> memref<32x128xf32, #tpu.memory_space<vmem_shared>>
      tpu.enqueue_dma source(%arg13 : memref<32x128xf32, #tpu.memory_space<vmem>>) target(%dma_start3A_1557 : memref<32x128xf32, #tpu.memory_space<vmem_shared>>) target_semaphore(%arg18 : memref<!tpu.dma_semaphore, #tpu.memory_space<semaphore_mem>>)
      %mul3A_1558 = arith.constant 520 : i32
      %mul3A_1559 = arith.muli %arg1, %mul3A_1558 : i32
      %add3A_1560 = arith.constant 64 : i32
      %add3A_1561 = arith.addi %mul3A_1559, %add3A_1560 : i32
      %dma_start3A_1562 = arith.constant 0 : i32
      %dma_start3A_1563 = tpu.memref_slice %arg15[%add3A_1561, %dma_start3A_1562] : memref<8320x128xf32, #tpu.memory_space<vmem_shared>> -> memref<32x128xf32, #tpu.memory_space<vmem_shared>>
      %dma_start3A_1564 = arith.constant 0 : i32
      %dma_start3A_1565 = tpu.memref_slice %arg15[%add3A_1561, %dma_start3A_1564] : memref<8320x128xf32, #tpu.memory_space<vmem_shared>> -> memref<32x128xf32, #tpu.memory_space<vmem_shared>>
      tpu.enqueue_dma source(%arg13 : memref<32x128xf32, #tpu.memory_space<vmem>>) target(%dma_start3A_1565 : memref<32x128xf32, #tpu.memory_space<vmem_shared>>) target_semaphore(%arg18 : memref<!tpu.dma_semaphore, #tpu.memory_space<semaphore_mem>>)
      %mul3A_1566 = arith.constant 520 : i32
      %mul3A_1567 = arith.muli %arg1, %mul3A_1566 : i32
      %add3A_1568 = arith.constant 96 : i32
      %add3A_1569 = arith.addi %mul3A_1567, %add3A_1568 : i32
      %dma_start3A_1570 = arith.constant 0 : i32
      %dma_start3A_1571 = tpu.memref_slice %arg15[%add3A_1569, %dma_start3A_1570] : memref<8320x128xf32, #tpu.memory_space<vmem_shared>> -> memref<32x128xf32, #tpu.memory_space<vmem_shared>>
      %dma_start3A_1572 = arith.constant 0 : i32
      %dma_start3A_1573 = tpu.memref_slice %arg15[%add3A_1569, %dma_start3A_1572] : memref<8320x128xf32, #tpu.memory_space<vmem_shared>> -> memref<32x128xf32, #tpu.memory_space<vmem_shared>>
      tpu.enqueue_dma source(%arg13 : memref<32x128xf32, #tpu.memory_space<vmem>>) target(%dma_start3A_1573 : memref<32x128xf32, #tpu.memory_space<vmem_shared>>) target_semaphore(%arg18 : memref<!tpu.dma_semaphore, #tpu.memory_space<semaphore_mem>>)
      %mul3A_1574 = arith.constant 520 : i32
      %mul3A_1575 = arith.muli %arg1, %mul3A_1574 : i32
      %add3A_1576 = arith.constant 128 : i32
      %add3A_1577 = arith.addi %mul3A_1575, %add3A_1576 : i32
      %dma_start3A_1578 = arith.constant 0 : i32
      %dma_start3A_1579 = tpu.memref_slice %arg15[%add3A_1577, %dma_start3A_1578] : memref<8320x128xf32, #tpu.memory_space<vmem_shared>> -> memref<32x128xf32, #tpu.memory_space<vmem_shared>>
      %dma_start3A_1580 = arith.constant 0 : i32
      %dma_start3A_1581 = tpu.memref_slice %arg15[%add3A_1577, %dma_start3A_1580] : memref<8320x128xf32, #tpu.memory_space<vmem_shared>> -> memref<32x128xf32, #tpu.memory_space<vmem_shared>>
      tpu.enqueue_dma source(%arg13 : memref<32x128xf32, #tpu.memory_space<vmem>>) target(%dma_start3A_1581 : memref<32x128xf32, #tpu.memory_space<vmem_shared>>) target_semaphore(%arg18 : memref<!tpu.dma_semaphore, #tpu.memory_space<semaphore_mem>>)
      %mul3A_1582 = arith.constant 520 : i32
      %mul3A_1583 = arith.muli %arg1, %mul3A_1582 : i32
      %add3A_1584 = arith.constant 160 : i32
      %add3A_1585 = arith.addi %mul3A_1583, %add3A_1584 : i32
      %dma_start3A_1586 = arith.constant 0 : i32
      %dma_start3A_1587 = tpu.memref_slice %arg15[%add3A_1585, %dma_start3A_1586] : memref<8320x128xf32, #tpu.memory_space<vmem_shared>> -> memref<32x128xf32, #tpu.memory_space<vmem_shared>>
      %dma_start3A_1588 = arith.constant 0 : i32
      %dma_start3A_1589 = tpu.memref_slice %arg15[%add3A_1585, %dma_start3A_1588] : memref<8320x128xf32, #tpu.memory_space<vmem_shared>> -> memref<32x128xf32, #tpu.memory_space<vmem_shared>>
      tpu.enqueue_dma source(%arg13 : memref<32x128xf32, #tpu.memory_space<vmem>>) target(%dma_start3A_1589 : memref<32x128xf32, #tpu.memory_space<vmem_shared>>) target_semaphore(%arg18 : memref<!tpu.dma_semaphore, #tpu.memory_space<semaphore_mem>>)
      %mul3A_1590 = arith.constant 520 : i32
      %mul3A_1591 = arith.muli %arg1, %mul3A_1590 : i32
      %add3A_1592 = arith.constant 192 : i32
      %add3A_1593 = arith.addi %mul3A_1591, %add3A_1592 : i32
      %dma_start3A_1594 = arith.constant 0 : i32
      %dma_start3A_1595 = tpu.memref_slice %arg15[%add3A_1593, %dma_start3A_1594] : memref<8320x128xf32, #tpu.memory_space<vmem_shared>> -> memref<32x128xf32, #tpu.memory_space<vmem_shared>>
      %dma_start3A_1596 = arith.constant 0 : i32
      %dma_start3A_1597 = tpu.memref_slice %arg15[%add3A_1593, %dma_start3A_1596] : memref<8320x128xf32, #tpu.memory_space<vmem_shared>> -> memref<32x128xf32, #tpu.memory_space<vmem_shared>>
      tpu.enqueue_dma source(%arg13 : memref<32x128xf32, #tpu.memory_space<vmem>>) target(%dma_start3A_1597 : memref<32x128xf32, #tpu.memory_space<vmem_shared>>) target_semaphore(%arg18 : memref<!tpu.dma_semaphore, #tpu.memory_space<semaphore_mem>>)
      %mul3A_1598 = arith.constant 520 : i32
      %mul3A_1599 = arith.muli %arg1, %mul3A_1598 : i32
      %add3A_1600 = arith.constant 224 : i32
      %add3A_1601 = arith.addi %mul3A_1599, %add3A_1600 : i32
      %dma_start3A_1602 = arith.constant 0 : i32
      %dma_start3A_1603 = tpu.memref_slice %arg15[%add3A_1601, %dma_start3A_1602] : memref<8320x128xf32, #tpu.memory_space<vmem_shared>> -> memref<32x128xf32, #tpu.memory_space<vmem_shared>>
      %dma_start3A_1604 = arith.constant 0 : i32
      %dma_start3A_1605 = tpu.memref_slice %arg15[%add3A_1601, %dma_start3A_1604] : memref<8320x128xf32, #tpu.memory_space<vmem_shared>> -> memref<32x128xf32, #tpu.memory_space<vmem_shared>>
      tpu.enqueue_dma source(%arg13 : memref<32x128xf32, #tpu.memory_space<vmem>>) target(%dma_start3A_1605 : memref<32x128xf32, #tpu.memory_space<vmem_shared>>) target_semaphore(%arg18 : memref<!tpu.dma_semaphore, #tpu.memory_space<semaphore_mem>>)
      %mul3A_1606 = arith.constant 520 : i32
      %mul3A_1607 = arith.muli %arg1, %mul3A_1606 : i32
      %add3A_1608 = arith.constant 256 : i32
      %add3A_1609 = arith.addi %mul3A_1607, %add3A_1608 : i32
      %dma_start3A_1610 = arith.constant 0 : i32
      %dma_start3A_1611 = tpu.memref_slice %arg15[%add3A_1609, %dma_start3A_1610] : memref<8320x128xf32, #tpu.memory_space<vmem_shared>> -> memref<32x128xf32, #tpu.memory_space<vmem_shared>>
      %dma_start3A_1612 = arith.constant 0 : i32
      %dma_start3A_1613 = tpu.memref_slice %arg15[%add3A_1609, %dma_start3A_1612] : memref<8320x128xf32, #tpu.memory_space<vmem_shared>> -> memref<32x128xf32, #tpu.memory_space<vmem_shared>>
      tpu.enqueue_dma source(%arg13 : memref<32x128xf32, #tpu.memory_space<vmem>>) target(%dma_start3A_1613 : memref<32x128xf32, #tpu.memory_space<vmem_shared>>) target_semaphore(%arg18 : memref<!tpu.dma_semaphore, #tpu.memory_space<semaphore_mem>>)
      %mul3A_1614 = arith.constant 520 : i32
      %mul3A_1615 = arith.muli %arg1, %mul3A_1614 : i32
      %add3A_1616 = arith.constant 288 : i32
      %add3A_1617 = arith.addi %mul3A_1615, %add3A_1616 : i32
      %dma_start3A_1618 = arith.constant 0 : i32
      %dma_start3A_1619 = tpu.memref_slice %arg15[%add3A_1617, %dma_start3A_1618] : memref<8320x128xf32, #tpu.memory_space<vmem_shared>> -> memref<32x128xf32, #tpu.memory_space<vmem_shared>>
      %dma_start3A_1620 = arith.constant 0 : i32
      %dma_start3A_1621 = tpu.memref_slice %arg15[%add3A_1617, %dma_start3A_1620] : memref<8320x128xf32, #tpu.memory_space<vmem_shared>> -> memref<32x128xf32, #tpu.memory_space<vmem_shared>>
      tpu.enqueue_dma source(%arg13 : memref<32x128xf32, #tpu.memory_space<vmem>>) target(%dma_start3A_1621 : memref<32x128xf32, #tpu.memory_space<vmem_shared>>) target_semaphore(%arg18 : memref<!tpu.dma_semaphore, #tpu.memory_space<semaphore_mem>>)
      %mul3A_1622 = arith.constant 520 : i32
      %mul3A_1623 = arith.muli %arg1, %mul3A_1622 : i32
      %add3A_1624 = arith.constant 320 : i32
      %add3A_1625 = arith.addi %mul3A_1623, %add3A_1624 : i32
      %dma_start3A_1626 = arith.constant 0 : i32
      %dma_start3A_1627 = tpu.memref_slice %arg15[%add3A_1625, %dma_start3A_1626] : memref<8320x128xf32, #tpu.memory_space<vmem_shared>> -> memref<32x128xf32, #tpu.memory_space<vmem_shared>>
      %dma_start3A_1628 = arith.constant 0 : i32
      %dma_start3A_1629 = tpu.memref_slice %arg15[%add3A_1625, %dma_start3A_1628] : memref<8320x128xf32, #tpu.memory_space<vmem_shared>> -> memref<32x128xf32, #tpu.memory_space<vmem_shared>>
      tpu.enqueue_dma source(%arg13 : memref<32x128xf32, #tpu.memory_space<vmem>>) target(%dma_start3A_1629 : memref<32x128xf32, #tpu.memory_space<vmem_shared>>) target_semaphore(%arg18 : memref<!tpu.dma_semaphore, #tpu.memory_space<semaphore_mem>>)
      %mul3A_1630 = arith.constant 520 : i32
      %mul3A_1631 = arith.muli %arg1, %mul3A_1630 : i32
      %add3A_1632 = arith.constant 352 : i32
      %add3A_1633 = arith.addi %mul3A_1631, %add3A_1632 : i32
      %dma_start3A_1634 = arith.constant 0 : i32
      %dma_start3A_1635 = tpu.memref_slice %arg15[%add3A_1633, %dma_start3A_1634] : memref<8320x128xf32, #tpu.memory_space<vmem_shared>> -> memref<32x128xf32, #tpu.memory_space<vmem_shared>>
      %dma_start3A_1636 = arith.constant 0 : i32
      %dma_start3A_1637 = tpu.memref_slice %arg15[%add3A_1633, %dma_start3A_1636] : memref<8320x128xf32, #tpu.memory_space<vmem_shared>> -> memref<32x128xf32, #tpu.memory_space<vmem_shared>>
      tpu.enqueue_dma source(%arg13 : memref<32x128xf32, #tpu.memory_space<vmem>>) target(%dma_start3A_1637 : memref<32x128xf32, #tpu.memory_space<vmem_shared>>) target_semaphore(%arg18 : memref<!tpu.dma_semaphore, #tpu.memory_space<semaphore_mem>>)
      %mul3A_1638 = arith.constant 520 : i32
      %mul3A_1639 = arith.muli %arg1, %mul3A_1638 : i32
      %add3A_1640 = arith.constant 384 : i32
      %add3A_1641 = arith.addi %mul3A_1639, %add3A_1640 : i32
      %dma_start3A_1642 = arith.constant 0 : i32
      %dma_start3A_1643 = tpu.memref_slice %arg15[%add3A_1641, %dma_start3A_1642] : memref<8320x128xf32, #tpu.memory_space<vmem_shared>> -> memref<32x128xf32, #tpu.memory_space<vmem_shared>>
      %dma_start3A_1644 = arith.constant 0 : i32
      %dma_start3A_1645 = tpu.memref_slice %arg15[%add3A_1641, %dma_start3A_1644] : memref<8320x128xf32, #tpu.memory_space<vmem_shared>> -> memref<32x128xf32, #tpu.memory_space<vmem_shared>>
      tpu.enqueue_dma source(%arg13 : memref<32x128xf32, #tpu.memory_space<vmem>>) target(%dma_start3A_1645 : memref<32x128xf32, #tpu.memory_space<vmem_shared>>) target_semaphore(%arg18 : memref<!tpu.dma_semaphore, #tpu.memory_space<semaphore_mem>>)
      %mul3A_1646 = arith.constant 520 : i32
      %mul3A_1647 = arith.muli %arg1, %mul3A_1646 : i32
      %add3A_1648 = arith.constant 416 : i32
      %add3A_1649 = arith.addi %mul3A_1647, %add3A_1648 : i32
      %dma_start3A_1650 = arith.constant 0 : i32
      %dma_start3A_1651 = tpu.memref_slice %arg15[%add3A_1649, %dma_start3A_1650] : memref<8320x128xf32, #tpu.memory_space<vmem_shared>> -> memref<32x128xf32, #tpu.memory_space<vmem_shared>>
      %dma_start3A_1652 = arith.constant 0 : i32
      %dma_start3A_1653 = tpu.memref_slice %arg15[%add3A_1649, %dma_start3A_1652] : memref<8320x128xf32, #tpu.memory_space<vmem_shared>> -> memref<32x128xf32, #tpu.memory_space<vmem_shared>>
      tpu.enqueue_dma source(%arg13 : memref<32x128xf32, #tpu.memory_space<vmem>>) target(%dma_start3A_1653 : memref<32x128xf32, #tpu.memory_space<vmem_shared>>) target_semaphore(%arg18 : memref<!tpu.dma_semaphore, #tpu.memory_space<semaphore_mem>>)
      %mul3A_1654 = arith.constant 520 : i32
      %mul3A_1655 = arith.muli %arg1, %mul3A_1654 : i32
      %add3A_1656 = arith.constant 448 : i32
      %add3A_1657 = arith.addi %mul3A_1655, %add3A_1656 : i32
      %dma_start3A_1658 = arith.constant 0 : i32
      %dma_start3A_1659 = tpu.memref_slice %arg15[%add3A_1657, %dma_start3A_1658] : memref<8320x128xf32, #tpu.memory_space<vmem_shared>> -> memref<32x128xf32, #tpu.memory_space<vmem_shared>>
      %dma_start3A_1660 = arith.constant 0 : i32
      %dma_start3A_1661 = tpu.memref_slice %arg15[%add3A_1657, %dma_start3A_1660] : memref<8320x128xf32, #tpu.memory_space<vmem_shared>> -> memref<32x128xf32, #tpu.memory_space<vmem_shared>>
      tpu.enqueue_dma source(%arg13 : memref<32x128xf32, #tpu.memory_space<vmem>>) target(%dma_start3A_1661 : memref<32x128xf32, #tpu.memory_space<vmem_shared>>) target_semaphore(%arg18 : memref<!tpu.dma_semaphore, #tpu.memory_space<semaphore_mem>>)
      %mul3A_1662 = arith.constant 520 : i32
      %mul3A_1663 = arith.muli %arg1, %mul3A_1662 : i32
      %add3A_1664 = arith.constant 480 : i32
      %add3A_1665 = arith.addi %mul3A_1663, %add3A_1664 : i32
      %dma_start3A_1666 = arith.constant 0 : i32
      %dma_start3A_1667 = tpu.memref_slice %arg15[%add3A_1665, %dma_start3A_1666] : memref<8320x128xf32, #tpu.memory_space<vmem_shared>> -> memref<32x128xf32, #tpu.memory_space<vmem_shared>>
      %dma_start3A_1668 = arith.constant 0 : i32
      %dma_start3A_1669 = tpu.memref_slice %arg15[%add3A_1665, %dma_start3A_1668] : memref<8320x128xf32, #tpu.memory_space<vmem_shared>> -> memref<32x128xf32, #tpu.memory_space<vmem_shared>>
      tpu.enqueue_dma source(%arg13 : memref<32x128xf32, #tpu.memory_space<vmem>>) target(%dma_start3A_1669 : memref<32x128xf32, #tpu.memory_space<vmem_shared>>) target_semaphore(%arg18 : memref<!tpu.dma_semaphore, #tpu.memory_space<semaphore_mem>>)
      %mul3A_1670 = arith.constant 520 : i32
      %mul3A_1671 = arith.muli %arg1, %mul3A_1670 : i32
      %add3A_1672 = arith.constant 512 : i32
      %add3A_1673 = arith.addi %mul3A_1671, %add3A_1672 : i32
      %dma_start3A_1674 = arith.constant 0 : i32
      %dma_start3A_1675 = arith.constant 0 : i32
      %dma_start3A_1676 = tpu.memref_slice %arg13[%dma_start3A_1674, %dma_start3A_1675] : memref<32x128xf32, #tpu.memory_space<vmem>> -> memref<8x128xf32, #tpu.memory_space<vmem>>
      %dma_start3A_1677 = arith.constant 0 : i32
      %dma_start3A_1678 = tpu.memref_slice %arg15[%add3A_1673, %dma_start3A_1677] : memref<8320x128xf32, #tpu.memory_space<vmem_shared>> -> memref<8x128xf32, #tpu.memory_space<vmem_shared>>
      %dma_start3A_1679 = arith.constant 0 : i32
      %dma_start3A_1680 = tpu.memref_slice %arg15[%add3A_1673, %dma_start3A_1679] : memref<8320x128xf32, #tpu.memory_space<vmem_shared>> -> memref<8x128xf32, #tpu.memory_space<vmem_shared>>
      %dma_start3A_1681 = arith.constant 0 : i32
      %dma_start3A_1682 = arith.constant 0 : i32
      %dma_start3A_1683 = tpu.memref_slice %arg13[%dma_start3A_1681, %dma_start3A_1682] : memref<32x128xf32, #tpu.memory_space<vmem>> -> memref<8x128xf32, #tpu.memory_space<vmem>>
      tpu.enqueue_dma source(%dma_start3A_1683 : memref<8x128xf32, #tpu.memory_space<vmem>>) target(%dma_start3A_1680 : memref<8x128xf32, #tpu.memory_space<vmem_shared>>) target_semaphore(%arg18 : memref<!tpu.dma_semaphore, #tpu.memory_space<semaphore_mem>>)
      %scan3A_1684 = arith.constant 0 : i32
      %scan3A_1685 = arith.constant 0 : i32
      %scan3A_1686 = arith.constant 2 : i32
      %scan3A_1687 = arith.addi %scan3A_1685, %scan3A_1686 : i32
      %scan3A_1688 = arith.constant 1 : i32
      %scan3A_1689 = scf.for %scan3A_2152 = %scan3A_1685 to %scan3A_1687 step %scan3A_1688 iter_args(%scan3A_2153 = %scan3A_1684) -> (i32)  : i32 {
        %mul3A_2154 = arith.constant 16384 : i32
        %mul3A_2155 = arith.muli %arg1, %mul3A_2154 : i32
        %mul3A_2156 = arith.constant 8192 : i32
        %mul3A_2157 = arith.muli %scan3A_2152, %mul3A_2156 : i32
        %add3A_2158 = arith.addi %mul3A_2155, %mul3A_2157 : i32
        "tpu.region"() ({
          %run_scoped3A = tpu.sem_alloc : memref<!tpu.dma_semaphore, #tpu.memory_space<semaphore_mem>>
          %dma_start3A_2165 = tpu.memref_slice %arg2[%add3A_2158] : memref<262144xi32, #tpu.memory_space<hbm>> -> memref<8192xi32, #tpu.memory_space<hbm>>
          %dma_start3A_2166 = tpu.memref_slice %arg2[%add3A_2158] : memref<262144xi32, #tpu.memory_space<hbm>> -> memref<8192xi32, #tpu.memory_space<hbm>>
          tpu.enqueue_dma source(%dma_start3A_2166 : memref<8192xi32, #tpu.memory_space<hbm>>) target(%arg6 : memref<8192xi32, #tpu.memory_space<vmem>>) target_semaphore(%run_scoped3A : memref<!tpu.dma_semaphore, #tpu.memory_space<semaphore_mem>>)
          %dma_wait3A_2167 = tpu.memref_slice %arg2[%add3A_2158] : memref<262144xi32, #tpu.memory_space<hbm>> -> memref<8192xi32, #tpu.memory_space<hbm>>
          %dma_wait3A_2168 = tpu.memref_slice %arg2[%add3A_2158] : memref<262144xi32, #tpu.memory_space<hbm>> -> memref<8192xi32, #tpu.memory_space<hbm>>
          tpu.wait_dma2 semaphore(%run_scoped3A : memref<!tpu.dma_semaphore, #tpu.memory_space<semaphore_mem>>) src(%dma_wait3A_2168 : memref<8192xi32, #tpu.memory_space<hbm>>) dst(%arg6 : memref<8192xi32, #tpu.memory_space<vmem>>)
          tpu.yield
        }) : () -> ()
        %scan3A_2159 = arith.constant 0 : i32
        %scan3A_2160 = arith.constant 512 : i32
        %scan3A_2161 = arith.addi %scan3A_2159, %scan3A_2160 : i32
        %scan3A_2162 = arith.constant 1 : i32
        %scan3A_2163 = scf.for %scan3A_2165 = %scan3A_2159 to %scan3A_2161 step %scan3A_2162 iter_args(%scan3A_2166 = %scan3A_2153) -> (i32)  : i32 {
          %mul3A_2167 = arith.constant 16 : i32
          %mul3A_2168 = arith.muli %scan3A_2165, %mul3A_2167 : i32
          %get3A_2169 = arith.index_cast %mul3A_2168 : i32 to index
          %get3A_2170 = tpu.vector_load %arg6[%get3A_2169] {strides = array<i32>} : memref<8192xi32, #tpu.memory_space<vmem>>, vector<16xi32>,
          %sub3A = vector.broadcast %mul3A_1542 : i32 to vector<16xi32>
          %sub3A_2171 = arith.subi %get3A_2170, %sub3A : vector<16xi32>
          %ge3A = arith.constant 0 : i32
          %ge3A_2172 = vector.broadcast %ge3A : i32 to vector<16xi32>
          %ge3A_2173 = arith.cmpi sge, %sub3A_2171, %ge3A_2172 : vector<16xi32>
          %lt3A_2174 = arith.constant 8192 : i32
          %lt3A_2175 = vector.broadcast %lt3A_2174 : i32 to vector<16xi32>
          %lt3A_2176 = arith.cmpi slt, %sub3A_2171, %lt3A_2175 : vector<16xi32>
          %and3A = arith.andi %ge3A_2173, %lt3A_2176 : vector<16xi1>
          %convert_element_type3A_2177 = arith.extui %and3A : vector<16xi1> to vector<16xi32>
          %reduce_sum3A = arith.constant true
          %reduce_sum3A_2178 = vector.broadcast %reduce_sum3A : i1 to vector<16xi1>
          %reduce_sum3A_2179 = tpu.scan <sum>, %convert_element_type3A_2177 masked %reduce_sum3A_2178 : vector<16xi32>, vector<16xi1> -> vector<16xi32>
          %reduce_sum3A_2180 = vector.extract %reduce_sum3A_2179[15] : i32 from vector<16xi32>
          %mul3A_2181 = arith.constant 16384 : i32
          %mul3A_2182 = arith.muli %arg1, %mul3A_2181 : i32
          %broadcast_in_dim3A_2183 = vector.broadcast %mul3A_2182 : i32 to vector<16xi32>
          %mul3A_2184 = arith.constant 8192 : i32
          %mul3A_2185 = arith.muli %scan3A_2152, %mul3A_2184 : i32
          %add3A_2186 = vector.broadcast %mul3A_2185 : i32 to vector<16xi32>
          %add3A_2187 = arith.addi %broadcast_in_dim3A_2183, %add3A_2186 : vector<16xi32>
          %mul3A_2188 = arith.constant 16 : i32
          %mul3A_2189 = arith.muli %scan3A_2165, %mul3A_2188 : i32
          %add3A_2190 = vector.broadcast %mul3A_2189 : i32 to vector<16xi32>
          %add3A_2191 = arith.addi %add3A_2187, %add3A_2190 : vector<16xi32>
          %iota3A_2192 = tpu.iota {dimensions = array<i32: 0>} : vector<16xi32>
          %add3A_2193 = arith.addi %add3A_2191, %iota3A_2192 : vector<16xi32>
          %swap3A_2194 = arith.index_cast %scan3A_2166 : i32 to index
          %swap3A_2195 = tpu.vector_load %arg7[%swap3A_2194] masked %and3A {strides = array<i32>} : memref<16512xi32, #tpu.memory_space<vmem>>, vector<16xi32>, vector<16xi1>
          tpu.vector_store %arg7[%swap3A_2194], %add3A_2193 masked %and3A {strides = array<i32>} : memref<16512xi32, #tpu.memory_space<vmem>>, vector<16xi32>, vector<16xi1>
          %swap3A_2196 = arith.index_cast %scan3A_2166 : i32 to index
          %swap3A_2197 = tpu.vector_load %arg8[%swap3A_2196] masked %and3A {strides = array<i32>} : memref<16512xi32, #tpu.memory_space<vmem>>, vector<16xi32>, vector<16xi1>
          tpu.vector_store %arg8[%swap3A_2196], %sub3A_2171 masked %and3A {strides = array<i32>} : memref<16512xi32, #tpu.memory_space<vmem>>, vector<16xi32>, vector<16xi1>
          %add3A_2198 = arith.addi %scan3A_2166, %reduce_sum3A_2180 : i32
          scf.yield %add3A_2198 : i32
        }
        %scan3A_2164 = arith.constant 512 : i32
        scf.yield %scan3A_2163 : i32
      }
      %scan3A_1690 = arith.constant 2 : i32
      %shift_right_arithmetic3A = arith.constant 6 : i32
      %shift_right_arithmetic3A_1691 = arith.shrsi %scan3A_1689, %shift_right_arithmetic3A : i32
      %shift_left3A = arith.constant 6 : i32
      %shift_left3A_1692 = arith.shli %shift_right_arithmetic3A_1691, %shift_left3A : i32
      %broadcast_in_dim3A_1693 = arith.constant 8192 : i32
      %broadcast_in_dim3A_1694 = vector.broadcast %broadcast_in_dim3A_1693 : i32 to vector<16xi32>
      %iota3A = tpu.iota {dimensions = array<i32: 0>} : vector<16xi32>
      %mul3A_1695 = arith.constant 8 : i32
      %mul3A_1696 = vector.broadcast %mul3A_1695 : i32 to vector<16xi32>
      %mul3A_1697 = arith.muli %iota3A, %mul3A_1696 : vector<16xi32>
      %add3A_1698 = arith.addi %broadcast_in_dim3A_1694, %mul3A_1697 : vector<16xi32>
      %add3A_1699 = arith.constant 0 : i32
      %add3A_1700 = arith.addi %shift_left3A_1692, %add3A_1699 : i32
      %add3A_1701 = arith.constant 0 : i32
      %add3A_1702 = arith.addi %shift_left3A_1692, %add3A_1701 : i32
      %iota3A_1703 = tpu.iota {dimensions = array<i32: 0>} : vector<16xi32>
      %add3A_1704 = vector.broadcast %add3A_1702 : i32 to vector<16xi32>
      %add3A_1705 = arith.addi %add3A_1704, %iota3A_1703 : vector<16xi32>
      %lt3A = vector.broadcast %scan3A_1689 : i32 to vector<16xi32>
      %lt3A_1706 = arith.cmpi slt, %add3A_1705, %lt3A : vector<16xi32>
      %get3A = arith.index_cast %add3A_1700 : i32 to index
      %get3A_1707 = tpu.vector_load %arg8[%get3A] {strides = array<i32>} : memref<16512xi32, #tpu.memory_space<vmem>>, vector<16xi32>,
      %select_n3A = arith.select %lt3A_1706, %get3A_1707, %add3A_1698 : vector<16xi1>, vector<16xi32>
      %swap3A_1708 = arith.index_cast %add3A_1700 : i32 to index
      %swap3A_1709 = tpu.vector_load %arg8[%swap3A_1708] {strides = array<i32>} : memref<16512xi32, #tpu.memory_space<vmem>>, vector<16xi32>,
      tpu.vector_store %arg8[%swap3A_1708], %select_n3A {strides = array<i32>} : memref<16512xi32, #tpu.memory_space<vmem>>, vector<16xi32>,
      %get3A_1710 = arith.index_cast %add3A_1700 : i32 to index
      %get3A_1711 = tpu.vector_load %arg7[%get3A_1710] {strides = array<i32>} : memref<16512xi32, #tpu.memory_space<vmem>>, vector<16xi32>,
      %jit3A = arith.constant 0 : i32
      %broadcast_in_dim3A_1712 = vector.broadcast %jit3A : i32 to vector<16xi32>
      %select_n3A_1713 = arith.select %lt3A_1706, %get3A_1711, %broadcast_in_dim3A_1712 : vector<16xi1>, vector<16xi32>
      %swap3A_1714 = arith.index_cast %add3A_1700 : i32 to index
      %swap3A_1715 = tpu.vector_load %arg7[%swap3A_1714] {strides = array<i32>} : memref<16512xi32, #tpu.memory_space<vmem>>, vector<16xi32>,
      tpu.vector_store %arg7[%swap3A_1714], %select_n3A_1713 {strides = array<i32>} : memref<16512xi32, #tpu.memory_space<vmem>>, vector<16xi32>,
      %add3A_1716 = arith.constant 16 : i32
      %add3A_1717 = arith.addi %shift_left3A_1692, %add3A_1716 : i32
      %add3A_1718 = arith.constant 16 : i32
      %add3A_1719 = arith.addi %shift_left3A_1692, %add3A_1718 : i32
      %iota3A_1720 = tpu.iota {dimensions = array<i32: 0>} : vector<16xi32>
      %add3A_1721 = vector.broadcast %add3A_1719 : i32 to vector<16xi32>
      %add3A_1722 = arith.addi %add3A_1721, %iota3A_1720 : vector<16xi32>
      %lt3A_1723 = vector.broadcast %scan3A_1689 : i32 to vector<16xi32>
      %lt3A_1724 = arith.cmpi slt, %add3A_1722, %lt3A_1723 : vector<16xi32>
      %get3A_1725 = arith.index_cast %add3A_1717 : i32 to index
      %get3A_1726 = tpu.vector_load %arg8[%get3A_1725] {strides = array<i32>} : memref<16512xi32, #tpu.memory_space<vmem>>, vector<16xi32>,
      %select_n3A_1727 = arith.select %lt3A_1724, %get3A_1726, %add3A_1698 : vector<16xi1>, vector<16xi32>
      %swap3A_1728 = arith.index_cast %add3A_1717 : i32 to index
      %swap3A_1729 = tpu.vector_load %arg8[%swap3A_1728] {strides = array<i32>} : memref<16512xi32, #tpu.memory_space<vmem>>, vector<16xi32>,
      tpu.vector_store %arg8[%swap3A_1728], %select_n3A_1727 {strides = array<i32>} : memref<16512xi32, #tpu.memory_space<vmem>>, vector<16xi32>,
      %get3A_1730 = arith.index_cast %add3A_1717 : i32 to index
      %get3A_1731 = tpu.vector_load %arg7[%get3A_1730] {strides = array<i32>} : memref<16512xi32, #tpu.memory_space<vmem>>, vector<16xi32>,
      %jit3A_1732 = arith.constant 0 : i32
      %broadcast_in_dim3A_1733 = vector.broadcast %jit3A_1732 : i32 to vector<16xi32>
      %select_n3A_1734 = arith.select %lt3A_1724, %get3A_1731, %broadcast_in_dim3A_1733 : vector<16xi1>, vector<16xi32>
      %swap3A_1735 = arith.index_cast %add3A_1717 : i32 to index
      %swap3A_1736 = tpu.vector_load %arg7[%swap3A_1735] {strides = array<i32>} : memref<16512xi32, #tpu.memory_space<vmem>>, vector<16xi32>,
      tpu.vector_store %arg7[%swap3A_1735], %select_n3A_1734 {strides = array<i32>} : memref<16512xi32, #tpu.memory_space<vmem>>, vector<16xi32>,
      %add3A_1737 = arith.constant 32 : i32
      %add3A_1738 = arith.addi %shift_left3A_1692, %add3A_1737 : i32
      %add3A_1739 = arith.constant 32 : i32
      %add3A_1740 = arith.addi %shift_left3A_1692, %add3A_1739 : i32
      %iota3A_1741 = tpu.iota {dimensions = array<i32: 0>} : vector<16xi32>
      %add3A_1742 = vector.broadcast %add3A_1740 : i32 to vector<16xi32>
      %add3A_1743 = arith.addi %add3A_1742, %iota3A_1741 : vector<16xi32>
      %lt3A_1744 = vector.broadcast %scan3A_1689 : i32 to vector<16xi32>
      %lt3A_1745 = arith.cmpi slt, %add3A_1743, %lt3A_1744 : vector<16xi32>
      %get3A_1746 = arith.index_cast %add3A_1738 : i32 to index
      %get3A_1747 = tpu.vector_load %arg8[%get3A_1746] {strides = array<i32>} : memref<16512xi32, #tpu.memory_space<vmem>>, vector<16xi32>,
      %select_n3A_1748 = arith.select %lt3A_1745, %get3A_1747, %add3A_1698 : vector<16xi1>, vector<16xi32>
      %swap3A_1749 = arith.index_cast %add3A_1738 : i32 to index
      %swap3A_1750 = tpu.vector_load %arg8[%swap3A_1749] {strides = array<i32>} : memref<16512xi32, #tpu.memory_space<vmem>>, vector<16xi32>,
      tpu.vector_store %arg8[%swap3A_1749], %select_n3A_1748 {strides = array<i32>} : memref<16512xi32, #tpu.memory_space<vmem>>, vector<16xi32>,
      %get3A_1751 = arith.index_cast %add3A_1738 : i32 to index
      %get3A_1752 = tpu.vector_load %arg7[%get3A_1751] {strides = array<i32>} : memref<16512xi32, #tpu.memory_space<vmem>>, vector<16xi32>,
      %jit3A_1753 = arith.constant 0 : i32
      %broadcast_in_dim3A_1754 = vector.broadcast %jit3A_1753 : i32 to vector<16xi32>
      %select_n3A_1755 = arith.select %lt3A_1745, %get3A_1752, %broadcast_in_dim3A_1754 : vector<16xi1>, vector<16xi32>
      %swap3A_1756 = arith.index_cast %add3A_1738 : i32 to index
      %swap3A_1757 = tpu.vector_load %arg7[%swap3A_1756] {strides = array<i32>} : memref<16512xi32, #tpu.memory_space<vmem>>, vector<16xi32>,
      tpu.vector_store %arg7[%swap3A_1756], %select_n3A_1755 {strides = array<i32>} : memref<16512xi32, #tpu.memory_space<vmem>>, vector<16xi32>,
      %add3A_1758 = arith.constant 48 : i32
      %add3A_1759 = arith.addi %shift_left3A_1692, %add3A_1758 : i32
      %add3A_1760 = arith.constant 48 : i32
      %add3A_1761 = arith.addi %shift_left3A_1692, %add3A_1760 : i32
      %iota3A_1762 = tpu.iota {dimensions = array<i32: 0>} : vector<16xi32>
      %add3A_1763 = vector.broadcast %add3A_1761 : i32 to vector<16xi32>
      %add3A_1764 = arith.addi %add3A_1763, %iota3A_1762 : vector<16xi32>
      %lt3A_1765 = vector.broadcast %scan3A_1689 : i32 to vector<16xi32>
      %lt3A_1766 = arith.cmpi slt, %add3A_1764, %lt3A_1765 : vector<16xi32>
      %get3A_1767 = arith.index_cast %add3A_1759 : i32 to index
      %get3A_1768 = tpu.vector_load %arg8[%get3A_1767] {strides = array<i32>} : memref<16512xi32, #tpu.memory_space<vmem>>, vector<16xi32>,
      %select_n3A_1769 = arith.select %lt3A_1766, %get3A_1768, %add3A_1698 : vector<16xi1>, vector<16xi32>
      %swap3A_1770 = arith.index_cast %add3A_1759 : i32 to index
      %swap3A_1771 = tpu.vector_load %arg8[%swap3A_1770] {strides = array<i32>} : memref<16512xi32, #tpu.memory_space<vmem>>, vector<16xi32>,
      tpu.vector_store %arg8[%swap3A_1770], %select_n3A_1769 {strides = array<i32>} : memref<16512xi32, #tpu.memory_space<vmem>>, vector<16xi32>,
      %get3A_1772 = arith.index_cast %add3A_1759 : i32 to index
      %get3A_1773 = tpu.vector_load %arg7[%get3A_1772] {strides = array<i32>} : memref<16512xi32, #tpu.memory_space<vmem>>, vector<16xi32>,
      %jit3A_1774 = arith.constant 0 : i32
      %broadcast_in_dim3A_1775 = vector.broadcast %jit3A_1774 : i32 to vector<16xi32>
      %select_n3A_1776 = arith.select %lt3A_1766, %get3A_1773, %broadcast_in_dim3A_1775 : vector<16xi1>, vector<16xi32>
      %swap3A_1777 = arith.index_cast %add3A_1759 : i32 to index
      %swap3A_1778 = tpu.vector_load %arg7[%swap3A_1777] {strides = array<i32>} : memref<16512xi32, #tpu.memory_space<vmem>>, vector<16xi32>,
      tpu.vector_store %arg7[%swap3A_1777], %select_n3A_1776 {strides = array<i32>} : memref<16512xi32, #tpu.memory_space<vmem>>, vector<16xi32>,
      %add3A_1779 = arith.constant 63 : i32
      %add3A_1780 = arith.addi %scan3A_1689, %add3A_1779 : i32
      %shift_right_arithmetic3A_1781 = arith.constant 6 : i32
      %shift_right_arithmetic3A_1782 = arith.shrsi %add3A_1780, %shift_right_arithmetic3A_1781 : i32
      %mul3A_1783 = arith.constant 520 : i32
      %mul3A_1784 = arith.muli %arg1, %mul3A_1783 : i32
      %add3A_1785 = arith.constant 0 : i32
      %add3A_1786 = arith.addi %mul3A_1784, %add3A_1785 : i32
      %dma_wait3A = arith.constant 0 : i32
      %dma_wait3A_1787 = tpu.memref_slice %arg15[%add3A_1786, %dma_wait3A] : memref<8320x128xf32, #tpu.memory_space<vmem_shared>> -> memref<32x128xf32, #tpu.memory_space<vmem_shared>>
      %dma_wait3A_1788 = arith.constant 0 : i32
      %dma_wait3A_1789 = tpu.memref_slice %arg15[%add3A_1786, %dma_wait3A_1788] : memref<8320x128xf32, #tpu.memory_space<vmem_shared>> -> memref<32x128xf32, #tpu.memory_space<vmem_shared>>
      tpu.wait_dma2 semaphore(%arg18 : memref<!tpu.dma_semaphore, #tpu.memory_space<semaphore_mem>>) src(%arg13 : memref<32x128xf32, #tpu.memory_space<vmem>>) dst(%dma_wait3A_1789 : memref<32x128xf32, #tpu.memory_space<vmem_shared>>)
      %mul3A_1790 = arith.constant 520 : i32
      %mul3A_1791 = arith.muli %arg1, %mul3A_1790 : i32
      %add3A_1792 = arith.constant 32 : i32
      %add3A_1793 = arith.addi %mul3A_1791, %add3A_1792 : i32
      %dma_wait3A_1794 = arith.constant 0 : i32
      %dma_wait3A_1795 = tpu.memref_slice %arg15[%add3A_1793, %dma_wait3A_1794] : memref<8320x128xf32, #tpu.memory_space<vmem_shared>> -> memref<32x128xf32, #tpu.memory_space<vmem_shared>>
      %dma_wait3A_1796 = arith.constant 0 : i32
      %dma_wait3A_1797 = tpu.memref_slice %arg15[%add3A_1793, %dma_wait3A_1796] : memref<8320x128xf32, #tpu.memory_space<vmem_shared>> -> memref<32x128xf32, #tpu.memory_space<vmem_shared>>
      tpu.wait_dma2 semaphore(%arg18 : memref<!tpu.dma_semaphore, #tpu.memory_space<semaphore_mem>>) src(%arg13 : memref<32x128xf32, #tpu.memory_space<vmem>>) dst(%dma_wait3A_1797 : memref<32x128xf32, #tpu.memory_space<vmem_shared>>)
      %mul3A_1798 = arith.constant 520 : i32
      %mul3A_1799 = arith.muli %arg1, %mul3A_1798 : i32
      %add3A_1800 = arith.constant 64 : i32
      %add3A_1801 = arith.addi %mul3A_1799, %add3A_1800 : i32
      %dma_wait3A_1802 = arith.constant 0 : i32
      %dma_wait3A_1803 = tpu.memref_slice %arg15[%add3A_1801, %dma_wait3A_1802] : memref<8320x128xf32, #tpu.memory_space<vmem_shared>> -> memref<32x128xf32, #tpu.memory_space<vmem_shared>>
      %dma_wait3A_1804 = arith.constant 0 : i32
      %dma_wait3A_1805 = tpu.memref_slice %arg15[%add3A_1801, %dma_wait3A_1804] : memref<8320x128xf32, #tpu.memory_space<vmem_shared>> -> memref<32x128xf32, #tpu.memory_space<vmem_shared>>
      tpu.wait_dma2 semaphore(%arg18 : memref<!tpu.dma_semaphore, #tpu.memory_space<semaphore_mem>>) src(%arg13 : memref<32x128xf32, #tpu.memory_space<vmem>>) dst(%dma_wait3A_1805 : memref<32x128xf32, #tpu.memory_space<vmem_shared>>)
      %mul3A_1806 = arith.constant 520 : i32
      %mul3A_1807 = arith.muli %arg1, %mul3A_1806 : i32
      %add3A_1808 = arith.constant 96 : i32
      %add3A_1809 = arith.addi %mul3A_1807, %add3A_1808 : i32
      %dma_wait3A_1810 = arith.constant 0 : i32
      %dma_wait3A_1811 = tpu.memref_slice %arg15[%add3A_1809, %dma_wait3A_1810] : memref<8320x128xf32, #tpu.memory_space<vmem_shared>> -> memref<32x128xf32, #tpu.memory_space<vmem_shared>>
      %dma_wait3A_1812 = arith.constant 0 : i32
      %dma_wait3A_1813 = tpu.memref_slice %arg15[%add3A_1809, %dma_wait3A_1812] : memref<8320x128xf32, #tpu.memory_space<vmem_shared>> -> memref<32x128xf32, #tpu.memory_space<vmem_shared>>
      tpu.wait_dma2 semaphore(%arg18 : memref<!tpu.dma_semaphore, #tpu.memory_space<semaphore_mem>>) src(%arg13 : memref<32x128xf32, #tpu.memory_space<vmem>>) dst(%dma_wait3A_1813 : memref<32x128xf32, #tpu.memory_space<vmem_shared>>)
      %mul3A_1814 = arith.constant 520 : i32
      %mul3A_1815 = arith.muli %arg1, %mul3A_1814 : i32
      %add3A_1816 = arith.constant 128 : i32
      %add3A_1817 = arith.addi %mul3A_1815, %add3A_1816 : i32
      %dma_wait3A_1818 = arith.constant 0 : i32
      %dma_wait3A_1819 = tpu.memref_slice %arg15[%add3A_1817, %dma_wait3A_1818] : memref<8320x128xf32, #tpu.memory_space<vmem_shared>> -> memref<32x128xf32, #tpu.memory_space<vmem_shared>>
      %dma_wait3A_1820 = arith.constant 0 : i32
      %dma_wait3A_1821 = tpu.memref_slice %arg15[%add3A_1817, %dma_wait3A_1820] : memref<8320x128xf32, #tpu.memory_space<vmem_shared>> -> memref<32x128xf32, #tpu.memory_space<vmem_shared>>
      tpu.wait_dma2 semaphore(%arg18 : memref<!tpu.dma_semaphore, #tpu.memory_space<semaphore_mem>>) src(%arg13 : memref<32x128xf32, #tpu.memory_space<vmem>>) dst(%dma_wait3A_1821 : memref<32x128xf32, #tpu.memory_space<vmem_shared>>)
      %mul3A_1822 = arith.constant 520 : i32
      %mul3A_1823 = arith.muli %arg1, %mul3A_1822 : i32
      %add3A_1824 = arith.constant 160 : i32
      %add3A_1825 = arith.addi %mul3A_1823, %add3A_1824 : i32
      %dma_wait3A_1826 = arith.constant 0 : i32
      %dma_wait3A_1827 = tpu.memref_slice %arg15[%add3A_1825, %dma_wait3A_1826] : memref<8320x128xf32, #tpu.memory_space<vmem_shared>> -> memref<32x128xf32, #tpu.memory_space<vmem_shared>>
      %dma_wait3A_1828 = arith.constant 0 : i32
      %dma_wait3A_1829 = tpu.memref_slice %arg15[%add3A_1825, %dma_wait3A_1828] : memref<8320x128xf32, #tpu.memory_space<vmem_shared>> -> memref<32x128xf32, #tpu.memory_space<vmem_shared>>
      tpu.wait_dma2 semaphore(%arg18 : memref<!tpu.dma_semaphore, #tpu.memory_space<semaphore_mem>>) src(%arg13 : memref<32x128xf32, #tpu.memory_space<vmem>>) dst(%dma_wait3A_1829 : memref<32x128xf32, #tpu.memory_space<vmem_shared>>)
      %mul3A_1830 = arith.constant 520 : i32
      %mul3A_1831 = arith.muli %arg1, %mul3A_1830 : i32
      %add3A_1832 = arith.constant 192 : i32
      %add3A_1833 = arith.addi %mul3A_1831, %add3A_1832 : i32
      %dma_wait3A_1834 = arith.constant 0 : i32
      %dma_wait3A_1835 = tpu.memref_slice %arg15[%add3A_1833, %dma_wait3A_1834] : memref<8320x128xf32, #tpu.memory_space<vmem_shared>> -> memref<32x128xf32, #tpu.memory_space<vmem_shared>>
      %dma_wait3A_1836 = arith.constant 0 : i32
      %dma_wait3A_1837 = tpu.memref_slice %arg15[%add3A_1833, %dma_wait3A_1836] : memref<8320x128xf32, #tpu.memory_space<vmem_shared>> -> memref<32x128xf32, #tpu.memory_space<vmem_shared>>
      tpu.wait_dma2 semaphore(%arg18 : memref<!tpu.dma_semaphore, #tpu.memory_space<semaphore_mem>>) src(%arg13 : memref<32x128xf32, #tpu.memory_space<vmem>>) dst(%dma_wait3A_1837 : memref<32x128xf32, #tpu.memory_space<vmem_shared>>)
      %mul3A_1838 = arith.constant 520 : i32
      %mul3A_1839 = arith.muli %arg1, %mul3A_1838 : i32
      %add3A_1840 = arith.constant 224 : i32
      %add3A_1841 = arith.addi %mul3A_1839, %add3A_1840 : i32
      %dma_wait3A_1842 = arith.constant 0 : i32
      %dma_wait3A_1843 = tpu.memref_slice %arg15[%add3A_1841, %dma_wait3A_1842] : memref<8320x128xf32, #tpu.memory_space<vmem_shared>> -> memref<32x128xf32, #tpu.memory_space<vmem_shared>>
      %dma_wait3A_1844 = arith.constant 0 : i32
      %dma_wait3A_1845 = tpu.memref_slice %arg15[%add3A_1841, %dma_wait3A_1844] : memref<8320x128xf32, #tpu.memory_space<vmem_shared>> -> memref<32x128xf32, #tpu.memory_space<vmem_shared>>
      tpu.wait_dma2 semaphore(%arg18 : memref<!tpu.dma_semaphore, #tpu.memory_space<semaphore_mem>>) src(%arg13 : memref<32x128xf32, #tpu.memory_space<vmem>>) dst(%dma_wait3A_1845 : memref<32x128xf32, #tpu.memory_space<vmem_shared>>)
      %mul3A_1846 = arith.constant 520 : i32
      %mul3A_1847 = arith.muli %arg1, %mul3A_1846 : i32
      %add3A_1848 = arith.constant 256 : i32
      %add3A_1849 = arith.addi %mul3A_1847, %add3A_1848 : i32
      %dma_wait3A_1850 = arith.constant 0 : i32
      %dma_wait3A_1851 = tpu.memref_slice %arg15[%add3A_1849, %dma_wait3A_1850] : memref<8320x128xf32, #tpu.memory_space<vmem_shared>> -> memref<32x128xf32, #tpu.memory_space<vmem_shared>>
      %dma_wait3A_1852 = arith.constant 0 : i32
      %dma_wait3A_1853 = tpu.memref_slice %arg15[%add3A_1849, %dma_wait3A_1852] : memref<8320x128xf32, #tpu.memory_space<vmem_shared>> -> memref<32x128xf32, #tpu.memory_space<vmem_shared>>
      tpu.wait_dma2 semaphore(%arg18 : memref<!tpu.dma_semaphore, #tpu.memory_space<semaphore_mem>>) src(%arg13 : memref<32x128xf32, #tpu.memory_space<vmem>>) dst(%dma_wait3A_1853 : memref<32x128xf32, #tpu.memory_space<vmem_shared>>)
      %mul3A_1854 = arith.constant 520 : i32
      %mul3A_1855 = arith.muli %arg1, %mul3A_1854 : i32
      %add3A_1856 = arith.constant 288 : i32
      %add3A_1857 = arith.addi %mul3A_1855, %add3A_1856 : i32
      %dma_wait3A_1858 = arith.constant 0 : i32
      %dma_wait3A_1859 = tpu.memref_slice %arg15[%add3A_1857, %dma_wait3A_1858] : memref<8320x128xf32, #tpu.memory_space<vmem_shared>> -> memref<32x128xf32, #tpu.memory_space<vmem_shared>>
      %dma_wait3A_1860 = arith.constant 0 : i32
      %dma_wait3A_1861 = tpu.memref_slice %arg15[%add3A_1857, %dma_wait3A_1860] : memref<8320x128xf32, #tpu.memory_space<vmem_shared>> -> memref<32x128xf32, #tpu.memory_space<vmem_shared>>
      tpu.wait_dma2 semaphore(%arg18 : memref<!tpu.dma_semaphore, #tpu.memory_space<semaphore_mem>>) src(%arg13 : memref<32x128xf32, #tpu.memory_space<vmem>>) dst(%dma_wait3A_1861 : memref<32x128xf32, #tpu.memory_space<vmem_shared>>)
      %mul3A_1862 = arith.constant 520 : i32
      %mul3A_1863 = arith.muli %arg1, %mul3A_1862 : i32
      %add3A_1864 = arith.constant 320 : i32
      %add3A_1865 = arith.addi %mul3A_1863, %add3A_1864 : i32
      %dma_wait3A_1866 = arith.constant 0 : i32
      %dma_wait3A_1867 = tpu.memref_slice %arg15[%add3A_1865, %dma_wait3A_1866] : memref<8320x128xf32, #tpu.memory_space<vmem_shared>> -> memref<32x128xf32, #tpu.memory_space<vmem_shared>>
      %dma_wait3A_1868 = arith.constant 0 : i32
      %dma_wait3A_1869 = tpu.memref_slice %arg15[%add3A_1865, %dma_wait3A_1868] : memref<8320x128xf32, #tpu.memory_space<vmem_shared>> -> memref<32x128xf32, #tpu.memory_space<vmem_shared>>
      tpu.wait_dma2 semaphore(%arg18 : memref<!tpu.dma_semaphore, #tpu.memory_space<semaphore_mem>>) src(%arg13 : memref<32x128xf32, #tpu.memory_space<vmem>>) dst(%dma_wait3A_1869 : memref<32x128xf32, #tpu.memory_space<vmem_shared>>)
      %mul3A_1870 = arith.constant 520 : i32
      %mul3A_1871 = arith.muli %arg1, %mul3A_1870 : i32
      %add3A_1872 = arith.constant 352 : i32
      %add3A_1873 = arith.addi %mul3A_1871, %add3A_1872 : i32
      %dma_wait3A_1874 = arith.constant 0 : i32
      %dma_wait3A_1875 = tpu.memref_slice %arg15[%add3A_1873, %dma_wait3A_1874] : memref<8320x128xf32, #tpu.memory_space<vmem_shared>> -> memref<32x128xf32, #tpu.memory_space<vmem_shared>>
      %dma_wait3A_1876 = arith.constant 0 : i32
      %dma_wait3A_1877 = tpu.memref_slice %arg15[%add3A_1873, %dma_wait3A_1876] : memref<8320x128xf32, #tpu.memory_space<vmem_shared>> -> memref<32x128xf32, #tpu.memory_space<vmem_shared>>
      tpu.wait_dma2 semaphore(%arg18 : memref<!tpu.dma_semaphore, #tpu.memory_space<semaphore_mem>>) src(%arg13 : memref<32x128xf32, #tpu.memory_space<vmem>>) dst(%dma_wait3A_1877 : memref<32x128xf32, #tpu.memory_space<vmem_shared>>)
      %mul3A_1878 = arith.constant 520 : i32
      %mul3A_1879 = arith.muli %arg1, %mul3A_1878 : i32
      %add3A_1880 = arith.constant 384 : i32
      %add3A_1881 = arith.addi %mul3A_1879, %add3A_1880 : i32
      %dma_wait3A_1882 = arith.constant 0 : i32
      %dma_wait3A_1883 = tpu.memref_slice %arg15[%add3A_1881, %dma_wait3A_1882] : memref<8320x128xf32, #tpu.memory_space<vmem_shared>> -> memref<32x128xf32, #tpu.memory_space<vmem_shared>>
      %dma_wait3A_1884 = arith.constant 0 : i32
      %dma_wait3A_1885 = tpu.memref_slice %arg15[%add3A_1881, %dma_wait3A_1884] : memref<8320x128xf32, #tpu.memory_space<vmem_shared>> -> memref<32x128xf32, #tpu.memory_space<vmem_shared>>
      tpu.wait_dma2 semaphore(%arg18 : memref<!tpu.dma_semaphore, #tpu.memory_space<semaphore_mem>>) src(%arg13 : memref<32x128xf32, #tpu.memory_space<vmem>>) dst(%dma_wait3A_1885 : memref<32x128xf32, #tpu.memory_space<vmem_shared>>)
      %mul3A_1886 = arith.constant 520 : i32
      %mul3A_1887 = arith.muli %arg1, %mul3A_1886 : i32
      %add3A_1888 = arith.constant 416 : i32
      %add3A_1889 = arith.addi %mul3A_1887, %add3A_1888 : i32
      %dma_wait3A_1890 = arith.constant 0 : i32
      %dma_wait3A_1891 = tpu.memref_slice %arg15[%add3A_1889, %dma_wait3A_1890] : memref<8320x128xf32, #tpu.memory_space<vmem_shared>> -> memref<32x128xf32, #tpu.memory_space<vmem_shared>>
      %dma_wait3A_1892 = arith.constant 0 : i32
      %dma_wait3A_1893 = tpu.memref_slice %arg15[%add3A_1889, %dma_wait3A_1892] : memref<8320x128xf32, #tpu.memory_space<vmem_shared>> -> memref<32x128xf32, #tpu.memory_space<vmem_shared>>
      tpu.wait_dma2 semaphore(%arg18 : memref<!tpu.dma_semaphore, #tpu.memory_space<semaphore_mem>>) src(%arg13 : memref<32x128xf32, #tpu.memory_space<vmem>>) dst(%dma_wait3A_1893 : memref<32x128xf32, #tpu.memory_space<vmem_shared>>)
      %mul3A_1894 = arith.constant 520 : i32
      %mul3A_1895 = arith.muli %arg1, %mul3A_1894 : i32
      %add3A_1896 = arith.constant 448 : i32
      %add3A_1897 = arith.addi %mul3A_1895, %add3A_1896 : i32
      %dma_wait3A_1898 = arith.constant 0 : i32
      %dma_wait3A_1899 = tpu.memref_slice %arg15[%add3A_1897, %dma_wait3A_1898] : memref<8320x128xf32, #tpu.memory_space<vmem_shared>> -> memref<32x128xf32, #tpu.memory_space<vmem_shared>>
      %dma_wait3A_1900 = arith.constant 0 : i32
      %dma_wait3A_1901 = tpu.memref_slice %arg15[%add3A_1897, %dma_wait3A_1900] : memref<8320x128xf32, #tpu.memory_space<vmem_shared>> -> memref<32x128xf32, #tpu.memory_space<vmem_shared>>
      tpu.wait_dma2 semaphore(%arg18 : memref<!tpu.dma_semaphore, #tpu.memory_space<semaphore_mem>>) src(%arg13 : memref<32x128xf32, #tpu.memory_space<vmem>>) dst(%dma_wait3A_1901 : memref<32x128xf32, #tpu.memory_space<vmem_shared>>)
      %mul3A_1902 = arith.constant 520 : i32
      %mul3A_1903 = arith.muli %arg1, %mul3A_1902 : i32
      %add3A_1904 = arith.constant 480 : i32
      %add3A_1905 = arith.addi %mul3A_1903, %add3A_1904 : i32
      %dma_wait3A_1906 = arith.constant 0 : i32
      %dma_wait3A_1907 = tpu.memref_slice %arg15[%add3A_1905, %dma_wait3A_1906] : memref<8320x128xf32, #tpu.memory_space<vmem_shared>> -> memref<32x128xf32, #tpu.memory_space<vmem_shared>>
      %dma_wait3A_1908 = arith.constant 0 : i32
      %dma_wait3A_1909 = tpu.memref_slice %arg15[%add3A_1905, %dma_wait3A_1908] : memref<8320x128xf32, #tpu.memory_space<vmem_shared>> -> memref<32x128xf32, #tpu.memory_space<vmem_shared>>
      tpu.wait_dma2 semaphore(%arg18 : memref<!tpu.dma_semaphore, #tpu.memory_space<semaphore_mem>>) src(%arg13 : memref<32x128xf32, #tpu.memory_space<vmem>>) dst(%dma_wait3A_1909 : memref<32x128xf32, #tpu.memory_space<vmem_shared>>)
      %mul3A_1910 = arith.constant 520 : i32
      %mul3A_1911 = arith.muli %arg1, %mul3A_1910 : i32
      %add3A_1912 = arith.constant 512 : i32
      %add3A_1913 = arith.addi %mul3A_1911, %add3A_1912 : i32
      %dma_wait3A_1914 = arith.constant 0 : i32
      %dma_wait3A_1915 = arith.constant 0 : i32
      %dma_wait3A_1916 = tpu.memref_slice %arg13[%dma_wait3A_1914, %dma_wait3A_1915] : memref<32x128xf32, #tpu.memory_space<vmem>> -> memref<8x128xf32, #tpu.memory_space<vmem>>
      %dma_wait3A_1917 = arith.constant 0 : i32
      %dma_wait3A_1918 = tpu.memref_slice %arg15[%add3A_1913, %dma_wait3A_1917] : memref<8320x128xf32, #tpu.memory_space<vmem_shared>> -> memref<8x128xf32, #tpu.memory_space<vmem_shared>>
      %dma_wait3A_1919 = arith.constant 0 : i32
      %dma_wait3A_1920 = tpu.memref_slice %arg15[%add3A_1913, %dma_wait3A_1919] : memref<8320x128xf32, #tpu.memory_space<vmem_shared>> -> memref<8x128xf32, #tpu.memory_space<vmem_shared>>
      %dma_wait3A_1921 = arith.constant 0 : i32
      %dma_wait3A_1922 = arith.constant 0 : i32
      %dma_wait3A_1923 = tpu.memref_slice %arg13[%dma_wait3A_1921, %dma_wait3A_1922] : memref<32x128xf32, #tpu.memory_space<vmem>> -> memref<8x128xf32, #tpu.memory_space<vmem>>
      tpu.wait_dma2 semaphore(%arg18 : memref<!tpu.dma_semaphore, #tpu.memory_space<semaphore_mem>>) src(%dma_wait3A_1923 : memref<8x128xf32, #tpu.memory_space<vmem>>) dst(%dma_wait3A_1920 : memref<8x128xf32, #tpu.memory_space<vmem_shared>>)
      %barrier3A = arith.constant 0 : index
      tpu.barrier barrier_id(%barrier3A)
      %gt3A = arith.constant 0 : i32
      %gt3A_1924 = arith.cmpi sgt, %shift_right_arithmetic3A_1782, %gt3A : i32
      %convert_element_type3A = arith.extui %gt3A_1924 : i1 to i32
      %cond3A = arith.constant 0 : i32
      %cond3A_1925 = arith.cmpi ne, %convert_element_type3A, %cond3A : i32
      scf.if %cond3A_1925 {
        %dma_start3A_2152 = arith.constant 0 : i32
        %dma_start3A_2153 = tpu.memref_slice %arg7[%dma_start3A_2152] : memref<16512xi32, #tpu.memory_space<vmem>> -> memref<64xi32, #tpu.memory_space<vmem>>
        %dma_start3A_2154 = arith.constant 0 : i32
        %dma_start3A_2155 = arith.constant 0 : i32
        %dma_start3A_2156 = tpu.memref_slice %arg4[%dma_start3A_2154, %dma_start3A_2155] : memref<262144x128xf32, #tpu.memory_space<hbm>> -> memref<262144x128xf32, #tpu.memory_space<hbm>>
        tpu.enqueue_indirect_dma source(%dma_start3A_2156 : memref<262144x128xf32, #tpu.memory_space<hbm>>) target(%arg11 : memref<64x128xf32, #tpu.memory_space<vmem>>) offsets(%dma_start3A_2153 : memref<64xi32, #tpu.memory_space<vmem>>) semaphore(%arg16 : memref<!tpu.dma_semaphore, #tpu.memory_space<semaphore_mem>>)
      } else {
      }
      %add3A_1926 = arith.constant 1 : i32
      %add3A_1927 = arith.addi %shift_right_arithmetic3A_1782, %add3A_1926 : i32
      %shift_right_arithmetic3A_1928 = arith.constant 1 : i32
      %shift_right_arithmetic3A_1929 = arith.shrsi %add3A_1927, %shift_right_arithmetic3A_1928 : i32
      %while3A = arith.constant 0 : i32
      %while3A_1930 = arith.constant 0 : i32
      %while3A_1931 = arith.subi %shift_right_arithmetic3A_1929, %while3A_1930 : i32
      %while3A_1932 = arith.addi %while3A_1930, %while3A_1931 : i32
      %while3A_1933 = arith.constant 1 : i32
      %while3A_1934 = arith.divsi %while3A_1931, %while3A_1933 : i32
      %while3A_1935 = arith.muli %while3A_1934, %while3A_1933 : i32
      %while3A_1936 = arith.addi %while3A_1930, %while3A_1935 : i32
      %while3A_1937 = arith.constant 1 : i32
      scf.for %while3A_2152 = %while3A_1930 to %while3A_1936 step %while3A_1937  : i32 {
        %mul3A_2153 = arith.constant 2 : i32
        %mul3A_2154 = arith.muli %mul3A_2153, %while3A_2152 : i32
        %add3A_2155 = arith.constant 1 : i32
        %add3A_2156 = arith.addi %mul3A_2154, %add3A_2155 : i32
        %lt3A_2157 = arith.cmpi slt, %add3A_2156, %shift_right_arithmetic3A_1782 : i32
        %convert_element_type3A_2158 = arith.extui %lt3A_2157 : i1 to i32
        %cond3A_2159 = arith.constant 0 : i32
        %cond3A_2160 = arith.cmpi ne, %convert_element_type3A_2158, %cond3A_2159 : i32
        scf.if %cond3A_2160 {
          %mul3A_2202 = arith.constant 64 : i32
          %mul3A_2203 = arith.muli %add3A_2156, %mul3A_2202 : i32
          %dma_start3A_2204 = tpu.memref_slice %arg7[%mul3A_2203] : memref<16512xi32, #tpu.memory_space<vmem>> -> memref<64xi32, #tpu.memory_space<vmem>>
          %dma_start3A_2205 = arith.constant 0 : i32
          %dma_start3A_2206 = arith.constant 0 : i32
          %dma_start3A_2207 = tpu.memref_slice %arg4[%dma_start3A_2205, %dma_start3A_2206] : memref<262144x128xf32, #tpu.memory_space<hbm>> -> memref<262144x128xf32, #tpu.memory_space<hbm>>
          tpu.enqueue_indirect_dma source(%dma_start3A_2207 : memref<262144x128xf32, #tpu.memory_space<hbm>>) target(%arg12 : memref<64x128xf32, #tpu.memory_space<vmem>>) offsets(%dma_start3A_2204 : memref<64xi32, #tpu.memory_space<vmem>>) semaphore(%arg17 : memref<!tpu.dma_semaphore, #tpu.memory_space<semaphore_mem>>)
        } else {
        }
        %dma_wait3A_2161 = arith.constant 0 : i32
        %dma_wait3A_2162 = tpu.memref_slice %arg7[%dma_wait3A_2161] : memref<16512xi32, #tpu.memory_space<vmem>> -> memref<64xi32, #tpu.memory_space<vmem>>
        %dma_wait3A_2163 = arith.constant 0 : i32
        %dma_wait3A_2164 = arith.constant 0 : i32
        %dma_wait3A_2165 = tpu.memref_slice %arg4[%dma_wait3A_2163, %dma_wait3A_2164] : memref<262144x128xf32, #tpu.memory_space<hbm>> -> memref<262144x128xf32, #tpu.memory_space<hbm>>
        tpu.wait_indirect_dma semaphore(%arg16 : memref<!tpu.dma_semaphore, #tpu.memory_space<semaphore_mem>>) src(%dma_wait3A_2165 : memref<262144x128xf32, #tpu.memory_space<hbm>>) dst(%arg11 : memref<64x128xf32, #tpu.memory_space<vmem>>)
        %mul3A_2166 = arith.constant 64 : i32
        %mul3A_2167 = arith.muli %mul3A_2154, %mul3A_2166 : i32
        %add3A_2168 = arith.constant 0 : i32
        %add3A_2169 = arith.addi %mul3A_2167, %add3A_2168 : i32
        %get3A_2170 = arith.index_cast %add3A_2169 : i32 to index
        %get3A_2171 = tpu.vector_load %arg8[%get3A_2170] {strides = array<i32>} : memref<16512xi32, #tpu.memory_space<vmem>>, vector<16xi32>,
        %swap3A_2172 = arith.constant 0 : index
        %swap3A_2173 = tpu.vector_load %arg9[%swap3A_2172] {strides = array<i32>} : memref<64xi32, #tpu.memory_space<vmem>>, vector<16xi32>,
        tpu.vector_store %arg9[%swap3A_2172], %get3A_2171 {strides = array<i32>} : memref<64xi32, #tpu.memory_space<vmem>>, vector<16xi32>,
        %mul3A_2174 = arith.constant 64 : i32
        %mul3A_2175 = arith.muli %mul3A_2154, %mul3A_2174 : i32
        %add3A_2176 = arith.constant 16 : i32
        %add3A_2177 = arith.addi %mul3A_2175, %add3A_2176 : i32
        %get3A_2178 = arith.index_cast %add3A_2177 : i32 to index
        %get3A_2179 = tpu.vector_load %arg8[%get3A_2178] {strides = array<i32>} : memref<16512xi32, #tpu.memory_space<vmem>>, vector<16xi32>,
        %swap3A_2180 = arith.constant 16 : index
        %swap3A_2181 = tpu.vector_load %arg9[%swap3A_2180] {strides = array<i32>} : memref<64xi32, #tpu.memory_space<vmem>>, vector<16xi32>,
        tpu.vector_store %arg9[%swap3A_2180], %get3A_2179 {strides = array<i32>} : memref<64xi32, #tpu.memory_space<vmem>>, vector<16xi32>,
        %mul3A_2182 = arith.constant 64 : i32
        %mul3A_2183 = arith.muli %mul3A_2154, %mul3A_2182 : i32
        %add3A_2184 = arith.constant 32 : i32
        %add3A_2185 = arith.addi %mul3A_2183, %add3A_2184 : i32
        %get3A_2186 = arith.index_cast %add3A_2185 : i32 to index
        %get3A_2187 = tpu.vector_load %arg8[%get3A_2186] {strides = array<i32>} : memref<16512xi32, #tpu.memory_space<vmem>>, vector<16xi32>,
        %swap3A_2188 = arith.constant 32 : index
        %swap3A_2189 = tpu.vector_load %arg9[%swap3A_2188] {strides = array<i32>} : memref<64xi32, #tpu.memory_space<vmem>>, vector<16xi32>,
        tpu.vector_store %arg9[%swap3A_2188], %get3A_2187 {strides = array<i32>} : memref<64xi32, #tpu.memory_space<vmem>>, vector<16xi32>,
        %mul3A_2190 = arith.constant 64 : i32
        %mul3A_2191 = arith.muli %mul3A_2154, %mul3A_2190 : i32
        %add3A_2192 = arith.constant 48 : i32
        %add3A_2193 = arith.addi %mul3A_2191, %add3A_2192 : i32
        %get3A_2194 = arith.index_cast %add3A_2193 : i32 to index
        %get3A_2195 = tpu.vector_load %arg8[%get3A_2194] {strides = array<i32>} : memref<16512xi32, #tpu.memory_space<vmem>>, vector<16xi32>,
        %swap3A_2196 = arith.constant 48 : index
        %swap3A_2197 = tpu.vector_load %arg9[%swap3A_2196] {strides = array<i32>} : memref<64xi32, #tpu.memory_space<vmem>>, vector<16xi32>,
        tpu.vector_store %arg9[%swap3A_2196], %get3A_2195 {strides = array<i32>} : memref<64xi32, #tpu.memory_space<vmem>>, vector<16xi32>,
        "tpu.region"() ({
          %run_scoped3A = tpu.sem_alloc : memref<!tpu.dma_semaphore, #tpu.memory_space<semaphore_mem>>
          %dma_start3A_2202 = arith.constant 0 : i32
          %dma_start3A_2203 = arith.constant 0 : i32
          %dma_start3A_2204 = tpu.memref_slice %arg15[%dma_start3A_2202, %dma_start3A_2203] : memref<8320x128xf32, #tpu.memory_space<vmem_shared>> -> memref<8320x128xf32, #tpu.memory_space<vmem_shared>>
          tpu.enqueue_indirect_dma source(%arg11 : memref<64x128xf32, #tpu.memory_space<vmem>>) target(%dma_start3A_2204 : memref<8320x128xf32, #tpu.memory_space<vmem_shared>>) offsets(%arg9 : memref<64xi32, #tpu.memory_space<vmem>>) semaphore(%run_scoped3A : memref<!tpu.dma_semaphore, #tpu.memory_space<semaphore_mem>>) {add = true}
          %dma_wait3A_2205 = arith.constant 0 : i32
          %dma_wait3A_2206 = arith.constant 0 : i32
          %dma_wait3A_2207 = tpu.memref_slice %arg15[%dma_wait3A_2205, %dma_wait3A_2206] : memref<8320x128xf32, #tpu.memory_space<vmem_shared>> -> memref<8320x128xf32, #tpu.memory_space<vmem_shared>>
          tpu.wait_indirect_dma semaphore(%run_scoped3A : memref<!tpu.dma_semaphore, #tpu.memory_space<semaphore_mem>>) src(%arg11 : memref<64x128xf32, #tpu.memory_space<vmem>>) dst(%dma_wait3A_2207 : memref<8320x128xf32, #tpu.memory_space<vmem_shared>>)
          tpu.yield
        }) : () -> ()
        %lt3A_2198 = arith.cmpi slt, %add3A_2156, %shift_right_arithmetic3A_1782 : i32
        %convert_element_type3A_2199 = arith.extui %lt3A_2198 : i1 to i32
        %cond3A_2200 = arith.constant 0 : i32
        %cond3A_2201 = arith.cmpi ne, %convert_element_type3A_2199, %cond3A_2200 : i32
        scf.if %cond3A_2201 {
          %add3A_2202 = arith.constant 1 : i32
          %add3A_2203 = arith.addi %add3A_2156, %add3A_2202 : i32
          %lt3A_2204 = arith.cmpi slt, %add3A_2203, %shift_right_arithmetic3A_1782 : i32
          %convert_element_type3A_2205 = arith.extui %lt3A_2204 : i1 to i32
          %cond3A_2206 = arith.constant 0 : i32
          %cond3A_2207 = arith.cmpi ne, %convert_element_type3A_2205, %cond3A_2206 : i32
          scf.if %cond3A_2207 {
            %add3A_2245 = arith.constant 1 : i32
            %add3A_2246 = arith.addi %add3A_2156, %add3A_2245 : i32
            %mul3A_2247 = arith.constant 64 : i32
            %mul3A_2248 = arith.muli %add3A_2246, %mul3A_2247 : i32
            %dma_start3A_2249 = tpu.memref_slice %arg7[%mul3A_2248] : memref<16512xi32, #tpu.memory_space<vmem>> -> memref<64xi32, #tpu.memory_space<vmem>>
            %dma_start3A_2250 = arith.constant 0 : i32
            %dma_start3A_2251 = arith.constant 0 : i32
            %dma_start3A_2252 = tpu.memref_slice %arg4[%dma_start3A_2250, %dma_start3A_2251] : memref<262144x128xf32, #tpu.memory_space<hbm>> -> memref<262144x128xf32, #tpu.memory_space<hbm>>
            tpu.enqueue_indirect_dma source(%dma_start3A_2252 : memref<262144x128xf32, #tpu.memory_space<hbm>>) target(%arg11 : memref<64x128xf32, #tpu.memory_space<vmem>>) offsets(%dma_start3A_2249 : memref<64xi32, #tpu.memory_space<vmem>>) semaphore(%arg16 : memref<!tpu.dma_semaphore, #tpu.memory_space<semaphore_mem>>)
          } else {
          }
          %dma_wait3A_2208 = arith.constant 0 : i32
          %dma_wait3A_2209 = tpu.memref_slice %arg7[%dma_wait3A_2208] : memref<16512xi32, #tpu.memory_space<vmem>> -> memref<64xi32, #tpu.memory_space<vmem>>
          %dma_wait3A_2210 = arith.constant 0 : i32
          %dma_wait3A_2211 = arith.constant 0 : i32
          %dma_wait3A_2212 = tpu.memref_slice %arg4[%dma_wait3A_2210, %dma_wait3A_2211] : memref<262144x128xf32, #tpu.memory_space<hbm>> -> memref<262144x128xf32, #tpu.memory_space<hbm>>
          tpu.wait_indirect_dma semaphore(%arg17 : memref<!tpu.dma_semaphore, #tpu.memory_space<semaphore_mem>>) src(%dma_wait3A_2212 : memref<262144x128xf32, #tpu.memory_space<hbm>>) dst(%arg12 : memref<64x128xf32, #tpu.memory_space<vmem>>)
          %mul3A_2213 = arith.constant 64 : i32
          %mul3A_2214 = arith.muli %add3A_2156, %mul3A_2213 : i32
          %add3A_2215 = arith.constant 0 : i32
          %add3A_2216 = arith.addi %mul3A_2214, %add3A_2215 : i32
          %get3A_2217 = arith.index_cast %add3A_2216 : i32 to index
          %get3A_2218 = tpu.vector_load %arg8[%get3A_2217] {strides = array<i32>} : memref<16512xi32, #tpu.memory_space<vmem>>, vector<16xi32>,
          %swap3A_2219 = arith.constant 0 : index
          %swap3A_2220 = tpu.vector_load %arg10[%swap3A_2219] {strides = array<i32>} : memref<64xi32, #tpu.memory_space<vmem>>, vector<16xi32>,
          tpu.vector_store %arg10[%swap3A_2219], %get3A_2218 {strides = array<i32>} : memref<64xi32, #tpu.memory_space<vmem>>, vector<16xi32>,
          %mul3A_2221 = arith.constant 64 : i32
          %mul3A_2222 = arith.muli %add3A_2156, %mul3A_2221 : i32
          %add3A_2223 = arith.constant 16 : i32
          %add3A_2224 = arith.addi %mul3A_2222, %add3A_2223 : i32
          %get3A_2225 = arith.index_cast %add3A_2224 : i32 to index
          %get3A_2226 = tpu.vector_load %arg8[%get3A_2225] {strides = array<i32>} : memref<16512xi32, #tpu.memory_space<vmem>>, vector<16xi32>,
          %swap3A_2227 = arith.constant 16 : index
          %swap3A_2228 = tpu.vector_load %arg10[%swap3A_2227] {strides = array<i32>} : memref<64xi32, #tpu.memory_space<vmem>>, vector<16xi32>,
          tpu.vector_store %arg10[%swap3A_2227], %get3A_2226 {strides = array<i32>} : memref<64xi32, #tpu.memory_space<vmem>>, vector<16xi32>,
          %mul3A_2229 = arith.constant 64 : i32
          %mul3A_2230 = arith.muli %add3A_2156, %mul3A_2229 : i32
          %add3A_2231 = arith.constant 32 : i32
          %add3A_2232 = arith.addi %mul3A_2230, %add3A_2231 : i32
          %get3A_2233 = arith.index_cast %add3A_2232 : i32 to index
          %get3A_2234 = tpu.vector_load %arg8[%get3A_2233] {strides = array<i32>} : memref<16512xi32, #tpu.memory_space<vmem>>, vector<16xi32>,
          %swap3A_2235 = arith.constant 32 : index
          %swap3A_2236 = tpu.vector_load %arg10[%swap3A_2235] {strides = array<i32>} : memref<64xi32, #tpu.memory_space<vmem>>, vector<16xi32>,
          tpu.vector_store %arg10[%swap3A_2235], %get3A_2234 {strides = array<i32>} : memref<64xi32, #tpu.memory_space<vmem>>, vector<16xi32>,
          %mul3A_2237 = arith.constant 64 : i32
          %mul3A_2238 = arith.muli %add3A_2156, %mul3A_2237 : i32
          %add3A_2239 = arith.constant 48 : i32
          %add3A_2240 = arith.addi %mul3A_2238, %add3A_2239 : i32
          %get3A_2241 = arith.index_cast %add3A_2240 : i32 to index
          %get3A_2242 = tpu.vector_load %arg8[%get3A_2241] {strides = array<i32>} : memref<16512xi32, #tpu.memory_space<vmem>>, vector<16xi32>,
          %swap3A_2243 = arith.constant 48 : index
          %swap3A_2244 = tpu.vector_load %arg10[%swap3A_2243] {strides = array<i32>} : memref<64xi32, #tpu.memory_space<vmem>>, vector<16xi32>,
          tpu.vector_store %arg10[%swap3A_2243], %get3A_2242 {strides = array<i32>} : memref<64xi32, #tpu.memory_space<vmem>>, vector<16xi32>,
          "tpu.region"() ({
            %run_scoped3A = tpu.sem_alloc : memref<!tpu.dma_semaphore, #tpu.memory_space<semaphore_mem>>
            %dma_start3A_2245 = arith.constant 0 : i32
            %dma_start3A_2246 = arith.constant 0 : i32
            %dma_start3A_2247 = tpu.memref_slice %arg15[%dma_start3A_2245, %dma_start3A_2246] : memref<8320x128xf32, #tpu.memory_space<vmem_shared>> -> memref<8320x128xf32, #tpu.memory_space<vmem_shared>>
            tpu.enqueue_indirect_dma source(%arg12 : memref<64x128xf32, #tpu.memory_space<vmem>>) target(%dma_start3A_2247 : memref<8320x128xf32, #tpu.memory_space<vmem_shared>>) offsets(%arg10 : memref<64xi32, #tpu.memory_space<vmem>>) semaphore(%run_scoped3A : memref<!tpu.dma_semaphore, #tpu.memory_space<semaphore_mem>>) {add = true}
            %dma_wait3A_2248 = arith.constant 0 : i32
            %dma_wait3A_2249 = arith.constant 0 : i32
            %dma_wait3A_2250 = tpu.memref_slice %arg15[%dma_wait3A_2248, %dma_wait3A_2249] : memref<8320x128xf32, #tpu.memory_space<vmem_shared>> -> memref<8320x128xf32, #tpu.memory_space<vmem_shared>>
            tpu.wait_indirect_dma semaphore(%run_scoped3A : memref<!tpu.dma_semaphore, #tpu.memory_space<semaphore_mem>>) src(%arg12 : memref<64x128xf32, #tpu.memory_space<vmem>>) dst(%dma_wait3A_2250 : memref<8320x128xf32, #tpu.memory_space<vmem_shared>>)
            tpu.yield
          }) : () -> ()
        } else {
        }
      }
      %while3A_1938 = arith.constant 1 : i32
      scf.for %while3A_2152 = %while3A_1936 to %while3A_1932 step %while3A_1938  : i32 {
        %mul3A_2153 = arith.constant 2 : i32
        %mul3A_2154 = arith.muli %mul3A_2153, %while3A_2152 : i32
        %add3A_2155 = arith.constant 1 : i32
        %add3A_2156 = arith.addi %mul3A_2154, %add3A_2155 : i32
        %lt3A_2157 = arith.cmpi slt, %add3A_2156, %shift_right_arithmetic3A_1782 : i32
        %convert_element_type3A_2158 = arith.extui %lt3A_2157 : i1 to i32
        %cond3A_2159 = arith.constant 0 : i32
        %cond3A_2160 = arith.cmpi ne, %convert_element_type3A_2158, %cond3A_2159 : i32
        scf.if %cond3A_2160 {
          %mul3A_2202 = arith.constant 64 : i32
          %mul3A_2203 = arith.muli %add3A_2156, %mul3A_2202 : i32
          %dma_start3A_2204 = tpu.memref_slice %arg7[%mul3A_2203] : memref<16512xi32, #tpu.memory_space<vmem>> -> memref<64xi32, #tpu.memory_space<vmem>>
          %dma_start3A_2205 = arith.constant 0 : i32
          %dma_start3A_2206 = arith.constant 0 : i32
          %dma_start3A_2207 = tpu.memref_slice %arg4[%dma_start3A_2205, %dma_start3A_2206] : memref<262144x128xf32, #tpu.memory_space<hbm>> -> memref<262144x128xf32, #tpu.memory_space<hbm>>
          tpu.enqueue_indirect_dma source(%dma_start3A_2207 : memref<262144x128xf32, #tpu.memory_space<hbm>>) target(%arg12 : memref<64x128xf32, #tpu.memory_space<vmem>>) offsets(%dma_start3A_2204 : memref<64xi32, #tpu.memory_space<vmem>>) semaphore(%arg17 : memref<!tpu.dma_semaphore, #tpu.memory_space<semaphore_mem>>)
        } else {
        }
        %dma_wait3A_2161 = arith.constant 0 : i32
        %dma_wait3A_2162 = tpu.memref_slice %arg7[%dma_wait3A_2161] : memref<16512xi32, #tpu.memory_space<vmem>> -> memref<64xi32, #tpu.memory_space<vmem>>
        %dma_wait3A_2163 = arith.constant 0 : i32
        %dma_wait3A_2164 = arith.constant 0 : i32
        %dma_wait3A_2165 = tpu.memref_slice %arg4[%dma_wait3A_2163, %dma_wait3A_2164] : memref<262144x128xf32, #tpu.memory_space<hbm>> -> memref<262144x128xf32, #tpu.memory_space<hbm>>
        tpu.wait_indirect_dma semaphore(%arg16 : memref<!tpu.dma_semaphore, #tpu.memory_space<semaphore_mem>>) src(%dma_wait3A_2165 : memref<262144x128xf32, #tpu.memory_space<hbm>>) dst(%arg11 : memref<64x128xf32, #tpu.memory_space<vmem>>)
        %mul3A_2166 = arith.constant 64 : i32
        %mul3A_2167 = arith.muli %mul3A_2154, %mul3A_2166 : i32
        %add3A_2168 = arith.constant 0 : i32
        %add3A_2169 = arith.addi %mul3A_2167, %add3A_2168 : i32
        %get3A_2170 = arith.index_cast %add3A_2169 : i32 to index
        %get3A_2171 = tpu.vector_load %arg8[%get3A_2170] {strides = array<i32>} : memref<16512xi32, #tpu.memory_space<vmem>>, vector<16xi32>,
        %swap3A_2172 = arith.constant 0 : index
        %swap3A_2173 = tpu.vector_load %arg9[%swap3A_2172] {strides = array<i32>} : memref<64xi32, #tpu.memory_space<vmem>>, vector<16xi32>,
        tpu.vector_store %arg9[%swap3A_2172], %get3A_2171 {strides = array<i32>} : memref<64xi32, #tpu.memory_space<vmem>>, vector<16xi32>,
        %mul3A_2174 = arith.constant 64 : i32
        %mul3A_2175 = arith.muli %mul3A_2154, %mul3A_2174 : i32
        %add3A_2176 = arith.constant 16 : i32
        %add3A_2177 = arith.addi %mul3A_2175, %add3A_2176 : i32
        %get3A_2178 = arith.index_cast %add3A_2177 : i32 to index
        %get3A_2179 = tpu.vector_load %arg8[%get3A_2178] {strides = array<i32>} : memref<16512xi32, #tpu.memory_space<vmem>>, vector<16xi32>,
        %swap3A_2180 = arith.constant 16 : index
        %swap3A_2181 = tpu.vector_load %arg9[%swap3A_2180] {strides = array<i32>} : memref<64xi32, #tpu.memory_space<vmem>>, vector<16xi32>,
        tpu.vector_store %arg9[%swap3A_2180], %get3A_2179 {strides = array<i32>} : memref<64xi32, #tpu.memory_space<vmem>>, vector<16xi32>,
        %mul3A_2182 = arith.constant 64 : i32
        %mul3A_2183 = arith.muli %mul3A_2154, %mul3A_2182 : i32
        %add3A_2184 = arith.constant 32 : i32
        %add3A_2185 = arith.addi %mul3A_2183, %add3A_2184 : i32
        %get3A_2186 = arith.index_cast %add3A_2185 : i32 to index
        %get3A_2187 = tpu.vector_load %arg8[%get3A_2186] {strides = array<i32>} : memref<16512xi32, #tpu.memory_space<vmem>>, vector<16xi32>,
        %swap3A_2188 = arith.constant 32 : index
        %swap3A_2189 = tpu.vector_load %arg9[%swap3A_2188] {strides = array<i32>} : memref<64xi32, #tpu.memory_space<vmem>>, vector<16xi32>,
        tpu.vector_store %arg9[%swap3A_2188], %get3A_2187 {strides = array<i32>} : memref<64xi32, #tpu.memory_space<vmem>>, vector<16xi32>,
        %mul3A_2190 = arith.constant 64 : i32
        %mul3A_2191 = arith.muli %mul3A_2154, %mul3A_2190 : i32
        %add3A_2192 = arith.constant 48 : i32
        %add3A_2193 = arith.addi %mul3A_2191, %add3A_2192 : i32
        %get3A_2194 = arith.index_cast %add3A_2193 : i32 to index
        %get3A_2195 = tpu.vector_load %arg8[%get3A_2194] {strides = array<i32>} : memref<16512xi32, #tpu.memory_space<vmem>>, vector<16xi32>,
        %swap3A_2196 = arith.constant 48 : index
        %swap3A_2197 = tpu.vector_load %arg9[%swap3A_2196] {strides = array<i32>} : memref<64xi32, #tpu.memory_space<vmem>>, vector<16xi32>,
        tpu.vector_store %arg9[%swap3A_2196], %get3A_2195 {strides = array<i32>} : memref<64xi32, #tpu.memory_space<vmem>>, vector<16xi32>,
        "tpu.region"() ({
          %run_scoped3A = tpu.sem_alloc : memref<!tpu.dma_semaphore, #tpu.memory_space<semaphore_mem>>
          %dma_start3A_2202 = arith.constant 0 : i32
          %dma_start3A_2203 = arith.constant 0 : i32
          %dma_start3A_2204 = tpu.memref_slice %arg15[%dma_start3A_2202, %dma_start3A_2203] : memref<8320x128xf32, #tpu.memory_space<vmem_shared>> -> memref<8320x128xf32, #tpu.memory_space<vmem_shared>>
          tpu.enqueue_indirect_dma source(%arg11 : memref<64x128xf32, #tpu.memory_space<vmem>>) target(%dma_start3A_2204 : memref<8320x128xf32, #tpu.memory_space<vmem_shared>>) offsets(%arg9 : memref<64xi32, #tpu.memory_space<vmem>>) semaphore(%run_scoped3A : memref<!tpu.dma_semaphore, #tpu.memory_space<semaphore_mem>>) {add = true}
          %dma_wait3A_2205 = arith.constant 0 : i32
          %dma_wait3A_2206 = arith.constant 0 : i32
          %dma_wait3A_2207 = tpu.memref_slice %arg15[%dma_wait3A_2205, %dma_wait3A_2206] : memref<8320x128xf32, #tpu.memory_space<vmem_shared>> -> memref<8320x128xf32, #tpu.memory_space<vmem_shared>>
          tpu.wait_indirect_dma semaphore(%run_scoped3A : memref<!tpu.dma_semaphore, #tpu.memory_space<semaphore_mem>>) src(%arg11 : memref<64x128xf32, #tpu.memory_space<vmem>>) dst(%dma_wait3A_2207 : memref<8320x128xf32, #tpu.memory_space<vmem_shared>>)
          tpu.yield
        }) : () -> ()
        %lt3A_2198 = arith.cmpi slt, %add3A_2156, %shift_right_arithmetic3A_1782 : i32
        %convert_element_type3A_2199 = arith.extui %lt3A_2198 : i1 to i32
        %cond3A_2200 = arith.constant 0 : i32
        %cond3A_2201 = arith.cmpi ne, %convert_element_type3A_2199, %cond3A_2200 : i32
        scf.if %cond3A_2201 {
          %add3A_2202 = arith.constant 1 : i32
          %add3A_2203 = arith.addi %add3A_2156, %add3A_2202 : i32
          %lt3A_2204 = arith.cmpi slt, %add3A_2203, %shift_right_arithmetic3A_1782 : i32
          %convert_element_type3A_2205 = arith.extui %lt3A_2204 : i1 to i32
          %cond3A_2206 = arith.constant 0 : i32
          %cond3A_2207 = arith.cmpi ne, %convert_element_type3A_2205, %cond3A_2206 : i32
          scf.if %cond3A_2207 {
            %add3A_2245 = arith.constant 1 : i32
            %add3A_2246 = arith.addi %add3A_2156, %add3A_2245 : i32
            %mul3A_2247 = arith.constant 64 : i32
            %mul3A_2248 = arith.muli %add3A_2246, %mul3A_2247 : i32
            %dma_start3A_2249 = tpu.memref_slice %arg7[%mul3A_2248] : memref<16512xi32, #tpu.memory_space<vmem>> -> memref<64xi32, #tpu.memory_space<vmem>>
            %dma_start3A_2250 = arith.constant 0 : i32
            %dma_start3A_2251 = arith.constant 0 : i32
            %dma_start3A_2252 = tpu.memref_slice %arg4[%dma_start3A_2250, %dma_start3A_2251] : memref<262144x128xf32, #tpu.memory_space<hbm>> -> memref<262144x128xf32, #tpu.memory_space<hbm>>
            tpu.enqueue_indirect_dma source(%dma_start3A_2252 : memref<262144x128xf32, #tpu.memory_space<hbm>>) target(%arg11 : memref<64x128xf32, #tpu.memory_space<vmem>>) offsets(%dma_start3A_2249 : memref<64xi32, #tpu.memory_space<vmem>>) semaphore(%arg16 : memref<!tpu.dma_semaphore, #tpu.memory_space<semaphore_mem>>)
          } else {
          }
          %dma_wait3A_2208 = arith.constant 0 : i32
          %dma_wait3A_2209 = tpu.memref_slice %arg7[%dma_wait3A_2208] : memref<16512xi32, #tpu.memory_space<vmem>> -> memref<64xi32, #tpu.memory_space<vmem>>
          %dma_wait3A_2210 = arith.constant 0 : i32
          %dma_wait3A_2211 = arith.constant 0 : i32
          %dma_wait3A_2212 = tpu.memref_slice %arg4[%dma_wait3A_2210, %dma_wait3A_2211] : memref<262144x128xf32, #tpu.memory_space<hbm>> -> memref<262144x128xf32, #tpu.memory_space<hbm>>
          tpu.wait_indirect_dma semaphore(%arg17 : memref<!tpu.dma_semaphore, #tpu.memory_space<semaphore_mem>>) src(%dma_wait3A_2212 : memref<262144x128xf32, #tpu.memory_space<hbm>>) dst(%arg12 : memref<64x128xf32, #tpu.memory_space<vmem>>)
          %mul3A_2213 = arith.constant 64 : i32
          %mul3A_2214 = arith.muli %add3A_2156, %mul3A_2213 : i32
          %add3A_2215 = arith.constant 0 : i32
          %add3A_2216 = arith.addi %mul3A_2214, %add3A_2215 : i32
          %get3A_2217 = arith.index_cast %add3A_2216 : i32 to index
          %get3A_2218 = tpu.vector_load %arg8[%get3A_2217] {strides = array<i32>} : memref<16512xi32, #tpu.memory_space<vmem>>, vector<16xi32>,
          %swap3A_2219 = arith.constant 0 : index
          %swap3A_2220 = tpu.vector_load %arg10[%swap3A_2219] {strides = array<i32>} : memref<64xi32, #tpu.memory_space<vmem>>, vector<16xi32>,
          tpu.vector_store %arg10[%swap3A_2219], %get3A_2218 {strides = array<i32>} : memref<64xi32, #tpu.memory_space<vmem>>, vector<16xi32>,
          %mul3A_2221 = arith.constant 64 : i32
          %mul3A_2222 = arith.muli %add3A_2156, %mul3A_2221 : i32
          %add3A_2223 = arith.constant 16 : i32
          %add3A_2224 = arith.addi %mul3A_2222, %add3A_2223 : i32
          %get3A_2225 = arith.index_cast %add3A_2224 : i32 to index
          %get3A_2226 = tpu.vector_load %arg8[%get3A_2225] {strides = array<i32>} : memref<16512xi32, #tpu.memory_space<vmem>>, vector<16xi32>,
          %swap3A_2227 = arith.constant 16 : index
          %swap3A_2228 = tpu.vector_load %arg10[%swap3A_2227] {strides = array<i32>} : memref<64xi32, #tpu.memory_space<vmem>>, vector<16xi32>,
          tpu.vector_store %arg10[%swap3A_2227], %get3A_2226 {strides = array<i32>} : memref<64xi32, #tpu.memory_space<vmem>>, vector<16xi32>,
          %mul3A_2229 = arith.constant 64 : i32
          %mul3A_2230 = arith.muli %add3A_2156, %mul3A_2229 : i32
          %add3A_2231 = arith.constant 32 : i32
          %add3A_2232 = arith.addi %mul3A_2230, %add3A_2231 : i32
          %get3A_2233 = arith.index_cast %add3A_2232 : i32 to index
          %get3A_2234 = tpu.vector_load %arg8[%get3A_2233] {strides = array<i32>} : memref<16512xi32, #tpu.memory_space<vmem>>, vector<16xi32>,
          %swap3A_2235 = arith.constant 32 : index
          %swap3A_2236 = tpu.vector_load %arg10[%swap3A_2235] {strides = array<i32>} : memref<64xi32, #tpu.memory_space<vmem>>, vector<16xi32>,
          tpu.vector_store %arg10[%swap3A_2235], %get3A_2234 {strides = array<i32>} : memref<64xi32, #tpu.memory_space<vmem>>, vector<16xi32>,
          %mul3A_2237 = arith.constant 64 : i32
          %mul3A_2238 = arith.muli %add3A_2156, %mul3A_2237 : i32
          %add3A_2239 = arith.constant 48 : i32
          %add3A_2240 = arith.addi %mul3A_2238, %add3A_2239 : i32
          %get3A_2241 = arith.index_cast %add3A_2240 : i32 to index
          %get3A_2242 = tpu.vector_load %arg8[%get3A_2241] {strides = array<i32>} : memref<16512xi32, #tpu.memory_space<vmem>>, vector<16xi32>,
          %swap3A_2243 = arith.constant 48 : index
          %swap3A_2244 = tpu.vector_load %arg10[%swap3A_2243] {strides = array<i32>} : memref<64xi32, #tpu.memory_space<vmem>>, vector<16xi32>,
          tpu.vector_store %arg10[%swap3A_2243], %get3A_2242 {strides = array<i32>} : memref<64xi32, #tpu.memory_space<vmem>>, vector<16xi32>,
          "tpu.region"() ({
            %run_scoped3A = tpu.sem_alloc : memref<!tpu.dma_semaphore, #tpu.memory_space<semaphore_mem>>
            %dma_start3A_2245 = arith.constant 0 : i32
            %dma_start3A_2246 = arith.constant 0 : i32
            %dma_start3A_2247 = tpu.memref_slice %arg15[%dma_start3A_2245, %dma_start3A_2246] : memref<8320x128xf32, #tpu.memory_space<vmem_shared>> -> memref<8320x128xf32, #tpu.memory_space<vmem_shared>>
            tpu.enqueue_indirect_dma source(%arg12 : memref<64x128xf32, #tpu.memory_space<vmem>>) target(%dma_start3A_2247 : memref<8320x128xf32, #tpu.memory_space<vmem_shared>>) offsets(%arg10 : memref<64xi32, #tpu.memory_space<vmem>>) semaphore(%run_scoped3A : memref<!tpu.dma_semaphore, #tpu.memory_space<semaphore_mem>>) {add = true}
            %dma_wait3A_2248 = arith.constant 0 : i32
            %dma_wait3A_2249 = arith.constant 0 : i32
            %dma_wait3A_2250 = tpu.memref_slice %arg15[%dma_wait3A_2248, %dma_wait3A_2249] : memref<8320x128xf32, #tpu.memory_space<vmem_shared>> -> memref<8320x128xf32, #tpu.memory_space<vmem_shared>>
            tpu.wait_indirect_dma semaphore(%run_scoped3A : memref<!tpu.dma_semaphore, #tpu.memory_space<semaphore_mem>>) src(%arg12 : memref<64x128xf32, #tpu.memory_space<vmem>>) dst(%dma_wait3A_2250 : memref<8320x128xf32, #tpu.memory_space<vmem_shared>>)
            tpu.yield
          }) : () -> ()
        } else {
        }
      }
      %barrier3A_1939 = arith.constant 0 : index
      tpu.barrier barrier_id(%barrier3A_1939)
      %mul3A_1940 = arith.constant 512 : i32
      %mul3A_1941 = arith.muli %arg1, %mul3A_1940 : i32
      %add3A_1942 = arith.addi %mul3A_1542, %mul3A_1941 : i32
      "tpu.region"() ({
        %run_scoped3A = tpu.sem_alloc : memref<!tpu.dma_semaphore, #tpu.memory_space<semaphore_mem>>
        %dma_start3A_2152 = tpu.memref_slice %arg3[%add3A_1942] : memref<262144xi32, #tpu.memory_space<hbm>> -> memref<512xi32, #tpu.memory_space<hbm>>
        %dma_start3A_2153 = tpu.memref_slice %arg3[%add3A_1942] : memref<262144xi32, #tpu.memory_space<hbm>> -> memref<512xi32, #tpu.memory_space<hbm>>
        tpu.enqueue_dma source(%dma_start3A_2153 : memref<512xi32, #tpu.memory_space<hbm>>) target(%arg14 : memref<512xi32, #tpu.memory_space<vmem>>) target_semaphore(%run_scoped3A : memref<!tpu.dma_semaphore, #tpu.memory_space<semaphore_mem>>)
        %dma_wait3A_2154 = tpu.memref_slice %arg3[%add3A_1942] : memref<262144xi32, #tpu.memory_space<hbm>> -> memref<512xi32, #tpu.memory_space<hbm>>
        %dma_wait3A_2155 = tpu.memref_slice %arg3[%add3A_1942] : memref<262144xi32, #tpu.memory_space<hbm>> -> memref<512xi32, #tpu.memory_space<hbm>>
        tpu.wait_dma2 semaphore(%run_scoped3A : memref<!tpu.dma_semaphore, #tpu.memory_space<semaphore_mem>>) src(%dma_wait3A_2155 : memref<512xi32, #tpu.memory_space<hbm>>) dst(%arg14 : memref<512xi32, #tpu.memory_space<vmem>>)
        tpu.yield
      }) : () -> ()
      %mul3A_1943 = arith.constant 512 : i32
      %mul3A_1944 = arith.muli %arg1, %mul3A_1943 : i32
      %add3A_1945 = arith.constant 0 : i32
      %add3A_1946 = arith.addi %mul3A_1944, %add3A_1945 : i32
      "tpu.region"() ({
        %run_scoped3A = tpu.sem_alloc : memref<!tpu.dma_semaphore, #tpu.memory_space<semaphore_mem>>
        %dma_start3A_2152 = arith.constant 0 : i32
        %dma_start3A_2153 = tpu.memref_slice %arg15[%add3A_1946, %dma_start3A_2152] : memref<8320x128xf32, #tpu.memory_space<vmem_shared>> -> memref<64x128xf32, #tpu.memory_space<vmem_shared>>
        %dma_start3A_2154 = arith.constant 0 : i32
        %dma_start3A_2155 = tpu.memref_slice %arg15[%add3A_1946, %dma_start3A_2154] : memref<8320x128xf32, #tpu.memory_space<vmem_shared>> -> memref<64x128xf32, #tpu.memory_space<vmem_shared>>
        tpu.enqueue_dma source(%dma_start3A_2155 : memref<64x128xf32, #tpu.memory_space<vmem_shared>>) target(%arg11 : memref<64x128xf32, #tpu.memory_space<vmem>>) target_semaphore(%run_scoped3A : memref<!tpu.dma_semaphore, #tpu.memory_space<semaphore_mem>>)
        %dma_wait3A_2156 = arith.constant 0 : i32
        %dma_wait3A_2157 = tpu.memref_slice %arg15[%add3A_1946, %dma_wait3A_2156] : memref<8320x128xf32, #tpu.memory_space<vmem_shared>> -> memref<64x128xf32, #tpu.memory_space<vmem_shared>>
        %dma_wait3A_2158 = arith.constant 0 : i32
        %dma_wait3A_2159 = tpu.memref_slice %arg15[%add3A_1946, %dma_wait3A_2158] : memref<8320x128xf32, #tpu.memory_space<vmem_shared>> -> memref<64x128xf32, #tpu.memory_space<vmem_shared>>
        tpu.wait_dma2 semaphore(%run_scoped3A : memref<!tpu.dma_semaphore, #tpu.memory_space<semaphore_mem>>) src(%dma_wait3A_2159 : memref<64x128xf32, #tpu.memory_space<vmem_shared>>) dst(%arg11 : memref<64x128xf32, #tpu.memory_space<vmem>>)
        tpu.yield
      }) : () -> ()
      %get3A_1947 = arith.constant 0 : index
      %get3A_1948 = tpu.vector_load %arg14[%get3A_1947] {strides = array<i32>} : memref<512xi32, #tpu.memory_space<vmem>>, vector<16xi32>,
      %swap3A_1949 = arith.constant 0 : index
      %swap3A_1950 = tpu.vector_load %arg9[%swap3A_1949] {strides = array<i32>} : memref<64xi32, #tpu.memory_space<vmem>>, vector<16xi32>,
      tpu.vector_store %arg9[%swap3A_1949], %get3A_1948 {strides = array<i32>} : memref<64xi32, #tpu.memory_space<vmem>>, vector<16xi32>,
      %get3A_1951 = arith.constant 16 : index
      %get3A_1952 = tpu.vector_load %arg14[%get3A_1951] {strides = array<i32>} : memref<512xi32, #tpu.memory_space<vmem>>, vector<16xi32>,
      %swap3A_1953 = arith.constant 16 : index
      %swap3A_1954 = tpu.vector_load %arg9[%swap3A_1953] {strides = array<i32>} : memref<64xi32, #tpu.memory_space<vmem>>, vector<16xi32>,
      tpu.vector_store %arg9[%swap3A_1953], %get3A_1952 {strides = array<i32>} : memref<64xi32, #tpu.memory_space<vmem>>, vector<16xi32>,
      %get3A_1955 = arith.constant 32 : index
      %get3A_1956 = tpu.vector_load %arg14[%get3A_1955] {strides = array<i32>} : memref<512xi32, #tpu.memory_space<vmem>>, vector<16xi32>,
      %swap3A_1957 = arith.constant 32 : index
      %swap3A_1958 = tpu.vector_load %arg9[%swap3A_1957] {strides = array<i32>} : memref<64xi32, #tpu.memory_space<vmem>>, vector<16xi32>,
      tpu.vector_store %arg9[%swap3A_1957], %get3A_1956 {strides = array<i32>} : memref<64xi32, #tpu.memory_space<vmem>>, vector<16xi32>,
      %get3A_1959 = arith.constant 48 : index
      %get3A_1960 = tpu.vector_load %arg14[%get3A_1959] {strides = array<i32>} : memref<512xi32, #tpu.memory_space<vmem>>, vector<16xi32>,
      %swap3A_1961 = arith.constant 48 : index
      %swap3A_1962 = tpu.vector_load %arg9[%swap3A_1961] {strides = array<i32>} : memref<64xi32, #tpu.memory_space<vmem>>, vector<16xi32>,
      tpu.vector_store %arg9[%swap3A_1961], %get3A_1960 {strides = array<i32>} : memref<64xi32, #tpu.memory_space<vmem>>, vector<16xi32>,
      %dma_start3A_1963 = arith.constant 0 : i32
      %dma_start3A_1964 = arith.constant 0 : i32
      %dma_start3A_1965 = tpu.memref_slice %arg5[%dma_start3A_1963, %dma_start3A_1964] : memref<262144x128xf32, #tpu.memory_space<hbm>> -> memref<262144x128xf32, #tpu.memory_space<hbm>>
      tpu.enqueue_indirect_dma source(%arg11 : memref<64x128xf32, #tpu.memory_space<vmem>>) target(%dma_start3A_1965 : memref<262144x128xf32, #tpu.memory_space<hbm>>) offsets(%arg9 : memref<64xi32, #tpu.memory_space<vmem>>) semaphore(%arg16 : memref<!tpu.dma_semaphore, #tpu.memory_space<semaphore_mem>>)
      %mul3A_1966 = arith.constant 512 : i32
      %mul3A_1967 = arith.muli %arg1, %mul3A_1966 : i32
      %add3A_1968 = arith.constant 64 : i32
      %add3A_1969 = arith.addi %mul3A_1967, %add3A_1968 : i32
      "tpu.region"() ({
        %run_scoped3A = tpu.sem_alloc : memref<!tpu.dma_semaphore, #tpu.memory_space<semaphore_mem>>
        %dma_start3A_2152 = arith.constant 0 : i32
        %dma_start3A_2153 = tpu.memref_slice %arg15[%add3A_1969, %dma_start3A_2152] : memref<8320x128xf32, #tpu.memory_space<vmem_shared>> -> memref<64x128xf32, #tpu.memory_space<vmem_shared>>
        %dma_start3A_2154 = arith.constant 0 : i32
        %dma_start3A_2155 = tpu.memref_slice %arg15[%add3A_1969, %dma_start3A_2154] : memref<8320x128xf32, #tpu.memory_space<vmem_shared>> -> memref<64x128xf32, #tpu.memory_space<vmem_shared>>
        tpu.enqueue_dma source(%dma_start3A_2155 : memref<64x128xf32, #tpu.memory_space<vmem_shared>>) target(%arg12 : memref<64x128xf32, #tpu.memory_space<vmem>>) target_semaphore(%run_scoped3A : memref<!tpu.dma_semaphore, #tpu.memory_space<semaphore_mem>>)
        %dma_wait3A_2156 = arith.constant 0 : i32
        %dma_wait3A_2157 = tpu.memref_slice %arg15[%add3A_1969, %dma_wait3A_2156] : memref<8320x128xf32, #tpu.memory_space<vmem_shared>> -> memref<64x128xf32, #tpu.memory_space<vmem_shared>>
        %dma_wait3A_2158 = arith.constant 0 : i32
        %dma_wait3A_2159 = tpu.memref_slice %arg15[%add3A_1969, %dma_wait3A_2158] : memref<8320x128xf32, #tpu.memory_space<vmem_shared>> -> memref<64x128xf32, #tpu.memory_space<vmem_shared>>
        tpu.wait_dma2 semaphore(%run_scoped3A : memref<!tpu.dma_semaphore, #tpu.memory_space<semaphore_mem>>) src(%dma_wait3A_2159 : memref<64x128xf32, #tpu.memory_space<vmem_shared>>) dst(%arg12 : memref<64x128xf32, #tpu.memory_space<vmem>>)
        tpu.yield
      }) : () -> ()
      %get3A_1970 = arith.constant 64 : index
      %get3A_1971 = tpu.vector_load %arg14[%get3A_1970] {strides = array<i32>} : memref<512xi32, #tpu.memory_space<vmem>>, vector<16xi32>,
      %swap3A_1972 = arith.constant 0 : index
      %swap3A_1973 = tpu.vector_load %arg10[%swap3A_1972] {strides = array<i32>} : memref<64xi32, #tpu.memory_space<vmem>>, vector<16xi32>,
      tpu.vector_store %arg10[%swap3A_1972], %get3A_1971 {strides = array<i32>} : memref<64xi32, #tpu.memory_space<vmem>>, vector<16xi32>,
      %get3A_1974 = arith.constant 80 : index
      %get3A_1975 = tpu.vector_load %arg14[%get3A_1974] {strides = array<i32>} : memref<512xi32, #tpu.memory_space<vmem>>, vector<16xi32>,
      %swap3A_1976 = arith.constant 16 : index
      %swap3A_1977 = tpu.vector_load %arg10[%swap3A_1976] {strides = array<i32>} : memref<64xi32, #tpu.memory_space<vmem>>, vector<16xi32>,
      tpu.vector_store %arg10[%swap3A_1976], %get3A_1975 {strides = array<i32>} : memref<64xi32, #tpu.memory_space<vmem>>, vector<16xi32>,
      %get3A_1978 = arith.constant 96 : index
      %get3A_1979 = tpu.vector_load %arg14[%get3A_1978] {strides = array<i32>} : memref<512xi32, #tpu.memory_space<vmem>>, vector<16xi32>,
      %swap3A_1980 = arith.constant 32 : index
      %swap3A_1981 = tpu.vector_load %arg10[%swap3A_1980] {strides = array<i32>} : memref<64xi32, #tpu.memory_space<vmem>>, vector<16xi32>,
      tpu.vector_store %arg10[%swap3A_1980], %get3A_1979 {strides = array<i32>} : memref<64xi32, #tpu.memory_space<vmem>>, vector<16xi32>,
      %get3A_1982 = arith.constant 112 : index
      %get3A_1983 = tpu.vector_load %arg14[%get3A_1982] {strides = array<i32>} : memref<512xi32, #tpu.memory_space<vmem>>, vector<16xi32>,
      %swap3A_1984 = arith.constant 48 : index
      %swap3A_1985 = tpu.vector_load %arg10[%swap3A_1984] {strides = array<i32>} : memref<64xi32, #tpu.memory_space<vmem>>, vector<16xi32>,
      tpu.vector_store %arg10[%swap3A_1984], %get3A_1983 {strides = array<i32>} : memref<64xi32, #tpu.memory_space<vmem>>, vector<16xi32>,
      %dma_start3A_1986 = arith.constant 0 : i32
      %dma_start3A_1987 = arith.constant 0 : i32
      %dma_start3A_1988 = tpu.memref_slice %arg5[%dma_start3A_1986, %dma_start3A_1987] : memref<262144x128xf32, #tpu.memory_space<hbm>> -> memref<262144x128xf32, #tpu.memory_space<hbm>>
      tpu.enqueue_indirect_dma source(%arg12 : memref<64x128xf32, #tpu.memory_space<vmem>>) target(%dma_start3A_1988 : memref<262144x128xf32, #tpu.memory_space<hbm>>) offsets(%arg10 : memref<64xi32, #tpu.memory_space<vmem>>) semaphore(%arg17 : memref<!tpu.dma_semaphore, #tpu.memory_space<semaphore_mem>>)
      %dma_wait3A_1989 = arith.constant 0 : i32
      %dma_wait3A_1990 = arith.constant 0 : i32
      %dma_wait3A_1991 = tpu.memref_slice %arg5[%dma_wait3A_1989, %dma_wait3A_1990] : memref<262144x128xf32, #tpu.memory_space<hbm>> -> memref<262144x128xf32, #tpu.memory_space<hbm>>
      tpu.wait_indirect_dma semaphore(%arg16 : memref<!tpu.dma_semaphore, #tpu.memory_space<semaphore_mem>>) src(%arg11 : memref<64x128xf32, #tpu.memory_space<vmem>>) dst(%dma_wait3A_1991 : memref<262144x128xf32, #tpu.memory_space<hbm>>)
      %mul3A_1992 = arith.constant 512 : i32
      %mul3A_1993 = arith.muli %arg1, %mul3A_1992 : i32
      %add3A_1994 = arith.constant 128 : i32
      %add3A_1995 = arith.addi %mul3A_1993, %add3A_1994 : i32
      "tpu.region"() ({
        %run_scoped3A = tpu.sem_alloc : memref<!tpu.dma_semaphore, #tpu.memory_space<semaphore_mem>>
        %dma_start3A_2152 = arith.constant 0 : i32
        %dma_start3A_2153 = tpu.memref_slice %arg15[%add3A_1995, %dma_start3A_2152] : memref<8320x128xf32, #tpu.memory_space<vmem_shared>> -> memref<64x128xf32, #tpu.memory_space<vmem_shared>>
        %dma_start3A_2154 = arith.constant 0 : i32
        %dma_start3A_2155 = tpu.memref_slice %arg15[%add3A_1995, %dma_start3A_2154] : memref<8320x128xf32, #tpu.memory_space<vmem_shared>> -> memref<64x128xf32, #tpu.memory_space<vmem_shared>>
        tpu.enqueue_dma source(%dma_start3A_2155 : memref<64x128xf32, #tpu.memory_space<vmem_shared>>) target(%arg11 : memref<64x128xf32, #tpu.memory_space<vmem>>) target_semaphore(%run_scoped3A : memref<!tpu.dma_semaphore, #tpu.memory_space<semaphore_mem>>)
        %dma_wait3A_2156 = arith.constant 0 : i32
        %dma_wait3A_2157 = tpu.memref_slice %arg15[%add3A_1995, %dma_wait3A_2156] : memref<8320x128xf32, #tpu.memory_space<vmem_shared>> -> memref<64x128xf32, #tpu.memory_space<vmem_shared>>
        %dma_wait3A_2158 = arith.constant 0 : i32
        %dma_wait3A_2159 = tpu.memref_slice %arg15[%add3A_1995, %dma_wait3A_2158] : memref<8320x128xf32, #tpu.memory_space<vmem_shared>> -> memref<64x128xf32, #tpu.memory_space<vmem_shared>>
        tpu.wait_dma2 semaphore(%run_scoped3A : memref<!tpu.dma_semaphore, #tpu.memory_space<semaphore_mem>>) src(%dma_wait3A_2159 : memref<64x128xf32, #tpu.memory_space<vmem_shared>>) dst(%arg11 : memref<64x128xf32, #tpu.memory_space<vmem>>)
        tpu.yield
      }) : () -> ()
      %get3A_1996 = arith.constant 128 : index
      %get3A_1997 = tpu.vector_load %arg14[%get3A_1996] {strides = array<i32>} : memref<512xi32, #tpu.memory_space<vmem>>, vector<16xi32>,
      %swap3A_1998 = arith.constant 0 : index
      %swap3A_1999 = tpu.vector_load %arg9[%swap3A_1998] {strides = array<i32>} : memref<64xi32, #tpu.memory_space<vmem>>, vector<16xi32>,
      tpu.vector_store %arg9[%swap3A_1998], %get3A_1997 {strides = array<i32>} : memref<64xi32, #tpu.memory_space<vmem>>, vector<16xi32>,
      %get3A_2000 = arith.constant 144 : index
      %get3A_2001 = tpu.vector_load %arg14[%get3A_2000] {strides = array<i32>} : memref<512xi32, #tpu.memory_space<vmem>>, vector<16xi32>,
      %swap3A_2002 = arith.constant 16 : index
      %swap3A_2003 = tpu.vector_load %arg9[%swap3A_2002] {strides = array<i32>} : memref<64xi32, #tpu.memory_space<vmem>>, vector<16xi32>,
      tpu.vector_store %arg9[%swap3A_2002], %get3A_2001 {strides = array<i32>} : memref<64xi32, #tpu.memory_space<vmem>>, vector<16xi32>,
      %get3A_2004 = arith.constant 160 : index
      %get3A_2005 = tpu.vector_load %arg14[%get3A_2004] {strides = array<i32>} : memref<512xi32, #tpu.memory_space<vmem>>, vector<16xi32>,
      %swap3A_2006 = arith.constant 32 : index
      %swap3A_2007 = tpu.vector_load %arg9[%swap3A_2006] {strides = array<i32>} : memref<64xi32, #tpu.memory_space<vmem>>, vector<16xi32>,
      tpu.vector_store %arg9[%swap3A_2006], %get3A_2005 {strides = array<i32>} : memref<64xi32, #tpu.memory_space<vmem>>, vector<16xi32>,
      %get3A_2008 = arith.constant 176 : index
      %get3A_2009 = tpu.vector_load %arg14[%get3A_2008] {strides = array<i32>} : memref<512xi32, #tpu.memory_space<vmem>>, vector<16xi32>,
      %swap3A_2010 = arith.constant 48 : index
      %swap3A_2011 = tpu.vector_load %arg9[%swap3A_2010] {strides = array<i32>} : memref<64xi32, #tpu.memory_space<vmem>>, vector<16xi32>,
      tpu.vector_store %arg9[%swap3A_2010], %get3A_2009 {strides = array<i32>} : memref<64xi32, #tpu.memory_space<vmem>>, vector<16xi32>,
      %dma_start3A_2012 = arith.constant 0 : i32
      %dma_start3A_2013 = arith.constant 0 : i32
      %dma_start3A_2014 = tpu.memref_slice %arg5[%dma_start3A_2012, %dma_start3A_2013] : memref<262144x128xf32, #tpu.memory_space<hbm>> -> memref<262144x128xf32, #tpu.memory_space<hbm>>
      tpu.enqueue_indirect_dma source(%arg11 : memref<64x128xf32, #tpu.memory_space<vmem>>) target(%dma_start3A_2014 : memref<262144x128xf32, #tpu.memory_space<hbm>>) offsets(%arg9 : memref<64xi32, #tpu.memory_space<vmem>>) semaphore(%arg16 : memref<!tpu.dma_semaphore, #tpu.memory_space<semaphore_mem>>)
      %dma_wait3A_2015 = arith.constant 0 : i32
      %dma_wait3A_2016 = arith.constant 0 : i32
      %dma_wait3A_2017 = tpu.memref_slice %arg5[%dma_wait3A_2015, %dma_wait3A_2016] : memref<262144x128xf32, #tpu.memory_space<hbm>> -> memref<262144x128xf32, #tpu.memory_space<hbm>>
      tpu.wait_indirect_dma semaphore(%arg17 : memref<!tpu.dma_semaphore, #tpu.memory_space<semaphore_mem>>) src(%arg12 : memref<64x128xf32, #tpu.memory_space<vmem>>) dst(%dma_wait3A_2017 : memref<262144x128xf32, #tpu.memory_space<hbm>>)
      %mul3A_2018 = arith.constant 512 : i32
      %mul3A_2019 = arith.muli %arg1, %mul3A_2018 : i32
      %add3A_2020 = arith.constant 192 : i32
      %add3A_2021 = arith.addi %mul3A_2019, %add3A_2020 : i32
      "tpu.region"() ({
        %run_scoped3A = tpu.sem_alloc : memref<!tpu.dma_semaphore, #tpu.memory_space<semaphore_mem>>
        %dma_start3A_2152 = arith.constant 0 : i32
        %dma_start3A_2153 = tpu.memref_slice %arg15[%add3A_2021, %dma_start3A_2152] : memref<8320x128xf32, #tpu.memory_space<vmem_shared>> -> memref<64x128xf32, #tpu.memory_space<vmem_shared>>
        %dma_start3A_2154 = arith.constant 0 : i32
        %dma_start3A_2155 = tpu.memref_slice %arg15[%add3A_2021, %dma_start3A_2154] : memref<8320x128xf32, #tpu.memory_space<vmem_shared>> -> memref<64x128xf32, #tpu.memory_space<vmem_shared>>
        tpu.enqueue_dma source(%dma_start3A_2155 : memref<64x128xf32, #tpu.memory_space<vmem_shared>>) target(%arg12 : memref<64x128xf32, #tpu.memory_space<vmem>>) target_semaphore(%run_scoped3A : memref<!tpu.dma_semaphore, #tpu.memory_space<semaphore_mem>>)
        %dma_wait3A_2156 = arith.constant 0 : i32
        %dma_wait3A_2157 = tpu.memref_slice %arg15[%add3A_2021, %dma_wait3A_2156] : memref<8320x128xf32, #tpu.memory_space<vmem_shared>> -> memref<64x128xf32, #tpu.memory_space<vmem_shared>>
        %dma_wait3A_2158 = arith.constant 0 : i32
        %dma_wait3A_2159 = tpu.memref_slice %arg15[%add3A_2021, %dma_wait3A_2158] : memref<8320x128xf32, #tpu.memory_space<vmem_shared>> -> memref<64x128xf32, #tpu.memory_space<vmem_shared>>
        tpu.wait_dma2 semaphore(%run_scoped3A : memref<!tpu.dma_semaphore, #tpu.memory_space<semaphore_mem>>) src(%dma_wait3A_2159 : memref<64x128xf32, #tpu.memory_space<vmem_shared>>) dst(%arg12 : memref<64x128xf32, #tpu.memory_space<vmem>>)
        tpu.yield
      }) : () -> ()
      %get3A_2022 = arith.constant 192 : index
      %get3A_2023 = tpu.vector_load %arg14[%get3A_2022] {strides = array<i32>} : memref<512xi32, #tpu.memory_space<vmem>>, vector<16xi32>,
      %swap3A_2024 = arith.constant 0 : index
      %swap3A_2025 = tpu.vector_load %arg10[%swap3A_2024] {strides = array<i32>} : memref<64xi32, #tpu.memory_space<vmem>>, vector<16xi32>,
      tpu.vector_store %arg10[%swap3A_2024], %get3A_2023 {strides = array<i32>} : memref<64xi32, #tpu.memory_space<vmem>>, vector<16xi32>,
      %get3A_2026 = arith.constant 208 : index
      %get3A_2027 = tpu.vector_load %arg14[%get3A_2026] {strides = array<i32>} : memref<512xi32, #tpu.memory_space<vmem>>, vector<16xi32>,
      %swap3A_2028 = arith.constant 16 : index
      %swap3A_2029 = tpu.vector_load %arg10[%swap3A_2028] {strides = array<i32>} : memref<64xi32, #tpu.memory_space<vmem>>, vector<16xi32>,
      tpu.vector_store %arg10[%swap3A_2028], %get3A_2027 {strides = array<i32>} : memref<64xi32, #tpu.memory_space<vmem>>, vector<16xi32>,
      %get3A_2030 = arith.constant 224 : index
      %get3A_2031 = tpu.vector_load %arg14[%get3A_2030] {strides = array<i32>} : memref<512xi32, #tpu.memory_space<vmem>>, vector<16xi32>,
      %swap3A_2032 = arith.constant 32 : index
      %swap3A_2033 = tpu.vector_load %arg10[%swap3A_2032] {strides = array<i32>} : memref<64xi32, #tpu.memory_space<vmem>>, vector<16xi32>,
      tpu.vector_store %arg10[%swap3A_2032], %get3A_2031 {strides = array<i32>} : memref<64xi32, #tpu.memory_space<vmem>>, vector<16xi32>,
      %get3A_2034 = arith.constant 240 : index
      %get3A_2035 = tpu.vector_load %arg14[%get3A_2034] {strides = array<i32>} : memref<512xi32, #tpu.memory_space<vmem>>, vector<16xi32>,
      %swap3A_2036 = arith.constant 48 : index
      %swap3A_2037 = tpu.vector_load %arg10[%swap3A_2036] {strides = array<i32>} : memref<64xi32, #tpu.memory_space<vmem>>, vector<16xi32>,
      tpu.vector_store %arg10[%swap3A_2036], %get3A_2035 {strides = array<i32>} : memref<64xi32, #tpu.memory_space<vmem>>, vector<16xi32>,
      %dma_start3A_2038 = arith.constant 0 : i32
      %dma_start3A_2039 = arith.constant 0 : i32
      %dma_start3A_2040 = tpu.memref_slice %arg5[%dma_start3A_2038, %dma_start3A_2039] : memref<262144x128xf32, #tpu.memory_space<hbm>> -> memref<262144x128xf32, #tpu.memory_space<hbm>>
      tpu.enqueue_indirect_dma source(%arg12 : memref<64x128xf32, #tpu.memory_space<vmem>>) target(%dma_start3A_2040 : memref<262144x128xf32, #tpu.memory_space<hbm>>) offsets(%arg10 : memref<64xi32, #tpu.memory_space<vmem>>) semaphore(%arg17 : memref<!tpu.dma_semaphore, #tpu.memory_space<semaphore_mem>>)
      %dma_wait3A_2041 = arith.constant 0 : i32
      %dma_wait3A_2042 = arith.constant 0 : i32
      %dma_wait3A_2043 = tpu.memref_slice %arg5[%dma_wait3A_2041, %dma_wait3A_2042] : memref<262144x128xf32, #tpu.memory_space<hbm>> -> memref<262144x128xf32, #tpu.memory_space<hbm>>
      tpu.wait_indirect_dma semaphore(%arg16 : memref<!tpu.dma_semaphore, #tpu.memory_space<semaphore_mem>>) src(%arg11 : memref<64x128xf32, #tpu.memory_space<vmem>>) dst(%dma_wait3A_2043 : memref<262144x128xf32, #tpu.memory_space<hbm>>)
      %mul3A_2044 = arith.constant 512 : i32
      %mul3A_2045 = arith.muli %arg1, %mul3A_2044 : i32
      %add3A_2046 = arith.constant 256 : i32
      %add3A_2047 = arith.addi %mul3A_2045, %add3A_2046 : i32
      "tpu.region"() ({
        %run_scoped3A = tpu.sem_alloc : memref<!tpu.dma_semaphore, #tpu.memory_space<semaphore_mem>>
        %dma_start3A_2152 = arith.constant 0 : i32
        %dma_start3A_2153 = tpu.memref_slice %arg15[%add3A_2047, %dma_start3A_2152] : memref<8320x128xf32, #tpu.memory_space<vmem_shared>> -> memref<64x128xf32, #tpu.memory_space<vmem_shared>>
        %dma_start3A_2154 = arith.constant 0 : i32
        %dma_start3A_2155 = tpu.memref_slice %arg15[%add3A_2047, %dma_start3A_2154] : memref<8320x128xf32, #tpu.memory_space<vmem_shared>> -> memref<64x128xf32, #tpu.memory_space<vmem_shared>>
        tpu.enqueue_dma source(%dma_start3A_2155 : memref<64x128xf32, #tpu.memory_space<vmem_shared>>) target(%arg11 : memref<64x128xf32, #tpu.memory_space<vmem>>) target_semaphore(%run_scoped3A : memref<!tpu.dma_semaphore, #tpu.memory_space<semaphore_mem>>)
        %dma_wait3A_2156 = arith.constant 0 : i32
        %dma_wait3A_2157 = tpu.memref_slice %arg15[%add3A_2047, %dma_wait3A_2156] : memref<8320x128xf32, #tpu.memory_space<vmem_shared>> -> memref<64x128xf32, #tpu.memory_space<vmem_shared>>
        %dma_wait3A_2158 = arith.constant 0 : i32
        %dma_wait3A_2159 = tpu.memref_slice %arg15[%add3A_2047, %dma_wait3A_2158] : memref<8320x128xf32, #tpu.memory_space<vmem_shared>> -> memref<64x128xf32, #tpu.memory_space<vmem_shared>>
        tpu.wait_dma2 semaphore(%run_scoped3A : memref<!tpu.dma_semaphore, #tpu.memory_space<semaphore_mem>>) src(%dma_wait3A_2159 : memref<64x128xf32, #tpu.memory_space<vmem_shared>>) dst(%arg11 : memref<64x128xf32, #tpu.memory_space<vmem>>)
        tpu.yield
      }) : () -> ()
      %get3A_2048 = arith.constant 256 : index
      %get3A_2049 = tpu.vector_load %arg14[%get3A_2048] {strides = array<i32>} : memref<512xi32, #tpu.memory_space<vmem>>, vector<16xi32>,
      %swap3A_2050 = arith.constant 0 : index
      %swap3A_2051 = tpu.vector_load %arg9[%swap3A_2050] {strides = array<i32>} : memref<64xi32, #tpu.memory_space<vmem>>, vector<16xi32>,
      tpu.vector_store %arg9[%swap3A_2050], %get3A_2049 {strides = array<i32>} : memref<64xi32, #tpu.memory_space<vmem>>, vector<16xi32>,
      %get3A_2052 = arith.constant 272 : index
      %get3A_2053 = tpu.vector_load %arg14[%get3A_2052] {strides = array<i32>} : memref<512xi32, #tpu.memory_space<vmem>>, vector<16xi32>,
      %swap3A_2054 = arith.constant 16 : index
      %swap3A_2055 = tpu.vector_load %arg9[%swap3A_2054] {strides = array<i32>} : memref<64xi32, #tpu.memory_space<vmem>>, vector<16xi32>,
      tpu.vector_store %arg9[%swap3A_2054], %get3A_2053 {strides = array<i32>} : memref<64xi32, #tpu.memory_space<vmem>>, vector<16xi32>,
      %get3A_2056 = arith.constant 288 : index
      %get3A_2057 = tpu.vector_load %arg14[%get3A_2056] {strides = array<i32>} : memref<512xi32, #tpu.memory_space<vmem>>, vector<16xi32>,
      %swap3A_2058 = arith.constant 32 : index
      %swap3A_2059 = tpu.vector_load %arg9[%swap3A_2058] {strides = array<i32>} : memref<64xi32, #tpu.memory_space<vmem>>, vector<16xi32>,
      tpu.vector_store %arg9[%swap3A_2058], %get3A_2057 {strides = array<i32>} : memref<64xi32, #tpu.memory_space<vmem>>, vector<16xi32>,
      %get3A_2060 = arith.constant 304 : index
      %get3A_2061 = tpu.vector_load %arg14[%get3A_2060] {strides = array<i32>} : memref<512xi32, #tpu.memory_space<vmem>>, vector<16xi32>,
      %swap3A_2062 = arith.constant 48 : index
      %swap3A_2063 = tpu.vector_load %arg9[%swap3A_2062] {strides = array<i32>} : memref<64xi32, #tpu.memory_space<vmem>>, vector<16xi32>,
      tpu.vector_store %arg9[%swap3A_2062], %get3A_2061 {strides = array<i32>} : memref<64xi32, #tpu.memory_space<vmem>>, vector<16xi32>,
      %dma_start3A_2064 = arith.constant 0 : i32
      %dma_start3A_2065 = arith.constant 0 : i32
      %dma_start3A_2066 = tpu.memref_slice %arg5[%dma_start3A_2064, %dma_start3A_2065] : memref<262144x128xf32, #tpu.memory_space<hbm>> -> memref<262144x128xf32, #tpu.memory_space<hbm>>
      tpu.enqueue_indirect_dma source(%arg11 : memref<64x128xf32, #tpu.memory_space<vmem>>) target(%dma_start3A_2066 : memref<262144x128xf32, #tpu.memory_space<hbm>>) offsets(%arg9 : memref<64xi32, #tpu.memory_space<vmem>>) semaphore(%arg16 : memref<!tpu.dma_semaphore, #tpu.memory_space<semaphore_mem>>)
      %dma_wait3A_2067 = arith.constant 0 : i32
      %dma_wait3A_2068 = arith.constant 0 : i32
      %dma_wait3A_2069 = tpu.memref_slice %arg5[%dma_wait3A_2067, %dma_wait3A_2068] : memref<262144x128xf32, #tpu.memory_space<hbm>> -> memref<262144x128xf32, #tpu.memory_space<hbm>>
      tpu.wait_indirect_dma semaphore(%arg17 : memref<!tpu.dma_semaphore, #tpu.memory_space<semaphore_mem>>) src(%arg12 : memref<64x128xf32, #tpu.memory_space<vmem>>) dst(%dma_wait3A_2069 : memref<262144x128xf32, #tpu.memory_space<hbm>>)
      %mul3A_2070 = arith.constant 512 : i32
      %mul3A_2071 = arith.muli %arg1, %mul3A_2070 : i32
      %add3A_2072 = arith.constant 320 : i32
      %add3A_2073 = arith.addi %mul3A_2071, %add3A_2072 : i32
      "tpu.region"() ({
        %run_scoped3A = tpu.sem_alloc : memref<!tpu.dma_semaphore, #tpu.memory_space<semaphore_mem>>
        %dma_start3A_2152 = arith.constant 0 : i32
        %dma_start3A_2153 = tpu.memref_slice %arg15[%add3A_2073, %dma_start3A_2152] : memref<8320x128xf32, #tpu.memory_space<vmem_shared>> -> memref<64x128xf32, #tpu.memory_space<vmem_shared>>
        %dma_start3A_2154 = arith.constant 0 : i32
        %dma_start3A_2155 = tpu.memref_slice %arg15[%add3A_2073, %dma_start3A_2154] : memref<8320x128xf32, #tpu.memory_space<vmem_shared>> -> memref<64x128xf32, #tpu.memory_space<vmem_shared>>
        tpu.enqueue_dma source(%dma_start3A_2155 : memref<64x128xf32, #tpu.memory_space<vmem_shared>>) target(%arg12 : memref<64x128xf32, #tpu.memory_space<vmem>>) target_semaphore(%run_scoped3A : memref<!tpu.dma_semaphore, #tpu.memory_space<semaphore_mem>>)
        %dma_wait3A_2156 = arith.constant 0 : i32
        %dma_wait3A_2157 = tpu.memref_slice %arg15[%add3A_2073, %dma_wait3A_2156] : memref<8320x128xf32, #tpu.memory_space<vmem_shared>> -> memref<64x128xf32, #tpu.memory_space<vmem_shared>>
        %dma_wait3A_2158 = arith.constant 0 : i32
        %dma_wait3A_2159 = tpu.memref_slice %arg15[%add3A_2073, %dma_wait3A_2158] : memref<8320x128xf32, #tpu.memory_space<vmem_shared>> -> memref<64x128xf32, #tpu.memory_space<vmem_shared>>
        tpu.wait_dma2 semaphore(%run_scoped3A : memref<!tpu.dma_semaphore, #tpu.memory_space<semaphore_mem>>) src(%dma_wait3A_2159 : memref<64x128xf32, #tpu.memory_space<vmem_shared>>) dst(%arg12 : memref<64x128xf32, #tpu.memory_space<vmem>>)
        tpu.yield
      }) : () -> ()
      %get3A_2074 = arith.constant 320 : index
      %get3A_2075 = tpu.vector_load %arg14[%get3A_2074] {strides = array<i32>} : memref<512xi32, #tpu.memory_space<vmem>>, vector<16xi32>,
      %swap3A_2076 = arith.constant 0 : index
      %swap3A_2077 = tpu.vector_load %arg10[%swap3A_2076] {strides = array<i32>} : memref<64xi32, #tpu.memory_space<vmem>>, vector<16xi32>,
      tpu.vector_store %arg10[%swap3A_2076], %get3A_2075 {strides = array<i32>} : memref<64xi32, #tpu.memory_space<vmem>>, vector<16xi32>,
      %get3A_2078 = arith.constant 336 : index
      %get3A_2079 = tpu.vector_load %arg14[%get3A_2078] {strides = array<i32>} : memref<512xi32, #tpu.memory_space<vmem>>, vector<16xi32>,
      %swap3A_2080 = arith.constant 16 : index
      %swap3A_2081 = tpu.vector_load %arg10[%swap3A_2080] {strides = array<i32>} : memref<64xi32, #tpu.memory_space<vmem>>, vector<16xi32>,
      tpu.vector_store %arg10[%swap3A_2080], %get3A_2079 {strides = array<i32>} : memref<64xi32, #tpu.memory_space<vmem>>, vector<16xi32>,
      %get3A_2082 = arith.constant 352 : index
      %get3A_2083 = tpu.vector_load %arg14[%get3A_2082] {strides = array<i32>} : memref<512xi32, #tpu.memory_space<vmem>>, vector<16xi32>,
      %swap3A_2084 = arith.constant 32 : index
      %swap3A_2085 = tpu.vector_load %arg10[%swap3A_2084] {strides = array<i32>} : memref<64xi32, #tpu.memory_space<vmem>>, vector<16xi32>,
      tpu.vector_store %arg10[%swap3A_2084], %get3A_2083 {strides = array<i32>} : memref<64xi32, #tpu.memory_space<vmem>>, vector<16xi32>,
      %get3A_2086 = arith.constant 368 : index
      %get3A_2087 = tpu.vector_load %arg14[%get3A_2086] {strides = array<i32>} : memref<512xi32, #tpu.memory_space<vmem>>, vector<16xi32>,
      %swap3A_2088 = arith.constant 48 : index
      %swap3A_2089 = tpu.vector_load %arg10[%swap3A_2088] {strides = array<i32>} : memref<64xi32, #tpu.memory_space<vmem>>, vector<16xi32>,
      tpu.vector_store %arg10[%swap3A_2088], %get3A_2087 {strides = array<i32>} : memref<64xi32, #tpu.memory_space<vmem>>, vector<16xi32>,
      %dma_start3A_2090 = arith.constant 0 : i32
      %dma_start3A_2091 = arith.constant 0 : i32
      %dma_start3A_2092 = tpu.memref_slice %arg5[%dma_start3A_2090, %dma_start3A_2091] : memref<262144x128xf32, #tpu.memory_space<hbm>> -> memref<262144x128xf32, #tpu.memory_space<hbm>>
      tpu.enqueue_indirect_dma source(%arg12 : memref<64x128xf32, #tpu.memory_space<vmem>>) target(%dma_start3A_2092 : memref<262144x128xf32, #tpu.memory_space<hbm>>) offsets(%arg10 : memref<64xi32, #tpu.memory_space<vmem>>) semaphore(%arg17 : memref<!tpu.dma_semaphore, #tpu.memory_space<semaphore_mem>>)
      %dma_wait3A_2093 = arith.constant 0 : i32
      %dma_wait3A_2094 = arith.constant 0 : i32
      %dma_wait3A_2095 = tpu.memref_slice %arg5[%dma_wait3A_2093, %dma_wait3A_2094] : memref<262144x128xf32, #tpu.memory_space<hbm>> -> memref<262144x128xf32, #tpu.memory_space<hbm>>
      tpu.wait_indirect_dma semaphore(%arg16 : memref<!tpu.dma_semaphore, #tpu.memory_space<semaphore_mem>>) src(%arg11 : memref<64x128xf32, #tpu.memory_space<vmem>>) dst(%dma_wait3A_2095 : memref<262144x128xf32, #tpu.memory_space<hbm>>)
      %mul3A_2096 = arith.constant 512 : i32
      %mul3A_2097 = arith.muli %arg1, %mul3A_2096 : i32
      %add3A_2098 = arith.constant 384 : i32
      %add3A_2099 = arith.addi %mul3A_2097, %add3A_2098 : i32
      "tpu.region"() ({
        %run_scoped3A = tpu.sem_alloc : memref<!tpu.dma_semaphore, #tpu.memory_space<semaphore_mem>>
        %dma_start3A_2152 = arith.constant 0 : i32
        %dma_start3A_2153 = tpu.memref_slice %arg15[%add3A_2099, %dma_start3A_2152] : memref<8320x128xf32, #tpu.memory_space<vmem_shared>> -> memref<64x128xf32, #tpu.memory_space<vmem_shared>>
        %dma_start3A_2154 = arith.constant 0 : i32
        %dma_start3A_2155 = tpu.memref_slice %arg15[%add3A_2099, %dma_start3A_2154] : memref<8320x128xf32, #tpu.memory_space<vmem_shared>> -> memref<64x128xf32, #tpu.memory_space<vmem_shared>>
        tpu.enqueue_dma source(%dma_start3A_2155 : memref<64x128xf32, #tpu.memory_space<vmem_shared>>) target(%arg11 : memref<64x128xf32, #tpu.memory_space<vmem>>) target_semaphore(%run_scoped3A : memref<!tpu.dma_semaphore, #tpu.memory_space<semaphore_mem>>)
        %dma_wait3A_2156 = arith.constant 0 : i32
        %dma_wait3A_2157 = tpu.memref_slice %arg15[%add3A_2099, %dma_wait3A_2156] : memref<8320x128xf32, #tpu.memory_space<vmem_shared>> -> memref<64x128xf32, #tpu.memory_space<vmem_shared>>
        %dma_wait3A_2158 = arith.constant 0 : i32
        %dma_wait3A_2159 = tpu.memref_slice %arg15[%add3A_2099, %dma_wait3A_2158] : memref<8320x128xf32, #tpu.memory_space<vmem_shared>> -> memref<64x128xf32, #tpu.memory_space<vmem_shared>>
        tpu.wait_dma2 semaphore(%run_scoped3A : memref<!tpu.dma_semaphore, #tpu.memory_space<semaphore_mem>>) src(%dma_wait3A_2159 : memref<64x128xf32, #tpu.memory_space<vmem_shared>>) dst(%arg11 : memref<64x128xf32, #tpu.memory_space<vmem>>)
        tpu.yield
      }) : () -> ()
      %get3A_2100 = arith.constant 384 : index
      %get3A_2101 = tpu.vector_load %arg14[%get3A_2100] {strides = array<i32>} : memref<512xi32, #tpu.memory_space<vmem>>, vector<16xi32>,
      %swap3A_2102 = arith.constant 0 : index
      %swap3A_2103 = tpu.vector_load %arg9[%swap3A_2102] {strides = array<i32>} : memref<64xi32, #tpu.memory_space<vmem>>, vector<16xi32>,
      tpu.vector_store %arg9[%swap3A_2102], %get3A_2101 {strides = array<i32>} : memref<64xi32, #tpu.memory_space<vmem>>, vector<16xi32>,
      %get3A_2104 = arith.constant 400 : index
      %get3A_2105 = tpu.vector_load %arg14[%get3A_2104] {strides = array<i32>} : memref<512xi32, #tpu.memory_space<vmem>>, vector<16xi32>,
      %swap3A_2106 = arith.constant 16 : index
      %swap3A_2107 = tpu.vector_load %arg9[%swap3A_2106] {strides = array<i32>} : memref<64xi32, #tpu.memory_space<vmem>>, vector<16xi32>,
      tpu.vector_store %arg9[%swap3A_2106], %get3A_2105 {strides = array<i32>} : memref<64xi32, #tpu.memory_space<vmem>>, vector<16xi32>,
      %get3A_2108 = arith.constant 416 : index
      %get3A_2109 = tpu.vector_load %arg14[%get3A_2108] {strides = array<i32>} : memref<512xi32, #tpu.memory_space<vmem>>, vector<16xi32>,
      %swap3A_2110 = arith.constant 32 : index
      %swap3A_2111 = tpu.vector_load %arg9[%swap3A_2110] {strides = array<i32>} : memref<64xi32, #tpu.memory_space<vmem>>, vector<16xi32>,
      tpu.vector_store %arg9[%swap3A_2110], %get3A_2109 {strides = array<i32>} : memref<64xi32, #tpu.memory_space<vmem>>, vector<16xi32>,
      %get3A_2112 = arith.constant 432 : index
      %get3A_2113 = tpu.vector_load %arg14[%get3A_2112] {strides = array<i32>} : memref<512xi32, #tpu.memory_space<vmem>>, vector<16xi32>,
      %swap3A_2114 = arith.constant 48 : index
      %swap3A_2115 = tpu.vector_load %arg9[%swap3A_2114] {strides = array<i32>} : memref<64xi32, #tpu.memory_space<vmem>>, vector<16xi32>,
      tpu.vector_store %arg9[%swap3A_2114], %get3A_2113 {strides = array<i32>} : memref<64xi32, #tpu.memory_space<vmem>>, vector<16xi32>,
      %dma_start3A_2116 = arith.constant 0 : i32
      %dma_start3A_2117 = arith.constant 0 : i32
      %dma_start3A_2118 = tpu.memref_slice %arg5[%dma_start3A_2116, %dma_start3A_2117] : memref<262144x128xf32, #tpu.memory_space<hbm>> -> memref<262144x128xf32, #tpu.memory_space<hbm>>
      tpu.enqueue_indirect_dma source(%arg11 : memref<64x128xf32, #tpu.memory_space<vmem>>) target(%dma_start3A_2118 : memref<262144x128xf32, #tpu.memory_space<hbm>>) offsets(%arg9 : memref<64xi32, #tpu.memory_space<vmem>>) semaphore(%arg16 : memref<!tpu.dma_semaphore, #tpu.memory_space<semaphore_mem>>)
      %dma_wait3A_2119 = arith.constant 0 : i32
      %dma_wait3A_2120 = arith.constant 0 : i32
      %dma_wait3A_2121 = tpu.memref_slice %arg5[%dma_wait3A_2119, %dma_wait3A_2120] : memref<262144x128xf32, #tpu.memory_space<hbm>> -> memref<262144x128xf32, #tpu.memory_space<hbm>>
      tpu.wait_indirect_dma semaphore(%arg17 : memref<!tpu.dma_semaphore, #tpu.memory_space<semaphore_mem>>) src(%arg12 : memref<64x128xf32, #tpu.memory_space<vmem>>) dst(%dma_wait3A_2121 : memref<262144x128xf32, #tpu.memory_space<hbm>>)
      %mul3A_2122 = arith.constant 512 : i32
      %mul3A_2123 = arith.muli %arg1, %mul3A_2122 : i32
      %add3A_2124 = arith.constant 448 : i32
      %add3A_2125 = arith.addi %mul3A_2123, %add3A_2124 : i32
      "tpu.region"() ({
        %run_scoped3A = tpu.sem_alloc : memref<!tpu.dma_semaphore, #tpu.memory_space<semaphore_mem>>
        %dma_start3A_2152 = arith.constant 0 : i32
        %dma_start3A_2153 = tpu.memref_slice %arg15[%add3A_2125, %dma_start3A_2152] : memref<8320x128xf32, #tpu.memory_space<vmem_shared>> -> memref<64x128xf32, #tpu.memory_space<vmem_shared>>
        %dma_start3A_2154 = arith.constant 0 : i32
        %dma_start3A_2155 = tpu.memref_slice %arg15[%add3A_2125, %dma_start3A_2154] : memref<8320x128xf32, #tpu.memory_space<vmem_shared>> -> memref<64x128xf32, #tpu.memory_space<vmem_shared>>
        tpu.enqueue_dma source(%dma_start3A_2155 : memref<64x128xf32, #tpu.memory_space<vmem_shared>>) target(%arg12 : memref<64x128xf32, #tpu.memory_space<vmem>>) target_semaphore(%run_scoped3A : memref<!tpu.dma_semaphore, #tpu.memory_space<semaphore_mem>>)
        %dma_wait3A_2156 = arith.constant 0 : i32
        %dma_wait3A_2157 = tpu.memref_slice %arg15[%add3A_2125, %dma_wait3A_2156] : memref<8320x128xf32, #tpu.memory_space<vmem_shared>> -> memref<64x128xf32, #tpu.memory_space<vmem_shared>>
        %dma_wait3A_2158 = arith.constant 0 : i32
        %dma_wait3A_2159 = tpu.memref_slice %arg15[%add3A_2125, %dma_wait3A_2158] : memref<8320x128xf32, #tpu.memory_space<vmem_shared>> -> memref<64x128xf32, #tpu.memory_space<vmem_shared>>
        tpu.wait_dma2 semaphore(%run_scoped3A : memref<!tpu.dma_semaphore, #tpu.memory_space<semaphore_mem>>) src(%dma_wait3A_2159 : memref<64x128xf32, #tpu.memory_space<vmem_shared>>) dst(%arg12 : memref<64x128xf32, #tpu.memory_space<vmem>>)
        tpu.yield
      }) : () -> ()
      %get3A_2126 = arith.constant 448 : index
      %get3A_2127 = tpu.vector_load %arg14[%get3A_2126] {strides = array<i32>} : memref<512xi32, #tpu.memory_space<vmem>>, vector<16xi32>,
      %swap3A_2128 = arith.constant 0 : index
      %swap3A_2129 = tpu.vector_load %arg10[%swap3A_2128] {strides = array<i32>} : memref<64xi32, #tpu.memory_space<vmem>>, vector<16xi32>,
      tpu.vector_store %arg10[%swap3A_2128], %get3A_2127 {strides = array<i32>} : memref<64xi32, #tpu.memory_space<vmem>>, vector<16xi32>,
      %get3A_2130 = arith.constant 464 : index
      %get3A_2131 = tpu.vector_load %arg14[%get3A_2130] {strides = array<i32>} : memref<512xi32, #tpu.memory_space<vmem>>, vector<16xi32>,
      %swap3A_2132 = arith.constant 16 : index
      %swap3A_2133 = tpu.vector_load %arg10[%swap3A_2132] {strides = array<i32>} : memref<64xi32, #tpu.memory_space<vmem>>, vector<16xi32>,
      tpu.vector_store %arg10[%swap3A_2132], %get3A_2131 {strides = array<i32>} : memref<64xi32, #tpu.memory_space<vmem>>, vector<16xi32>,
      %get3A_2134 = arith.constant 480 : index
      %get3A_2135 = tpu.vector_load %arg14[%get3A_2134] {strides = array<i32>} : memref<512xi32, #tpu.memory_space<vmem>>, vector<16xi32>,
      %swap3A_2136 = arith.constant 32 : index
      %swap3A_2137 = tpu.vector_load %arg10[%swap3A_2136] {strides = array<i32>} : memref<64xi32, #tpu.memory_space<vmem>>, vector<16xi32>,
      tpu.vector_store %arg10[%swap3A_2136], %get3A_2135 {strides = array<i32>} : memref<64xi32, #tpu.memory_space<vmem>>, vector<16xi32>,
      %get3A_2138 = arith.constant 496 : index
      %get3A_2139 = tpu.vector_load %arg14[%get3A_2138] {strides = array<i32>} : memref<512xi32, #tpu.memory_space<vmem>>, vector<16xi32>,
      %swap3A_2140 = arith.constant 48 : index
      %swap3A_2141 = tpu.vector_load %arg10[%swap3A_2140] {strides = array<i32>} : memref<64xi32, #tpu.memory_space<vmem>>, vector<16xi32>,
      tpu.vector_store %arg10[%swap3A_2140], %get3A_2139 {strides = array<i32>} : memref<64xi32, #tpu.memory_space<vmem>>, vector<16xi32>,
      %dma_start3A_2142 = arith.constant 0 : i32
      %dma_start3A_2143 = arith.constant 0 : i32
      %dma_start3A_2144 = tpu.memref_slice %arg5[%dma_start3A_2142, %dma_start3A_2143] : memref<262144x128xf32, #tpu.memory_space<hbm>> -> memref<262144x128xf32, #tpu.memory_space<hbm>>
      tpu.enqueue_indirect_dma source(%arg12 : memref<64x128xf32, #tpu.memory_space<vmem>>) target(%dma_start3A_2144 : memref<262144x128xf32, #tpu.memory_space<hbm>>) offsets(%arg10 : memref<64xi32, #tpu.memory_space<vmem>>) semaphore(%arg17 : memref<!tpu.dma_semaphore, #tpu.memory_space<semaphore_mem>>)
      %dma_wait3A_2145 = arith.constant 0 : i32
      %dma_wait3A_2146 = arith.constant 0 : i32
      %dma_wait3A_2147 = tpu.memref_slice %arg5[%dma_wait3A_2145, %dma_wait3A_2146] : memref<262144x128xf32, #tpu.memory_space<hbm>> -> memref<262144x128xf32, #tpu.memory_space<hbm>>
      tpu.wait_indirect_dma semaphore(%arg16 : memref<!tpu.dma_semaphore, #tpu.memory_space<semaphore_mem>>) src(%arg11 : memref<64x128xf32, #tpu.memory_space<vmem>>) dst(%dma_wait3A_2147 : memref<262144x128xf32, #tpu.memory_space<hbm>>)
      %dma_wait3A_2148 = arith.constant 0 : i32
      %dma_wait3A_2149 = arith.constant 0 : i32
      %dma_wait3A_2150 = tpu.memref_slice %arg5[%dma_wait3A_2148, %dma_wait3A_2149] : memref<262144x128xf32, #tpu.memory_space<hbm>> -> memref<262144x128xf32, #tpu.memory_space<hbm>>
      tpu.wait_indirect_dma semaphore(%arg17 : memref<!tpu.dma_semaphore, #tpu.memory_space<semaphore_mem>>) src(%arg12 : memref<64x128xf32, #tpu.memory_space<vmem>>) dst(%dma_wait3A_2150 : memref<262144x128xf32, #tpu.memory_space<hbm>>)
      %barrier3A_2151 = arith.constant 0 : index
      tpu.barrier barrier_id(%barrier3A_2151)
    }
    %scan3A_1538 = arith.constant 16 : i32
    return
  }
}

#map = affine_map<(d0, d1) -> (0)>
module attributes {stable_mosaic.version = 14 : i64} {
  func.func @_uniq_and_rows(%arg0: i32, %arg1: i32, %arg2: memref<262144xi32, #tpu.memory_space<hbm>>, %arg3: memref<262144xi32, #tpu.memory_space<hbm>>, %arg4: memref<262144xi32, #tpu.memory_space<hbm>>, %arg5: memref<128xi32, #tpu.memory_space<hbm>>, %arg6: memref<262144xi32, #tpu.memory_space<hbm>>, %arg7: memref<262144xi32, #tpu.memory_space<hbm>>, %arg8: memref<262144xi32, #tpu.memory_space<hbm>>, %arg9: memref<262144xi32, #tpu.memory_space<hbm>>, %arg10: memref<8192xi32, #tpu.memory_space<vmem>>, %arg11: memref<8192xi32, #tpu.memory_space<vmem>>, %arg12: memref<8192xi32, #tpu.memory_space<vmem>>, %arg13: memref<16xi32, #tpu.memory_space<vmem>>, %arg14: memref<8192xi32, #tpu.memory_space<vmem>>, %arg15: memref<8192xi32, #tpu.memory_space<vmem>>, %arg16: memref<8192xi32, #tpu.memory_space<vmem>>, %arg17: memref<8192xi32, #tpu.memory_space<vmem>>) attributes {dimension_semantics = [#tpu.dimension_semantics<core_parallel>, #tpu.dimension_semantics<subcore_parallel>], iteration_bounds = array<i64: 2, 16>, scalar_prefetch = 0 : i64, scratch_operands = 8 : i64, tpu.core_type = #tpu.core_type<sc_vector_subcore>, window_params = [{transform_indices = #map}, {transform_indices = #map}, {transform_indices = #map}, {transform_indices = #map}, {transform_indices = #map}, {transform_indices = #map}, {transform_indices = #map}, {transform_indices = #map}]} {
    %mul3A = arith.constant 2 : i32
    %mul3A_0 = arith.muli %arg1, %mul3A : i32
    %add3A = arith.addi %mul3A_0, %arg0 : i32
    %mul3A_1 = arith.constant 8192 : i32
    %mul3A_2 = arith.muli %add3A, %mul3A_1 : i32
    "tpu.region"() ({
      %run_scoped3A = tpu.sem_alloc : memref<!tpu.dma_semaphore, #tpu.memory_space<semaphore_mem>>
      %dma_start3A = tpu.memref_slice %arg4[%mul3A_2] : memref<262144xi32, #tpu.memory_space<hbm>> -> memref<8192xi32, #tpu.memory_space<hbm>>
      %dma_start3A_9 = tpu.memref_slice %arg4[%mul3A_2] : memref<262144xi32, #tpu.memory_space<hbm>> -> memref<8192xi32, #tpu.memory_space<hbm>>
      tpu.enqueue_dma source(%dma_start3A_9 : memref<8192xi32, #tpu.memory_space<hbm>>) target(%arg10 : memref<8192xi32, #tpu.memory_space<vmem>>) target_semaphore(%run_scoped3A : memref<!tpu.dma_semaphore, #tpu.memory_space<semaphore_mem>>)
      %dma_wait3A = tpu.memref_slice %arg4[%mul3A_2] : memref<262144xi32, #tpu.memory_space<hbm>> -> memref<8192xi32, #tpu.memory_space<hbm>>
      %dma_wait3A_10 = tpu.memref_slice %arg4[%mul3A_2] : memref<262144xi32, #tpu.memory_space<hbm>> -> memref<8192xi32, #tpu.memory_space<hbm>>
      tpu.wait_dma2 semaphore(%run_scoped3A : memref<!tpu.dma_semaphore, #tpu.memory_space<semaphore_mem>>) src(%dma_wait3A_10 : memref<8192xi32, #tpu.memory_space<hbm>>) dst(%arg10 : memref<8192xi32, #tpu.memory_space<vmem>>)
      tpu.yield
    }) : () -> ()
    "tpu.region"() ({
      %run_scoped3A = tpu.sem_alloc : memref<!tpu.dma_semaphore, #tpu.memory_space<semaphore_mem>>
      %dma_start3A = tpu.memref_slice %arg2[%mul3A_2] : memref<262144xi32, #tpu.memory_space<hbm>> -> memref<8192xi32, #tpu.memory_space<hbm>>
      %dma_start3A_9 = tpu.memref_slice %arg2[%mul3A_2] : memref<262144xi32, #tpu.memory_space<hbm>> -> memref<8192xi32, #tpu.memory_space<hbm>>
      tpu.enqueue_dma source(%dma_start3A_9 : memref<8192xi32, #tpu.memory_space<hbm>>) target(%arg11 : memref<8192xi32, #tpu.memory_space<vmem>>) target_semaphore(%run_scoped3A : memref<!tpu.dma_semaphore, #tpu.memory_space<semaphore_mem>>)
      %dma_wait3A = tpu.memref_slice %arg2[%mul3A_2] : memref<262144xi32, #tpu.memory_space<hbm>> -> memref<8192xi32, #tpu.memory_space<hbm>>
      %dma_wait3A_10 = tpu.memref_slice %arg2[%mul3A_2] : memref<262144xi32, #tpu.memory_space<hbm>> -> memref<8192xi32, #tpu.memory_space<hbm>>
      tpu.wait_dma2 semaphore(%run_scoped3A : memref<!tpu.dma_semaphore, #tpu.memory_space<semaphore_mem>>) src(%dma_wait3A_10 : memref<8192xi32, #tpu.memory_space<hbm>>) dst(%arg11 : memref<8192xi32, #tpu.memory_space<vmem>>)
      tpu.yield
    }) : () -> ()
    "tpu.region"() ({
      %run_scoped3A = tpu.sem_alloc : memref<!tpu.dma_semaphore, #tpu.memory_space<semaphore_mem>>
      %dma_start3A = tpu.memref_slice %arg3[%mul3A_2] : memref<262144xi32, #tpu.memory_space<hbm>> -> memref<8192xi32, #tpu.memory_space<hbm>>
      %dma_start3A_9 = tpu.memref_slice %arg3[%mul3A_2] : memref<262144xi32, #tpu.memory_space<hbm>> -> memref<8192xi32, #tpu.memory_space<hbm>>
      tpu.enqueue_dma source(%dma_start3A_9 : memref<8192xi32, #tpu.memory_space<hbm>>) target(%arg12 : memref<8192xi32, #tpu.memory_space<vmem>>) target_semaphore(%run_scoped3A : memref<!tpu.dma_semaphore, #tpu.memory_space<semaphore_mem>>)
      %dma_wait3A = tpu.memref_slice %arg3[%mul3A_2] : memref<262144xi32, #tpu.memory_space<hbm>> -> memref<8192xi32, #tpu.memory_space<hbm>>
      %dma_wait3A_10 = tpu.memref_slice %arg3[%mul3A_2] : memref<262144xi32, #tpu.memory_space<hbm>> -> memref<8192xi32, #tpu.memory_space<hbm>>
      tpu.wait_dma2 semaphore(%run_scoped3A : memref<!tpu.dma_semaphore, #tpu.memory_space<semaphore_mem>>) src(%dma_wait3A_10 : memref<8192xi32, #tpu.memory_space<hbm>>) dst(%arg12 : memref<8192xi32, #tpu.memory_space<vmem>>)
      tpu.yield
    }) : () -> ()
    "tpu.region"() ({
      %run_scoped3A = tpu.sem_alloc : memref<!tpu.dma_semaphore, #tpu.memory_space<semaphore_mem>>
      %dma_start3A = arith.constant 0 : i32
      %dma_start3A_9 = tpu.memref_slice %arg5[%dma_start3A] : memref<128xi32, #tpu.memory_space<hbm>> -> memref<16xi32, #tpu.memory_space<hbm>>
      %dma_start3A_10 = arith.constant 0 : i32
      %dma_start3A_11 = tpu.memref_slice %arg5[%dma_start3A_10] : memref<128xi32, #tpu.memory_space<hbm>> -> memref<16xi32, #tpu.memory_space<hbm>>
      tpu.enqueue_dma source(%dma_start3A_11 : memref<16xi32, #tpu.memory_space<hbm>>) target(%arg13 : memref<16xi32, #tpu.memory_space<vmem>>) target_semaphore(%run_scoped3A : memref<!tpu.dma_semaphore, #tpu.memory_space<semaphore_mem>>)
      %dma_wait3A = arith.constant 0 : i32
      %dma_wait3A_12 = tpu.memref_slice %arg5[%dma_wait3A] : memref<128xi32, #tpu.memory_space<hbm>> -> memref<16xi32, #tpu.memory_space<hbm>>
      %dma_wait3A_13 = arith.constant 0 : i32
      %dma_wait3A_14 = tpu.memref_slice %arg5[%dma_wait3A_13] : memref<128xi32, #tpu.memory_space<hbm>> -> memref<16xi32, #tpu.memory_space<hbm>>
      tpu.wait_dma2 semaphore(%run_scoped3A : memref<!tpu.dma_semaphore, #tpu.memory_space<semaphore_mem>>) src(%dma_wait3A_14 : memref<16xi32, #tpu.memory_space<hbm>>) dst(%arg13 : memref<16xi32, #tpu.memory_space<vmem>>)
      tpu.yield
    }) : () -> ()
    %get3A = arith.constant 0 : index
    %get3A_3 = tpu.vector_load %arg13[%get3A] {strides = array<i32>} : memref<16xi32, #tpu.memory_space<vmem>>, vector<16xi32>,
    %scan3A = arith.constant 0 : i32
    %scan3A_4 = arith.constant 0 : i32
    %scan3A_5 = arith.constant 512 : i32
    %scan3A_6 = arith.addi %scan3A_4, %scan3A_5 : i32
    %scan3A_7 = arith.constant 1 : i32
    scf.for %scan3A_9 = %scan3A_4 to %scan3A_6 step %scan3A_7  : i32 {
      %mul3A_10 = arith.constant 16 : i32
      %mul3A_11 = arith.muli %scan3A_9, %mul3A_10 : i32
      %broadcast_in_dim3A = vector.broadcast %mul3A_2 : i32 to vector<16xi32>
      %mul3A_12 = arith.constant 16 : i32
      %mul3A_13 = arith.muli %scan3A_9, %mul3A_12 : i32
      %add3A_14 = vector.broadcast %mul3A_13 : i32 to vector<16xi32>
      %add3A_15 = arith.addi %broadcast_in_dim3A, %add3A_14 : vector<16xi32>
      %iota3A = tpu.iota {dimensions = array<i32: 0>} : vector<16xi32>
      %add3A_16 = arith.addi %add3A_15, %iota3A : vector<16xi32>
      %get3A_17 = arith.index_cast %mul3A_11 : i32 to index
      %get3A_18 = tpu.vector_load %arg10[%get3A_17] {strides = array<i32>} : memref<8192xi32, #tpu.memory_space<vmem>>, vector<16xi32>,
      %get3A_19 = arith.index_cast %mul3A_11 : i32 to index
      %get3A_20 = tpu.vector_load %arg11[%get3A_19] {strides = array<i32>} : memref<8192xi32, #tpu.memory_space<vmem>>, vector<16xi32>,
      %get3A_21 = arith.index_cast %mul3A_11 : i32 to index
      %get3A_22 = tpu.vector_load %arg12[%get3A_21] {strides = array<i32>} : memref<8192xi32, #tpu.memory_space<vmem>>, vector<16xi32>,
      %add3A_23 = arith.addi %get3A_20, %get3A_22 : vector<16xi32>
      %gt3A = arith.constant 0 : i32
      %gt3A_24 = vector.broadcast %gt3A : i32 to vector<16xi32>
      %gt3A_25 = arith.cmpi sgt, %add3A_23, %gt3A_24 : vector<16xi32>
      %sub3A = arith.subi %add3A_16, %get3A_18 : vector<16xi32>
      %add3A_26 = arith.addi %get3A_3, %sub3A : vector<16xi32>
      %select_n3A = arith.select %gt3A_25, %get3A_18, %add3A_26 : vector<16xi1>, vector<16xi32>
      %swap3A = arith.index_cast %mul3A_11 : i32 to index
      %swap3A_27 = tpu.vector_load %arg14[%swap3A] {strides = array<i32>} : memref<8192xi32, #tpu.memory_space<vmem>>, vector<16xi32>,
      tpu.vector_store %arg14[%swap3A], %select_n3A {strides = array<i32>} : memref<8192xi32, #tpu.memory_space<vmem>>, vector<16xi32>,
      %shift_right_arithmetic3A = arith.constant 12 : i32
      %shift_right_arithmetic3A_28 = vector.broadcast %shift_right_arithmetic3A : i32 to vector<16xi32>
      %shift_right_arithmetic3A_29 = arith.shrsi %add3A_16, %shift_right_arithmetic3A_28 : vector<16xi32>
      %jit3A = arith.constant -1 : i32
      %broadcast_in_dim3A_30 = vector.broadcast %jit3A : i32 to vector<16xi32>
      %select_n3A_31 = arith.select %gt3A_25, %shift_right_arithmetic3A_29, %broadcast_in_dim3A_30 : vector<16xi1>, vector<16xi32>
      %swap3A_32 = arith.index_cast %mul3A_11 : i32 to index
      %swap3A_33 = tpu.vector_load %arg15[%swap3A_32] {strides = array<i32>} : memref<8192xi32, #tpu.memory_space<vmem>>, vector<16xi32>,
      tpu.vector_store %arg15[%swap3A_32], %select_n3A_31 {strides = array<i32>} : memref<8192xi32, #tpu.memory_space<vmem>>, vector<16xi32>,
      %shift_right_arithmetic3A_34 = arith.constant 6 : i32
      %shift_right_arithmetic3A_35 = vector.broadcast %shift_right_arithmetic3A_34 : i32 to vector<16xi32>
      %shift_right_arithmetic3A_36 = arith.shrsi %add3A_16, %shift_right_arithmetic3A_35 : vector<16xi32>
      %and3A = arith.constant 63 : i32
      %and3A_37 = vector.broadcast %and3A : i32 to vector<16xi32>
      %and3A_38 = arith.andi %shift_right_arithmetic3A_36, %and3A_37 : vector<16xi32>
      %jit3A_39 = arith.constant 63 : i32
      %broadcast_in_dim3A_40 = vector.broadcast %jit3A_39 : i32 to vector<16xi32>
      %select_n3A_41 = arith.select %gt3A_25, %and3A_38, %broadcast_in_dim3A_40 : vector<16xi1>, vector<16xi32>
      %swap3A_42 = arith.index_cast %mul3A_11 : i32 to index
      %swap3A_43 = tpu.vector_load %arg16[%swap3A_42] {strides = array<i32>} : memref<8192xi32, #tpu.memory_space<vmem>>, vector<16xi32>,
      tpu.vector_store %arg16[%swap3A_42], %select_n3A_41 {strides = array<i32>} : memref<8192xi32, #tpu.memory_space<vmem>>, vector<16xi32>,
      %and3A_44 = arith.constant 63 : i32
      %and3A_45 = vector.broadcast %and3A_44 : i32 to vector<16xi32>
      %and3A_46 = arith.andi %add3A_16, %and3A_45 : vector<16xi32>
      %jit3A_47 = arith.constant 63 : i32
      %broadcast_in_dim3A_48 = vector.broadcast %jit3A_47 : i32 to vector<16xi32>
      %select_n3A_49 = arith.select %gt3A_25, %and3A_46, %broadcast_in_dim3A_48 : vector<16xi1>, vector<16xi32>
      %swap3A_50 = arith.index_cast %mul3A_11 : i32 to index
      %swap3A_51 = tpu.vector_load %arg17[%swap3A_50] {strides = array<i32>} : memref<8192xi32, #tpu.memory_space<vmem>>, vector<16xi32>,
      tpu.vector_store %arg17[%swap3A_50], %select_n3A_49 {strides = array<i32>} : memref<8192xi32, #tpu.memory_space<vmem>>, vector<16xi32>,
    }
    %scan3A_8 = arith.constant 512 : i32
    "tpu.region"() ({
      %run_scoped3A = tpu.sem_alloc : memref<!tpu.dma_semaphore, #tpu.memory_space<semaphore_mem>>
      %dma_start3A = arith.constant 0 : i32
      %dma_start3A_9 = tpu.memref_slice %arg6[%dma_start3A] : memref<262144xi32, #tpu.memory_space<hbm>> -> memref<262144xi32, #tpu.memory_space<hbm>>
      tpu.enqueue_indirect_dma source(%arg15 : memref<8192xi32, #tpu.memory_space<vmem>>) target(%dma_start3A_9 : memref<262144xi32, #tpu.memory_space<hbm>>) offsets(%arg14 : memref<8192xi32, #tpu.memory_space<vmem>>) semaphore(%run_scoped3A : memref<!tpu.dma_semaphore, #tpu.memory_space<semaphore_mem>>)
      %dma_wait3A = arith.constant 0 : i32
      %dma_wait3A_10 = tpu.memref_slice %arg6[%dma_wait3A] : memref<262144xi32, #tpu.memory_space<hbm>> -> memref<262144xi32, #tpu.memory_space<hbm>>
      tpu.wait_indirect_dma semaphore(%run_scoped3A : memref<!tpu.dma_semaphore, #tpu.memory_space<semaphore_mem>>) src(%arg15 : memref<8192xi32, #tpu.memory_space<vmem>>) dst(%dma_wait3A_10 : memref<262144xi32, #tpu.memory_space<hbm>>)
      tpu.yield
    }) : () -> ()
    "tpu.region"() ({
      %run_scoped3A = tpu.sem_alloc : memref<!tpu.dma_semaphore, #tpu.memory_space<semaphore_mem>>
      %dma_start3A = arith.constant 0 : i32
      %dma_start3A_9 = tpu.memref_slice %arg7[%dma_start3A] : memref<262144xi32, #tpu.memory_space<hbm>> -> memref<262144xi32, #tpu.memory_space<hbm>>
      tpu.enqueue_indirect_dma source(%arg16 : memref<8192xi32, #tpu.memory_space<vmem>>) target(%dma_start3A_9 : memref<262144xi32, #tpu.memory_space<hbm>>) offsets(%arg14 : memref<8192xi32, #tpu.memory_space<vmem>>) semaphore(%run_scoped3A : memref<!tpu.dma_semaphore, #tpu.memory_space<semaphore_mem>>)
      %dma_wait3A = arith.constant 0 : i32
      %dma_wait3A_10 = tpu.memref_slice %arg7[%dma_wait3A] : memref<262144xi32, #tpu.memory_space<hbm>> -> memref<262144xi32, #tpu.memory_space<hbm>>
      tpu.wait_indirect_dma semaphore(%run_scoped3A : memref<!tpu.dma_semaphore, #tpu.memory_space<semaphore_mem>>) src(%arg16 : memref<8192xi32, #tpu.memory_space<vmem>>) dst(%dma_wait3A_10 : memref<262144xi32, #tpu.memory_space<hbm>>)
      tpu.yield
    }) : () -> ()
    "tpu.region"() ({
      %run_scoped3A = tpu.sem_alloc : memref<!tpu.dma_semaphore, #tpu.memory_space<semaphore_mem>>
      %dma_start3A = arith.constant 0 : i32
      %dma_start3A_9 = tpu.memref_slice %arg8[%dma_start3A] : memref<262144xi32, #tpu.memory_space<hbm>> -> memref<262144xi32, #tpu.memory_space<hbm>>
      tpu.enqueue_indirect_dma source(%arg17 : memref<8192xi32, #tpu.memory_space<vmem>>) target(%dma_start3A_9 : memref<262144xi32, #tpu.memory_space<hbm>>) offsets(%arg14 : memref<8192xi32, #tpu.memory_space<vmem>>) semaphore(%run_scoped3A : memref<!tpu.dma_semaphore, #tpu.memory_space<semaphore_mem>>)
      %dma_wait3A = arith.constant 0 : i32
      %dma_wait3A_10 = tpu.memref_slice %arg8[%dma_wait3A] : memref<262144xi32, #tpu.memory_space<hbm>> -> memref<262144xi32, #tpu.memory_space<hbm>>
      tpu.wait_indirect_dma semaphore(%run_scoped3A : memref<!tpu.dma_semaphore, #tpu.memory_space<semaphore_mem>>) src(%arg17 : memref<8192xi32, #tpu.memory_space<vmem>>) dst(%dma_wait3A_10 : memref<262144xi32, #tpu.memory_space<hbm>>)
      tpu.yield
    }) : () -> ()
    "tpu.region"() ({
      %run_scoped3A = tpu.sem_alloc : memref<!tpu.dma_semaphore, #tpu.memory_space<semaphore_mem>>
      %dma_start3A = tpu.memref_slice %arg9[%mul3A_2] : memref<262144xi32, #tpu.memory_space<hbm>> -> memref<8192xi32, #tpu.memory_space<hbm>>
      %dma_start3A_9 = tpu.memref_slice %arg9[%mul3A_2] : memref<262144xi32, #tpu.memory_space<hbm>> -> memref<8192xi32, #tpu.memory_space<hbm>>
      tpu.enqueue_dma source(%arg14 : memref<8192xi32, #tpu.memory_space<vmem>>) target(%dma_start3A_9 : memref<8192xi32, #tpu.memory_space<hbm>>) target_semaphore(%run_scoped3A : memref<!tpu.dma_semaphore, #tpu.memory_space<semaphore_mem>>)
      %dma_wait3A = tpu.memref_slice %arg9[%mul3A_2] : memref<262144xi32, #tpu.memory_space<hbm>> -> memref<8192xi32, #tpu.memory_space<hbm>>
      %dma_wait3A_10 = tpu.memref_slice %arg9[%mul3A_2] : memref<262144xi32, #tpu.memory_space<hbm>> -> memref<8192xi32, #tpu.memory_space<hbm>>
      tpu.wait_dma2 semaphore(%run_scoped3A : memref<!tpu.dma_semaphore, #tpu.memory_space<semaphore_mem>>) src(%arg14 : memref<8192xi32, #tpu.memory_space<vmem>>) dst(%dma_wait3A_10 : memref<8192xi32, #tpu.memory_space<hbm>>)
      tpu.yield
    }) : () -> ()
    return
  }
}

module attributes {stable_mosaic.version = 14 : i64} {
  func.func @_rank_body(%arg0: memref<2048x128xi32, #tpu.memory_space<vmem>>, %arg1: memref<2048x128xi32, #tpu.memory_space<vmem>>, %arg2: memref<2048x128xi32, #tpu.memory_space<vmem>>, %arg3: memref<128xi32, #tpu.memory_space<vmem>>) attributes {dimension_semantics = [], scalar_prefetch = 0 : i64, scratch_operands = 0 : i64, tpu.core_type = #tpu.core_type<tc>} {
    %get3A = arith.constant 0 : index
    %get3A_0 = arith.constant 0 : index
    %get3A_1 = vector.load %arg0[%get3A, %get3A_0] : memref<2048x128xi32, #tpu.memory_space<vmem>>, vector<2048x128xi32>
    %get3A_2 = arith.constant 0 : index
    %get3A_3 = arith.constant 0 : index
    %get3A_4 = vector.load %arg1[%get3A_2, %get3A_3] : memref<2048x128xi32, #tpu.memory_space<vmem>>, vector<2048x128xi32>
    %add3A = arith.addi %get3A_1, %get3A_4 : vector<2048x128xi32>
    %gt3A = arith.constant 0 : i32
    %gt3A_5 = vector.broadcast %gt3A : i32 to vector<2048x128xi32>
    %gt3A_6 = arith.cmpi sgt, %add3A, %gt3A_5 : vector<2048x128xi32>
    %convert_element_type3A = arith.extui %gt3A_6 : vector<2048x128xi1> to vector<2048x128xi32>
    %convert_element_type3A_7 = arith.sitofp %convert_element_type3A : vector<2048x128xi32> to vector<2048x128xf32>
    %iota3A = tpu.iota {dimensions = array<i32: 0>} : vector<128x128xi32>
    %iota3A_8 = tpu.iota {dimensions = array<i32: 1>} : vector<128x128xi32>
    %le3A = arith.cmpi sle, %iota3A, %iota3A_8 : vector<128x128xi32>
    %convert_element_type3A_9 = arith.extui %le3A : vector<128x128xi1> to vector<128x128xi32>
    %convert_element_type3A_10 = arith.sitofp %convert_element_type3A_9 : vector<128x128xi32> to vector<128x128xf32>
    %dot_general3A = arith.constant dense<0.000000e+00> : vector<2048x128xf32>
    %dot_general3A_11 = tpu.matmul %convert_element_type3A_7, %convert_element_type3A_10, %dot_general3A {dimension_numbers = #tpu.dot_dimension_numbers<[1], [0], [0], [1], [0, 0, 1, 1], [], []>, transpose_lhs_hint = false} : vector<2048x128xf32>, vector<128x128xf32>, vector<2048x128xf32> -> vector<2048x128xf32>
    %slice3A = vector.extract_strided_slice %dot_general3A_11 {offsets = [0, 127], sizes = [2048, 1], strides = [1, 1]} : vector<2048x128xf32> to vector<2048x1xf32>
    %iota3A_12 = tpu.iota {dimensions = array<i32: 0>} : vector<2048x2048xi32>
    %iota3A_13 = tpu.iota {dimensions = array<i32: 1>} : vector<2048x2048xi32>
    %lt3A = arith.cmpi slt, %iota3A_13, %iota3A_12 : vector<2048x2048xi32>
    %convert_element_type3A_14 = arith.extui %lt3A : vector<2048x2048xi1> to vector<2048x2048xi32>
    %convert_element_type3A_15 = arith.sitofp %convert_element_type3A_14 : vector<2048x2048xi32> to vector<2048x2048xf32>
    %dot_general3A_16 = arith.constant dense<0.000000e+00> : vector<2048x1xf32>
    %dot_general3A_17 = tpu.matmul %convert_element_type3A_15, %slice3A, %dot_general3A_16 {dimension_numbers = #tpu.dot_dimension_numbers<[1], [0], [0], [1], [0, 0, 1, 1], [], []>, transpose_lhs_hint = false} : vector<2048x2048xf32>, vector<2048x1xf32>, vector<2048x1xf32> -> vector<2048x1xf32>
    %add3A_18 = vector.broadcast %dot_general3A_17 : vector<2048x1xf32> to vector<2048x128xf32>
    %add3A_19 = arith.addf %add3A_18, %dot_general3A_11 : vector<2048x128xf32>
    %sub3A = arith.subf %add3A_19, %convert_element_type3A_7 : vector<2048x128xf32>
    %convert_element_type3A_20 = arith.fptosi %sub3A : vector<2048x128xf32> to vector<2048x128xi32>
    %swap3A = arith.constant 0 : index
    %swap3A_21 = arith.constant 0 : index
    %swap3A_22 = vector.load %arg2[%swap3A, %swap3A_21] : memref<2048x128xi32, #tpu.memory_space<vmem>>, vector<2048x128xi32>
    tpu.vector_store %arg2[%swap3A, %swap3A_21], %convert_element_type3A_20 {strides = array<i32>} : memref<2048x128xi32, #tpu.memory_space<vmem>>, vector<2048x128xi32>,
    %slice3A_23 = vector.extract_strided_slice %dot_general3A_17 {offsets = [2047, 0], sizes = [1, 1], strides = [1, 1]} : vector<2048x1xf32> to vector<1x1xf32>
    %squeeze3A = vector.extract %slice3A_23[0, 0] : f32 from vector<1x1xf32>
    %slice3A_24 = vector.extract_strided_slice %slice3A {offsets = [2047, 0], sizes = [1, 1], strides = [1, 1]} : vector<2048x1xf32> to vector<1x1xf32>
    %squeeze3A_25 = vector.extract %slice3A_24[0, 0] : f32 from vector<1x1xf32>
    %add3A_26 = arith.addf %squeeze3A, %squeeze3A_25 : f32
    %convert_element_type3A_27 = arith.fptosi %add3A_26 : f32 to i32
    %broadcast_in_dim3A = arith.constant 1 : i32
    %broadcast_in_dim3A_28 = vector.broadcast %broadcast_in_dim3A : i32 to vector<128xi32>
    %mul3A = vector.broadcast %convert_element_type3A_27 : i32 to vector<128xi32>
    %mul3A_29 = arith.muli %broadcast_in_dim3A_28, %mul3A : vector<128xi32>
    %swap3A_30 = arith.constant 0 : index
    %swap3A_31 = vector.load %arg3[%swap3A_30] : memref<128xi32, #tpu.memory_space<vmem>>, vector<128xi32>
    tpu.vector_store %arg3[%swap3A_30], %mul3A_29 {strides = array<i32>} : memref<128xi32, #tpu.memory_space<vmem>>, vector<128xi32>,
    return
  }
}

</mosaic_0001>

<sc_bundles>
// kernel: kernel.12.cloned.1.call-start
scs
__scs_entry_jumppad:
0x0: {  	(pc) =	sbr.rel $0x88, $3  }
0x1: {  	(tag) =	ssettag $0x0;
	lr =	simm.s32 $0x1  }
0x2: {  	[smem:$0x3F9F] =	sst lr;
	_ =	strace $0xD0000000  }
0x3: {  	_ = 	snop  }
0x4: {  	_ = 	snop  }
0x5: {  	_ = 	snop  }
0x6: {  	_ = 	snop  }
0x7: {  	_ = 	snop  }
__scs_overlays_trampoline_lowered:
0x8: {  	[smem:$0x3FAE] =	sst s0  }
0x9: {  	[smem:$0x3FAF] =	sst s1  }
0xa: {  	[smem:$0x3FB0] =	sst s2  }
0xb: {  	[smem:$0x3FB1] =	sst s3  }
0xc: {  	[smem:$0x3FB2] =	sst s4  }
0xd: {  	[smem:$0x3FB3] =	sst s5  }
0xe: {  	[smem:$0x3FB4] =	sst s6  }
0xf: {  	[smem:$0x3FB5] =	sst s7  }
0x10: {  	[smem:$0x3FB6] =	sst s8  }
0x11: {  	[smem:$0x3FB7] =	sst s9;
	s0 =	simm.s32 @!p0 $0x0  }
0x12: {  	s1 =	sld [smem:$0x3F9D];
	s0 =	simm.s32 @p0 $0x1  }
0x13: {  	[smem:$0x3FB8] =	sst s0;
	s0 =	simm.s32 @!p1 $0x0  }
0x14: {  	s2 =	sld [smem:$0x3F9C];
	s0 =	simm.s32 @p1 $0x1  }
0x15: {  	[smem:$0x3FB9] =	sst s0;
	s0 =	simm.s32 @!p2 $0x0  }
0x16: {  	s3 =	sld [smem:$0x3FDB];
	s0 =	simm.s32 @p2 $0x1  }
0x17: {  	s4 =	simm.s32 $0x1BF5;
	[smem:$0x3FBB] =	sst s0  }
0x18: {  	s0 =	sld [smem:$0x3F9E];
	_ =	swait.ge [sflag:s4], $0x0  }
0x19: {  	s7 =	sld [smem:$0x3F9F]  }
0x1a: {  	s8 =	sadd.s32 $0xFFFFE003, lr  }
0x1b: {  	s9 =	sadd.s32 $0xFFFFFEF7, lr;
	s5 =	simm.s32 $0xFFFFFFFF;
	p2 =	slt.u32 s8, $0xFFFFF086  }
0x1c: {  	p1 =	slt.u32 s9, $0xF7A;
	s5 =	simm.s32 @!p2 $0x0  }
0x1d: {  	s5 =	simm.s32 @p1 $0x1;
	p0 =	seq.s32 s7, s2  }
0x1e: {  	s7 =	smul.u32 @!p0 $0xF7A, s2;
	p2 =	seq.s32 @!p0 s5, $0x0  }
0x1f: {  	s9 =	smul.u32 $0xF7A, s1;
	s8 =	simm.s32 @!p0 $0x1BF5;
	p2 =	por !p2, p0  }
0x20: {  	[sflag:s8] =	ssyncset.s32 @!p0 $0xFFFFF086;
	s6 =	sadd.s32 @!p0 s3, s7;
	s7 =	simm.s32 @!p0 $0x108  }
0x21: {  	s3 =	sadd.s32 s3, s9;
	s6 =	sadd.s32 @!p0 $0x88, s6;
	s7 =	simm.s32 @p2 $0x1082  }
0x22: {  	[simem:s7], [sflag:s8] =	dma.local @!p0 [hbm:s6], $0xF7A  }
0x23: {  	s9 =	sor.u32 $0xD0000000, s2;
	s6 =	simm.s32 $0x108;
	_ =	swait.ge @!p0 [sflag:s8], $0x0  }
0x24: {  	s3 =	sadd.s32 $0x88, s3;
	s6 =	simm.s32 @!p1 $0x1082;
	[sflag:s4] =	ssyncset.s32 $0xFFFFF086  }
0x25: {  	[simem:s6], [sflag:s4] =	dma.local [hbm:s3], $0xF7A  }
0x26: {  	[smem:$0x3F9F] =	sst s1;
	(tag) =	ssettag s2;
	_ =	strace s9  }
0x27: {  	s1 =	sld [smem:$0x3FAF]  }
0x28: {  	s2 =	sld [smem:$0x3FB0]  }
0x29: {  	s4 =	sld [smem:$0x3FB2]  }
0x2a: {  	p0 =	seq.s32 s5, $0x0;
	s5 =	sld [smem:$0x3FB3]  }
0x2b: {  	s6 =	sld [smem:$0x3FB4]  }
0x2c: {  	s7 =	sld [smem:$0x3FB5]  }
0x2d: {  	s3 =	simm.s32 $0x108;
	s8 =	sld [smem:$0x3FB6]  }
0x2e: {  	s3 =	simm.s32 @!p0 $0x1082;
	s9 =	sld [smem:$0x3FB7]  }
0x2f: {  	lr =	sadd.s32 s0, s3;
	s0 =	sld [smem:$0x3FAE]  }
0x30: {  	s3 =	sld [smem:$0x3FB1]  }
0x31: {  	[smem:$0x3FBA] =	sst s10  }
0x32: {  	s10 =	sld [smem:$0x3FB8];
	_ =	sdelay $0x3  }
0x33: {  	p0 =	seq.s32 s10, $0x1;
	s10 =	sld [smem:$0x3FBA];
	_ =	sdelay $0x3  }
0x34: {  	[smem:$0x3FBA] =	sst s10  }
0x35: {  	s10 =	sld [smem:$0x3FB9];
	_ =	sdelay $0x3  }
0x36: {  	p1 =	seq.s32 s10, $0x1;
	s10 =	sld [smem:$0x3FBA];
	_ =	sdelay $0x3  }
0x37: {  	[smem:$0x3FBA] =	sst s10  }
0x38: {  	s10 =	sld [smem:$0x3FBB]  }
0x39: {  	_ = 	snop;
	(pc) =	sbr.ind lr, $3  }
0x3a: {  	_ = 	snop  }
0x3b: {  	_ = 	snop  }
0x3c: {  	p2 =	seq.s32 s10, $0x1;
	s10 =	sld [smem:$0x3FBA]  }
0x3d: {  	_ =	shalt  }
0x3e: {  	_ =	shalt  }
0x3f: {  	_ =	shalt  }
0x40: {  	_ =	shalt  }
0x41: {  	_ =	shalt  }
0x42: {  	_ =	shalt  }
0x43: {  	_ =	shalt  }
0x44: {  	_ =	shalt  }
0x45: {  	_ =	shalt  }
0x46: {  	_ =	shalt  }
0x47: {  	_ =	shalt  }
0x48: {  	_ =	shalt  }
0x49: {  	_ =	shalt  }
0x4a: {  	_ =	shalt  }
0x4b: {  	_ =	shalt  }
0x4c: {  	_ =	shalt  }
0x4d: {  	_ =	shalt  }
0x4e: {  	_ =	shalt  }
0x4f: {  	_ =	shalt  }
0x50: {  	_ =	shalt  }
0x51: {  	_ =	shalt  }
0x52: {  	_ =	shalt  }
0x53: {  	_ =	shalt  }
0x54: {  	_ =	shalt  }
0x55: {  	_ =	shalt  }
0x56: {  	_ =	shalt  }
0x57: {  	_ =	shalt  }
0x58: {  	_ =	shalt  }
0x59: {  	_ =	shalt  }
0x5a: {  	_ =	shalt  }
0x5b: {  	_ =	shalt  }
0x5c: {  	_ =	shalt  }
0x5d: {  	_ =	shalt  }
0x5e: {  	_ =	shalt  }
0x5f: {  	_ =	shalt  }
0x60: {  	_ =	shalt  }
0x61: {  	_ =	shalt  }
0x62: {  	_ =	shalt  }
0x63: {  	_ =	shalt  }
0x64: {  	_ =	shalt  }
0x65: {  	_ =	shalt  }
0x66: {  	_ =	shalt  }
0x67: {  	_ =	shalt  }
0x68: {  	_ =	shalt  }
0x69: {  	_ =	shalt  }
0x6a: {  	_ =	shalt  }
0x6b: {  	_ =	shalt  }
0x6c: {  	_ =	shalt  }
0x6d: {  	_ =	shalt  }
0x6e: {  	_ =	shalt  }
0x6f: {  	_ =	shalt  }
0x70: {  	_ =	shalt  }
0x71: {  	_ =	shalt  }
0x72: {  	_ =	shalt  }
0x73: {  	_ =	shalt  }
0x74: {  	_ =	shalt  }
0x75: {  	_ =	shalt  }
0x76: {  	_ =	shalt  }
0x77: {  	_ =	shalt  }
0x78: {  	_ =	shalt  }
0x79: {  	_ =	shalt  }
0x7a: {  	_ =	shalt  }
0x7b: {  	_ =	shalt  }
0x7c: {  	_ =	shalt  }
0x7d: {  	_ =	shalt  }
0x7e: {  	_ =	shalt  }
0x7f: {  	_ =	shalt  }
0x80: {  	_ =	shalt  }
0x81: {  	_ =	shalt  }
0x82: {  	_ =	shalt  }
0x83: {  	_ =	shalt  }
0x84: {  	_ =	shalt  }
0x85: {  	_ =	shalt  }
0x86: {  	_ =	shalt  }
0x87: {  	_ =	shalt  }
.Lfunc_end0:
.L_simem_size_0:
called_computation.2_lowered:
.L_overlay_start_0:
0x88: {  	s2 =	sld [smem:$0x3FD9]  }
0x89: {  	s3 =	sld [smem:$0x3FFE];
	_ =	sdelay $0x1  }
0x8a: {  	s1 =	srdreg.scid  }
0x8b: {  	s0 =	sand.u32 $0x1, s1  }
0x8c: {  	s14 =	sshll.u32 s0, $0xA;
	s2 =	sadd.s32 s3, s2  }
0x8d: {  	s2 =	sadd.s32 s2, s14  }
0x8e: {  	[smem:$0x3FC6] =	sst s2  }
0x8f: {  	_ = 	snop  }
0x90: {  	s2 =	sld [smem:$0x3FD0];
	_ =	sdelay $0x2  }
0x91: {  	s4 =	simm.s32 $0xA;
	s5 =	simm.s32 $0x10;
	s15 =	sld [smem:$0x3FC8]  }
0x92: {  	[smem:s5], [sflag:s4] =	dma.local [hbm:s2], $0x1  }
0x93: {  	_ =	swait.eq [sflag:s4], $0x1  }
0x94: {  	[sflag:s4] =	ssyncset.done $0x0  }
0x95: {  	[sflag:s4] =	ssyncadd.s32 $0xFFFFFFFF  }
0x96: {  	s16 =	sld [smem:$0x11];
	(tm) =	ssettm $0x1  }
0x97: {  	s17 =	sld [smem:$0x3FFB];
	_ =	sdelay $0x3  }
0x98: {  	_ =	strace s17  }
0x99: {  	s4 =	sld [smem:$0x3FFC];
	_ =	sdelay $0x3  }
0x9a: {  	_ =	strace s4  }
0x9b: {  	s4 =	sld [smem:$0x3FFD];
	_ =	sdelay $0x3  }
0x9c: {  	_ =	strace s4  }
0x9d: {  	_ =	strace $0x8FFFFFFF  }
0x9e: {  	s18 =	sld [smem:$0x3FDB];
	_ =	sdelay $0x1  }
0x9f: {  	s19 =	simm.s32 $_scs_section_size  }
0xa0: {  	s6 =	simm.s32 $_size__tile_overlayer_lowered;
	s7 =	simm.s32 $_tile_overlayer_lowered  }
0xa1: {  	s22 =	simm.s32 $0x1BFF;
	s21 =	sshll.u32 s7, $0x1;
	s4 =	sadd.s32 s19, s18  }
0xa2: {  	s8 =	simm.s32 $0x0;
	s20 =	sshll.u32 s6, $0x1;
	s6 =	sadd.s32 s21, s4  }
0xa3: {  	[timem:s8], [sflag:s22] =	dma.local [hbm:s6], s20  }
0xa4: {  	_ =	swait.ge [sflag:s22], s20  }
0xa5: {  	s5 =	ssub.s32 $0x0, s20;
	[sflag:s22] =	ssyncset.done $0x0  }
0xa6: {  	[sflag:s22] =	ssyncadd.s32 s5;
	_ =	sdelay $0x1  }
0xa7: {  	s23 =	simm.s32 $0x1B8B  }
0xa8: {  	_ =	swait.ge [sflag:s23], $0x1  }
0xa9: {  	[sflag:s23] =	ssyncset.done $0x0  }
0xaa: {  	s25 =	simm.s32 $0x1B8E;
	s24 =	sld [smem:$0x3FFE];
	[sflag:s23] =	ssyncadd.s32 $0xFFFFFFFF  }
0xab: {  	s26 =	simm.s32 $execute0_lowered;
	[smem:$0x3FD2] =	sst s25  }
0xac: {  	s6 =	sshll.u32 s26, $0x1;
	_ =	strace $0x8000004C;
	[dreg:$0x1] =	wrdreg $0xFFFFFFFF  }
0xad: {  	s28 =	simm.s32 $_size_execute0_lowered;
	s4 =	sadd.s32 s4, s6;
	[dreg:$0x0] =	wrdreg $0x0  }
0xae: {  	s6 =	sshll.u32 s28, $0x1;
	[dreg:$0x2] =	wrdreg s4  }
0xaf: {  	[dreg:$0x3] =	wrdreg s6  }
0xb0: {  	[dreg:$0x4] =	wrdreg $0xC0  }
0xb1: {  	_ =	task [dreg:s8], $0x5FFFF  }
0xb2: {  	[dreg:$0x1] =	wrdreg $0xFFFFFFFF  }
0xb3: {  	[dreg:$0x0] =	wrdreg $0x60  }
0xb4: {  	[dreg:$0x2] =	wrdreg s24  }
0xb5: {  	[dreg:$0x3] =	wrdreg s15  }
0xb6: {  	[dreg:$0x4] =	wrdreg s16  }
0xb7: {  	[dreg:$0x5] =	wrdreg $0xF4000  }
0xb8: {  	[dreg:$0x6] =	wrdreg $0x9  }
0xb9: {  	_ =	task.clear_ibuf [dreg:s8], $0x7FFFF;
	_ =	strace $0x9000004C  }
0xba: {  	s29 =	simm.s32 $0x9;
	_ =	strace $0x8000004E  }
0xbb: {  	_ =	swait.ge [sflag:s29], $0x1  }
0xbc: {  	[sflag:s29] =	ssyncadd.s32 $0xFFFFFFFF  }
0xbd: {  	_ =	strace $0x9000004E  }
0xbe: {  	_ =	sfence  }
0xbf: {  	s30 =	sld [smem:$0x0];
	_ =	sdelay $0x2  }
0xc0: {  	s31 =	sshll.u32 s1, $0xD;
	s1 =	sshrl.u32 s1, $0x2  }
0xc1: {  	s3 =	sand.u32 $0x4000, s31;
	s1 =	sadd.s32 s1, s30  }
0xc2: {  	s0 =	sor.u32 s3, s0;
	s1 =	sshll.u32 s1, $0x11  }
0xc3: {  	s0 =	sor.u32 s1, s0  }
0xc4: {  	s0 =	sadd.s32 $0x8F2B, s0  }
0xc5: {  	[sflag:s0] =	ssyncadd.remote.s32 $0x1  }
0xc6: {  	_ =	sfence.sel $0xFFFF  }
0xc7: {  	[dreg:$0x0] =	wrdreg $0xFFFFFFFF;
	(pc) =	sbr.abs _section_cstart, $3  }
0xc8: {  	[dreg:$0x1] =	wrdreg $0xFFFFFFFF  }
0xc9: {  	_ =	task.clear_ibuf [dreg:s8], $0x2FFFF;
	_ =	strace $0x9FFFFFFF  }
0xca: {  	(tm) =	ssettm $0x7FFFFFFF  }
0xcb: {  	_ =	shalt  }
tec
execute0_lowered:
.L_overlay_start_1:
0x0: {  	(tag) =	ssettag $0x1  }
0x1: {  	s0 =	rddreg [dreg:$0x0]  }
0x2: {  	s1 =	rddreg [dreg:$0x1]  }
0x3: {  	s2 =	rddreg [dreg:$0x2]  }
0x4: {  	s4 =	rddreg [dreg:$0x3]  }
0x5: {  	s3 =	simm.s32 $0x0;
	s8 =	stileid.u32;
	s24 =	srdreg.scid  }
0x6: {  	[smem:$0x7FF] =	sst s3;
	s5 =	smul.u32 $0x41000, s8  }
0x7: {  	s6 =	sshll.u32 s8, $0xB;
	s3 =	sand.u32 $0x1, s24;
	s16 =	sshll.u32 s8, $0x10  }
0x8: {  	s23 =	sshll.u32 s8, $0x9;
	_ =	strace $0x8000004D;
	s6 =	sadd.s32 s6, s0  }
0x9: {  	s7 =	ssub.s32 $0x2, s3;
	s0 =	sadd.s32 $0x32600, s0;
	[dreg:$0x1a] =	wrdreg s23  }
0xa: {  	s3 =	sshll.u32 s3, $0x11;
	s5 =	sshrl.u32 s5, $0x2;
	[dreg:$0x5] =	wrdreg s0  }
0xb: {  	s25 =	sshrl.u32 s7, $0x1;
	[dreg:$0x6] =	wrdreg s3;
	s18 =	sadd.s32 $0x1A600, s6  }
0xc: {  	s3 =	sadd.s32 s16, s4;
	s19 =	sadd.s32 $0x1AA00, s6;
	[dreg:$0x15] =	wrdreg s18  }
0xd: {  	s5 =	sadd.s32 s5, s4;
	[dreg:$0x16] =	wrdreg s19;
	s24 =	sadd.s32 $0x2000, s3  }
0xe: {  	s0 =	ssub.s32 s7, s25;
	s25 =	sadd.s32 $0x4000, s3;
	[dreg:$0x1b] =	wrdreg s24  }
0xf: {  	s26 =	sadd.s32 $0x1000, s5;
	[dreg:$0x1c] =	wrdreg s25  }
0x10: {  	s28 =	sadd.s32 $0x2000, s5;
	[dreg:$0x7] =	wrdreg s26  }
0x11: {  	s29 =	sadd.s32 $0x3000, s5;
	[dreg:$0x8] =	wrdreg s28  }
0x12: {  	s31 =	sadd.s32 $0x4000, s5;
	[dreg:$0x9] =	wrdreg s29  }
0x13: {  	s7 =	sadd.s32 $0x5000, s5;
	[dreg:$0xa] =	wrdreg s31  }
0x14: {  	s9 =	sadd.s32 $0x6000, s5;
	[dreg:$0xb] =	wrdreg s7  }
0x15: {  	s10 =	sadd.s32 $0x7000, s5;
	[dreg:$0xc] =	wrdreg s9  }
0x16: {  	s11 =	sadd.s32 $0x8000, s5;
	[dreg:$0xd] =	wrdreg s10  }
0x17: {  	s12 =	sadd.s32 $0x9000, s5;
	[dreg:$0xe] =	wrdreg s11  }
0x18: {  	s13 =	sadd.s32 $0xA000, s5;
	[dreg:$0xf] =	wrdreg s12  }
0x19: {  	s14 =	sadd.s32 $0xB000, s5;
	[dreg:$0x10] =	wrdreg s13  }
0x1a: {  	s15 =	sadd.s32 $0xC000, s5;
	[dreg:$0x11] =	wrdreg s14  }
0x1b: {  	s30 =	sshll.u32 s8, $0xE;
	s17 =	sadd.s32 $0xD000, s5;
	[dreg:$0x12] =	wrdreg s15  }
0x1c: {  	s16 =	simm.s32 $0xA200;
	s0 =	smax.u32 s0, $0x1;
	[dreg:$0x13] =	wrdreg s17  }
0x1d: {  	s8 =	smov.u32 s3;
	s20 =	sadd.s32 $0xE000, s5;
	[dreg:$0x14] =	wrdreg s0  }
0x1e: {  	s18 =	simm.s32 $0xC200;
	s21 =	sadd.s32 $0xF000, s5;
	[dreg:$0x17] =	wrdreg s20  }
0x1f: {  	s19 =	simm.s32 $0xA180;
	s22 =	sadd.s32 $0x10000, s5;
	[dreg:$0x18] =	wrdreg s21  }
0x20: {  	s6 =	smov.u32 s5;
	[dreg:$0x19] =	wrdreg s22;
	s26 =	sadd.s32 $0x6000, s3  }
0x21: {  	s28 =	sadd.s32 $0x8000, s3;
	s29 =	sadd.s32 $0xA000, s3;
	s31 =	sadd.s32 $0xC000, s3  }
.Ltmp0:
0x22: {  	s9 =	sadd.s32 $0xE000, s3;
	s10 =	simm.s32 $0xE200;
	(pc) =	sbr.rel .LBB2_1-.Ltmp0, $4  }
0x23: {  	v0 =	vlaneseq.u32;
	s11 =	simm.s32 $0x4;
	s12 =	simm.s32 $0x3;
	[dreg:$0x1d] =	wrdreg s26  }
0x24: {  	v4 =	vmul.u32 $0x8, v0;
	s13 =	simm.s32 $0x1;
	s14 =	simm.s32 $0x40;
	[dreg:$0x1e] =	wrdreg s28  }
0x25: {  	v2 =	vimm.f32 $0.0e+00;
	v1 =	vmov s30;
	s15 =	simm.s32 $0xA100;
	s17 =	simm.s32 $0x5;
	[dreg:$0x1f] =	wrdreg s29  }
0x26: {  	v3 =	vimm.s32 $0x0;
	v1 =	vor.u32 $0x2000, v1;
	v4 =	vor.u32 $0x2000, v4;
	s20 =	simm.s32 $0x2;
	s3 =	simm.s32 $0x0;
	[smem:$0x7FD] =	sst s31  }
.LBB2_13:
0x27: {  	s3 =	sld [smem:$0x7FC];
	_ =	sdelay $0x2  }
0x28: {  	s0 =	rddreg [dreg:$0x14];
	s3 =	sadd.s32 $0x1, s3  }
0x29: {  	p0 =	sne.s32 s3, s0  }
.Ltmp1:
0x2a: {  	_ = 	snop;
	(pc) =	sbr.rel @!p0 .LBB2_14-.Ltmp1, $1  }
0x2b: {  	_ =	sdelay $0x3  }
.LBB2_1:
0x2c: {  	[tilespmem:$0xE200] =	vst v2  }
0x2d: {  	[tilespmem:$0xE210] =	vst v2  }
0x2e: {  	[tilespmem:$0xE220] =	vst v2  }
0x2f: {  	[tilespmem:$0xE230] =	vst v2  }
0x30: {  	[tilespmem:$0xE240] =	vst v2  }
0x31: {  	[tilespmem:$0xE250] =	vst v2  }
0x32: {  	[tilespmem:$0xE260] =	vst v2  }
0x33: {  	[tilespmem:$0xE270] =	vst v2  }
0x34: {  	[tilespmem:$0xE280] =	vst v2  }
0x35: {  	[tilespmem:$0xE290] =	vst v2  }
0x36: {  	[tilespmem:$0xE2A0] =	vst v2  }
0x37: {  	[tilespmem:$0xE2B0] =	vst v2  }
0x38: {  	[tilespmem:$0xE2C0] =	vst v2  }
0x39: {  	[tilespmem:$0xE2D0] =	vst v2  }
0x3a: {  	[tilespmem:$0xE2E0] =	vst v2  }
0x3b: {  	[tilespmem:$0xE2F0] =	vst v2  }
0x3c: {  	[tilespmem:$0xE300] =	vst v2  }
0x3d: {  	[tilespmem:$0xE310] =	vst v2  }
0x3e: {  	[tilespmem:$0xE320] =	vst v2  }
0x3f: {  	[tilespmem:$0xE330] =	vst v2  }
0x40: {  	[tilespmem:$0xE340] =	vst v2  }
0x41: {  	[tilespmem:$0xE350] =	vst v2  }
0x42: {  	[tilespmem:$0xE360] =	vst v2  }
0x43: {  	[tilespmem:$0xE370] =	vst v2  }
0x44: {  	[tilespmem:$0xE380] =	vst v2  }
0x45: {  	[tilespmem:$0xE390] =	vst v2  }
0x46: {  	[tilespmem:$0xE3A0] =	vst v2  }
0x47: {  	[tilespmem:$0xE3B0] =	vst v2  }
0x48: {  	[tilespmem:$0xE3C0] =	vst v2  }
0x49: {  	[tilespmem:$0xE3D0] =	vst v2  }
0x4a: {  	[tilespmem:$0xE3E0] =	vst v2  }
0x4b: {  	[tilespmem:$0xE3F0] =	vst v2  }
0x4c: {  	[tilespmem:$0xE400] =	vst v2  }
0x4d: {  	[tilespmem:$0xE410] =	vst v2  }
0x4e: {  	[tilespmem:$0xE420] =	vst v2  }
0x4f: {  	[tilespmem:$0xE430] =	vst v2  }
0x50: {  	[tilespmem:$0xE440] =	vst v2  }
0x51: {  	[tilespmem:$0xE450] =	vst v2  }
0x52: {  	[tilespmem:$0xE460] =	vst v2  }
0x53: {  	[tilespmem:$0xE470] =	vst v2  }
0x54: {  	[tilespmem:$0xE480] =	vst v2  }
0x55: {  	[tilespmem:$0xE490] =	vst v2  }
0x56: {  	[tilespmem:$0xE4A0] =	vst v2  }
0x57: {  	[tilespmem:$0xE4B0] =	vst v2  }
0x58: {  	[tilespmem:$0xE4C0] =	vst v2  }
0x59: {  	[tilespmem:$0xE4D0] =	vst v2  }
0x5a: {  	[tilespmem:$0xE4E0] =	vst v2  }
0x5b: {  	[tilespmem:$0xE4F0] =	vst v2  }
0x5c: {  	[tilespmem:$0xE500] =	vst v2  }
0x5d: {  	[tilespmem:$0xE510] =	vst v2  }
0x5e: {  	[tilespmem:$0xE520] =	vst v2  }
0x5f: {  	[tilespmem:$0xE530] =	vst v2  }
0x60: {  	[tilespmem:$0xE540] =	vst v2  }
0x61: {  	[tilespmem:$0xE550] =	vst v2  }
0x62: {  	[tilespmem:$0xE560] =	vst v2  }
0x63: {  	[tilespmem:$0xE570] =	vst v2  }
0x64: {  	[tilespmem:$0xE580] =	vst v2  }
0x65: {  	[tilespmem:$0xE590] =	vst v2  }
0x66: {  	[tilespmem:$0xE5A0] =	vst v2  }
0x67: {  	[tilespmem:$0xE5B0] =	vst v2  }
0x68: {  	[tilespmem:$0xE5C0] =	vst v2  }
0x69: {  	[tilespmem:$0xE5D0] =	vst v2  }
0x6a: {  	[tilespmem:$0xE5E0] =	vst v2  }
0x6b: {  	[tilespmem:$0xE5F0] =	vst v2  }
0x6c: {  	[tilespmem:$0xE600] =	vst v2  }
0x6d: {  	[tilespmem:$0xE610] =	vst v2  }
0x6e: {  	[tilespmem:$0xE620] =	vst v2  }
0x6f: {  	[tilespmem:$0xE630] =	vst v2  }
0x70: {  	[tilespmem:$0xE640] =	vst v2  }
0x71: {  	[tilespmem:$0xE650] =	vst v2  }
0x72: {  	[tilespmem:$0xE660] =	vst v2  }
0x73: {  	[tilespmem:$0xE670] =	vst v2  }
0x74: {  	[tilespmem:$0xE680] =	vst v2  }
0x75: {  	[tilespmem:$0xE690] =	vst v2  }
0x76: {  	[tilespmem:$0xE6A0] =	vst v2  }
0x77: {  	[tilespmem:$0xE6B0] =	vst v2  }
0x78: {  	[tilespmem:$0xE6C0] =	vst v2  }
0x79: {  	[tilespmem:$0xE6D0] =	vst v2  }
0x7a: {  	[tilespmem:$0xE6E0] =	vst v2  }
0x7b: {  	[tilespmem:$0xE6F0] =	vst v2  }
0x7c: {  	[tilespmem:$0xE700] =	vst v2  }
0x7d: {  	[tilespmem:$0xE710] =	vst v2  }
0x7e: {  	[tilespmem:$0xE720] =	vst v2  }
0x7f: {  	[tilespmem:$0xE730] =	vst v2  }
0x80: {  	[tilespmem:$0xE740] =	vst v2  }
0x81: {  	[tilespmem:$0xE750] =	vst v2  }
0x82: {  	[tilespmem:$0xE760] =	vst v2  }
0x83: {  	[tilespmem:$0xE770] =	vst v2  }
0x84: {  	[tilespmem:$0xE780] =	vst v2  }
0x85: {  	[tilespmem:$0xE790] =	vst v2  }
0x86: {  	[tilespmem:$0xE7A0] =	vst v2  }
0x87: {  	[tilespmem:$0xE7B0] =	vst v2  }
0x88: {  	[tilespmem:$0xE7C0] =	vst v2  }
0x89: {  	[tilespmem:$0xE7D0] =	vst v2  }
0x8a: {  	[tilespmem:$0xE7E0] =	vst v2  }
0x8b: {  	[tilespmem:$0xE7F0] =	vst v2  }
0x8c: {  	[tilespmem:$0xE800] =	vst v2  }
0x8d: {  	[tilespmem:$0xE810] =	vst v2  }
0x8e: {  	[tilespmem:$0xE820] =	vst v2  }
0x8f: {  	[tilespmem:$0xE830] =	vst v2  }
0x90: {  	[tilespmem:$0xE840] =	vst v2  }
0x91: {  	[tilespmem:$0xE850] =	vst v2  }
0x92: {  	[tilespmem:$0xE860] =	vst v2  }
0x93: {  	[tilespmem:$0xE870] =	vst v2  }
0x94: {  	[tilespmem:$0xE880] =	vst v2  }
0x95: {  	[tilespmem:$0xE890] =	vst v2  }
0x96: {  	[tilespmem:$0xE8A0] =	vst v2  }
0x97: {  	[tilespmem:$0xE8B0] =	vst v2  }
0x98: {  	[tilespmem:$0xE8C0] =	vst v2  }
0x99: {  	[tilespmem:$0xE8D0] =	vst v2  }
0x9a: {  	[tilespmem:$0xE8E0] =	vst v2  }
0x9b: {  	[tilespmem:$0xE8F0] =	vst v2  }
0x9c: {  	[tilespmem:$0xE900] =	vst v2  }
0x9d: {  	[tilespmem:$0xE910] =	vst v2  }
0x9e: {  	[tilespmem:$0xE920] =	vst v2  }
0x9f: {  	[tilespmem:$0xE930] =	vst v2  }
0xa0: {  	[tilespmem:$0xE940] =	vst v2  }
0xa1: {  	[tilespmem:$0xE950] =	vst v2  }
0xa2: {  	[tilespmem:$0xE960] =	vst v2  }
0xa3: {  	[tilespmem:$0xE970] =	vst v2  }
0xa4: {  	[tilespmem:$0xE980] =	vst v2  }
0xa5: {  	[tilespmem:$0xE990] =	vst v2  }
0xa6: {  	[tilespmem:$0xE9A0] =	vst v2  }
0xa7: {  	[tilespmem:$0xE9B0] =	vst v2  }
0xa8: {  	[tilespmem:$0xE9C0] =	vst v2  }
0xa9: {  	[tilespmem:$0xE9D0] =	vst v2  }
0xaa: {  	[tilespmem:$0xE9E0] =	vst v2  }
0xab: {  	[tilespmem:$0xE9F0] =	vst v2  }
0xac: {  	[tilespmem:$0xEA00] =	vst v2  }
0xad: {  	[tilespmem:$0xEA10] =	vst v2  }
0xae: {  	[tilespmem:$0xEA20] =	vst v2  }
0xaf: {  	[tilespmem:$0xEA30] =	vst v2  }
0xb0: {  	[tilespmem:$0xEA40] =	vst v2  }
0xb1: {  	[tilespmem:$0xEA50] =	vst v2  }
0xb2: {  	[tilespmem:$0xEA60] =	vst v2  }
0xb3: {  	[tilespmem:$0xEA70] =	vst v2  }
0xb4: {  	[tilespmem:$0xEA80] =	vst v2  }
0xb5: {  	[tilespmem:$0xEA90] =	vst v2  }
0xb6: {  	[tilespmem:$0xEAA0] =	vst v2  }
0xb7: {  	[tilespmem:$0xEAB0] =	vst v2  }
0xb8: {  	[tilespmem:$0xEAC0] =	vst v2  }
0xb9: {  	[tilespmem:$0xEAD0] =	vst v2  }
0xba: {  	[tilespmem:$0xEAE0] =	vst v2  }
0xbb: {  	[tilespmem:$0xEAF0] =	vst v2  }
0xbc: {  	[tilespmem:$0xEB00] =	vst v2  }
0xbd: {  	[tilespmem:$0xEB10] =	vst v2  }
0xbe: {  	[tilespmem:$0xEB20] =	vst v2  }
0xbf: {  	[tilespmem:$0xEB30] =	vst v2  }
0xc0: {  	[tilespmem:$0xEB40] =	vst v2  }
0xc1: {  	[tilespmem:$0xEB50] =	vst v2  }
0xc2: {  	[tilespmem:$0xEB60] =	vst v2  }
0xc3: {  	[tilespmem:$0xEB70] =	vst v2  }
0xc4: {  	[tilespmem:$0xEB80] =	vst v2  }
0xc5: {  	[tilespmem:$0xEB90] =	vst v2  }
0xc6: {  	[tilespmem:$0xEBA0] =	vst v2  }
0xc7: {  	[tilespmem:$0xEBB0] =	vst v2  }
0xc8: {  	[tilespmem:$0xEBC0] =	vst v2  }
0xc9: {  	[tilespmem:$0xEBD0] =	vst v2  }
0xca: {  	[tilespmem:$0xEBE0] =	vst v2  }
0xcb: {  	[tilespmem:$0xEBF0] =	vst v2  }
0xcc: {  	[tilespmem:$0xEC00] =	vst v2  }
0xcd: {  	[tilespmem:$0xEC10] =	vst v2  }
0xce: {  	[tilespmem:$0xEC20] =	vst v2  }
0xcf: {  	[tilespmem:$0xEC30] =	vst v2  }
0xd0: {  	[tilespmem:$0xEC40] =	vst v2  }
0xd1: {  	[tilespmem:$0xEC50] =	vst v2  }
0xd2: {  	[tilespmem:$0xEC60] =	vst v2  }
0xd3: {  	[tilespmem:$0xEC70] =	vst v2  }
0xd4: {  	[tilespmem:$0xEC80] =	vst v2  }
0xd5: {  	[tilespmem:$0xEC90] =	vst v2  }
0xd6: {  	[tilespmem:$0xECA0] =	vst v2  }
0xd7: {  	[tilespmem:$0xECB0] =	vst v2  }
0xd8: {  	[tilespmem:$0xECC0] =	vst v2  }
0xd9: {  	[tilespmem:$0xECD0] =	vst v2  }
0xda: {  	[tilespmem:$0xECE0] =	vst v2  }
0xdb: {  	[tilespmem:$0xECF0] =	vst v2  }
0xdc: {  	[tilespmem:$0xED00] =	vst v2  }
0xdd: {  	[tilespmem:$0xED10] =	vst v2  }
0xde: {  	[tilespmem:$0xED20] =	vst v2  }
0xdf: {  	[tilespmem:$0xED30] =	vst v2  }
0xe0: {  	[tilespmem:$0xED40] =	vst v2  }
0xe1: {  	[tilespmem:$0xED50] =	vst v2  }
0xe2: {  	[tilespmem:$0xED60] =	vst v2  }
0xe3: {  	[tilespmem:$0xED70] =	vst v2  }
0xe4: {  	[tilespmem:$0xED80] =	vst v2  }
0xe5: {  	[tilespmem:$0xED90] =	vst v2  }
0xe6: {  	[tilespmem:$0xEDA0] =	vst v2  }
0xe7: {  	[tilespmem:$0xEDB0] =	vst v2  }
0xe8: {  	[tilespmem:$0xEDC0] =	vst v2  }
0xe9: {  	[tilespmem:$0xEDD0] =	vst v2  }
0xea: {  	[tilespmem:$0xEDE0] =	vst v2  }
0xeb: {  	[tilespmem:$0xEDF0] =	vst v2  }
0xec: {  	[tilespmem:$0xEE00] =	vst v2  }
0xed: {  	[tilespmem:$0xEE10] =	vst v2  }
0xee: {  	[tilespmem:$0xEE20] =	vst v2  }
0xef: {  	[tilespmem:$0xEE30] =	vst v2  }
0xf0: {  	[tilespmem:$0xEE40] =	vst v2  }
0xf1: {  	[tilespmem:$0xEE50] =	vst v2  }
0xf2: {  	[tilespmem:$0xEE60] =	vst v2  }
0xf3: {  	[tilespmem:$0xEE70] =	vst v2  }
0xf4: {  	[tilespmem:$0xEE80] =	vst v2  }
0xf5: {  	[tilespmem:$0xEE90] =	vst v2  }
0xf6: {  	[tilespmem:$0xEEA0] =	vst v2  }
0xf7: {  	[tilespmem:$0xEEB0] =	vst v2  }
0xf8: {  	[tilespmem:$0xEEC0] =	vst v2  }
0xf9: {  	[tilespmem:$0xEED0] =	vst v2  }
0xfa: {  	[tilespmem:$0xEEE0] =	vst v2  }
0xfb: {  	[tilespmem:$0xEEF0] =	vst v2  }
0xfc: {  	[tilespmem:$0xEF00] =	vst v2  }
0xfd: {  	[tilespmem:$0xEF10] =	vst v2  }
0xfe: {  	[tilespmem:$0xEF20] =	vst v2  }
0xff: {  	[tilespmem:$0xEF30] =	vst v2  }
0x100: {  	[tilespmem:$0xEF40] =	vst v2  }
0x101: {  	[tilespmem:$0xEF50] =	vst v2  }
0x102: {  	[tilespmem:$0xEF60] =	vst v2  }
0x103: {  	[tilespmem:$0xEF70] =	vst v2  }
0x104: {  	[tilespmem:$0xEF80] =	vst v2  }
0x105: {  	[tilespmem:$0xEF90] =	vst v2  }
0x106: {  	[tilespmem:$0xEFA0] =	vst v2  }
0x107: {  	[tilespmem:$0xEFB0] =	vst v2  }
0x108: {  	[tilespmem:$0xEFC0] =	vst v2  }
0x109: {  	[tilespmem:$0xEFD0] =	vst v2  }
0x10a: {  	[tilespmem:$0xEFE0] =	vst v2  }
0x10b: {  	[tilespmem:$0xEFF0] =	vst v2  }
0x10c: {  	[tilespmem:$0xF000] =	vst v2  }
0x10d: {  	[tilespmem:$0xF010] =	vst v2  }
0x10e: {  	[tilespmem:$0xF020] =	vst v2  }
0x10f: {  	[tilespmem:$0xF030] =	vst v2  }
0x110: {  	[tilespmem:$0xF040] =	vst v2  }
0x111: {  	[tilespmem:$0xF050] =	vst v2  }
0x112: {  	[tilespmem:$0xF060] =	vst v2  }
0x113: {  	[tilespmem:$0xF070] =	vst v2  }
0x114: {  	[tilespmem:$0xF080] =	vst v2  }
0x115: {  	[tilespmem:$0xF090] =	vst v2  }
0x116: {  	[tilespmem:$0xF0A0] =	vst v2  }
0x117: {  	[tilespmem:$0xF0B0] =	vst v2  }
0x118: {  	[tilespmem:$0xF0C0] =	vst v2  }
0x119: {  	[tilespmem:$0xF0D0] =	vst v2  }
0x11a: {  	[tilespmem:$0xF0E0] =	vst v2  }
0x11b: {  	[tilespmem:$0xF0F0] =	vst v2  }
0x11c: {  	[tilespmem:$0xF100] =	vst v2  }
0x11d: {  	[tilespmem:$0xF110] =	vst v2  }
0x11e: {  	[tilespmem:$0xF120] =	vst v2  }
0x11f: {  	[tilespmem:$0xF130] =	vst v2  }
0x120: {  	[tilespmem:$0xF140] =	vst v2  }
0x121: {  	[tilespmem:$0xF150] =	vst v2  }
0x122: {  	[tilespmem:$0xF160] =	vst v2  }
0x123: {  	[tilespmem:$0xF170] =	vst v2  }
0x124: {  	[tilespmem:$0xF180] =	vst v2  }
0x125: {  	[tilespmem:$0xF190] =	vst v2  }
0x126: {  	[tilespmem:$0xF1A0] =	vst v2  }
.Ltmp2:
0x127: {  	[tilespmem:$0xF1B0] =	vst v2;
	(pc) =	sbr.rel .LBB2_2-.Ltmp2, $4  }
0x128: {  	[tilespmem:$0xF1C0] =	vst v2  }
0x129: {  	[tilespmem:$0xF1D0] =	vst v2  }
0x12a: {  	[tilespmem:$0xF1F0] =	vst v2  }
0x12b: {  	[smem:$0x7FC] =	sst s3;
	s7 =	simm.s32 $0x0;
	[tilespmem:$0xF1E0] =	vst v2  }
.LBB2_8:
0x12c: {  	_ = 	snop  }
.LBB2_11:
0x12d: {  	p0 =	por p0, !p1  }
0x12e: {  	s0 =	sadd.s32 @!p3 $0xFFFFFFC0, s28;
	[sflag:s3] =	ssyncset.done @!p0 $0x0  }
0x12f: {  	s5 =	simm.s32 @!p3 $0x40;
	s22 =	simm.s32 @!p3 $0xC200;
	[sflag:s3] =	ssyncadd.s32 @!p0 $0xFFFFE000  }
0x130: {  	[tilespmem:s22], [sflag:$0x2] =	stream.indirect.gather @!p3 [hbm4b:s1+s5], $0x80, s0, s5, $0xb8;
	[tilespmem:$0x1F800] =	vst v63  }
0x131: {  	_ =	swait.ge [sflag:s13], $0x2000  }
0x132: {  	[sflag:s13] =	ssyncset.done $0x0  }
0x133: {  	[sflag:s13] =	ssyncadd.s32 $0xFFFFE000  }
0x134: {  	v5 =	vld [tilespmem:s26+$0xFFFFFFE0];
	_ =	sdelay $0x4  }
0x135: {  	[tilespmem:$0xA100] =	vst v5  }
0x136: {  	v5 =	vld [tilespmem:s26+$0xFFFFFFF0];
	_ =	sdelay $0x4  }
0x137: {  	[tilespmem:$0xA110] =	vst v5  }
0x138: {  	v5 =	vld [tilespmem:s26+$0x0];
	_ =	sdelay $0x4  }
0x139: {  	[tilespmem:$0xA120] =	vst v5  }
0x13a: {  	v5 =	vld [tilespmem:s26+$0x10];
	_ =	sdelay $0x4  }
0x13b: {  	p0 =	por p3, p3;
	[tilespmem:$0xA130] =	vst v5  }
0x13c: {  	[spmem:s4] =	stream.indirect.scatter.add.f32 [tilespmem:s16], [sflag:$0x5], $0x80, s15, s14, $0xb8;
	[tilespmem:$0x1F800] =	vst v63  }
0x13d: {  	p1 =	sge.s32 @!p0 s29, s24;
	_ =	swait.ge [sflag:s17], $0x2000  }
0x13e: {  	s0 =	simm.s32 @!p0 $0x2;
	p1 =	por p1, p0;
	[sflag:s17] =	ssyncset.done $0x0  }
0x13f: {  	s3 =	simm.s32 @!p1 $0x40;
	s23 =	simm.s32 @!p1 $0xA200;
	[sflag:s17] =	ssyncadd.s32 $0xFFFFE000  }
0x140: {  	[tilespmem:s23], [sflag:$0x1] =	stream.indirect.gather @!p1 [hbm4b:s1+s3], $0x80, s28, s3, $0xb8;
	[tilespmem:$0x1F800] =	vst v63  }
0x141: {  	_ =	swait.ge @!p0 [sflag:s0], $0x2000  }
0x142: {  	[sflag:s0] =	ssyncset.done @!p0 $0x0  }
0x143: {  	[sflag:s0] =	ssyncadd.s32 @!p0 $0xFFFFE000  }
0x144: {  	v5 =	vld @!p0 [tilespmem:s26+$0x20];
	_ =	sdelay $0x4  }
0x145: {  	s0 =	sor.u32 @!p0 $0x50, s25;
	[tilespmem:$0xA180] =	vst @!p0 v5  }
0x146: {  	v5 =	vld @!p0 [tilespmem:s0+$0x6080];
	_ =	sdelay $0x4  }
0x147: {  	s0 =	sor.u32 @!p0 $0x60, s25;
	[tilespmem:$0xA190] =	vst @!p0 v5  }
0x148: {  	v5 =	vld @!p0 [tilespmem:s0+$0x6080];
	_ =	sdelay $0x4  }
0x149: {  	s0 =	sor.u32 @!p0 $0x70, s25;
	[tilespmem:$0xA1A0] =	vst @!p0 v5  }
0x14a: {  	v5 =	vld @!p0 [tilespmem:s0+$0x6080];
	_ =	sdelay $0x4  }
0x14b: {  	s3 =	simm.s32 @!p0 $0x4;
	s0 =	simm.s32 @!p0 $0xA180;
	[tilespmem:$0xA1B0] =	vst @!p0 v5  }
0x14c: {  	[spmem:s4] =	stream.indirect.scatter.add.f32 @!p0 [tilespmem:s22], [sflag:$0x4], $0x80, s0, s5, $0xb8;
	[tilespmem:$0x1F800] =	vst v63  }
0x14d: {  	_ =	swait.ge @!p0 [sflag:s3], $0x2000  }
0x14e: {  	[sflag:s3] =	ssyncset.done @!p0 $0x0  }
0x14f: {  	[sflag:s3] =	ssyncadd.s32 @!p0 $0xFFFFE000  }
.LBB2_12:
0x150: {  	s0 =	rddreg [dreg:$0x1a]  }
0x151: {  	[bflag:$0x0] =	sbarrier.arrive $0xFFFF;
	s0 =	sor.u32 s0, s21  }
0x152: {  	s3 =	rddreg [dreg:$0x5];
	s0 =	sshrl.u32 s0, $0x3  }
0x153: {  	s23 =	simm.s32 $0x0;
	s5 =	simm.s32 $0xF200;
	s0 =	sadd.s32 s3, s0  }
0x154: {  	[tilespmem:s5], [sflag:$0x4] =	stream.linear.gather [hbm4b:s0+s23], $0x200, $0x38;
	[tilespmem:$0x1F800] =	vst v63  }
0x155: {  	_ =	swait.ge [sflag:s11], $0x200  }
0x156: {  	[sflag:s11] =	ssyncset.done $0x0  }
0x157: {  	[sflag:s11] =	ssyncadd.s32 $0xFFFFFE00  }
0x158: {  	[tilespmem:s16], [sflag:$0x4] =	stream.linear.gather [spmem:s8], $0x2000, $0x38;
	[tilespmem:$0x1F800] =	vst v63  }
0x159: {  	_ =	swait.ge [sflag:s11], $0x2000  }
0x15a: {  	[sflag:s11] =	ssyncset.done $0x0  }
0x15b: {  	[sflag:s11] =	ssyncadd.s32 $0xFFFFE000  }
0x15c: {  	v5 =	vld [tilespmem:$0xF200]  }
0x15d: {  	v6 =	vld [tilespmem:$0xF210]  }
0x15e: {  	v7 =	vld [tilespmem:$0xF220]  }
0x15f: {  	v8 =	vld [tilespmem:$0xF230];
	_ =	sdelay $0x1  }
0x160: {  	[tilespmem:$0xA100] =	vst v5  }
0x161: {  	[tilespmem:$0xA110] =	vst v6  }
0x162: {  	[tilespmem:$0xA120] =	vst v7  }
0x163: {  	[tilespmem:$0xA130] =	vst v8  }
0x164: {  	[hbm4b:s2+s14] =	stream.indirect.scatter [tilespmem:s16], [sflag:$0x1], $0x80, s15, s14, $0xb8;
	[tilespmem:$0x1F800] =	vst v63  }
0x165: {  	s24 =	rddreg [dreg:$0x1b]  }
0x166: {  	[tilespmem:s18], [sflag:$0x4] =	stream.linear.gather [spmem:s24], $0x2000, $0x38;
	[tilespmem:$0x1F800] =	vst v63  }
0x167: {  	_ =	swait.ge [sflag:s11], $0x2000  }
0x168: {  	[sflag:s11] =	ssyncset.done $0x0  }
0x169: {  	[sflag:s11] =	ssyncadd.s32 $0xFFFFE000  }
0x16a: {  	v5 =	vld [tilespmem:$0xF240]  }
0x16b: {  	v6 =	vld [tilespmem:$0xF250]  }
0x16c: {  	v7 =	vld [tilespmem:$0xF260]  }
0x16d: {  	v57 =	vld [tilespmem:$0xF270];
	_ =	sdelay $0x1  }
0x16e: {  	[tilespmem:$0xA180] =	vst v5  }
0x16f: {  	[tilespmem:$0xA190] =	vst v6  }
0x170: {  	[tilespmem:$0xA1A0] =	vst v7  }
0x171: {  	[tilespmem:$0xA1B0] =	vst v57  }
0x172: {  	[hbm4b:s2+s14] =	stream.indirect.scatter [tilespmem:s18], [sflag:$0x2], $0x80, s19, s14, $0xb8;
	[tilespmem:$0x1F800] =	vst v63  }
0x173: {  	_ =	swait.ge [sflag:s13], $0x2000  }
0x174: {  	[sflag:s13] =	ssyncset.done $0x0  }
0x175: {  	s25 =	rddreg [dreg:$0x1c];
	[sflag:s13] =	ssyncadd.s32 $0xFFFFE000  }
0x176: {  	[tilespmem:s16], [sflag:$0x4] =	stream.linear.gather [spmem:s25], $0x2000, $0x38;
	[tilespmem:$0x1F800] =	vst v63  }
0x177: {  	_ =	swait.ge [sflag:s11], $0x2000  }
0x178: {  	[sflag:s11] =	ssyncset.done $0x0  }
0x179: {  	[sflag:s11] =	ssyncadd.s32 $0xFFFFE000  }
0x17a: {  	v5 =	vld [tilespmem:$0xF280]  }
0x17b: {  	v6 =	vld [tilespmem:$0xF290]  }
0x17c: {  	v7 =	vld [tilespmem:$0xF2A0]  }
0x17d: {  	v58 =	vld [tilespmem:$0xF2B0];
	_ =	sdelay $0x1  }
0x17e: {  	[tilespmem:$0xA100] =	vst v5  }
0x17f: {  	[tilespmem:$0xA110] =	vst v6  }
0x180: {  	[tilespmem:$0xA120] =	vst v7  }
0x181: {  	[tilespmem:$0xA130] =	vst v58  }
0x182: {  	[hbm4b:s2+s14] =	stream.indirect.scatter [tilespmem:s16], [sflag:$0x1], $0x80, s15, s14, $0xb8;
	[tilespmem:$0x1F800] =	vst v63  }
0x183: {  	_ =	swait.ge [sflag:s20], $0x2000  }
0x184: {  	[sflag:s20] =	ssyncset.done $0x0  }
0x185: {  	s26 =	rddreg [dreg:$0x1d];
	[sflag:s20] =	ssyncadd.s32 $0xFFFFE000  }
0x186: {  	[tilespmem:s18], [sflag:$0x4] =	stream.linear.gather [spmem:s26], $0x2000, $0x38;
	[tilespmem:$0x1F800] =	vst v63  }
0x187: {  	_ =	swait.ge [sflag:s11], $0x2000  }
0x188: {  	[sflag:s11] =	ssyncset.done $0x0  }
0x189: {  	[sflag:s11] =	ssyncadd.s32 $0xFFFFE000  }
0x18a: {  	v5 =	vld [tilespmem:$0xF2C0]  }
0x18b: {  	v6 =	vld [tilespmem:$0xF2D0]  }
0x18c: {  	v7 =	vld [tilespmem:$0xF2E0]  }
0x18d: {  	v59 =	vld [tilespmem:$0xF2F0];
	_ =	sdelay $0x1  }
0x18e: {  	[tilespmem:$0xA180] =	vst v5  }
0x18f: {  	[tilespmem:$0xA190] =	vst v6  }
0x190: {  	[tilespmem:$0xA1A0] =	vst v7  }
0x191: {  	[tilespmem:$0xA1B0] =	vst v59  }
0x192: {  	[hbm4b:s2+s14] =	stream.indirect.scatter [tilespmem:s18], [sflag:$0x2], $0x80, s19, s14, $0xb8;
	[tilespmem:$0x1F800] =	vst v63  }
0x193: {  	_ =	swait.ge [sflag:s13], $0x2000  }
0x194: {  	[sflag:s13] =	ssyncset.done $0x0  }
0x195: {  	s28 =	rddreg [dreg:$0x1e];
	[sflag:s13] =	ssyncadd.s32 $0xFFFFE000  }
0x196: {  	[tilespmem:s16], [sflag:$0x4] =	stream.linear.gather [spmem:s28], $0x2000, $0x38;
	[tilespmem:$0x1F800] =	vst v63  }
0x197: {  	_ =	swait.ge [sflag:s11], $0x2000  }
0x198: {  	[sflag:s11] =	ssyncset.done $0x0  }
0x199: {  	[sflag:s11] =	ssyncadd.s32 $0xFFFFE000  }
0x19a: {  	v5 =	vld [tilespmem:$0xF300]  }
0x19b: {  	v6 =	vld [tilespmem:$0xF310]  }
0x19c: {  	v7 =	vld [tilespmem:$0xF320]  }
0x19d: {  	v60 =	vld [tilespmem:$0xF330];
	_ =	sdelay $0x1  }
0x19e: {  	[tilespmem:$0xA100] =	vst v5  }
0x19f: {  	[tilespmem:$0xA110] =	vst v6  }
0x1a0: {  	[tilespmem:$0xA120] =	vst v7  }
0x1a1: {  	[tilespmem:$0xA130] =	vst v60  }
0x1a2: {  	[hbm4b:s2+s14] =	stream.indirect.scatter [tilespmem:s16], [sflag:$0x1], $0x80, s15, s14, $0xb8;
	[tilespmem:$0x1F800] =	vst v63  }
0x1a3: {  	_ =	swait.ge [sflag:s20], $0x2000  }
0x1a4: {  	[sflag:s20] =	ssyncset.done $0x0  }
0x1a5: {  	s29 =	rddreg [dreg:$0x1f];
	[sflag:s20] =	ssyncadd.s32 $0xFFFFE000  }
0x1a6: {  	[tilespmem:s18], [sflag:$0x4] =	stream.linear.gather [spmem:s29], $0x2000, $0x38;
	[tilespmem:$0x1F800] =	vst v63  }
0x1a7: {  	_ =	swait.ge [sflag:s11], $0x2000  }
0x1a8: {  	[sflag:s11] =	ssyncset.done $0x0  }
0x1a9: {  	[sflag:s11] =	ssyncadd.s32 $0xFFFFE000  }
0x1aa: {  	v5 =	vld [tilespmem:$0xF340]  }
0x1ab: {  	v6 =	vld [tilespmem:$0xF350]  }
0x1ac: {  	v7 =	vld [tilespmem:$0xF360]  }
0x1ad: {  	v61 =	vld [tilespmem:$0xF370];
	_ =	sdelay $0x1  }
0x1ae: {  	[tilespmem:$0xA180] =	vst v5  }
0x1af: {  	[tilespmem:$0xA190] =	vst v6  }
0x1b0: {  	[tilespmem:$0xA1A0] =	vst v7  }
0x1b1: {  	[tilespmem:$0xA1B0] =	vst v61  }
0x1b2: {  	[hbm4b:s2+s14] =	stream.indirect.scatter [tilespmem:s18], [sflag:$0x2], $0x80, s19, s14, $0xb8;
	[tilespmem:$0x1F800] =	vst v63  }
0x1b3: {  	_ =	swait.ge [sflag:s13], $0x2000  }
0x1b4: {  	s31 =	sld [smem:$0x7FD]  }
0x1b5: {  	[sflag:s13] =	ssyncset.done $0x0  }
0x1b6: {  	[sflag:s13] =	ssyncadd.s32 $0xFFFFE000  }
0x1b7: {  	[tilespmem:s16], [sflag:$0x4] =	stream.linear.gather [spmem:s31], $0x2000, $0x38;
	[tilespmem:$0x1F800] =	vst v63  }
0x1b8: {  	_ =	swait.ge [sflag:s11], $0x2000  }
0x1b9: {  	[sflag:s11] =	ssyncset.done $0x0  }
0x1ba: {  	[sflag:s11] =	ssyncadd.s32 $0xFFFFE000  }
0x1bb: {  	v5 =	vld [tilespmem:$0xF380]  }
0x1bc: {  	v6 =	vld [tilespmem:$0xF390]  }
0x1bd: {  	v7 =	vld [tilespmem:$0xF3A0]  }
0x1be: {  	v62 =	vld [tilespmem:$0xF3B0];
	_ =	sdelay $0x1  }
0x1bf: {  	[tilespmem:$0xA100] =	vst v5  }
0x1c0: {  	[tilespmem:$0xA110] =	vst v6  }
0x1c1: {  	[tilespmem:$0xA120] =	vst v7  }
0x1c2: {  	[tilespmem:$0xA130] =	vst v62  }
0x1c3: {  	[hbm4b:s2+s14] =	stream.indirect.scatter [tilespmem:s16], [sflag:$0x1], $0x80, s15, s14, $0xb8;
	[tilespmem:$0x1F800] =	vst v63  }
0x1c4: {  	_ =	swait.ge [sflag:s20], $0x2000  }
0x1c5: {  	[sflag:s20] =	ssyncset.done $0x0  }
0x1c6: {  	[sflag:s20] =	ssyncadd.s32 $0xFFFFE000  }
0x1c7: {  	[tilespmem:s18], [sflag:$0x4] =	stream.linear.gather [spmem:s9], $0x2000, $0x38;
	[tilespmem:$0x1F800] =	vst v63  }
0x1c8: {  	_ =	swait.ge [sflag:s11], $0x2000  }
0x1c9: {  	[sflag:s11] =	ssyncset.done $0x0  }
0x1ca: {  	[sflag:s11] =	ssyncadd.s32 $0xFFFFE000  }
0x1cb: {  	v5 =	vld [tilespmem:$0xF3C0]  }
0x1cc: {  	v6 =	vld [tilespmem:$0xF3D0]  }
0x1cd: {  	v7 =	vld [tilespmem:$0xF3E0]  }
0x1ce: {  	v63 =	vld [tilespmem:$0xF3F0];
	_ =	sdelay $0x1  }
0x1cf: {  	[tilespmem:$0xA180] =	vst v5  }
0x1d0: {  	[tilespmem:$0xA190] =	vst v6  }
0x1d1: {  	[tilespmem:$0xA1A0] =	vst v7  }
0x1d2: {  	[tilespmem:$0xA1B0] =	vst v63  }
0x1d3: {  	[hbm4b:s2+s14] =	stream.indirect.scatter [tilespmem:s18], [sflag:$0x2], $0x80, s19, s14, $0xb8;
	[tilespmem:$0x1F800] =	vst v63  }
0x1d4: {  	_ =	swait.ge [sflag:s13], $0x2000  }
0x1d5: {  	s7 =	sadd.s32 $0x1, s7;
	[sflag:s13] =	ssyncset.done $0x0  }
0x1d6: {  	p0 =	sne.s32 s7, $0x10;
	[sflag:s13] =	ssyncadd.s32 $0xFFFFE000  }
.Ltmp3:
0x1d7: {  	_ =	swait.ge [sflag:s20], $0x2000;
	(pc) =	sbr.rel @!p0 .LBB2_13-.Ltmp3, $3  }
0x1d8: {  	[sflag:s20] =	ssyncset.done $0x0  }
0x1d9: {  	[sflag:s20] =	ssyncadd.s32 $0xFFFFE000  }
0x1da: {  	[bflag:$0x0] =	sbarrier.arrive $0xFFFF;
	_ =	sdelay $0x1  }
.LBB2_2:
0x1db: {  	[spmem:s6] =	stream.linear.scatter [tilespmem:s10], [sflag:$0x3], $0x1000, $0x38;
	[tilespmem:$0x1F800] =	vst v63  }
0x1dc: {  	s0 =	rddreg [dreg:$0x7]  }
0x1dd: {  	[spmem:s0] =	stream.linear.scatter [tilespmem:s10], [sflag:$0x3], $0x1000, $0x38;
	[tilespmem:$0x1F800] =	vst v63  }
0x1de: {  	s24 =	rddreg [dreg:$0x8]  }
0x1df: {  	[spmem:s24] =	stream.linear.scatter [tilespmem:s10], [sflag:$0x3], $0x1000, $0x38;
	[tilespmem:$0x1F800] =	vst v63  }
0x1e0: {  	s25 =	rddreg [dreg:$0x9]  }
0x1e1: {  	[spmem:s25] =	stream.linear.scatter [tilespmem:s10], [sflag:$0x3], $0x1000, $0x38;
	[tilespmem:$0x1F800] =	vst v63  }
0x1e2: {  	s26 =	rddreg [dreg:$0xa]  }
0x1e3: {  	[spmem:s26] =	stream.linear.scatter [tilespmem:s10], [sflag:$0x3], $0x1000, $0x38;
	[tilespmem:$0x1F800] =	vst v63  }
0x1e4: {  	s28 =	rddreg [dreg:$0xb]  }
0x1e5: {  	[spmem:s28] =	stream.linear.scatter [tilespmem:s10], [sflag:$0x3], $0x1000, $0x38;
	[tilespmem:$0x1F800] =	vst v63  }
0x1e6: {  	s29 =	rddreg [dreg:$0xc]  }
0x1e7: {  	[spmem:s29] =	stream.linear.scatter [tilespmem:s10], [sflag:$0x3], $0x1000, $0x38;
	[tilespmem:$0x1F800] =	vst v63  }
0x1e8: {  	s31 =	rddreg [dreg:$0xd]  }
0x1e9: {  	[spmem:s31] =	stream.linear.scatter [tilespmem:s10], [sflag:$0x3], $0x1000, $0x38;
	[tilespmem:$0x1F800] =	vst v63  }
0x1ea: {  	s3 =	rddreg [dreg:$0xe]  }
0x1eb: {  	[spmem:s3] =	stream.linear.scatter [tilespmem:s10], [sflag:$0x3], $0x1000, $0x38;
	[tilespmem:$0x1F800] =	vst v63  }
0x1ec: {  	s5 =	rddreg [dreg:$0xf]  }
0x1ed: {  	[spmem:s5] =	stream.linear.scatter [tilespmem:s10], [sflag:$0x3], $0x1000, $0x38;
	[tilespmem:$0x1F800] =	vst v63  }
0x1ee: {  	s21 =	rddreg [dreg:$0x10]  }
0x1ef: {  	[spmem:s21] =	stream.linear.scatter [tilespmem:s10], [sflag:$0x3], $0x1000, $0x38;
	[tilespmem:$0x1F800] =	vst v63  }
0x1f0: {  	s22 =	rddreg [dreg:$0x11]  }
0x1f1: {  	[spmem:s22] =	stream.linear.scatter [tilespmem:s10], [sflag:$0x3], $0x1000, $0x38;
	[tilespmem:$0x1F800] =	vst v63  }
0x1f2: {  	s23 =	rddreg [dreg:$0x12]  }
0x1f3: {  	[spmem:s23] =	stream.linear.scatter [tilespmem:s10], [sflag:$0x3], $0x1000, $0x38;
	[tilespmem:$0x1F800] =	vst v63  }
0x1f4: {  	s24 =	rddreg [dreg:$0x13]  }
0x1f5: {  	[spmem:s24] =	stream.linear.scatter [tilespmem:s10], [sflag:$0x3], $0x1000, $0x38;
	[tilespmem:$0x1F800] =	vst v63  }
0x1f6: {  	s25 =	rddreg [dreg:$0x17]  }
0x1f7: {  	[spmem:s25] =	stream.linear.scatter [tilespmem:s10], [sflag:$0x3], $0x1000, $0x38;
	[tilespmem:$0x1F800] =	vst v63  }
0x1f8: {  	s26 =	rddreg [dreg:$0x18]  }
0x1f9: {  	[spmem:s26] =	stream.linear.scatter [tilespmem:s10], [sflag:$0x3], $0x1000, $0x38;
	[tilespmem:$0x1F800] =	vst v63  }
0x1fa: {  	s28 =	rddreg [dreg:$0x19]  }
0x1fb: {  	[spmem:s28] =	stream.linear.scatter [tilespmem:s10], [sflag:$0x3], $0x400, $0x38;
	[tilespmem:$0x1F800] =	vst v63  }
0x1fc: {  	s0 =	simm.s32 $0x0;
	s3 =	rddreg [dreg:$0x15]  }
0x1fd: {  	[tilespmem:s0], [sflag:$0x4] =	stream.linear.gather [hbm4b:s3+s0], $0x2000, $0x38;
	[tilespmem:$0x1F800] =	vst v63  }
0x1fe: {  	_ =	swait.ge [sflag:s11], $0x2000  }
0x1ff: {  	[sflag:s11] =	ssyncset.done $0x0  }
0x200: {  	[sflag:s11] =	ssyncadd.s32 $0xFFFFE000  }
0x201: {  	v6 =	vld [tilespmem:s0+$0x0];
	_ =	sdelay $0x1  }
0x202: {  	s29 =	sshll.u32 s7, $0xD;
	s5 =	rddreg [dreg:$0x6]  }
0x203: {  	s21 =	sadd.s32 s5, s29  }
0x204: {  	v5 =	vmov s21  }
0x205: {  	v6 =	vsub.s32 v6, v5  }
0x206: {  	vm0 =	vlt.u32 v6, $0x2000  }
0x207: {  	v7 =	vsel vm0, $0x1, v3  }
0x208: {  	(xrf0) =	vadd.scan.msk.s32 $0xffff, v7;
	_ =	sdelay $0x1  }
0x209: {  	s31 =	sadd.s32 $0x0, s30  }
0x20a: {  	v7 =	vor.u32 s31, v0;
	_ =	sdelay $0x2  }
0x20b: {  	[tilespmem:s0+$0x2000] =	vst.msk vm0, v7;
	v7, _, _ =	vpop (xrf0)  }
0x20c: {  	(v2sf) =	vpush v7, $0xF  }
0x20d: {  	s22 =	simm.s32 $0x10;
	[tilespmem:s0+$0x6080] =	vst.msk vm0, v6  }
0x20e: {  	s24 =	simm.s32 $0x20;
	s25 =	simm.s32 $0x10;
	v6 =	vld [tilespmem:s22+$0x0]  }
.LBB2_3:
0x20f: {  	p0 =	sne.s32 s24, $0x1FF0;
	_ =	sdelay $0x3  }
0x210: {  	v6 =	vsub.s32 v6, v5  }
0x211: {  	vm0 =	vlt.u32 v6, $0x2000  }
0x212: {  	v7 =	vsel vm0, $0x1, v3  }
0x213: {  	(xrf0) =	vadd.scan.msk.s32 $0xffff, v7;
	_ =	sdelay $0x4  }
.Ltmp4:
0x214: {  	s3 =	sadd.s32 s22, s30;
	s22 =	spop (v2sf);
	(pc) =	sbr.rel @p0 .LBB2_3-.Ltmp4, $4  }
0x215: {  	v7 =	vor.u32 s3, v0;
	v8, _, _ =	vpop (xrf0);
	s0 =	sadd.s32 s0, s22;
	s22 =	smov.u32 s24  }
0x216: {  	[tilespmem:s0+$0x2000] =	vst.msk vm0, v7;
	(v2sf) =	vpush v8, $0xF  }
0x217: {  	s25 =	sadd.s32 $0x10, s25;
	[tilespmem:s0+$0x6080] =	vst.msk vm0, v6  }
0x218: {  	s24 =	sadd.s32 $0x10, s24;
	v6 =	vld [tilespmem:s25+$0x0]  }
0x219: {  	_ =	sdelay $0x3  }
0x21a: {  	v6 =	vsub.s32 v6, v5  }
0x21b: {  	vm0 =	vlt.u32 v6, $0x2000  }
0x21c: {  	v7 =	vsel vm0, $0x1, v3  }
0x21d: {  	(xrf0) =	vadd.scan.msk.s32 $0xffff, v7;
	_ =	sdelay $0x5  }
0x21e: {  	v7, _, _ =	vpop (xrf0)  }
0x21f: {  	(v2sf) =	vpush v7, $0xF;
	_ =	sdelay $0x9  }
0x220: {  	s22 =	sadd.s32 s22, s30;
	s3 =	spop (v2sf)  }
0x221: {  	s0 =	sadd.s32 s0, s3;
	v7 =	vor.u32 s22, v0  }
0x222: {  	[tilespmem:s0+$0x2000] =	vst.msk vm0, v7  }
0x223: {  	s31 =	simm.s32 $0x0;
	s5 =	rddreg [dreg:$0x16];
	[tilespmem:s0+$0x6080] =	vst.msk vm0, v6  }
0x224: {  	[tilespmem:s31], [sflag:$0x4] =	stream.linear.gather [hbm4b:s5+s31], $0x2000, $0x38;
	[tilespmem:$0x1F800] =	vst v63  }
0x225: {  	s29 =	spop (v2sf)  }
0x226: {  	_ =	swait.ge [sflag:s11], $0x2000  }
0x227: {  	[sflag:s11] =	ssyncset.done $0x0  }
0x228: {  	[sflag:s11] =	ssyncadd.s32 $0xFFFFE000  }
0x229: {  	v6 =	vld [tilespmem:s31+$0x0];
	_ =	sdelay $0x4  }
0x22a: {  	v6 =	vsub.s32 v6, v5  }
0x22b: {  	vm15 =	vlt.u32 v6, $0x2000  }
0x22c: {  	v7 =	vsel vm15, $0x1, v3  }
0x22d: {  	(xrf0) =	vadd.scan.msk.s32 $0xffff, v7;
	v7 =	vadd.s32 s31, v1  }
0x22e: {  	v7 =	vbroadcast v7, $0x0;
	_ =	sdelay $0x1  }
0x22f: {  	v7 =	vor.u32 v0, v7;
	_ =	sdelay $0x1  }
0x230: {  	s0 =	sadd.s32 s0, s29  }
0x231: {  	[tilespmem:s0+$0x2000] =	vst.msk vm15, v7;
	v7, _, _ =	vpop (xrf0)  }
0x232: {  	(v2sf) =	vpush v7, $0xF  }
0x233: {  	s22 =	simm.s32 $0x10;
	[tilespmem:s0+$0x6080] =	vst.msk vm15, v6  }
0x234: {  	s24 =	simm.s32 $0x20;
	s25 =	simm.s32 $0x10;
	v6 =	vld [tilespmem:s22+$0x0]  }
.LBB2_5:
0x235: {  	p0 =	sne.s32 s24, $0x1FF0;
	_ =	sdelay $0x3  }
0x236: {  	v6 =	vsub.s32 v6, v5  }
0x237: {  	vm0 =	vlt.u32 v6, $0x2000  }
0x238: {  	v7 =	vsel vm0, $0x1, v3  }
0x239: {  	(xrf0) =	vadd.scan.msk.s32 $0xffff, v7;
	_ =	sdelay $0x2  }
0x23a: {  	v7 =	vadd.s32 s22, v1;
	s22 =	smov.u32 s24  }
0x23b: {  	v7 =	vbroadcast v7, $0x0  }
.Ltmp5:
0x23c: {  	s3 =	spop (v2sf);
	(pc) =	sbr.rel @p0 .LBB2_5-.Ltmp5, $4  }
0x23d: {  	v7 =	vor.u32 v0, v7;
	v8, _, _ =	vpop (xrf0);
	s0 =	sadd.s32 s0, s3  }
0x23e: {  	[tilespmem:s0+$0x2000] =	vst.msk vm0, v7;
	(v2sf) =	vpush v8, $0xF  }
0x23f: {  	s25 =	sadd.s32 $0x10, s25;
	[tilespmem:s0+$0x6080] =	vst.msk vm0, v6  }
0x240: {  	s24 =	sadd.s32 $0x10, s24;
	v6 =	vld [tilespmem:s25+$0x0]  }
0x241: {  	_ =	sdelay $0x3  }
0x242: {  	v5 =	vsub.s32 v6, v5  }
0x243: {  	vm0 =	vlt.u32 v5, $0x2000  }
0x244: {  	v6 =	vsel vm0, $0x1, v3  }
0x245: {  	(xrf0) =	vadd.scan.msk.s32 $0xffff, v6;
	_ =	sdelay $0x5  }
0x246: {  	v6, _, _ =	vpop (xrf0)  }
0x247: {  	(v2sf) =	vpush v6, $0xF;
	_ =	sdelay $0xb  }
0x248: {  	v6 =	vadd.s32 s22, v1  }
0x249: {  	v6 =	vbroadcast v6, $0x0  }
0x24a: {  	s3 =	spop (v2sf)  }
0x24b: {  	s3 =	sadd.s32 s0, s3;
	v6 =	vor.u32 v0, v6;
	s29 =	spop (v2sf)  }
0x24c: {  	[tilespmem:s3+$0x2000] =	vst.msk vm0, v6;
	s0 =	sadd.s32 s3, s29  }
0x24d: {  	[tilespmem:s3+$0x6080] =	vst.msk vm0, v5;
	s31 =	sand.u32 $0xFFFFFFC0, s0  }
0x24e: {  	v5 =	vld [tilespmem:s31+$0x6080]  }
0x24f: {  	v6 =	vld [tilespmem:s31+$0x2000];
	_ =	sdelay $0x1  }
0x250: {  	v7 =	vor.u32 s31, v0  }
0x251: {  	vm12 =	vlt.s32 v7, s0  }
0x252: {  	s5 =	sor.u32 $0x10, s31;
	v5 =	vsel vm12, v5, v4  }
0x253: {  	s24 =	sand.u32 $0xFFFFFF80, s0;
	s25 =	sand.u32 $0x50, s5;
	[tilespmem:s31+$0x6080] =	vst v5;
	v5 =	vnsel vm12, $0x0, v6  }
0x254: {  	s25 =	sor.u32 s24, s25;
	[tilespmem:s31+$0x2000] =	vst v5  }
0x255: {  	v5 =	vld [tilespmem:s25+$0x6080]  }
0x256: {  	v6 =	vld [tilespmem:s25+$0x2000];
	_ =	sdelay $0x1  }
0x257: {  	v7 =	vor.u32 s5, v0  }
0x258: {  	vm13 =	vlt.s32 v7, s0  }
0x259: {  	s23 =	sor.u32 $0x20, s31;
	v5 =	vsel vm13, v5, v4  }
0x25a: {  	s26 =	sand.u32 $0x60, s23;
	[tilespmem:s25+$0x6080] =	vst v5;
	v5 =	vnsel vm13, $0x0, v6  }
0x25b: {  	s28 =	sor.u32 s24, s26;
	[tilespmem:s25+$0x2000] =	vst v5  }
0x25c: {  	v5 =	vld [tilespmem:s28+$0x6080]  }
0x25d: {  	v6 =	vld [tilespmem:s28+$0x2000];
	_ =	sdelay $0x1  }
0x25e: {  	v7 =	vor.u32 s23, v0  }
0x25f: {  	vm14 =	vlt.s32 v7, s0  }
0x260: {  	s3 =	sor.u32 $0x30, s31;
	v5 =	vsel vm14, v5, v4  }
0x261: {  	s29 =	sand.u32 $0x70, s3;
	[tilespmem:s28+$0x6080] =	vst v5;
	v5 =	vnsel vm14, $0x0, v6  }
0x262: {  	s22 =	sor.u32 s24, s29;
	[tilespmem:s28+$0x2000] =	vst v5  }
0x263: {  	v5 =	vld [tilespmem:s22+$0x6080]  }
0x264: {  	v6 =	vld [tilespmem:s22+$0x2000];
	_ =	sdelay $0x1  }
0x265: {  	v7 =	vor.u32 s3, v0  }
0x266: {  	vm15 =	vlt.s32 v7, s0  }
0x267: {  	v5 =	vsel vm15, v5, v4  }
0x268: {  	[tilespmem:s22+$0x6080] =	vst v5;
	v5 =	vnsel vm15, $0x0, v6  }
0x269: {  	[tilespmem:s22+$0x2000] =	vst v5  }
0x26a: {  	_ =	swait.ge [sflag:s12], $0x1000  }
0x26b: {  	[sflag:s12] =	ssyncset.done $0x0  }
0x26c: {  	[sflag:s12] =	ssyncadd.s32 $0xFFFFF000  }
0x26d: {  	_ =	swait.ge [sflag:s12], $0x1000  }
0x26e: {  	[sflag:s12] =	ssyncset.done $0x0  }
0x26f: {  	[sflag:s12] =	ssyncadd.s32 $0xFFFFF000  }
0x270: {  	_ =	swait.ge [sflag:s12], $0x1000  }
0x271: {  	[sflag:s12] =	ssyncset.done $0x0  }
0x272: {  	[sflag:s12] =	ssyncadd.s32 $0xFFFFF000  }
0x273: {  	_ =	swait.ge [sflag:s12], $0x1000  }
0x274: {  	[sflag:s12] =	ssyncset.done $0x0  }
0x275: {  	[sflag:s12] =	ssyncadd.s32 $0xFFFFF000  }
0x276: {  	_ =	swait.ge [sflag:s12], $0x1000  }
0x277: {  	[sflag:s12] =	ssyncset.done $0x0  }
0x278: {  	[sflag:s12] =	ssyncadd.s32 $0xFFFFF000  }
0x279: {  	_ =	swait.ge [sflag:s12], $0x1000  }
0x27a: {  	[sflag:s12] =	ssyncset.done $0x0  }
0x27b: {  	[sflag:s12] =	ssyncadd.s32 $0xFFFFF000  }
0x27c: {  	_ =	swait.ge [sflag:s12], $0x1000  }
0x27d: {  	[sflag:s12] =	ssyncset.done $0x0  }
0x27e: {  	[sflag:s12] =	ssyncadd.s32 $0xFFFFF000  }
0x27f: {  	_ =	swait.ge [sflag:s12], $0x1000  }
0x280: {  	[sflag:s12] =	ssyncset.done $0x0  }
0x281: {  	[sflag:s12] =	ssyncadd.s32 $0xFFFFF000  }
0x282: {  	_ =	swait.ge [sflag:s12], $0x1000  }
0x283: {  	[sflag:s12] =	ssyncset.done $0x0  }
0x284: {  	[sflag:s12] =	ssyncadd.s32 $0xFFFFF000  }
0x285: {  	_ =	swait.ge [sflag:s12], $0x1000  }
0x286: {  	[sflag:s12] =	ssyncset.done $0x0  }
0x287: {  	[sflag:s12] =	ssyncadd.s32 $0xFFFFF000  }
0x288: {  	_ =	swait.ge [sflag:s12], $0x1000  }
0x289: {  	[sflag:s12] =	ssyncset.done $0x0  }
0x28a: {  	[sflag:s12] =	ssyncadd.s32 $0xFFFFF000  }
0x28b: {  	_ =	swait.ge [sflag:s12], $0x1000  }
0x28c: {  	[sflag:s12] =	ssyncset.done $0x0  }
0x28d: {  	[sflag:s12] =	ssyncadd.s32 $0xFFFFF000  }
0x28e: {  	_ =	swait.ge [sflag:s12], $0x1000  }
0x28f: {  	[sflag:s12] =	ssyncset.done $0x0  }
0x290: {  	[sflag:s12] =	ssyncadd.s32 $0xFFFFF000  }
0x291: {  	_ =	swait.ge [sflag:s12], $0x1000  }
0x292: {  	[sflag:s12] =	ssyncset.done $0x0  }
0x293: {  	[sflag:s12] =	ssyncadd.s32 $0xFFFFF000  }
0x294: {  	_ =	swait.ge [sflag:s12], $0x1000  }
0x295: {  	[sflag:s12] =	ssyncset.done $0x0  }
0x296: {  	[sflag:s12] =	ssyncadd.s32 $0xFFFFF000  }
0x297: {  	_ =	swait.ge [sflag:s12], $0x1000  }
0x298: {  	[sflag:s12] =	ssyncset.done $0x0  }
0x299: {  	s0 =	sadd.s32 $0x3F, s0;
	[sflag:s12] =	ssyncadd.s32 $0xFFFFF000  }
0x29a: {  	s24 =	sshra.s32 s0, $0x6;
	_ =	swait.ge [sflag:s12], $0x400  }
0x29b: {  	p0 =	slt.s32 s24, $0x1;
	[sflag:s12] =	ssyncset.done $0x0  }
0x29c: {  	s0 =	simm.s32 @!p0 $0x40;
	s3 =	simm.s32 @!p0 $0x2000;
	[sflag:s12] =	ssyncadd.s32 $0xFFFFFC00  }
0x29d: {  	s31 =	sadd.s32 $0x1, s24;
	s22 =	simm.s32 @!p0 $0xA200;
	[bflag:$0x0] =	sbarrier.arrive $0xFFFF  }
0x29e: {  	[tilespmem:s22], [sflag:$0x1] =	stream.indirect.gather @!p0 [hbm4b:s1+s0], $0x80, s3, s0, $0xb8;
	[tilespmem:$0x1F800] =	vst v63  }
0x29f: {  	s0 =	sshra.s32 s31, $0x1  }
0x2a0: {  	p0 =	slt.s32 s0, $0x1  }
.Ltmp6:
0x2a1: {  	_ = 	snop;
	(pc) =	sbr.rel @p0 .LBB2_12-.Ltmp6, $1  }
0x2a2: {  	_ =	sdelay $0x3  }
0x2a3: {  	s0 =	sadd.s32 $0xFFFFFFFF, s0  }
0x2a4: {  	p0 =	sne.s32 s0, $0x0  }
.Ltmp7:
0x2a5: {  	_ = 	snop;
	(pc) =	sbr.rel @!p0 .LBB2_8-.Ltmp7, $3  }
0x2a6: {  	_ =	sdelay $0x1  }
0x2a7: {  	s29 =	simm.s32 $0x2;
	s28 =	simm.s32 $0x2080;
	s25 =	simm.s32 $0x40  }
0x2a8: {  	s26 =	simm.s32 $0x60A0;
	p3 =	sle.s32 s24, $0x1;
	p1 =	por $0x0, $0x0  }
0x2a9: {  	s3 =	simm.s32 @!p3 $0x2040;
	s31 =	simm.s32 @!p3 $0x40;
	s23 =	simm.s32 @!p3 $0xC200  }
0x2aa: {  	[tilespmem:s23], [sflag:$0x2] =	stream.indirect.gather @!p3 [hbm4b:s1+s31], $0x80, s3, s31, $0xb8;
	[tilespmem:$0x1F800] =	vst v63  }
0x2ab: {  	_ =	swait.ge [sflag:s13], $0x2000  }
0x2ac: {  	[sflag:s13] =	ssyncset.done $0x0  }
0x2ad: {  	[sflag:s13] =	ssyncadd.s32 $0xFFFFE000  }
0x2ae: {  	v5 =	vld [tilespmem:s26+$0xFFFFFFE0];
	_ =	sdelay $0x4  }
0x2af: {  	[tilespmem:$0xA100] =	vst v5  }
0x2b0: {  	v5 =	vld [tilespmem:s26+$0xFFFFFFF0];
	_ =	sdelay $0x4  }
0x2b1: {  	[tilespmem:$0xA110] =	vst v5  }
0x2b2: {  	v5 =	vld [tilespmem:s26+$0x0];
	_ =	sdelay $0x4  }
0x2b3: {  	[tilespmem:$0xA120] =	vst v5  }
0x2b4: {  	v5 =	vld [tilespmem:s26+$0x10];
	_ =	sdelay $0x4  }
0x2b5: {  	p0 =	por p3, p3;
	[tilespmem:$0xA130] =	vst v5  }
0x2b6: {  	[spmem:s4] =	stream.indirect.scatter.add.f32 [tilespmem:s16], [sflag:$0x5], $0x80, s15, s14, $0xb8;
	[tilespmem:$0x1F800] =	vst v63  }
0x2b7: {  	p1 =	sle.s32 @!p0 s24, $0x2;
	_ =	swait.ge [sflag:s17], $0x2000  }
0x2b8: {  	s3 =	simm.s32 @!p0 $0x2;
	p1 =	por p1, p0;
	[sflag:s17] =	ssyncset.done $0x0  }
0x2b9: {  	s22 =	simm.s32 @!p1 $0x40;
	s29 =	simm.s32 @!p1 $0xA200;
	[sflag:s17] =	ssyncadd.s32 $0xFFFFE000  }
0x2ba: {  	[tilespmem:s29], [sflag:$0x1] =	stream.indirect.gather @!p1 [hbm4b:s1+s22], $0x80, s28, s22, $0xb8;
	[tilespmem:$0x1F800] =	vst v63  }
0x2bb: {  	_ =	swait.ge @!p0 [sflag:s3], $0x2000  }
0x2bc: {  	[sflag:s3] =	ssyncset.done @!p0 $0x0  }
0x2bd: {  	[sflag:s3] =	ssyncadd.s32 @!p0 $0xFFFFE000  }
0x2be: {  	v5 =	vld @!p0 [tilespmem:s26+$0x20];
	_ =	sdelay $0x4  }
0x2bf: {  	s3 =	sor.u32 @!p0 $0x50, s25;
	[tilespmem:$0xA180] =	vst @!p0 v5  }
0x2c0: {  	v5 =	vld @!p0 [tilespmem:s3+$0x6080];
	_ =	sdelay $0x4  }
0x2c1: {  	s3 =	sor.u32 @!p0 $0x60, s25;
	[tilespmem:$0xA190] =	vst @!p0 v5  }
0x2c2: {  	v5 =	vld @!p0 [tilespmem:s3+$0x6080];
	_ =	sdelay $0x4  }
0x2c3: {  	s3 =	sor.u32 @!p0 $0x70, s25;
	[tilespmem:$0xA1A0] =	vst @!p0 v5  }
0x2c4: {  	v5 =	vld @!p0 [tilespmem:s3+$0x6080]  }
0x2c5: {  	s22 =	sadd.s32 $0xFFFFFFFF, s0  }
0x2c6: {  	p2 =	sne.s32 s22, $0x0  }
.Ltmp8:
0x2c7: {  	_ = 	snop;
	(pc) =	sbr.rel @!p2 .LBB2_11-.Ltmp8, $4  }
0x2c8: {  	p3 =	sle.s32 s24, $0x3;
	s29 =	simm.s32 $0x4;
	s0 =	simm.s32 @!p0 $0xA180  }
0x2c9: {  	s28 =	simm.s32 $0x2100;
	p1 =	por $0x1, $0x1;
	s3 =	simm.s32 @!p0 $0x4;
	[tilespmem:$0xA1B0] =	vst @!p0 v5  }
0x2ca: {  	[spmem:s4] =	stream.indirect.scatter.add.f32 @!p0 [tilespmem:s23], [sflag:$0x4], $0x80, s0, s31, $0xb8;
	[tilespmem:$0x1F800] =	vst v63  }
0x2cb: {  	s26 =	simm.s32 $0x6120;
	s25 =	simm.s32 $0xC0;
	_ =	swait.ge @!p0 [sflag:s3], $0x2000  }
.LBB2_10:
0x2cc: {  	s23 =	sadd.s32 @!p3 $0xFFFFFFC0, s28;
	s31 =	simm.s32 @!p3 $0x40;
	[sflag:s3] =	ssyncset.done @!p0 $0x0  }
0x2cd: {  	s22 =	sadd.s32 $0xFFFFFFFF, s22;
	s0 =	simm.s32 @!p3 $0xC200;
	[sflag:s3] =	ssyncadd.s32 @!p0 $0xFFFFE000  }
0x2ce: {  	[tilespmem:s0], [sflag:$0x2] =	stream.indirect.gather @!p3 [hbm4b:s1+s31], $0x80, s23, s31, $0xb8;
	[tilespmem:$0x1F800] =	vst v63  }
0x2cf: {  	p2 =	sne.s32 s22, $0x0;
	p0 =	por p3, p3;
	_ =	swait.ge [sflag:s13], $0x2000  }
0x2d0: {  	[sflag:s13] =	ssyncset.done $0x0  }
0x2d1: {  	[sflag:s13] =	ssyncadd.s32 $0xFFFFE000  }
0x2d2: {  	v5 =	vld [tilespmem:s26+$0xFFFFFFE0];
	_ =	sdelay $0x4  }
0x2d3: {  	[tilespmem:$0xA100] =	vst v5  }
0x2d4: {  	v5 =	vld [tilespmem:s26+$0xFFFFFFF0];
	_ =	sdelay $0x4  }
0x2d5: {  	[tilespmem:$0xA110] =	vst v5  }
0x2d6: {  	v5 =	vld [tilespmem:s26+$0x0];
	_ =	sdelay $0x4  }
0x2d7: {  	[tilespmem:$0xA120] =	vst v5  }
0x2d8: {  	v5 =	vld [tilespmem:s26+$0x10];
	_ =	sdelay $0x4  }
0x2d9: {  	[tilespmem:$0xA130] =	vst v5  }
0x2da: {  	[spmem:s4] =	stream.indirect.scatter.add.f32 [tilespmem:s16], [sflag:$0x5], $0x80, s15, s14, $0xb8;
	[tilespmem:$0x1F800] =	vst v63  }
0x2db: {  	p3 =	sge.s32 @!p0 s29, s24;
	_ =	swait.ge [sflag:s17], $0x2000  }
0x2dc: {  	s3 =	simm.s32 @!p0 $0x2;
	p3 =	por p3, p0;
	[sflag:s17] =	ssyncset.done $0x0  }
0x2dd: {  	s23 =	simm.s32 @!p3 $0x40;
	s5 =	simm.s32 @!p3 $0xA200;
	[sflag:s17] =	ssyncadd.s32 $0xFFFFE000  }
0x2de: {  	[tilespmem:s5], [sflag:$0x1] =	stream.indirect.gather @!p3 [hbm4b:s1+s23], $0x80, s28, s23, $0xb8;
	[tilespmem:$0x1F800] =	vst v63  }
0x2df: {  	_ =	swait.ge @!p0 [sflag:s3], $0x2000  }
0x2e0: {  	[sflag:s3] =	ssyncset.done @!p0 $0x0  }
0x2e1: {  	[sflag:s3] =	ssyncadd.s32 @!p0 $0xFFFFE000  }
0x2e2: {  	v5 =	vld @!p0 [tilespmem:s26+$0x20];
	_ =	sdelay $0x4  }
0x2e3: {  	s3 =	sor.u32 @!p0 $0x50, s25;
	[tilespmem:$0xA180] =	vst @!p0 v5  }
0x2e4: {  	v5 =	vld @!p0 [tilespmem:s3+$0x6080];
	_ =	sdelay $0x4  }
0x2e5: {  	s3 =	sor.u32 @!p0 $0x60, s25;
	[tilespmem:$0xA190] =	vst @!p0 v5  }
0x2e6: {  	v5 =	vld @!p0 [tilespmem:s3+$0x6080];
	_ =	sdelay $0x4  }
0x2e7: {  	s3 =	sor.u32 @!p0 $0x70, s25;
	[tilespmem:$0xA1A0] =	vst @!p0 v5  }
0x2e8: {  	v5 =	vld @!p0 [tilespmem:s3+$0x6080];
	_ =	sdelay $0x2  }
.Ltmp9:
0x2e9: {  	(pc) =	sbr.rel @p2 .LBB2_10-.Ltmp9, $4  }
0x2ea: {  	s29 =	sadd.s32 $0x2, s29;
	s26 =	sadd.s32 $0x80, s26;
	s25 =	sadd.s32 $0x80, s25  }
0x2eb: {  	s5 =	sadd.s32 $0xFFFFFFFF, s29;
	s23 =	simm.s32 @!p0 $0xA180;
	s3 =	simm.s32 @!p0 $0x4;
	[tilespmem:$0xA1B0] =	vst @!p0 v5  }
0x2ec: {  	[spmem:s4] =	stream.indirect.scatter.add.f32 @!p0 [tilespmem:s0], [sflag:$0x4], $0x80, s23, s31, $0xb8;
	[tilespmem:$0x1F800] =	vst v63  }
0x2ed: {  	s28 =	sadd.s32 $0x80, s28;
	p3 =	sge.s32 s5, s24;
	_ =	swait.ge @!p0 [sflag:s3], $0x2000  }
.Ltmp10:
0x2ee: {  	_ = 	snop;
	(pc) =	sbr.rel .LBB2_11-.Ltmp10, $1  }
0x2ef: {  	_ =	sdelay $0x3  }
.LBB2_14:
0x2f0: {  	_ =	sfence.sel $0x180000  }
0x2f1: {  	[bflag:$0x0] =	sbarrier.arrive $0xFFFF  }
0x2f2: {  	_ =	strace $0x9000004D  }
0x2f3: {  	s0 =	stileid.u32;
	[bflag:$0x2] =	sbarrier.arrive $0xFFFF  }
0x2f4: {  	p0 =	sne.s32 s0, $0x0;
	s0 =	rddreg [dreg:$0x4]  }
0x2f5: {  	s0 =	sadd.s32 @!p0 $0x100000, s0  }
0x2f6: {  	[sflag:s0] =	ssyncadd.tile.s32 @!p0 $0x1;
	_ =	shalt  }
.Lfunc_end2:
_tile_overlayer_lowered:
.L_overlay_start_2:
0x2f7: {  	(tag) =	ssettag $0x2  }
0x2f8: {  	s0 =	rddreg [dreg:$0x0];
	s2 =	stileid.u32  }
0x2f9: {  	s1 =	rddreg [dreg:$0x1];
	p0 =	sne.s32 s2, $0x0  }
0x2fa: {  	s3 =	rddreg [dreg:$0x2];
	[bflag:$0x3] =	sbarrier.arrive $0xFFFF;
	s2 =	simm.s32 @!p0 $0x1C04  }
0x2fb: {  	[timem:s3], [sflag:s2] =	dma.local @!p0 [hbm:s0], s1  }
0x2fc: {  	s0 =	simm.s32 @!p0 $0x4  }
0x2fd: {  	_ =	swait.ge @!p0 [sflag:s0], s1  }
0x2fe: {  	s1 =	ssub.s32 @!p0 $0x0, s1;
	[sflag:s0] =	ssyncset.done @!p0 $0x0  }
0x2ff: {  	[sflag:s0] =	ssyncadd.s32 @!p0 s1  }
0x300: {  	[bflag:$0x3] =	sbarrier.arrive $0xFFFF  }
0x301: {  	_ =	shalt  }

// kernel: kernel.6.cloned.1.call-start
scs
__scs_entry_jumppad:
0x0: {  	(pc) =	sbr.rel $0x88, $3  }
0x1: {  	(tag) =	ssettag $0x0;
	lr =	simm.s32 $0x1  }
0x2: {  	[smem:$0x3F9F] =	sst lr;
	_ =	strace $0xD0000000  }
0x3: {  	_ = 	snop  }
0x4: {  	_ = 	snop  }
0x5: {  	_ = 	snop  }
0x6: {  	_ = 	snop  }
0x7: {  	_ = 	snop  }
__scs_overlays_trampoline_lowered:
0x8: {  	[smem:$0x3FAE] =	sst s0  }
0x9: {  	[smem:$0x3FAF] =	sst s1  }
0xa: {  	[smem:$0x3FB0] =	sst s2  }
0xb: {  	[smem:$0x3FB1] =	sst s3  }
0xc: {  	[smem:$0x3FB2] =	sst s4  }
0xd: {  	[smem:$0x3FB3] =	sst s5  }
0xe: {  	[smem:$0x3FB4] =	sst s6  }
0xf: {  	[smem:$0x3FB5] =	sst s7  }
0x10: {  	[smem:$0x3FB6] =	sst s8  }
0x11: {  	[smem:$0x3FB7] =	sst s9;
	s0 =	simm.s32 @!p0 $0x0  }
0x12: {  	s1 =	sld [smem:$0x3F9D];
	s0 =	simm.s32 @p0 $0x1  }
0x13: {  	[smem:$0x3FB8] =	sst s0;
	s0 =	simm.s32 @!p1 $0x0  }
0x14: {  	s2 =	sld [smem:$0x3F9C];
	s0 =	simm.s32 @p1 $0x1  }
0x15: {  	[smem:$0x3FB9] =	sst s0;
	s0 =	simm.s32 @!p2 $0x0  }
0x16: {  	s3 =	sld [smem:$0x3FDB];
	s0 =	simm.s32 @p2 $0x1  }
0x17: {  	s4 =	simm.s32 $0x1BF5;
	[smem:$0x3FBB] =	sst s0  }
0x18: {  	s0 =	sld [smem:$0x3F9E];
	_ =	swait.ge [sflag:s4], $0x0  }
0x19: {  	s7 =	sld [smem:$0x3F9F]  }
0x1a: {  	s8 =	sadd.s32 $0xFFFFE003, lr  }
0x1b: {  	s9 =	sadd.s32 $0xFFFFFEF7, lr;
	s5 =	simm.s32 $0xFFFFFFFF;
	p2 =	slt.u32 s8, $0xFFFFF086  }
0x1c: {  	p1 =	slt.u32 s9, $0xF7A;
	s5 =	simm.s32 @!p2 $0x0  }
0x1d: {  	s5 =	simm.s32 @p1 $0x1;
	p0 =	seq.s32 s7, s2  }
0x1e: {  	s7 =	smul.u32 @!p0 $0xF7A, s2;
	p2 =	seq.s32 @!p0 s5, $0x0  }
0x1f: {  	s9 =	smul.u32 $0xF7A, s1;
	s8 =	simm.s32 @!p0 $0x1BF5;
	p2 =	por !p2, p0  }
0x20: {  	[sflag:s8] =	ssyncset.s32 @!p0 $0xFFFFF086;
	s6 =	sadd.s32 @!p0 s3, s7;
	s7 =	simm.s32 @!p0 $0x108  }
0x21: {  	s3 =	sadd.s32 s3, s9;
	s6 =	sadd.s32 @!p0 $0x88, s6;
	s7 =	simm.s32 @p2 $0x1082  }
0x22: {  	[simem:s7], [sflag:s8] =	dma.local @!p0 [hbm:s6], $0xF7A  }
0x23: {  	s9 =	sor.u32 $0xD0000000, s2;
	s6 =	simm.s32 $0x108;
	_ =	swait.ge @!p0 [sflag:s8], $0x0  }
0x24: {  	s3 =	sadd.s32 $0x88, s3;
	s6 =	simm.s32 @!p1 $0x1082;
	[sflag:s4] =	ssyncset.s32 $0xFFFFF086  }
0x25: {  	[simem:s6], [sflag:s4] =	dma.local [hbm:s3], $0xF7A  }
0x26: {  	[smem:$0x3F9F] =	sst s1;
	(tag) =	ssettag s2;
	_ =	strace s9  }
0x27: {  	s1 =	sld [smem:$0x3FAF]  }
0x28: {  	s2 =	sld [smem:$0x3FB0]  }
0x29: {  	s4 =	sld [smem:$0x3FB2]  }
0x2a: {  	p0 =	seq.s32 s5, $0x0;
	s5 =	sld [smem:$0x3FB3]  }
0x2b: {  	s6 =	sld [smem:$0x3FB4]  }
0x2c: {  	s7 =	sld [smem:$0x3FB5]  }
0x2d: {  	s3 =	simm.s32 $0x108;
	s8 =	sld [smem:$0x3FB6]  }
0x2e: {  	s3 =	simm.s32 @!p0 $0x1082;
	s9 =	sld [smem:$0x3FB7]  }
0x2f: {  	lr =	sadd.s32 s0, s3;
	s0 =	sld [smem:$0x3FAE]  }
0x30: {  	s3 =	sld [smem:$0x3FB1]  }
0x31: {  	[smem:$0x3FBA] =	sst s10  }
0x32: {  	s10 =	sld [smem:$0x3FB8];
	_ =	sdelay $0x3  }
0x33: {  	p0 =	seq.s32 s10, $0x1;
	s10 =	sld [smem:$0x3FBA];
	_ =	sdelay $0x3  }
0x34: {  	[smem:$0x3FBA] =	sst s10  }
0x35: {  	s10 =	sld [smem:$0x3FB9];
	_ =	sdelay $0x3  }
0x36: {  	p1 =	seq.s32 s10, $0x1;
	s10 =	sld [smem:$0x3FBA];
	_ =	sdelay $0x3  }
0x37: {  	[smem:$0x3FBA] =	sst s10  }
0x38: {  	s10 =	sld [smem:$0x3FBB]  }
0x39: {  	_ = 	snop;
	(pc) =	sbr.ind lr, $3  }
0x3a: {  	_ = 	snop  }
0x3b: {  	_ = 	snop  }
0x3c: {  	p2 =	seq.s32 s10, $0x1;
	s10 =	sld [smem:$0x3FBA]  }
0x3d: {  	_ =	shalt  }
0x3e: {  	_ =	shalt  }
0x3f: {  	_ =	shalt  }
0x40: {  	_ =	shalt  }
0x41: {  	_ =	shalt  }
0x42: {  	_ =	shalt  }
0x43: {  	_ =	shalt  }
0x44: {  	_ =	shalt  }
0x45: {  	_ =	shalt  }
0x46: {  	_ =	shalt  }
0x47: {  	_ =	shalt  }
0x48: {  	_ =	shalt  }
0x49: {  	_ =	shalt  }
0x4a: {  	_ =	shalt  }
0x4b: {  	_ =	shalt  }
0x4c: {  	_ =	shalt  }
0x4d: {  	_ =	shalt  }
0x4e: {  	_ =	shalt  }
0x4f: {  	_ =	shalt  }
0x50: {  	_ =	shalt  }
0x51: {  	_ =	shalt  }
0x52: {  	_ =	shalt  }
0x53: {  	_ =	shalt  }
0x54: {  	_ =	shalt  }
0x55: {  	_ =	shalt  }
0x56: {  	_ =	shalt  }
0x57: {  	_ =	shalt  }
0x58: {  	_ =	shalt  }
0x59: {  	_ =	shalt  }
0x5a: {  	_ =	shalt  }
0x5b: {  	_ =	shalt  }
0x5c: {  	_ =	shalt  }
0x5d: {  	_ =	shalt  }
0x5e: {  	_ =	shalt  }
0x5f: {  	_ =	shalt  }
0x60: {  	_ =	shalt  }
0x61: {  	_ =	shalt  }
0x62: {  	_ =	shalt  }
0x63: {  	_ =	shalt  }
0x64: {  	_ =	shalt  }
0x65: {  	_ =	shalt  }
0x66: {  	_ =	shalt  }
0x67: {  	_ =	shalt  }
0x68: {  	_ =	shalt  }
0x69: {  	_ =	shalt  }
0x6a: {  	_ =	shalt  }
0x6b: {  	_ =	shalt  }
0x6c: {  	_ =	shalt  }
0x6d: {  	_ =	shalt  }
0x6e: {  	_ =	shalt  }
0x6f: {  	_ =	shalt  }
0x70: {  	_ =	shalt  }
0x71: {  	_ =	shalt  }
0x72: {  	_ =	shalt  }
0x73: {  	_ =	shalt  }
0x74: {  	_ =	shalt  }
0x75: {  	_ =	shalt  }
0x76: {  	_ =	shalt  }
0x77: {  	_ =	shalt  }
0x78: {  	_ =	shalt  }
0x79: {  	_ =	shalt  }
0x7a: {  	_ =	shalt  }
0x7b: {  	_ =	shalt  }
0x7c: {  	_ =	shalt  }
0x7d: {  	_ =	shalt  }
0x7e: {  	_ =	shalt  }
0x7f: {  	_ =	shalt  }
0x80: {  	_ =	shalt  }
0x81: {  	_ =	shalt  }
0x82: {  	_ =	shalt  }
0x83: {  	_ =	shalt  }
0x84: {  	_ =	shalt  }
0x85: {  	_ =	shalt  }
0x86: {  	_ =	shalt  }
0x87: {  	_ =	shalt  }
.Lfunc_end0:
.L_simem_size_0:
called_computation_lowered:
.L_overlay_start_0:
0x88: {  	s2 =	sld [smem:$0x3FD9]  }
0x89: {  	s3 =	sld [smem:$0x3FFE];
	_ =	sdelay $0x1  }
0x8a: {  	s1 =	srdreg.scid  }
0x8b: {  	s0 =	sand.u32 $0x1, s1  }
0x8c: {  	s14 =	sshll.u32 s0, $0xA;
	s2 =	sadd.s32 s3, s2  }
0x8d: {  	s2 =	sadd.s32 s2, s14  }
0x8e: {  	[smem:$0x3FC6] =	sst s2  }
0x8f: {  	_ = 	snop  }
0x90: {  	s2 =	sld [smem:$0x3FD0];
	_ =	sdelay $0x2  }
0x91: {  	s15 =	simm.s32 $0xA;
	s4 =	simm.s32 $0x10  }
0x92: {  	[smem:s4], [sflag:s15] =	dma.local [hbm:s2], $0x1  }
0x93: {  	_ =	swait.eq [sflag:s15], $0x1  }
0x94: {  	[sflag:s15] =	ssyncset.done $0x0  }
0x95: {  	s16 =	sld [smem:$0x10];
	[sflag:s15] =	ssyncadd.s32 $0xFFFFFFFF  }
0x96: {  	s17 =	sld [smem:$0x11];
	(tm) =	ssettm $0x1  }
0x97: {  	s18 =	sld [smem:$0x3FFB];
	_ =	sdelay $0x3  }
0x98: {  	_ =	strace s18  }
0x99: {  	s4 =	sld [smem:$0x3FFC];
	_ =	sdelay $0x3  }
0x9a: {  	_ =	strace s4  }
0x9b: {  	s4 =	sld [smem:$0x3FFD];
	_ =	sdelay $0x3  }
0x9c: {  	_ =	strace s4  }
0x9d: {  	_ =	strace $0x8FFFFFFF  }
0x9e: {  	s19 =	sld [smem:$0x3FDB];
	_ =	sdelay $0x1  }
0x9f: {  	s5 =	simm.s32 $_scs_section_size  }
0xa0: {  	s6 =	simm.s32 $_size__tile_overlayer_lowered;
	s7 =	simm.s32 $_tile_overlayer_lowered  }
0xa1: {  	s22 =	simm.s32 $0x1BFF;
	s21 =	sshll.u32 s7, $0x1;
	s4 =	sadd.s32 s5, s19  }
0xa2: {  	s8 =	simm.s32 $0x0;
	s20 =	sshll.u32 s6, $0x1;
	s6 =	sadd.s32 s21, s4  }
0xa3: {  	[timem:s8], [sflag:s22] =	dma.local [hbm:s6], s20  }
0xa4: {  	_ =	swait.ge [sflag:s22], s20  }
0xa5: {  	s5 =	ssub.s32 $0x0, s20;
	[sflag:s22] =	ssyncset.done $0x0  }
0xa6: {  	[sflag:s22] =	ssyncadd.s32 s5;
	_ =	sdelay $0x1  }
0xa7: {  	s23 =	simm.s32 $0x1B8B  }
0xa8: {  	_ =	swait.ge [sflag:s23], $0x1  }
0xa9: {  	[sflag:s23] =	ssyncset.done $0x0  }
0xaa: {  	s25 =	simm.s32 $0x1B8E;
	s24 =	sld [smem:$0x3FFE];
	[sflag:s23] =	ssyncadd.s32 $0xFFFFFFFF  }
0xab: {  	s26 =	simm.s32 $execute0_lowered;
	[smem:$0x3FD2] =	sst s25  }
0xac: {  	s6 =	sshll.u32 s26, $0x1;
	_ =	strace $0x80000046;
	[dreg:$0x1] =	wrdreg $0xFFFFFFFF  }
0xad: {  	s28 =	simm.s32 $_size_execute0_lowered;
	s4 =	sadd.s32 s4, s6;
	[dreg:$0x0] =	wrdreg $0x0  }
0xae: {  	s6 =	sshll.u32 s28, $0x1;
	[dreg:$0x2] =	wrdreg s4  }
0xaf: {  	[dreg:$0x3] =	wrdreg s6  }
0xb0: {  	[dreg:$0x4] =	wrdreg $0xC0  }
0xb1: {  	_ =	task [dreg:s8], $0x5FFFF  }
0xb2: {  	[dreg:$0x1] =	wrdreg $0xFFFFFFFF  }
0xb3: {  	[dreg:$0x0] =	wrdreg $0x60  }
0xb4: {  	[dreg:$0x2] =	wrdreg s24  }
0xb5: {  	[dreg:$0x3] =	wrdreg s17  }
0xb6: {  	[dreg:$0x4] =	wrdreg s16  }
0xb7: {  	[dreg:$0x5] =	wrdreg $0xE0000  }
0xb8: {  	[dreg:$0x6] =	wrdreg $0x9  }
0xb9: {  	_ =	task.clear_ibuf [dreg:s8], $0x7FFFF;
	_ =	strace $0x90000046  }
0xba: {  	s29 =	simm.s32 $0x9;
	_ =	strace $0x80000048  }
0xbb: {  	_ =	swait.ge [sflag:s29], $0x1  }
0xbc: {  	[sflag:s29] =	ssyncadd.s32 $0xFFFFFFFF  }
0xbd: {  	_ =	strace $0x90000048  }
0xbe: {  	_ =	sfence  }
0xbf: {  	s30 =	sld [smem:$0x0];
	_ =	sdelay $0x2  }
0xc0: {  	s31 =	sshll.u32 s1, $0xD;
	s1 =	sshrl.u32 s1, $0x2  }
0xc1: {  	s3 =	sand.u32 $0x4000, s31;
	s1 =	sadd.s32 s1, s30  }
0xc2: {  	s0 =	sor.u32 s3, s0;
	s1 =	sshll.u32 s1, $0x11  }
0xc3: {  	s0 =	sor.u32 s1, s0  }
0xc4: {  	s0 =	sadd.s32 $0x8F2B, s0  }
0xc5: {  	[sflag:s0] =	ssyncadd.remote.s32 $0x1  }
0xc6: {  	_ =	sfence.sel $0xFFFF  }
0xc7: {  	[dreg:$0x0] =	wrdreg $0xFFFFFFFF;
	(pc) =	sbr.abs _section_cstart, $3  }
0xc8: {  	[dreg:$0x1] =	wrdreg $0xFFFFFFFF  }
0xc9: {  	_ =	task.clear_ibuf [dreg:s8], $0x2FFFF;
	_ =	strace $0x9FFFFFFF  }
0xca: {  	(tm) =	ssettm $0x7FFFFFFF  }
0xcb: {  	_ =	shalt  }
tec
execute0_lowered:
.L_overlay_start_1:
0x0: {  	(tag) =	ssettag $0x1  }
0x1: {  	s9 =	rddreg [dreg:$0x0]  }
0x2: {  	s5 =	rddreg [dreg:$0x1]  }
0x3: {  	s6 =	rddreg [dreg:$0x2];
	s0 =	srdreg.scid  }
0x4: {  	s2 =	rddreg [dreg:$0x3];
	s1 =	stileid.u32;
	s3 =	simm.s32 $0x0  }
0x5: {  	s13 =	simm.s32 $0x12600;
	s14 =	simm.s32 $0x6000;
	s15 =	simm.s32 $0xA000  }
0x6: {  	s16 =	simm.s32 $0x8000;
	s7 =	sand.u32 $0x1, s0;
	s0 =	rddreg [dreg:$0x4]  }
0x7: {  	s19 =	simm.s32 $0x0;
	s10 =	sshll.u32 s1, $0xB;
	[smem:$0x7FF] =	sst s3  }
0x8: {  	s30 =	sshll.u32 s1, $0xE;
	s17 =	sshll.u32 s1, $0x6;
	s4 =	sshll.u32 s7, $0xA  }
0x9: {  	s29 =	ssub.s32 $0x2, s7;
	_ =	strace $0x80000047;
	p0 =	seq.s32 s7, $0x1  }
0xa: {  	s17 =	sor.u32 $0x1C01, s17;
	s8 =	sor.u32 s4, s10;
	s12 =	sshrl.u32 s29, $0x1  }
0xb: {  	s13 =	simm.s32 @!p0 $0xA600;
	s11 =	sadd.s32 s8, s9;
	s12 =	ssub.s32 s29, s12  }
0xc: {  	s5 =	sadd.s32 s5, s8;
	s6 =	sadd.s32 s6, s8;
	s8 =	sadd.s32 s30, s2  }
0xd: {  	s31 =	sadd.s32 s13, s9;
	s13 =	simm.s32 $0x4000;
	s4 =	sadd.s32 $0x2600, s11  }
0xe: {  	s7 =	sadd.s32 $0x1A600, s11;
	s9 =	smax.u32 s12, $0x1;
	s10 =	sadd.s32 s31, s10  }
0xf: {  	v0 =	vimm.s32 $0x1;
	v1 =	vimm.s32 $0x0;
	s11 =	simm.s32 $0x1;
	s12 =	simm.s32 $0x2000;
	s18 =	sshrl.u32 s8, $0x3  }
.LBB2_1:
0x10: {  	[tilespmem:s3], [sflag:$0x1] =	stream.linear.gather [hbm4b:s4+s3], $0x2000, $0x38;
	[tilespmem:$0x12000] =	vst v63  }
0x11: {  	_ =	swait.ge [sflag:s11], $0x2000  }
0x12: {  	[sflag:s11] =	ssyncset.done $0x0  }
0x13: {  	[sflag:s11] =	ssyncadd.s32 $0xFFFFE000  }
0x14: {  	[tilespmem:s12], [sflag:$0x1] =	stream.linear.gather [hbm4b:s5+s3], $0x2000, $0x38;
	[tilespmem:$0x12000] =	vst v63  }
0x15: {  	_ =	swait.ge [sflag:s11], $0x2000  }
0x16: {  	[sflag:s11] =	ssyncset.done $0x0  }
0x17: {  	[sflag:s11] =	ssyncadd.s32 $0xFFFFE000  }
0x18: {  	[tilespmem:s13], [sflag:$0x1] =	stream.linear.gather [hbm4b:s6+s3], $0x2000, $0x38;
	[tilespmem:$0x12000] =	vst v63  }
0x19: {  	_ =	swait.ge [sflag:s11], $0x2000  }
0x1a: {  	[sflag:s11] =	ssyncset.done $0x0  }
0x1b: {  	s20 =	simm.s32 $0x0;
	[sflag:s11] =	ssyncadd.s32 $0xFFFFE000  }
0x1c: {  	v2 =	vld [tilespmem:s20+$0x0]  }
0x1d: {  	v3 =	vld [tilespmem:s20+$0x2000];
	_ =	sdelay $0x1  }
0x1e: {  	s21 =	simm.s32 $0x40;
	[tilespmem:s20+$0x8000] =	vst v0;
	v4 =	vld [tilespmem:s20+$0x4000]  }
.LBB2_2:
0x1f: {  	p0 =	sne.s32 s21, $0x7FC0  }
.Ltmp0:
0x20: {  	s22 =	sshra.s32 s21, $0x2;
	(pc) =	sbr.rel @p0 .LBB2_2-.Ltmp0, $4  }
0x21: {  	s21 =	sadd.s32 $0x40, s21;
	[tilespmem:s22+$0x8000] =	vst v0;
	v5 =	vshll.u32 v2, $0xC;
	v2 =	vld [tilespmem:s22+$0x0];
	v6 =	vshll.u32 v3, $0x6  }
0x22: {  	v3 =	vld [tilespmem:s22+$0x2000];
	v5 =	vadd.s32 v5, v6  }
0x23: {  	v5 =	vadd.s32 v4, v5  }
0x24: {  	v4 =	vld [tilespmem:s22+$0x4000];
	[tilespmem:s20+$0x6000] =	vst v5;
	s20 =	smov.u32 s22  }
0x25: {  	_ =	sdelay $0x1  }
0x26: {  	v2 =	vshll.u32 v2, $0xC;
	v3 =	vshll.u32 v3, $0x6  }
0x27: {  	v2 =	vadd.s32 v2, v3  }
0x28: {  	v2 =	vadd.s32 v4, v2  }
0x29: {  	s31 =	simm.s32 $0x0;
	[tilespmem:s20+$0x6000] =	vst v2  }
0x2a: {  	[hbm4b:s7+s31] =	stream.linear.scatter [tilespmem:s14], [sflag:$0x1], $0x2000, $0x38;
	[tilespmem:$0x12000] =	vst v63  }
0x2b: {  	_ =	swait.ge [sflag:s11], $0x2000  }
0x2c: {  	[sflag:s11] =	ssyncset.done $0x0  }
0x2d: {  	s21 =	simm.s32 $0x0;
	s20 =	simm.s32 $0x40;
	[sflag:s11] =	ssyncadd.s32 $0xFFFFE000  }
.LBB2_4:
0x2e: {  	p0 =	sne.s32 s20, $0xFFC0;
	[tilespmem:s21+$0xA000] =	vst v1;
	s21 =	smov.u32 s20;
	s20 =	sadd.s32 $0x40, s20  }
.Ltmp1:
0x2f: {  	(pc) =	sbr.rel @p0 .LBB2_4-.Ltmp1, $2  }
0x30: {  	_ =	sdelay $0x2  }
0x31: {  	s21 =	sshra.s32 s21, $0x2  }
0x32: {  	[tilespmem:s21+$0xA000] =	vst v1  }
0x33: {  	[spmem:s8] =	stream.linear.scatter [tilespmem:s15], [sflag:$0x1], $0x4000, $0x38;
	[tilespmem:$0x12000] =	vst v63  }
0x34: {  	_ =	swait.ge [sflag:s11], $0x4000  }
0x35: {  	[sflag:s11] =	ssyncset.done $0x0  }
0x36: {  	[sflag:s11] =	ssyncadd.s32 $0xFFFFC000  }
0x37: {  	[bflag:$0x0] =	sbarrier.arrive $0xFFFF  }
0x38: {  	[spmem:s2] =	stream.indirect.scatter.add.s32 [tilespmem:s16], [sflag:$0x1], $0x1, s14, s12, $0xb8;
	[tilespmem:$0x12000] =	vst v63  }
0x39: {  	_ =	swait.ge [sflag:s11], $0x2000  }
0x3a: {  	s19 =	sadd.s32 $0x1, s19;
	[sflag:s11] =	ssyncset.done $0x0  }
0x3b: {  	p0 =	sne.s32 s19, s9;
	[sflag:s11] =	ssyncadd.s32 $0xFFFFE000  }
.Ltmp2:
0x3c: {  	[bflag:$0x0] =	sbarrier.arrive $0xFFFF;
	(pc) =	sbr.rel @p0 .LBB2_1-.Ltmp2, $4  }
0x3d: {  	[hbm:s10], [sflag:s17] =	dma.local [spmem:s18], $0x800  }
0x3e: {  	_ =	swait.ge [sflag:s11], $0x800  }
0x3f: {  	[sflag:s11] =	ssyncset.done $0x0  }
0x40: {  	[sflag:s11] =	ssyncadd.s32 $0xFFFFF800  }
0x41: {  	_ =	sfence.sel $0x180000  }
0x42: {  	[bflag:$0x0] =	sbarrier.arrive $0xFFFF  }
0x43: {  	p0 =	sne.s32 s1, $0x0;
	_ =	strace $0x90000047  }
0x44: {  	s0 =	sadd.s32 @!p0 $0x100000, s0;
	[bflag:$0x2] =	sbarrier.arrive $0xFFFF  }
0x45: {  	[sflag:s0] =	ssyncadd.tile.s32 @!p0 $0x1;
	_ =	shalt  }
.Lfunc_end2:
_tile_overlayer_lowered:
.L_overlay_start_2:
0x46: {  	(tag) =	ssettag $0x2  }
0x47: {  	s0 =	rddreg [dreg:$0x0];
	s2 =	stileid.u32  }
0x48: {  	s1 =	rddreg [dreg:$0x1];
	p0 =	sne.s32 s2, $0x0  }
0x49: {  	s3 =	rddreg [dreg:$0x2];
	[bflag:$0x3] =	sbarrier.arrive $0xFFFF;
	s2 =	simm.s32 @!p0 $0x1C01  }
0x4a: {  	[timem:s3], [sflag:s2] =	dma.local @!p0 [hbm:s0], s1  }
0x4b: {  	s0 =	simm.s32 @!p0 $0x1  }
0x4c: {  	_ =	swait.ge @!p0 [sflag:s0], s1  }
0x4d: {  	s1 =	ssub.s32 @!p0 $0x0, s1;
	[sflag:s0] =	ssyncset.done @!p0 $0x0  }
0x4e: {  	[sflag:s0] =	ssyncadd.s32 @!p0 s1  }
0x4f: {  	[bflag:$0x3] =	sbarrier.arrive $0xFFFF  }
0x50: {  	_ =	shalt  }

// kernel: kernel.9.cloned.1.call-start
scs
__scs_entry_jumppad:
0x0: {  	(pc) =	sbr.rel $0x88, $3  }
0x1: {  	(tag) =	ssettag $0x0;
	lr =	simm.s32 $0x1  }
0x2: {  	[smem:$0x3F9F] =	sst lr;
	_ =	strace $0xD0000000  }
0x3: {  	_ = 	snop  }
0x4: {  	_ = 	snop  }
0x5: {  	_ = 	snop  }
0x6: {  	_ = 	snop  }
0x7: {  	_ = 	snop  }
__scs_overlays_trampoline_lowered:
0x8: {  	[smem:$0x3FAE] =	sst s0  }
0x9: {  	[smem:$0x3FAF] =	sst s1  }
0xa: {  	[smem:$0x3FB0] =	sst s2  }
0xb: {  	[smem:$0x3FB1] =	sst s3  }
0xc: {  	[smem:$0x3FB2] =	sst s4  }
0xd: {  	[smem:$0x3FB3] =	sst s5  }
0xe: {  	[smem:$0x3FB4] =	sst s6  }
0xf: {  	[smem:$0x3FB5] =	sst s7  }
0x10: {  	[smem:$0x3FB6] =	sst s8  }
0x11: {  	[smem:$0x3FB7] =	sst s9;
	s0 =	simm.s32 @!p0 $0x0  }
0x12: {  	s1 =	sld [smem:$0x3F9D];
	s0 =	simm.s32 @p0 $0x1  }
0x13: {  	[smem:$0x3FB8] =	sst s0;
	s0 =	simm.s32 @!p1 $0x0  }
0x14: {  	s2 =	sld [smem:$0x3F9C];
	s0 =	simm.s32 @p1 $0x1  }
0x15: {  	[smem:$0x3FB9] =	sst s0;
	s0 =	simm.s32 @!p2 $0x0  }
0x16: {  	s3 =	sld [smem:$0x3FDB];
	s0 =	simm.s32 @p2 $0x1  }
0x17: {  	s4 =	simm.s32 $0x1BF5;
	[smem:$0x3FBB] =	sst s0  }
0x18: {  	s0 =	sld [smem:$0x3F9E];
	_ =	swait.ge [sflag:s4], $0x0  }
0x19: {  	s7 =	sld [smem:$0x3F9F]  }
0x1a: {  	s8 =	sadd.s32 $0xFFFFE003, lr  }
0x1b: {  	s9 =	sadd.s32 $0xFFFFFEF7, lr;
	s5 =	simm.s32 $0xFFFFFFFF;
	p2 =	slt.u32 s8, $0xFFFFF086  }
0x1c: {  	p1 =	slt.u32 s9, $0xF7A;
	s5 =	simm.s32 @!p2 $0x0  }
0x1d: {  	s5 =	simm.s32 @p1 $0x1;
	p0 =	seq.s32 s7, s2  }
0x1e: {  	s7 =	smul.u32 @!p0 $0xF7A, s2;
	p2 =	seq.s32 @!p0 s5, $0x0  }
0x1f: {  	s9 =	smul.u32 $0xF7A, s1;
	s8 =	simm.s32 @!p0 $0x1BF5;
	p2 =	por !p2, p0  }
0x20: {  	[sflag:s8] =	ssyncset.s32 @!p0 $0xFFFFF086;
	s6 =	sadd.s32 @!p0 s3, s7;
	s7 =	simm.s32 @!p0 $0x108  }
0x21: {  	s3 =	sadd.s32 s3, s9;
	s6 =	sadd.s32 @!p0 $0x88, s6;
	s7 =	simm.s32 @p2 $0x1082  }
0x22: {  	[simem:s7], [sflag:s8] =	dma.local @!p0 [hbm:s6], $0xF7A  }
0x23: {  	s9 =	sor.u32 $0xD0000000, s2;
	s6 =	simm.s32 $0x108;
	_ =	swait.ge @!p0 [sflag:s8], $0x0  }
0x24: {  	s3 =	sadd.s32 $0x88, s3;
	s6 =	simm.s32 @!p1 $0x1082;
	[sflag:s4] =	ssyncset.s32 $0xFFFFF086  }
0x25: {  	[simem:s6], [sflag:s4] =	dma.local [hbm:s3], $0xF7A  }
0x26: {  	[smem:$0x3F9F] =	sst s1;
	(tag) =	ssettag s2;
	_ =	strace s9  }
0x27: {  	s1 =	sld [smem:$0x3FAF]  }
0x28: {  	s2 =	sld [smem:$0x3FB0]  }
0x29: {  	s4 =	sld [smem:$0x3FB2]  }
0x2a: {  	p0 =	seq.s32 s5, $0x0;
	s5 =	sld [smem:$0x3FB3]  }
0x2b: {  	s6 =	sld [smem:$0x3FB4]  }
0x2c: {  	s7 =	sld [smem:$0x3FB5]  }
0x2d: {  	s3 =	simm.s32 $0x108;
	s8 =	sld [smem:$0x3FB6]  }
0x2e: {  	s3 =	simm.s32 @!p0 $0x1082;
	s9 =	sld [smem:$0x3FB7]  }
0x2f: {  	lr =	sadd.s32 s0, s3;
	s0 =	sld [smem:$0x3FAE]  }
0x30: {  	s3 =	sld [smem:$0x3FB1]  }
0x31: {  	[smem:$0x3FBA] =	sst s10  }
0x32: {  	s10 =	sld [smem:$0x3FB8];
	_ =	sdelay $0x3  }
0x33: {  	p0 =	seq.s32 s10, $0x1;
	s10 =	sld [smem:$0x3FBA];
	_ =	sdelay $0x3  }
0x34: {  	[smem:$0x3FBA] =	sst s10  }
0x35: {  	s10 =	sld [smem:$0x3FB9];
	_ =	sdelay $0x3  }
0x36: {  	p1 =	seq.s32 s10, $0x1;
	s10 =	sld [smem:$0x3FBA];
	_ =	sdelay $0x3  }
0x37: {  	[smem:$0x3FBA] =	sst s10  }
0x38: {  	s10 =	sld [smem:$0x3FBB]  }
0x39: {  	_ = 	snop;
	(pc) =	sbr.ind lr, $3  }
0x3a: {  	_ = 	snop  }
0x3b: {  	_ = 	snop  }
0x3c: {  	p2 =	seq.s32 s10, $0x1;
	s10 =	sld [smem:$0x3FBA]  }
0x3d: {  	_ =	shalt  }
0x3e: {  	_ =	shalt  }
0x3f: {  	_ =	shalt  }
0x40: {  	_ =	shalt  }
0x41: {  	_ =	shalt  }
0x42: {  	_ =	shalt  }
0x43: {  	_ =	shalt  }
0x44: {  	_ =	shalt  }
0x45: {  	_ =	shalt  }
0x46: {  	_ =	shalt  }
0x47: {  	_ =	shalt  }
0x48: {  	_ =	shalt  }
0x49: {  	_ =	shalt  }
0x4a: {  	_ =	shalt  }
0x4b: {  	_ =	shalt  }
0x4c: {  	_ =	shalt  }
0x4d: {  	_ =	shalt  }
0x4e: {  	_ =	shalt  }
0x4f: {  	_ =	shalt  }
0x50: {  	_ =	shalt  }
0x51: {  	_ =	shalt  }
0x52: {  	_ =	shalt  }
0x53: {  	_ =	shalt  }
0x54: {  	_ =	shalt  }
0x55: {  	_ =	shalt  }
0x56: {  	_ =	shalt  }
0x57: {  	_ =	shalt  }
0x58: {  	_ =	shalt  }
0x59: {  	_ =	shalt  }
0x5a: {  	_ =	shalt  }
0x5b: {  	_ =	shalt  }
0x5c: {  	_ =	shalt  }
0x5d: {  	_ =	shalt  }
0x5e: {  	_ =	shalt  }
0x5f: {  	_ =	shalt  }
0x60: {  	_ =	shalt  }
0x61: {  	_ =	shalt  }
0x62: {  	_ =	shalt  }
0x63: {  	_ =	shalt  }
0x64: {  	_ =	shalt  }
0x65: {  	_ =	shalt  }
0x66: {  	_ =	shalt  }
0x67: {  	_ =	shalt  }
0x68: {  	_ =	shalt  }
0x69: {  	_ =	shalt  }
0x6a: {  	_ =	shalt  }
0x6b: {  	_ =	shalt  }
0x6c: {  	_ =	shalt  }
0x6d: {  	_ =	shalt  }
0x6e: {  	_ =	shalt  }
0x6f: {  	_ =	shalt  }
0x70: {  	_ =	shalt  }
0x71: {  	_ =	shalt  }
0x72: {  	_ =	shalt  }
0x73: {  	_ =	shalt  }
0x74: {  	_ =	shalt  }
0x75: {  	_ =	shalt  }
0x76: {  	_ =	shalt  }
0x77: {  	_ =	shalt  }
0x78: {  	_ =	shalt  }
0x79: {  	_ =	shalt  }
0x7a: {  	_ =	shalt  }
0x7b: {  	_ =	shalt  }
0x7c: {  	_ =	shalt  }
0x7d: {  	_ =	shalt  }
0x7e: {  	_ =	shalt  }
0x7f: {  	_ =	shalt  }
0x80: {  	_ =	shalt  }
0x81: {  	_ =	shalt  }
0x82: {  	_ =	shalt  }
0x83: {  	_ =	shalt  }
0x84: {  	_ =	shalt  }
0x85: {  	_ =	shalt  }
0x86: {  	_ =	shalt  }
0x87: {  	_ =	shalt  }
.Lfunc_end0:
.L_simem_size_0:
called_computation.1_lowered:
.L_overlay_start_0:
0x88: {  	s2 =	sld [smem:$0x3FD9]  }
0x89: {  	s3 =	sld [smem:$0x3FFE];
	_ =	sdelay $0x1  }
0x8a: {  	s1 =	srdreg.scid  }
0x8b: {  	s0 =	sand.u32 $0x1, s1  }
0x8c: {  	s14 =	sshll.u32 s0, $0xA;
	s2 =	sadd.s32 s3, s2  }
0x8d: {  	s2 =	sadd.s32 s2, s14  }
0x8e: {  	[smem:$0x3FC6] =	sst s2  }
0x8f: {  	_ = 	snop  }
0x90: {  	s2 =	sld [smem:$0x3FD0];
	_ =	sdelay $0x2  }
0x91: {  	s15 =	simm.s32 $0xA;
	s4 =	simm.s32 $0x10  }
0x92: {  	[smem:s4], [sflag:s15] =	dma.local [hbm:s2], $0x1  }
0x93: {  	_ =	swait.eq [sflag:s15], $0x1  }
0x94: {  	[sflag:s15] =	ssyncset.done $0x0  }
0x95: {  	s16 =	sld [smem:$0x10];
	[sflag:s15] =	ssyncadd.s32 $0xFFFFFFFF  }
0x96: {  	s17 =	sld [smem:$0x11];
	(tm) =	ssettm $0x1  }
0x97: {  	s18 =	sld [smem:$0x3FFB];
	_ =	sdelay $0x3  }
0x98: {  	_ =	strace s18  }
0x99: {  	s4 =	sld [smem:$0x3FFC];
	_ =	sdelay $0x3  }
0x9a: {  	_ =	strace s4  }
0x9b: {  	s4 =	sld [smem:$0x3FFD];
	_ =	sdelay $0x3  }
0x9c: {  	_ =	strace s4  }
0x9d: {  	_ =	strace $0x8FFFFFFF  }
0x9e: {  	s19 =	sld [smem:$0x3FDB];
	_ =	sdelay $0x1  }
0x9f: {  	s5 =	simm.s32 $_scs_section_size  }
0xa0: {  	s6 =	simm.s32 $_size__tile_overlayer_lowered;
	s7 =	simm.s32 $_tile_overlayer_lowered  }
0xa1: {  	s22 =	simm.s32 $0x1BFF;
	s21 =	sshll.u32 s7, $0x1;
	s4 =	sadd.s32 s5, s19  }
0xa2: {  	s8 =	simm.s32 $0x0;
	s20 =	sshll.u32 s6, $0x1;
	s6 =	sadd.s32 s21, s4  }
0xa3: {  	[timem:s8], [sflag:s22] =	dma.local [hbm:s6], s20  }
0xa4: {  	_ =	swait.ge [sflag:s22], s20  }
0xa5: {  	s5 =	ssub.s32 $0x0, s20;
	[sflag:s22] =	ssyncset.done $0x0  }
0xa6: {  	[sflag:s22] =	ssyncadd.s32 s5;
	_ =	sdelay $0x1  }
0xa7: {  	s23 =	simm.s32 $0x1B8B  }
0xa8: {  	_ =	swait.ge [sflag:s23], $0x1  }
0xa9: {  	[sflag:s23] =	ssyncset.done $0x0  }
0xaa: {  	s25 =	simm.s32 $0x1B8E;
	s24 =	sld [smem:$0x3FFE];
	[sflag:s23] =	ssyncadd.s32 $0xFFFFFFFF  }
0xab: {  	s26 =	simm.s32 $execute0_lowered;
	[smem:$0x3FD2] =	sst s25  }
0xac: {  	s6 =	sshll.u32 s26, $0x1;
	_ =	strace $0x80000049;
	[dreg:$0x1] =	wrdreg $0xFFFFFFFF  }
0xad: {  	s28 =	simm.s32 $_size_execute0_lowered;
	s4 =	sadd.s32 s4, s6;
	[dreg:$0x0] =	wrdreg $0x0  }
0xae: {  	s6 =	sshll.u32 s28, $0x1;
	[dreg:$0x2] =	wrdreg s4  }
0xaf: {  	[dreg:$0x3] =	wrdreg s6  }
0xb0: {  	[dreg:$0x4] =	wrdreg $0xC0  }
0xb1: {  	_ =	task [dreg:s8], $0x5FFFF  }
0xb2: {  	[dreg:$0x1] =	wrdreg $0xFFFFFFFF  }
0xb3: {  	[dreg:$0x0] =	wrdreg $0x60  }
0xb4: {  	[dreg:$0x2] =	wrdreg s24  }
0xb5: {  	[dreg:$0x3] =	wrdreg s16  }
0xb6: {  	[dreg:$0x4] =	wrdreg s17  }
0xb7: {  	[dreg:$0x5] =	wrdreg $0x9  }
0xb8: {  	_ =	task.clear_ibuf [dreg:s8], $0x6FFFF;
	_ =	strace $0x90000049  }
0xb9: {  	s29 =	simm.s32 $0x9;
	_ =	strace $0x8000004B  }
0xba: {  	_ =	swait.ge [sflag:s29], $0x1  }
0xbb: {  	[sflag:s29] =	ssyncadd.s32 $0xFFFFFFFF  }
0xbc: {  	_ =	strace $0x9000004B  }
0xbd: {  	_ =	sfence  }
0xbe: {  	s30 =	sld [smem:$0x0];
	_ =	sdelay $0x2  }
0xbf: {  	s31 =	sshll.u32 s1, $0xD;
	s1 =	sshrl.u32 s1, $0x2  }
0xc0: {  	s3 =	sand.u32 $0x4000, s31;
	s1 =	sadd.s32 s1, s30  }
0xc1: {  	s0 =	sor.u32 s3, s0;
	s1 =	sshll.u32 s1, $0x11  }
0xc2: {  	s0 =	sor.u32 s1, s0  }
0xc3: {  	s0 =	sadd.s32 $0x8F2B, s0  }
0xc4: {  	[sflag:s0] =	ssyncadd.remote.s32 $0x1  }
0xc5: {  	_ =	sfence.sel $0xFFFF  }
0xc6: {  	[dreg:$0x0] =	wrdreg $0xFFFFFFFF;
	(pc) =	sbr.abs _section_cstart, $3  }
0xc7: {  	[dreg:$0x1] =	wrdreg $0xFFFFFFFF  }
0xc8: {  	_ =	task.clear_ibuf [dreg:s8], $0x2FFFF;
	_ =	strace $0x9FFFFFFF  }
0xc9: {  	(tm) =	ssettm $0x7FFFFFFF  }
tec
execute0_lowered:
.L_overlay_start_1:
0x0: {  	(tag) =	ssettag $0x1  }
0x1: {  	s8 =	rddreg [dreg:$0x0]  }
0x2: {  	s9 =	rddreg [dreg:$0x1]  }
0x3: {  	s1 =	rddreg [dreg:$0x2]  }
0x4: {  	s0 =	rddreg [dreg:$0x3]  }
0x5: {  	s3 =	simm.s32 $0x0;
	s4 =	srdreg.scid;
	s2 =	stileid.u32  }
0x6: {  	s14 =	simm.s32 $0x6000;
	s15 =	simm.s32 $0x2000;
	s16 =	simm.s32 $0x6080  }
0x7: {  	s17 =	simm.s32 $0x8080;
	s18 =	simm.s32 $0xA080;
	s19 =	simm.s32 $0xC080  }
0x8: {  	s20 =	simm.s32 $0x0;
	[smem:$0x7FF] =	sst s3;
	s7 =	sand.u32 $0x1, s4  }
0x9: {  	s4 =	sadd.s32 $0x2600, s8;
	s6 =	sshll.u32 s2, $0xE;
	s10 =	sshll.u32 s7, $0xD  }
0xa: {  	s5 =	sadd.s32 $0x22600, s8;
	s31 =	ssub.s32 $0x2, s7;
	s6 =	sor.u32 s10, s6  }
0xb: {  	_ =	strace $0x8000004A;
	s12 =	sshrl.u32 s31, $0x1;
	s11 =	sshrl.u32 s6, $0x3  }
0xc: {  	s7 =	sadd.s32 $0x2A600, s8;
	s12 =	ssub.s32 s31, s12;
	s13 =	sadd.s32 s11, s8  }
0xd: {  	s8 =	sadd.s32 s9, s11;
	s12 =	smax.u32 s12, $0x1;
	s9 =	sadd.s32 $0xA600, s13  }
0xe: {  	v0 =	vlaneseq.u32;
	s10 =	sadd.s32 $0x12600, s13;
	s11 =	sadd.s32 $0x32600, s13;
	s13 =	simm.s32 $0x1  }
.LBB2_1:
0xf: {  	[tilespmem:s3], [sflag:$0x1] =	stream.linear.gather [hbm4b:s8+s3], $0x2000, $0x38;
	[tilespmem:$0xE080] =	vst v63  }
0x10: {  	_ =	swait.ge [sflag:s13], $0x2000  }
0x11: {  	[sflag:s13] =	ssyncset.done $0x0  }
0x12: {  	[sflag:s13] =	ssyncadd.s32 $0xFFFFE000  }
0x13: {  	[tilespmem:s15], [sflag:$0x1] =	stream.linear.gather [hbm4b:s9+s3], $0x2000, $0x38;
	[tilespmem:$0xE080] =	vst v63  }
0x14: {  	_ =	swait.ge [sflag:s13], $0x2000  }
0x15: {  	[sflag:s13] =	ssyncset.done $0x0  }
0x16: {  	s21 =	simm.s32 $0x4000;
	[sflag:s13] =	ssyncadd.s32 $0xFFFFE000  }
0x17: {  	[tilespmem:s21], [sflag:$0x1] =	stream.linear.gather [hbm4b:s10+s3], $0x2000, $0x38;
	[tilespmem:$0xE080] =	vst v63  }
0x18: {  	_ =	swait.ge [sflag:s13], $0x2000  }
0x19: {  	[sflag:s13] =	ssyncset.done $0x0  }
0x1a: {  	[sflag:s13] =	ssyncadd.s32 $0xFFFFE000  }
0x1b: {  	[tilespmem:s14], [sflag:$0x1] =	stream.linear.gather [hbm4b:s1+s3], $0x10, $0x38;
	[tilespmem:$0xE080] =	vst v63  }
0x1c: {  	_ =	swait.ge [sflag:s13], $0x10  }
0x1d: {  	[sflag:s13] =	ssyncset.done $0x0  }
0x1e: {  	[sflag:s13] =	ssyncadd.s32 $0xFFFFFFF0  }
0x1f: {  	v1 =	vld [tilespmem:$0x6000]  }
0x20: {  	v2 =	vld [tilespmem:s21+$0x0]  }
0x21: {  	v3 =	vld [tilespmem:s15+$0x0]  }
0x22: {  	v4 =	vld [tilespmem:s3+$0x0];
	_ =	sdelay $0x1  }
0x23: {  	s22 =	sadd.s32 $0x0, s6  }
0x24: {  	v5 =	vor.u32 s22, v0  }
0x25: {  	v2 =	vadd.s32 v3, v2;
	v3 =	vadd.s32 v1, v5  }
0x26: {  	v6 =	vmov s22;
	vm0 =	vgt.s32 v2, $0x0;
	v2 =	vsub.s32 v3, v4  }
0x27: {  	v63 =	vshrl.u32 v6, $0xC;
	v3 =	vshrl.u32 v6, $0x6;
	v2 =	vsel vm0, v4, v2  }
0x28: {  	s23 =	simm.s32 $0xC090;
	s24 =	simm.s32 $0x6090;
	v3 =	vand.u32 $0x3F, v3;
	[tilespmem:s16+$0x0] =	vst v2;
	v2 =	vnsel vm0, $0xFFFFFFFF, v63  }
0x29: {  	s25 =	simm.s32 $0x8090;
	s26 =	simm.s32 $0xA090;
	s30 =	simm.s32 $0xC080;
	[tilespmem:s17+$0x0] =	vst v2;
	v2 =	vnsel vm0, $0x3F, v3;
	v3 =	vand.u32 $0x3F, v5  }
0x2a: {  	s28 =	simm.s32 $0x0;
	s29 =	simm.s32 $0x2000;
	s22 =	simm.s32 $0x10;
	[tilespmem:s18+$0x0] =	vst v2;
	v2 =	vnsel vm0, $0x3F, v3  }
.LBB2_2:
0x2b: {  	[tilespmem:s30+$0x0] =	vst v2;
	s28 =	sadd.s32 $0x10, s28;
	s29 =	sadd.s32 $0x10, s29;
	s21 =	sadd.s32 $0x10, s21  }
0x2c: {  	p0 =	sne.s32 s22, $0x1FF0;
	s31 =	smov.u32 s22;
	s22 =	sadd.s32 $0x10, s22;
	v2 =	vld [tilespmem:s21+$0x0]  }
0x2d: {  	s30 =	smov.u32 s23;
	v3 =	vld [tilespmem:s29+$0x0]  }
0x2e: {  	v4 =	vld [tilespmem:s28+$0x0];
	_ =	sdelay $0x1  }
0x2f: {  	s31 =	sadd.s32 s6, s31  }
0x30: {  	v5 =	vmov s31;
	v6 =	vor.u32 s31, v0  }
0x31: {  	v7 =	vshrl.u32 v5, $0x6;
	v2 =	vadd.s32 v3, v2;
	v3 =	vadd.s32 v1, v6  }
.Ltmp0:
0x32: {  	vm0 =	vgt.s32 v2, $0x0;
	v2 =	vsub.s32 v3, v4;
	(pc) =	sbr.rel @p0 .LBB2_2-.Ltmp0, $4  }
0x33: {  	v3 =	vshrl.u32 v5, $0xC;
	v2 =	vsel vm0, v4, v2  }
0x34: {  	[tilespmem:s24+$0x0] =	vst v2;
	v2 =	vnsel vm0, $0xFFFFFFFF, v3;
	v3 =	vand.u32 $0x3F, v7  }
0x35: {  	s23 =	sadd.s32 $0x10, s23;
	[tilespmem:s25+$0x0] =	vst v2;
	v2 =	vnsel vm0, $0x3F, v3;
	v3 =	vand.u32 $0x3F, v6  }
0x36: {  	s24 =	sadd.s32 $0x10, s24;
	s25 =	sadd.s32 $0x10, s25;
	[tilespmem:s26+$0x0] =	vst v2;
	v2 =	vnsel vm0, $0x3F, v3;
	s26 =	sadd.s32 $0x10, s26  }
0x37: {  	[tilespmem:s30+$0x0] =	vst v2  }
0x38: {  	[hbm4b:s4+s15] =	stream.indirect.scatter [tilespmem:s17], [sflag:$0x1], $0x1, s16, s15, $0xb8;
	[tilespmem:$0xE080] =	vst v63  }
0x39: {  	_ =	swait.ge [sflag:s13], $0x2000  }
0x3a: {  	[sflag:s13] =	ssyncset.done $0x0  }
0x3b: {  	[sflag:s13] =	ssyncadd.s32 $0xFFFFE000  }
0x3c: {  	[hbm4b:s5+s15] =	stream.indirect.scatter [tilespmem:s18], [sflag:$0x1], $0x1, s16, s15, $0xb8;
	[tilespmem:$0xE080] =	vst v63  }
0x3d: {  	_ =	swait.ge [sflag:s13], $0x2000  }
0x3e: {  	[sflag:s13] =	ssyncset.done $0x0  }
0x3f: {  	[sflag:s13] =	ssyncadd.s32 $0xFFFFE000  }
0x40: {  	[hbm4b:s7+s15] =	stream.indirect.scatter [tilespmem:s19], [sflag:$0x1], $0x1, s16, s15, $0xb8;
	[tilespmem:$0xE080] =	vst v63  }
0x41: {  	s20 =	sadd.s32 $0x1, s20;
	_ =	swait.ge [sflag:s13], $0x2000  }
0x42: {  	p0 =	sne.s32 s20, s12;
	[sflag:s13] =	ssyncset.done $0x0  }
.Ltmp1:
0x43: {  	[sflag:s13] =	ssyncadd.s32 $0xFFFFE000;
	(pc) =	sbr.rel @p0 .LBB2_1-.Ltmp1, $4  }
0x44: {  	[hbm4b:s11+s3] =	stream.linear.scatter [tilespmem:s16], [sflag:$0x1], $0x2000, $0x38;
	[tilespmem:$0xE080] =	vst v63  }
0x45: {  	_ =	swait.ge [sflag:s13], $0x2000  }
0x46: {  	[sflag:s13] =	ssyncset.done $0x0  }
0x47: {  	[sflag:s13] =	ssyncadd.s32 $0xFFFFE000  }
0x48: {  	_ =	sfence.sel $0x180000  }
0x49: {  	[bflag:$0x0] =	sbarrier.arrive $0xFFFF  }
0x4a: {  	p0 =	sne.s32 s2, $0x0;
	_ =	strace $0x9000004A  }
0x4b: {  	s0 =	sadd.s32 @!p0 $0x100000, s0;
	[bflag:$0x2] =	sbarrier.arrive $0xFFFF  }
0x4c: {  	[sflag:s0] =	ssyncadd.tile.s32 @!p0 $0x1;
	_ =	shalt  }
.Lfunc_end2:
_tile_overlayer_lowered:
.L_overlay_start_2:
0x4d: {  	(tag) =	ssettag $0x2  }
0x4e: {  	s0 =	rddreg [dreg:$0x0];
	s2 =	stileid.u32  }
0x4f: {  	s1 =	rddreg [dreg:$0x1];
	p0 =	sne.s32 s2, $0x0  }
0x50: {  	s3 =	rddreg [dreg:$0x2];
	[bflag:$0x3] =	sbarrier.arrive $0xFFFF;
	s2 =	simm.s32 @!p0 $0x1C01  }
0x51: {  	[timem:s3], [sflag:s2] =	dma.local @!p0 [hbm:s0], s1  }
0x52: {  	s0 =	simm.s32 @!p0 $0x1  }
0x53: {  	_ =	swait.ge @!p0 [sflag:s0], s1  }
0x54: {  	s1 =	ssub.s32 @!p0 $0x0, s1;
	[sflag:s0] =	ssyncset.done @!p0 $0x0  }
0x55: {  	[sflag:s0] =	ssyncadd.s32 @!p0 s1  }
0x56: {  	[bflag:$0x3] =	sbarrier.arrive $0xFFFF  }
0x57: {  	_ =	shalt  }

</sc_bundles>
